<compile_context>
chip_gen: v7x
topology: tpu7x:2x2x1
jax: 0.10.2.dev20260603
libtpu: 0.0.44.dev20260713+nightly
codegen_flags: <defaults>
</compile_context>

<pallas_src>
import jax
import jax.numpy as jnp
from jax import lax
from jax.experimental import pallas as pl
from jax.experimental.pallas import tpu as pltpu
from jax.experimental.pallas import tpu_sc as plsc

_NC = 2
_NS = 16
_CHUNK = 64
_NB = 4


def _sc_aggregate(x, src2d, dst2d, n_pad):
    n, d = x.shape
    n_chunks = dst2d.shape[0]
    cpw = n_chunks // (_NC * _NS)
    hc = cpw // 4
    rpt = n_pad // _NS
    nz = rpt // _CHUNK

    mesh = plsc.VectorSubcoreMesh(core_axis_name="c", subcore_axis_name="s")

    def body(x_hbm, src2d_hbm, dst2d_hbm, out_hbm, src_v, dst_v,
             rows0, rows1, rows2, rows3, sem0, sem1, sem2, sem3, agg_sh):
        c = lax.axis_index("c")
        s = lax.axis_index("s")
        w = c * _NS + s
        start = w * cpw
        bufs = (rows0, rows1, rows2, rows3)
        sems = (sem0, sem1, sem2, sem3)

        def gather(j, k):
            pltpu.async_copy(x_hbm.at[src_v.at[j]], bufs[k], sems[k])

        def group(i, carry):
            j = i * _NB
            for k in range(_NB):
                pltpu.make_async_copy(x_hbm.at[src_v.at[j + k]], bufs[k], sems[k]).wait()
                pltpu.sync_copy(bufs[k], agg_sh.at[dst_v.at[j + k]], add=True)

                @pl.when(j + k + _NB < hc)
                def _():
                    gather(j + k + _NB, k)
            return carry

        for quarter in range(4):
            pltpu.sync_copy(src2d_hbm.at[pl.ds(start + quarter * hc, hc)], src_v)
            pltpu.sync_copy(dst2d_hbm.at[pl.ds(start + quarter * hc, hc)], dst_v)
            if quarter == 0:
                def zstore(i, carry):
                    for j in range(d // 16):
                        rows0[i, pl.ds(j * 16, 16)] = jnp.zeros((16,), jnp.float32)
                    return carry
                lax.fori_loop(0, _CHUNK, zstore, 0)
                for k in range(nz):
                    pltpu.sync_copy(rows0, agg_sh.at[pl.ds(s * rpt + k * _CHUNK, _CHUNK)])
                plsc.subcore_barrier()
            for k in range(_NB):
                gather(k, k)
            lax.fori_loop(0, hc // _NB, group, 0)
        plsc.subcore_barrier()

        pltpu.sync_copy(agg_sh.at[pl.ds(s * rpt, rpt)], out_hbm.at[c, pl.ds(s * rpt, rpt)])

    run = pl.kernel(
        body,
        out_type=jax.ShapeDtypeStruct((_NC, n_pad, d), jnp.float32),
        mesh=mesh,
        scratch_types=[
            pltpu.VMEM((hc, _CHUNK), jnp.int32),
            pltpu.VMEM((hc, _CHUNK), jnp.int32),
            pltpu.VMEM((_CHUNK, d), jnp.float32),
            pltpu.VMEM((_CHUNK, d), jnp.float32),
            pltpu.VMEM((_CHUNK, d), jnp.float32),
            pltpu.VMEM((_CHUNK, d), jnp.float32),
            pltpu.SemaphoreType.DMA,
            pltpu.SemaphoreType.DMA,
            pltpu.SemaphoreType.DMA,
            pltpu.SemaphoreType.DMA,
            pltpu.VMEM_SHARED((n_pad, d), jnp.float32),
        ],
    )
    return run(x, src2d, dst2d)


def _bn_relu_mlp(h, wa, ba, g, be, wb, bb):
    t = jnp.dot(h, wa, preferred_element_type=jnp.float32) + ba
    m = jnp.mean(t, axis=0, keepdims=True)
    v = jnp.mean((t - m) ** 2, axis=0, keepdims=True)
    t = g * (t - m) * lax.rsqrt(v + 1e-5) + be
    t = jnp.maximum(t, 0.0)
    t = jnp.dot(t, wb, preferred_element_type=jnp.float32) + bb
    return jnp.maximum(t, 0.0)


def _tc_conv1(x, parts, wa, ba, g, be, wb, bb):
    n, d = x.shape

    def body(x_ref, p_ref, wa_ref, ba_ref, g_ref, be_ref, wb_ref, bb_ref, o_ref):
        h = x_ref[...] + p_ref[0, :n] + p_ref[1, :n]
        o_ref[...] = _bn_relu_mlp(h, wa_ref[...], ba_ref[...], g_ref[...],
                                  be_ref[...], wb_ref[...], bb_ref[...])

    return pl.pallas_call(
        body, out_shape=jax.ShapeDtypeStruct((n, d), jnp.float32)
    )(x, parts, wa, ba.reshape(1, -1), g.reshape(1, -1), be.reshape(1, -1),
      wb, bb.reshape(1, -1))


def _tc_conv2_final(h1, parts, wa, ba, g, be, wb, bb, wf, bf):
    n, d = h1.shape
    ncls = wf.shape[1]

    def body(h_ref, p_ref, wa_ref, ba_ref, g_ref, be_ref, wb_ref, bb_ref,
             wf_ref, bf_ref, o_ref):
        h = h_ref[...] + p_ref[0, :n] + p_ref[1, :n]
        h2 = _bn_relu_mlp(h, wa_ref[...], ba_ref[...], g_ref[...],
                          be_ref[...], wb_ref[...], bb_ref[...])
        o = jnp.dot(h2, wf_ref[...], preferred_element_type=jnp.float32) + bf_ref[...]
        mx = jnp.max(o, axis=1, keepdims=True)
        o = o - mx
        o_ref[...] = o - jnp.log(jnp.sum(jnp.exp(o), axis=1, keepdims=True))

    return pl.pallas_call(
        body, out_shape=jax.ShapeDtypeStruct((n, ncls), jnp.float32)
    )(h1, parts, wa, ba.reshape(1, -1), g.reshape(1, -1), be.reshape(1, -1),
      wb, bb.reshape(1, -1), wf, bf.reshape(1, -1))


def kernel(x, edge_index, w1a, b1a, g1, be1, w1b, b1b,
           w2a, b2a, g2, be2, w2b, b2b, wf, bf):
    n, d = x.shape
    e = edge_index.shape[1]
    workers = _NC * _NS
    cpw = -(-e // (_CHUNK * workers))
    cpw = (cpw + 31) // 32 * 32
    e_pad = cpw * _CHUNK * workers

    n_pad = -(-n // 1024) * 1024

    src = edge_index[0].astype(jnp.int32)
    dst = edge_index[1].astype(jnp.int32)
    if e_pad != e:
        pad = e_pad - e
        iota = jnp.arange(pad, dtype=jnp.int32)
        src = jnp.concatenate([src, iota % jnp.int32(n)])
        dst = jnp.concatenate([dst, n + iota % jnp.int32(n_pad - n)])
    src2d = src.reshape(-1, _CHUNK)
    dst2d = dst.reshape(-1, _CHUNK)

    parts1 = _sc_aggregate(x, src2d, dst2d, n_pad)
    h1 = _tc_conv1(x, parts1, w1a, b1a, g1, be1, w1b, b1b)
    parts2 = _sc_aggregate(h1, src2d, dst2d, n_pad)
    return _tc_conv2_final(h1, parts2, w2a, b2a, g2, be2, w2b, b2b, wf, bf)

# --- scband reference (transcript-rebuilt; emitter-appended) ---
"""Pipeline reference for scband-gin-45028437131840 (READ-ONLY COPY).

The authoritative reference and input builder live on the scoring server;
editing this copy changes nothing except your own understanding.
"""

import jax, jax.numpy as jnp
import numpy as np

N = 10000
E = 320000
D = 128
C = 64


def _lin_init(k, fan_in, fan_out):
    return (jax.random.normal(k, (fan_in, fan_out), jnp.float32) / np.sqrt(fan_in)).astype(jnp.float32)


def setup_inputs(seed: int = 0) -> dict:
    key = jax.random.key(seed)
    ks = jax.random.split(key, 10)
    inp = {
        "x": jax.random.normal(ks[0], (N, D), jnp.float32),
        "edge_index": jax.random.randint(ks[1], (2, E), 0, N),
        "w1a": _lin_init(ks[2], D, D), "b1a": jnp.zeros((D,), jnp.float32),
        "g1": jnp.ones((D,), jnp.float32), "be1": jnp.zeros((D,), jnp.float32),
        "w1b": _lin_init(ks[3], D, D), "b1b": jnp.zeros((D,), jnp.float32),
        "w2a": _lin_init(ks[4], D, D), "b2a": jnp.zeros((D,), jnp.float32),
        "g2": jnp.ones((D,), jnp.float32), "be2": jnp.zeros((D,), jnp.float32),
        "w2b": _lin_init(ks[5], D, D), "b2b": jnp.zeros((D,), jnp.float32),
        "wf": _lin_init(ks[6], D, C), "bf": jnp.zeros((C,), jnp.float32),
    }
    return inp


def _bn(h, g, b):
    m = jnp.mean(h, axis=0)
    v = jnp.var(h, axis=0)
    return g * (h - m) / jnp.sqrt(v + 1e-5) + b


def _gin_conv(x, ei, wa, ba, g, be, wb, bb):
    # PyG GINConv, eps=0: out = MLP((1+eps)*x + sum_{j in N(i)} x_j)
    msg = x[ei[0]]  # gather from source nodes
    agg = jax.ops.segment_sum(msg, ei[1], num_segments=x.shape[0])  # scatter-add to dst
    h = x + agg
    h = h @ wa + ba
    h = jax.nn.relu(_bn(h, g, be))
    h = jax.nn.relu(h @ wb + bb)
    return h


def reference(x, edge_index, w1a, b1a, g1, be1, w1b, b1b,
              w2a, b2a, g2, be2, w2b, b2b, wf, bf):
    h = _gin_conv(x, edge_index, w1a, b1a, g1, be1, w1b, b1b)
    # dropout is identity in eval mode
    h = _gin_conv(h, edge_index, w2a, b2a, g2, be2, w2b, b2b)
    out = h @ wf + bf
    return jax.nn.log_softmax(out, axis=1)

if __name__ == "__main__":
    import jax
    _d = setup_inputs()
    print(jax.jit(kernel)(*tuple(_d.values())))

</pallas_src>

<mosaic_0001>
#map = affine_map<(d0, d1) -> (0, 0)>
#map1 = affine_map<(d0, d1) -> (0, 0, 0)>
module attributes {stable_mosaic.version = 14 : i64} {
  func.func @body(%arg0: i32, %arg1: i32, %arg2: memref<10000x128xf32, #tpu.memory_space<hbm>>, %arg3: memref<5120x64xi32, #tpu.memory_space<hbm>>, %arg4: memref<5120x64xi32, #tpu.memory_space<hbm>>, %arg5: memref<2x10240x128xf32, #tpu.memory_space<hbm>>, %arg6: memref<40x64xi32, #tpu.memory_space<vmem>>, %arg7: memref<40x64xi32, #tpu.memory_space<vmem>>, %arg8: memref<64x128xf32, #tpu.memory_space<vmem>>, %arg9: memref<64x128xf32, #tpu.memory_space<vmem>>, %arg10: memref<64x128xf32, #tpu.memory_space<vmem>>, %arg11: memref<64x128xf32, #tpu.memory_space<vmem>>, %arg12: memref<!tpu.dma_semaphore, #tpu.memory_space<semaphore_mem>>, %arg13: memref<!tpu.dma_semaphore, #tpu.memory_space<semaphore_mem>>, %arg14: memref<!tpu.dma_semaphore, #tpu.memory_space<semaphore_mem>>, %arg15: memref<!tpu.dma_semaphore, #tpu.memory_space<semaphore_mem>>, %arg16: memref<10240x128xf32, #tpu.memory_space<vmem_shared>>) attributes {dimension_semantics = [#tpu.dimension_semantics<core_parallel>, #tpu.dimension_semantics<subcore_parallel>], iteration_bounds = array<i64: 2, 16>, scalar_prefetch = 0 : i64, scratch_operands = 11 : i64, tpu.core_type = #tpu.core_type<sc_vector_subcore>, window_params = [{transform_indices = #map}, {transform_indices = #map}, {transform_indices = #map}, {transform_indices = #map1}]} {
    %mul3A = arith.constant 16 : i32
    %mul3A_0 = arith.muli %arg0, %mul3A : i32
    %add3A = arith.addi %mul3A_0, %arg1 : i32
    %mul3A_1 = arith.constant 160 : i32
    %mul3A_2 = arith.muli %add3A, %mul3A_1 : i32
    %add3A_3 = arith.constant 0 : i32
    %add3A_4 = arith.addi %mul3A_2, %add3A_3 : i32
    "tpu.region"() ({
      %run_scoped3A = tpu.sem_alloc : memref<!tpu.dma_semaphore, #tpu.memory_space<semaphore_mem>>
      %dma_start3A_204 = arith.constant 0 : i32
      %dma_start3A_205 = tpu.memref_slice %arg3[%add3A_4, %dma_start3A_204] : memref<5120x64xi32, #tpu.memory_space<hbm>> -> memref<40x64xi32, #tpu.memory_space<hbm>>
      %dma_start3A_206 = arith.constant 0 : i32
      %dma_start3A_207 = tpu.memref_slice %arg3[%add3A_4, %dma_start3A_206] : memref<5120x64xi32, #tpu.memory_space<hbm>> -> memref<40x64xi32, #tpu.memory_space<hbm>>
      tpu.enqueue_dma source(%dma_start3A_207 : memref<40x64xi32, #tpu.memory_space<hbm>>) target(%arg6 : memref<40x64xi32, #tpu.memory_space<vmem>>) target_semaphore(%run_scoped3A : memref<!tpu.dma_semaphore, #tpu.memory_space<semaphore_mem>>)
      %dma_wait3A = arith.constant 0 : i32
      %dma_wait3A_208 = tpu.memref_slice %arg3[%add3A_4, %dma_wait3A] : memref<5120x64xi32, #tpu.memory_space<hbm>> -> memref<40x64xi32, #tpu.memory_space<hbm>>
      %dma_wait3A_209 = arith.constant 0 : i32
      %dma_wait3A_210 = tpu.memref_slice %arg3[%add3A_4, %dma_wait3A_209] : memref<5120x64xi32, #tpu.memory_space<hbm>> -> memref<40x64xi32, #tpu.memory_space<hbm>>
      tpu.wait_dma2 semaphore(%run_scoped3A : memref<!tpu.dma_semaphore, #tpu.memory_space<semaphore_mem>>) src(%dma_wait3A_210 : memref<40x64xi32, #tpu.memory_space<hbm>>) dst(%arg6 : memref<40x64xi32, #tpu.memory_space<vmem>>)
      tpu.yield
    }) : () -> ()
    %add3A_5 = arith.constant 0 : i32
    %add3A_6 = arith.addi %mul3A_2, %add3A_5 : i32
    "tpu.region"() ({
      %run_scoped3A = tpu.sem_alloc : memref<!tpu.dma_semaphore, #tpu.memory_space<semaphore_mem>>
      %dma_start3A_204 = arith.constant 0 : i32
      %dma_start3A_205 = tpu.memref_slice %arg4[%add3A_6, %dma_start3A_204] : memref<5120x64xi32, #tpu.memory_space<hbm>> -> memref<40x64xi32, #tpu.memory_space<hbm>>
      %dma_start3A_206 = arith.constant 0 : i32
      %dma_start3A_207 = tpu.memref_slice %arg4[%add3A_6, %dma_start3A_206] : memref<5120x64xi32, #tpu.memory_space<hbm>> -> memref<40x64xi32, #tpu.memory_space<hbm>>
      tpu.enqueue_dma source(%dma_start3A_207 : memref<40x64xi32, #tpu.memory_space<hbm>>) target(%arg7 : memref<40x64xi32, #tpu.memory_space<vmem>>) target_semaphore(%run_scoped3A : memref<!tpu.dma_semaphore, #tpu.memory_space<semaphore_mem>>)
      %dma_wait3A = arith.constant 0 : i32
      %dma_wait3A_208 = tpu.memref_slice %arg4[%add3A_6, %dma_wait3A] : memref<5120x64xi32, #tpu.memory_space<hbm>> -> memref<40x64xi32, #tpu.memory_space<hbm>>
      %dma_wait3A_209 = arith.constant 0 : i32
      %dma_wait3A_210 = tpu.memref_slice %arg4[%add3A_6, %dma_wait3A_209] : memref<5120x64xi32, #tpu.memory_space<hbm>> -> memref<40x64xi32, #tpu.memory_space<hbm>>
      tpu.wait_dma2 semaphore(%run_scoped3A : memref<!tpu.dma_semaphore, #tpu.memory_space<semaphore_mem>>) src(%dma_wait3A_210 : memref<40x64xi32, #tpu.memory_space<hbm>>) dst(%arg7 : memref<40x64xi32, #tpu.memory_space<vmem>>)
      tpu.yield
    }) : () -> ()
    %scan3A = arith.constant 0 : i32
    %scan3A_7 = arith.constant 0 : i32
    %scan3A_8 = arith.constant 64 : i32
    %scan3A_9 = arith.addi %scan3A_7, %scan3A_8 : i32
    %scan3A_10 = arith.constant 1 : i32
    scf.for %scan3A_204 = %scan3A_7 to %scan3A_9 step %scan3A_10  : i32 {
      %broadcast_in_dim3A = arith.constant 0.000000e+00 : f32
      %broadcast_in_dim3A_205 = vector.broadcast %broadcast_in_dim3A : f32 to vector<16xf32>
      %swap3A = arith.index_cast %scan3A_204 : i32 to index
      %swap3A_206 = arith.constant 0 : index
      %swap3A_207 = tpu.vector_load %arg8[%swap3A, %swap3A_206] {strides = array<i32>} : memref<64x128xf32, #tpu.memory_space<vmem>>, vector<1x16xf32>,
      %swap3A_208 = vector.shape_cast %swap3A_207 : vector<1x16xf32> to vector<16xf32>
      %swap3A_209 = vector.shape_cast %broadcast_in_dim3A_205 : vector<16xf32> to vector<1x16xf32>
      tpu.vector_store %arg8[%swap3A, %swap3A_206], %swap3A_209 {strides = array<i32>} : memref<64x128xf32, #tpu.memory_space<vmem>>, vector<1x16xf32>,
      %broadcast_in_dim3A_210 = arith.constant 0.000000e+00 : f32
      %broadcast_in_dim3A_211 = vector.broadcast %broadcast_in_dim3A_210 : f32 to vector<16xf32>
      %swap3A_212 = arith.index_cast %scan3A_204 : i32 to index
      %swap3A_213 = arith.constant 16 : index
      %swap3A_214 = tpu.vector_load %arg8[%swap3A_212, %swap3A_213] {strides = array<i32>} : memref<64x128xf32, #tpu.memory_space<vmem>>, vector<1x16xf32>,
      %swap3A_215 = vector.shape_cast %swap3A_214 : vector<1x16xf32> to vector<16xf32>
      %swap3A_216 = vector.shape_cast %broadcast_in_dim3A_211 : vector<16xf32> to vector<1x16xf32>
      tpu.vector_store %arg8[%swap3A_212, %swap3A_213], %swap3A_216 {strides = array<i32>} : memref<64x128xf32, #tpu.memory_space<vmem>>, vector<1x16xf32>,
      %broadcast_in_dim3A_217 = arith.constant 0.000000e+00 : f32
      %broadcast_in_dim3A_218 = vector.broadcast %broadcast_in_dim3A_217 : f32 to vector<16xf32>
      %swap3A_219 = arith.index_cast %scan3A_204 : i32 to index
      %swap3A_220 = arith.constant 32 : index
      %swap3A_221 = tpu.vector_load %arg8[%swap3A_219, %swap3A_220] {strides = array<i32>} : memref<64x128xf32, #tpu.memory_space<vmem>>, vector<1x16xf32>,
      %swap3A_222 = vector.shape_cast %swap3A_221 : vector<1x16xf32> to vector<16xf32>
      %swap3A_223 = vector.shape_cast %broadcast_in_dim3A_218 : vector<16xf32> to vector<1x16xf32>
      tpu.vector_store %arg8[%swap3A_219, %swap3A_220], %swap3A_223 {strides = array<i32>} : memref<64x128xf32, #tpu.memory_space<vmem>>, vector<1x16xf32>,
      %broadcast_in_dim3A_224 = arith.constant 0.000000e+00 : f32
      %broadcast_in_dim3A_225 = vector.broadcast %broadcast_in_dim3A_224 : f32 to vector<16xf32>
      %swap3A_226 = arith.index_cast %scan3A_204 : i32 to index
      %swap3A_227 = arith.constant 48 : index
      %swap3A_228 = tpu.vector_load %arg8[%swap3A_226, %swap3A_227] {strides = array<i32>} : memref<64x128xf32, #tpu.memory_space<vmem>>, vector<1x16xf32>,
      %swap3A_229 = vector.shape_cast %swap3A_228 : vector<1x16xf32> to vector<16xf32>
      %swap3A_230 = vector.shape_cast %broadcast_in_dim3A_225 : vector<16xf32> to vector<1x16xf32>
      tpu.vector_store %arg8[%swap3A_226, %swap3A_227], %swap3A_230 {strides = array<i32>} : memref<64x128xf32, #tpu.memory_space<vmem>>, vector<1x16xf32>,
      %broadcast_in_dim3A_231 = arith.constant 0.000000e+00 : f32
      %broadcast_in_dim3A_232 = vector.broadcast %broadcast_in_dim3A_231 : f32 to vector<16xf32>
      %swap3A_233 = arith.index_cast %scan3A_204 : i32 to index
      %swap3A_234 = arith.constant 64 : index
      %swap3A_235 = tpu.vector_load %arg8[%swap3A_233, %swap3A_234] {strides = array<i32>} : memref<64x128xf32, #tpu.memory_space<vmem>>, vector<1x16xf32>,
      %swap3A_236 = vector.shape_cast %swap3A_235 : vector<1x16xf32> to vector<16xf32>
      %swap3A_237 = vector.shape_cast %broadcast_in_dim3A_232 : vector<16xf32> to vector<1x16xf32>
      tpu.vector_store %arg8[%swap3A_233, %swap3A_234], %swap3A_237 {strides = array<i32>} : memref<64x128xf32, #tpu.memory_space<vmem>>, vector<1x16xf32>,
      %broadcast_in_dim3A_238 = arith.constant 0.000000e+00 : f32
      %broadcast_in_dim3A_239 = vector.broadcast %broadcast_in_dim3A_238 : f32 to vector<16xf32>
      %swap3A_240 = arith.index_cast %scan3A_204 : i32 to index
      %swap3A_241 = arith.constant 80 : index
      %swap3A_242 = tpu.vector_load %arg8[%swap3A_240, %swap3A_241] {strides = array<i32>} : memref<64x128xf32, #tpu.memory_space<vmem>>, vector<1x16xf32>,
      %swap3A_243 = vector.shape_cast %swap3A_242 : vector<1x16xf32> to vector<16xf32>
      %swap3A_244 = vector.shape_cast %broadcast_in_dim3A_239 : vector<16xf32> to vector<1x16xf32>
      tpu.vector_store %arg8[%swap3A_240, %swap3A_241], %swap3A_244 {strides = array<i32>} : memref<64x128xf32, #tpu.memory_space<vmem>>, vector<1x16xf32>,
      %broadcast_in_dim3A_245 = arith.constant 0.000000e+00 : f32
      %broadcast_in_dim3A_246 = vector.broadcast %broadcast_in_dim3A_245 : f32 to vector<16xf32>
      %swap3A_247 = arith.index_cast %scan3A_204 : i32 to index
      %swap3A_248 = arith.constant 96 : index
      %swap3A_249 = tpu.vector_load %arg8[%swap3A_247, %swap3A_248] {strides = array<i32>} : memref<64x128xf32, #tpu.memory_space<vmem>>, vector<1x16xf32>,
      %swap3A_250 = vector.shape_cast %swap3A_249 : vector<1x16xf32> to vector<16xf32>
      %swap3A_251 = vector.shape_cast %broadcast_in_dim3A_246 : vector<16xf32> to vector<1x16xf32>
      tpu.vector_store %arg8[%swap3A_247, %swap3A_248], %swap3A_251 {strides = array<i32>} : memref<64x128xf32, #tpu.memory_space<vmem>>, vector<1x16xf32>,
      %broadcast_in_dim3A_252 = arith.constant 0.000000e+00 : f32
      %broadcast_in_dim3A_253 = vector.broadcast %broadcast_in_dim3A_252 : f32 to vector<16xf32>
      %swap3A_254 = arith.index_cast %scan3A_204 : i32 to index
      %swap3A_255 = arith.constant 112 : index
      %swap3A_256 = tpu.vector_load %arg8[%swap3A_254, %swap3A_255] {strides = array<i32>} : memref<64x128xf32, #tpu.memory_space<vmem>>, vector<1x16xf32>,
      %swap3A_257 = vector.shape_cast %swap3A_256 : vector<1x16xf32> to vector<16xf32>
      %swap3A_258 = vector.shape_cast %broadcast_in_dim3A_253 : vector<16xf32> to vector<1x16xf32>
      tpu.vector_store %arg8[%swap3A_254, %swap3A_255], %swap3A_258 {strides = array<i32>} : memref<64x128xf32, #tpu.memory_space<vmem>>, vector<1x16xf32>,
    }
    %scan3A_11 = arith.constant 64 : i32
    %mul3A_12 = arith.constant 640 : i32
    %mul3A_13 = arith.muli %arg1, %mul3A_12 : i32
    %add3A_14 = arith.constant 0 : i32
    %add3A_15 = arith.addi %mul3A_13, %add3A_14 : i32
    "tpu.region"() ({
      %run_scoped3A = tpu.sem_alloc : memref<!tpu.dma_semaphore, #tpu.memory_space<semaphore_mem>>
      %dma_start3A_204 = arith.constant 0 : i32
      %dma_start3A_205 = tpu.memref_slice %arg16[%add3A_15, %dma_start3A_204] : memref<10240x128xf32, #tpu.memory_space<vmem_shared>> -> memref<64x128xf32, #tpu.memory_space<vmem_shared>>
      %dma_start3A_206 = arith.constant 0 : i32
      %dma_start3A_207 = tpu.memref_slice %arg16[%add3A_15, %dma_start3A_206] : memref<10240x128xf32, #tpu.memory_space<vmem_shared>> -> memref<64x128xf32, #tpu.memory_space<vmem_shared>>
      tpu.enqueue_dma source(%arg8 : memref<64x128xf32, #tpu.memory_space<vmem>>) target(%dma_start3A_207 : memref<64x128xf32, #tpu.memory_space<vmem_shared>>) target_semaphore(%run_scoped3A : memref<!tpu.dma_semaphore, #tpu.memory_space<semaphore_mem>>)
      %dma_wait3A = arith.constant 0 : i32
      %dma_wait3A_208 = tpu.memref_slice %arg16[%add3A_15, %dma_wait3A] : memref<10240x128xf32, #tpu.memory_space<vmem_shared>> -> memref<64x128xf32, #tpu.memory_space<vmem_shared>>
      %dma_wait3A_209 = arith.constant 0 : i32
      %dma_wait3A_210 = tpu.memref_slice %arg16[%add3A_15, %dma_wait3A_209] : memref<10240x128xf32, #tpu.memory_space<vmem_shared>> -> memref<64x128xf32, #tpu.memory_space<vmem_shared>>
      tpu.wait_dma2 semaphore(%run_scoped3A : memref<!tpu.dma_semaphore, #tpu.memory_space<semaphore_mem>>) src(%arg8 : memref<64x128xf32, #tpu.memory_space<vmem>>) dst(%dma_wait3A_210 : memref<64x128xf32, #tpu.memory_space<vmem_shared>>)
      tpu.yield
    }) : () -> ()
    %mul3A_16 = arith.constant 640 : i32
    %mul3A_17 = arith.muli %arg1, %mul3A_16 : i32
    %add3A_18 = arith.constant 64 : i32
    %add3A_19 = arith.addi %mul3A_17, %add3A_18 : i32
    "tpu.region"() ({
      %run_scoped3A = tpu.sem_alloc : memref<!tpu.dma_semaphore, #tpu.memory_space<semaphore_mem>>
      %dma_start3A_204 = arith.constant 0 : i32
      %dma_start3A_205 = tpu.memref_slice %arg16[%add3A_19, %dma_start3A_204] : memref<10240x128xf32, #tpu.memory_space<vmem_shared>> -> memref<64x128xf32, #tpu.memory_space<vmem_shared>>
      %dma_start3A_206 = arith.constant 0 : i32
      %dma_start3A_207 = tpu.memref_slice %arg16[%add3A_19, %dma_start3A_206] : memref<10240x128xf32, #tpu.memory_space<vmem_shared>> -> memref<64x128xf32, #tpu.memory_space<vmem_shared>>
      tpu.enqueue_dma source(%arg8 : memref<64x128xf32, #tpu.memory_space<vmem>>) target(%dma_start3A_207 : memref<64x128xf32, #tpu.memory_space<vmem_shared>>) target_semaphore(%run_scoped3A : memref<!tpu.dma_semaphore, #tpu.memory_space<semaphore_mem>>)
      %dma_wait3A = arith.constant 0 : i32
      %dma_wait3A_208 = tpu.memref_slice %arg16[%add3A_19, %dma_wait3A] : memref<10240x128xf32, #tpu.memory_space<vmem_shared>> -> memref<64x128xf32, #tpu.memory_space<vmem_shared>>
      %dma_wait3A_209 = arith.constant 0 : i32
      %dma_wait3A_210 = tpu.memref_slice %arg16[%add3A_19, %dma_wait3A_209] : memref<10240x128xf32, #tpu.memory_space<vmem_shared>> -> memref<64x128xf32, #tpu.memory_space<vmem_shared>>
      tpu.wait_dma2 semaphore(%run_scoped3A : memref<!tpu.dma_semaphore, #tpu.memory_space<semaphore_mem>>) src(%arg8 : memref<64x128xf32, #tpu.memory_space<vmem>>) dst(%dma_wait3A_210 : memref<64x128xf32, #tpu.memory_space<vmem_shared>>)
      tpu.yield
    }) : () -> ()
    %mul3A_20 = arith.constant 640 : i32
    %mul3A_21 = arith.muli %arg1, %mul3A_20 : i32
    %add3A_22 = arith.constant 128 : i32
    %add3A_23 = arith.addi %mul3A_21, %add3A_22 : i32
    "tpu.region"() ({
      %run_scoped3A = tpu.sem_alloc : memref<!tpu.dma_semaphore, #tpu.memory_space<semaphore_mem>>
      %dma_start3A_204 = arith.constant 0 : i32
      %dma_start3A_205 = tpu.memref_slice %arg16[%add3A_23, %dma_start3A_204] : memref<10240x128xf32, #tpu.memory_space<vmem_shared>> -> memref<64x128xf32, #tpu.memory_space<vmem_shared>>
      %dma_start3A_206 = arith.constant 0 : i32
      %dma_start3A_207 = tpu.memref_slice %arg16[%add3A_23, %dma_start3A_206] : memref<10240x128xf32, #tpu.memory_space<vmem_shared>> -> memref<64x128xf32, #tpu.memory_space<vmem_shared>>
      tpu.enqueue_dma source(%arg8 : memref<64x128xf32, #tpu.memory_space<vmem>>) target(%dma_start3A_207 : memref<64x128xf32, #tpu.memory_space<vmem_shared>>) target_semaphore(%run_scoped3A : memref<!tpu.dma_semaphore, #tpu.memory_space<semaphore_mem>>)
      %dma_wait3A = arith.constant 0 : i32
      %dma_wait3A_208 = tpu.memref_slice %arg16[%add3A_23, %dma_wait3A] : memref<10240x128xf32, #tpu.memory_space<vmem_shared>> -> memref<64x128xf32, #tpu.memory_space<vmem_shared>>
      %dma_wait3A_209 = arith.constant 0 : i32
      %dma_wait3A_210 = tpu.memref_slice %arg16[%add3A_23, %dma_wait3A_209] : memref<10240x128xf32, #tpu.memory_space<vmem_shared>> -> memref<64x128xf32, #tpu.memory_space<vmem_shared>>
      tpu.wait_dma2 semaphore(%run_scoped3A : memref<!tpu.dma_semaphore, #tpu.memory_space<semaphore_mem>>) src(%arg8 : memref<64x128xf32, #tpu.memory_space<vmem>>) dst(%dma_wait3A_210 : memref<64x128xf32, #tpu.memory_space<vmem_shared>>)
      tpu.yield
    }) : () -> ()
    %mul3A_24 = arith.constant 640 : i32
    %mul3A_25 = arith.muli %arg1, %mul3A_24 : i32
    %add3A_26 = arith.constant 192 : i32
    %add3A_27 = arith.addi %mul3A_25, %add3A_26 : i32
    "tpu.region"() ({
      %run_scoped3A = tpu.sem_alloc : memref<!tpu.dma_semaphore, #tpu.memory_space<semaphore_mem>>
      %dma_start3A_204 = arith.constant 0 : i32
      %dma_start3A_205 = tpu.memref_slice %arg16[%add3A_27, %dma_start3A_204] : memref<10240x128xf32, #tpu.memory_space<vmem_shared>> -> memref<64x128xf32, #tpu.memory_space<vmem_shared>>
      %dma_start3A_206 = arith.constant 0 : i32
      %dma_start3A_207 = tpu.memref_slice %arg16[%add3A_27, %dma_start3A_206] : memref<10240x128xf32, #tpu.memory_space<vmem_shared>> -> memref<64x128xf32, #tpu.memory_space<vmem_shared>>
      tpu.enqueue_dma source(%arg8 : memref<64x128xf32, #tpu.memory_space<vmem>>) target(%dma_start3A_207 : memref<64x128xf32, #tpu.memory_space<vmem_shared>>) target_semaphore(%run_scoped3A : memref<!tpu.dma_semaphore, #tpu.memory_space<semaphore_mem>>)
      %dma_wait3A = arith.constant 0 : i32
      %dma_wait3A_208 = tpu.memref_slice %arg16[%add3A_27, %dma_wait3A] : memref<10240x128xf32, #tpu.memory_space<vmem_shared>> -> memref<64x128xf32, #tpu.memory_space<vmem_shared>>
      %dma_wait3A_209 = arith.constant 0 : i32
      %dma_wait3A_210 = tpu.memref_slice %arg16[%add3A_27, %dma_wait3A_209] : memref<10240x128xf32, #tpu.memory_space<vmem_shared>> -> memref<64x128xf32, #tpu.memory_space<vmem_shared>>
      tpu.wait_dma2 semaphore(%run_scoped3A : memref<!tpu.dma_semaphore, #tpu.memory_space<semaphore_mem>>) src(%arg8 : memref<64x128xf32, #tpu.memory_space<vmem>>) dst(%dma_wait3A_210 : memref<64x128xf32, #tpu.memory_space<vmem_shared>>)
      tpu.yield
    }) : () -> ()
    %mul3A_28 = arith.constant 640 : i32
    %mul3A_29 = arith.muli %arg1, %mul3A_28 : i32
    %add3A_30 = arith.constant 256 : i32
    %add3A_31 = arith.addi %mul3A_29, %add3A_30 : i32
    "tpu.region"() ({
      %run_scoped3A = tpu.sem_alloc : memref<!tpu.dma_semaphore, #tpu.memory_space<semaphore_mem>>
      %dma_start3A_204 = arith.constant 0 : i32
      %dma_start3A_205 = tpu.memref_slice %arg16[%add3A_31, %dma_start3A_204] : memref<10240x128xf32, #tpu.memory_space<vmem_shared>> -> memref<64x128xf32, #tpu.memory_space<vmem_shared>>
      %dma_start3A_206 = arith.constant 0 : i32
      %dma_start3A_207 = tpu.memref_slice %arg16[%add3A_31, %dma_start3A_206] : memref<10240x128xf32, #tpu.memory_space<vmem_shared>> -> memref<64x128xf32, #tpu.memory_space<vmem_shared>>
      tpu.enqueue_dma source(%arg8 : memref<64x128xf32, #tpu.memory_space<vmem>>) target(%dma_start3A_207 : memref<64x128xf32, #tpu.memory_space<vmem_shared>>) target_semaphore(%run_scoped3A : memref<!tpu.dma_semaphore, #tpu.memory_space<semaphore_mem>>)
      %dma_wait3A = arith.constant 0 : i32
      %dma_wait3A_208 = tpu.memref_slice %arg16[%add3A_31, %dma_wait3A] : memref<10240x128xf32, #tpu.memory_space<vmem_shared>> -> memref<64x128xf32, #tpu.memory_space<vmem_shared>>
      %dma_wait3A_209 = arith.constant 0 : i32
      %dma_wait3A_210 = tpu.memref_slice %arg16[%add3A_31, %dma_wait3A_209] : memref<10240x128xf32, #tpu.memory_space<vmem_shared>> -> memref<64x128xf32, #tpu.memory_space<vmem_shared>>
      tpu.wait_dma2 semaphore(%run_scoped3A : memref<!tpu.dma_semaphore, #tpu.memory_space<semaphore_mem>>) src(%arg8 : memref<64x128xf32, #tpu.memory_space<vmem>>) dst(%dma_wait3A_210 : memref<64x128xf32, #tpu.memory_space<vmem_shared>>)
      tpu.yield
    }) : () -> ()
    %mul3A_32 = arith.constant 640 : i32
    %mul3A_33 = arith.muli %arg1, %mul3A_32 : i32
    %add3A_34 = arith.constant 320 : i32
    %add3A_35 = arith.addi %mul3A_33, %add3A_34 : i32
    "tpu.region"() ({
      %run_scoped3A = tpu.sem_alloc : memref<!tpu.dma_semaphore, #tpu.memory_space<semaphore_mem>>
      %dma_start3A_204 = arith.constant 0 : i32
      %dma_start3A_205 = tpu.memref_slice %arg16[%add3A_35, %dma_start3A_204] : memref<10240x128xf32, #tpu.memory_space<vmem_shared>> -> memref<64x128xf32, #tpu.memory_space<vmem_shared>>
      %dma_start3A_206 = arith.constant 0 : i32
      %dma_start3A_207 = tpu.memref_slice %arg16[%add3A_35, %dma_start3A_206] : memref<10240x128xf32, #tpu.memory_space<vmem_shared>> -> memref<64x128xf32, #tpu.memory_space<vmem_shared>>
      tpu.enqueue_dma source(%arg8 : memref<64x128xf32, #tpu.memory_space<vmem>>) target(%dma_start3A_207 : memref<64x128xf32, #tpu.memory_space<vmem_shared>>) target_semaphore(%run_scoped3A : memref<!tpu.dma_semaphore, #tpu.memory_space<semaphore_mem>>)
      %dma_wait3A = arith.constant 0 : i32
      %dma_wait3A_208 = tpu.memref_slice %arg16[%add3A_35, %dma_wait3A] : memref<10240x128xf32, #tpu.memory_space<vmem_shared>> -> memref<64x128xf32, #tpu.memory_space<vmem_shared>>
      %dma_wait3A_209 = arith.constant 0 : i32
      %dma_wait3A_210 = tpu.memref_slice %arg16[%add3A_35, %dma_wait3A_209] : memref<10240x128xf32, #tpu.memory_space<vmem_shared>> -> memref<64x128xf32, #tpu.memory_space<vmem_shared>>
      tpu.wait_dma2 semaphore(%run_scoped3A : memref<!tpu.dma_semaphore, #tpu.memory_space<semaphore_mem>>) src(%arg8 : memref<64x128xf32, #tpu.memory_space<vmem>>) dst(%dma_wait3A_210 : memref<64x128xf32, #tpu.memory_space<vmem_shared>>)
      tpu.yield
    }) : () -> ()
    %mul3A_36 = arith.constant 640 : i32
    %mul3A_37 = arith.muli %arg1, %mul3A_36 : i32
    %add3A_38 = arith.constant 384 : i32
    %add3A_39 = arith.addi %mul3A_37, %add3A_38 : i32
    "tpu.region"() ({
      %run_scoped3A = tpu.sem_alloc : memref<!tpu.dma_semaphore, #tpu.memory_space<semaphore_mem>>
      %dma_start3A_204 = arith.constant 0 : i32
      %dma_start3A_205 = tpu.memref_slice %arg16[%add3A_39, %dma_start3A_204] : memref<10240x128xf32, #tpu.memory_space<vmem_shared>> -> memref<64x128xf32, #tpu.memory_space<vmem_shared>>
      %dma_start3A_206 = arith.constant 0 : i32
      %dma_start3A_207 = tpu.memref_slice %arg16[%add3A_39, %dma_start3A_206] : memref<10240x128xf32, #tpu.memory_space<vmem_shared>> -> memref<64x128xf32, #tpu.memory_space<vmem_shared>>
      tpu.enqueue_dma source(%arg8 : memref<64x128xf32, #tpu.memory_space<vmem>>) target(%dma_start3A_207 : memref<64x128xf32, #tpu.memory_space<vmem_shared>>) target_semaphore(%run_scoped3A : memref<!tpu.dma_semaphore, #tpu.memory_space<semaphore_mem>>)
      %dma_wait3A = arith.constant 0 : i32
      %dma_wait3A_208 = tpu.memref_slice %arg16[%add3A_39, %dma_wait3A] : memref<10240x128xf32, #tpu.memory_space<vmem_shared>> -> memref<64x128xf32, #tpu.memory_space<vmem_shared>>
      %dma_wait3A_209 = arith.constant 0 : i32
      %dma_wait3A_210 = tpu.memref_slice %arg16[%add3A_39, %dma_wait3A_209] : memref<10240x128xf32, #tpu.memory_space<vmem_shared>> -> memref<64x128xf32, #tpu.memory_space<vmem_shared>>
      tpu.wait_dma2 semaphore(%run_scoped3A : memref<!tpu.dma_semaphore, #tpu.memory_space<semaphore_mem>>) src(%arg8 : memref<64x128xf32, #tpu.memory_space<vmem>>) dst(%dma_wait3A_210 : memref<64x128xf32, #tpu.memory_space<vmem_shared>>)
      tpu.yield
    }) : () -> ()
    %mul3A_40 = arith.constant 640 : i32
    %mul3A_41 = arith.muli %arg1, %mul3A_40 : i32
    %add3A_42 = arith.constant 448 : i32
    %add3A_43 = arith.addi %mul3A_41, %add3A_42 : i32
    "tpu.region"() ({
      %run_scoped3A = tpu.sem_alloc : memref<!tpu.dma_semaphore, #tpu.memory_space<semaphore_mem>>
      %dma_start3A_204 = arith.constant 0 : i32
      %dma_start3A_205 = tpu.memref_slice %arg16[%add3A_43, %dma_start3A_204] : memref<10240x128xf32, #tpu.memory_space<vmem_shared>> -> memref<64x128xf32, #tpu.memory_space<vmem_shared>>
      %dma_start3A_206 = arith.constant 0 : i32
      %dma_start3A_207 = tpu.memref_slice %arg16[%add3A_43, %dma_start3A_206] : memref<10240x128xf32, #tpu.memory_space<vmem_shared>> -> memref<64x128xf32, #tpu.memory_space<vmem_shared>>
      tpu.enqueue_dma source(%arg8 : memref<64x128xf32, #tpu.memory_space<vmem>>) target(%dma_start3A_207 : memref<64x128xf32, #tpu.memory_space<vmem_shared>>) target_semaphore(%run_scoped3A : memref<!tpu.dma_semaphore, #tpu.memory_space<semaphore_mem>>)
      %dma_wait3A = arith.constant 0 : i32
      %dma_wait3A_208 = tpu.memref_slice %arg16[%add3A_43, %dma_wait3A] : memref<10240x128xf32, #tpu.memory_space<vmem_shared>> -> memref<64x128xf32, #tpu.memory_space<vmem_shared>>
      %dma_wait3A_209 = arith.constant 0 : i32
      %dma_wait3A_210 = tpu.memref_slice %arg16[%add3A_43, %dma_wait3A_209] : memref<10240x128xf32, #tpu.memory_space<vmem_shared>> -> memref<64x128xf32, #tpu.memory_space<vmem_shared>>
      tpu.wait_dma2 semaphore(%run_scoped3A : memref<!tpu.dma_semaphore, #tpu.memory_space<semaphore_mem>>) src(%arg8 : memref<64x128xf32, #tpu.memory_space<vmem>>) dst(%dma_wait3A_210 : memref<64x128xf32, #tpu.memory_space<vmem_shared>>)
      tpu.yield
    }) : () -> ()
    %mul3A_44 = arith.constant 640 : i32
    %mul3A_45 = arith.muli %arg1, %mul3A_44 : i32
    %add3A_46 = arith.constant 512 : i32
    %add3A_47 = arith.addi %mul3A_45, %add3A_46 : i32
    "tpu.region"() ({
      %run_scoped3A = tpu.sem_alloc : memref<!tpu.dma_semaphore, #tpu.memory_space<semaphore_mem>>
      %dma_start3A_204 = arith.constant 0 : i32
      %dma_start3A_205 = tpu.memref_slice %arg16[%add3A_47, %dma_start3A_204] : memref<10240x128xf32, #tpu.memory_space<vmem_shared>> -> memref<64x128xf32, #tpu.memory_space<vmem_shared>>
      %dma_start3A_206 = arith.constant 0 : i32
      %dma_start3A_207 = tpu.memref_slice %arg16[%add3A_47, %dma_start3A_206] : memref<10240x128xf32, #tpu.memory_space<vmem_shared>> -> memref<64x128xf32, #tpu.memory_space<vmem_shared>>
      tpu.enqueue_dma source(%arg8 : memref<64x128xf32, #tpu.memory_space<vmem>>) target(%dma_start3A_207 : memref<64x128xf32, #tpu.memory_space<vmem_shared>>) target_semaphore(%run_scoped3A : memref<!tpu.dma_semaphore, #tpu.memory_space<semaphore_mem>>)
      %dma_wait3A = arith.constant 0 : i32
      %dma_wait3A_208 = tpu.memref_slice %arg16[%add3A_47, %dma_wait3A] : memref<10240x128xf32, #tpu.memory_space<vmem_shared>> -> memref<64x128xf32, #tpu.memory_space<vmem_shared>>
      %dma_wait3A_209 = arith.constant 0 : i32
      %dma_wait3A_210 = tpu.memref_slice %arg16[%add3A_47, %dma_wait3A_209] : memref<10240x128xf32, #tpu.memory_space<vmem_shared>> -> memref<64x128xf32, #tpu.memory_space<vmem_shared>>
      tpu.wait_dma2 semaphore(%run_scoped3A : memref<!tpu.dma_semaphore, #tpu.memory_space<semaphore_mem>>) src(%arg8 : memref<64x128xf32, #tpu.memory_space<vmem>>) dst(%dma_wait3A_210 : memref<64x128xf32, #tpu.memory_space<vmem_shared>>)
      tpu.yield
    }) : () -> ()
    %mul3A_48 = arith.constant 640 : i32
    %mul3A_49 = arith.muli %arg1, %mul3A_48 : i32
    %add3A_50 = arith.constant 576 : i32
    %add3A_51 = arith.addi %mul3A_49, %add3A_50 : i32
    "tpu.region"() ({
      %run_scoped3A = tpu.sem_alloc : memref<!tpu.dma_semaphore, #tpu.memory_space<semaphore_mem>>
      %dma_start3A_204 = arith.constant 0 : i32
      %dma_start3A_205 = tpu.memref_slice %arg16[%add3A_51, %dma_start3A_204] : memref<10240x128xf32, #tpu.memory_space<vmem_shared>> -> memref<64x128xf32, #tpu.memory_space<vmem_shared>>
      %dma_start3A_206 = arith.constant 0 : i32
      %dma_start3A_207 = tpu.memref_slice %arg16[%add3A_51, %dma_start3A_206] : memref<10240x128xf32, #tpu.memory_space<vmem_shared>> -> memref<64x128xf32, #tpu.memory_space<vmem_shared>>
      tpu.enqueue_dma source(%arg8 : memref<64x128xf32, #tpu.memory_space<vmem>>) target(%dma_start3A_207 : memref<64x128xf32, #tpu.memory_space<vmem_shared>>) target_semaphore(%run_scoped3A : memref<!tpu.dma_semaphore, #tpu.memory_space<semaphore_mem>>)
      %dma_wait3A = arith.constant 0 : i32
      %dma_wait3A_208 = tpu.memref_slice %arg16[%add3A_51, %dma_wait3A] : memref<10240x128xf32, #tpu.memory_space<vmem_shared>> -> memref<64x128xf32, #tpu.memory_space<vmem_shared>>
      %dma_wait3A_209 = arith.constant 0 : i32
      %dma_wait3A_210 = tpu.memref_slice %arg16[%add3A_51, %dma_wait3A_209] : memref<10240x128xf32, #tpu.memory_space<vmem_shared>> -> memref<64x128xf32, #tpu.memory_space<vmem_shared>>
      tpu.wait_dma2 semaphore(%run_scoped3A : memref<!tpu.dma_semaphore, #tpu.memory_space<semaphore_mem>>) src(%arg8 : memref<64x128xf32, #tpu.memory_space<vmem>>) dst(%dma_wait3A_210 : memref<64x128xf32, #tpu.memory_space<vmem_shared>>)
      tpu.yield
    }) : () -> ()
    %barrier3A = arith.constant 0 : index
    tpu.barrier barrier_id(%barrier3A)
    %dma_start3A = arith.constant 0 : i32
    %dma_start3A_52 = arith.constant 0 : i32
    %dma_start3A_53 = tpu.memref_slice %arg6[%dma_start3A, %dma_start3A_52] : memref<40x64xi32, #tpu.memory_space<vmem>> -> memref<1x64xi32, #tpu.memory_space<vmem>>
    %dma_start3A_54 = tpu.memref_squeeze %dma_start3A_53 : memref<1x64xi32, #tpu.memory_space<vmem>> -> memref<64xi32, #tpu.memory_space<vmem>>
    %dma_start3A_55 = arith.constant 0 : i32
    %dma_start3A_56 = arith.constant 0 : i32
    %dma_start3A_57 = tpu.memref_slice %arg2[%dma_start3A_55, %dma_start3A_56] : memref<10000x128xf32, #tpu.memory_space<hbm>> -> memref<10000x128xf32, #tpu.memory_space<hbm>>
    tpu.enqueue_indirect_dma source(%dma_start3A_57 : memref<10000x128xf32, #tpu.memory_space<hbm>>) target(%arg8 : memref<64x128xf32, #tpu.memory_space<vmem>>) offsets(%dma_start3A_54 : memref<64xi32, #tpu.memory_space<vmem>>) semaphore(%arg12 : memref<!tpu.dma_semaphore, #tpu.memory_space<semaphore_mem>>)
    %dma_start3A_58 = arith.constant 1 : i32
    %dma_start3A_59 = arith.constant 0 : i32
    %dma_start3A_60 = tpu.memref_slice %arg6[%dma_start3A_58, %dma_start3A_59] : memref<40x64xi32, #tpu.memory_space<vmem>> -> memref<1x64xi32, #tpu.memory_space<vmem>>
    %dma_start3A_61 = tpu.memref_squeeze %dma_start3A_60 : memref<1x64xi32, #tpu.memory_space<vmem>> -> memref<64xi32, #tpu.memory_space<vmem>>
    %dma_start3A_62 = arith.constant 0 : i32
    %dma_start3A_63 = arith.constant 0 : i32
    %dma_start3A_64 = tpu.memref_slice %arg2[%dma_start3A_62, %dma_start3A_63] : memref<10000x128xf32, #tpu.memory_space<hbm>> -> memref<10000x128xf32, #tpu.memory_space<hbm>>
    tpu.enqueue_indirect_dma source(%dma_start3A_64 : memref<10000x128xf32, #tpu.memory_space<hbm>>) target(%arg9 : memref<64x128xf32, #tpu.memory_space<vmem>>) offsets(%dma_start3A_61 : memref<64xi32, #tpu.memory_space<vmem>>) semaphore(%arg13 : memref<!tpu.dma_semaphore, #tpu.memory_space<semaphore_mem>>)
    %dma_start3A_65 = arith.constant 2 : i32
    %dma_start3A_66 = arith.constant 0 : i32
    %dma_start3A_67 = tpu.memref_slice %arg6[%dma_start3A_65, %dma_start3A_66] : memref<40x64xi32, #tpu.memory_space<vmem>> -> memref<1x64xi32, #tpu.memory_space<vmem>>
    %dma_start3A_68 = tpu.memref_squeeze %dma_start3A_67 : memref<1x64xi32, #tpu.memory_space<vmem>> -> memref<64xi32, #tpu.memory_space<vmem>>
    %dma_start3A_69 = arith.constant 0 : i32
    %dma_start3A_70 = arith.constant 0 : i32
    %dma_start3A_71 = tpu.memref_slice %arg2[%dma_start3A_69, %dma_start3A_70] : memref<10000x128xf32, #tpu.memory_space<hbm>> -> memref<10000x128xf32, #tpu.memory_space<hbm>>
    tpu.enqueue_indirect_dma source(%dma_start3A_71 : memref<10000x128xf32, #tpu.memory_space<hbm>>) target(%arg10 : memref<64x128xf32, #tpu.memory_space<vmem>>) offsets(%dma_start3A_68 : memref<64xi32, #tpu.memory_space<vmem>>) semaphore(%arg14 : memref<!tpu.dma_semaphore, #tpu.memory_space<semaphore_mem>>)
    %dma_start3A_72 = arith.constant 3 : i32
    %dma_start3A_73 = arith.constant 0 : i32
    %dma_start3A_74 = tpu.memref_slice %arg6[%dma_start3A_72, %dma_start3A_73] : memref<40x64xi32, #tpu.memory_space<vmem>> -> memref<1x64xi32, #tpu.memory_space<vmem>>
    %dma_start3A_75 = tpu.memref_squeeze %dma_start3A_74 : memref<1x64xi32, #tpu.memory_space<vmem>> -> memref<64xi32, #tpu.memory_space<vmem>>
    %dma_start3A_76 = arith.constant 0 : i32
    %dma_start3A_77 = arith.constant 0 : i32
    %dma_start3A_78 = tpu.memref_slice %arg2[%dma_start3A_76, %dma_start3A_77] : memref<10000x128xf32, #tpu.memory_space<hbm>> -> memref<10000x128xf32, #tpu.memory_space<hbm>>
    tpu.enqueue_indirect_dma source(%dma_start3A_78 : memref<10000x128xf32, #tpu.memory_space<hbm>>) target(%arg11 : memref<64x128xf32, #tpu.memory_space<vmem>>) offsets(%dma_start3A_75 : memref<64xi32, #tpu.memory_space<vmem>>) semaphore(%arg15 : memref<!tpu.dma_semaphore, #tpu.memory_space<semaphore_mem>>)
    %scan3A_79 = arith.constant 0 : i32
    %scan3A_80 = arith.constant 0 : i32
    %scan3A_81 = arith.constant 10 : i32
    %scan3A_82 = arith.addi %scan3A_80, %scan3A_81 : i32
    %scan3A_83 = arith.constant 1 : i32
    scf.for %scan3A_204 = %scan3A_80 to %scan3A_82 step %scan3A_83  : i32 {
      %mul3A_205 = arith.constant 4 : i32
      %mul3A_206 = arith.muli %scan3A_204, %mul3A_205 : i32
      %add3A_207 = arith.constant 0 : i32
      %add3A_208 = arith.addi %mul3A_206, %add3A_207 : i32
      %dma_wait3A = arith.constant 0 : i32
      %dma_wait3A_209 = tpu.memref_slice %arg6[%add3A_208, %dma_wait3A] : memref<40x64xi32, #tpu.memory_space<vmem>> -> memref<1x64xi32, #tpu.memory_space<vmem>>
      %dma_wait3A_210 = tpu.memref_squeeze %dma_wait3A_209 : memref<1x64xi32, #tpu.memory_space<vmem>> -> memref<64xi32, #tpu.memory_space<vmem>>
      %dma_wait3A_211 = arith.constant 0 : i32
      %dma_wait3A_212 = arith.constant 0 : i32
      %dma_wait3A_213 = tpu.memref_slice %arg2[%dma_wait3A_211, %dma_wait3A_212] : memref<10000x128xf32, #tpu.memory_space<hbm>> -> memref<10000x128xf32, #tpu.memory_space<hbm>>
      tpu.wait_indirect_dma semaphore(%arg12 : memref<!tpu.dma_semaphore, #tpu.memory_space<semaphore_mem>>) src(%dma_wait3A_213 : memref<10000x128xf32, #tpu.memory_space<hbm>>) dst(%arg8 : memref<64x128xf32, #tpu.memory_space<vmem>>)
      %add3A_214 = arith.constant 0 : i32
      %add3A_215 = arith.addi %mul3A_206, %add3A_214 : i32
      "tpu.region"() ({
        %run_scoped3A = tpu.sem_alloc : memref<!tpu.dma_semaphore, #tpu.memory_space<semaphore_mem>>
        %dma_start3A_279 = arith.constant 0 : i32
        %dma_start3A_280 = tpu.memref_slice %arg7[%add3A_215, %dma_start3A_279] : memref<40x64xi32, #tpu.memory_space<vmem>> -> memref<1x64xi32, #tpu.memory_space<vmem>>
        %dma_start3A_281 = tpu.memref_squeeze %dma_start3A_280 : memref<1x64xi32, #tpu.memory_space<vmem>> -> memref<64xi32, #tpu.memory_space<vmem>>
        %dma_start3A_282 = arith.constant 0 : i32
        %dma_start3A_283 = arith.constant 0 : i32
        %dma_start3A_284 = tpu.memref_slice %arg16[%dma_start3A_282, %dma_start3A_283] : memref<10240x128xf32, #tpu.memory_space<vmem_shared>> -> memref<10240x128xf32, #tpu.memory_space<vmem_shared>>
        tpu.enqueue_indirect_dma source(%arg8 : memref<64x128xf32, #tpu.memory_space<vmem>>) target(%dma_start3A_284 : memref<10240x128xf32, #tpu.memory_space<vmem_shared>>) offsets(%dma_start3A_281 : memref<64xi32, #tpu.memory_space<vmem>>) semaphore(%run_scoped3A : memref<!tpu.dma_semaphore, #tpu.memory_space<semaphore_mem>>) {add = true}
        %dma_wait3A_285 = arith.constant 0 : i32
        %dma_wait3A_286 = tpu.memref_slice %arg7[%add3A_215, %dma_wait3A_285] : memref<40x64xi32, #tpu.memory_space<vmem>> -> memref<1x64xi32, #tpu.memory_space<vmem>>
        %dma_wait3A_287 = tpu.memref_squeeze %dma_wait3A_286 : memref<1x64xi32, #tpu.memory_space<vmem>> -> memref<64xi32, #tpu.memory_space<vmem>>
        %dma_wait3A_288 = arith.constant 0 : i32
        %dma_wait3A_289 = arith.constant 0 : i32
        %dma_wait3A_290 = tpu.memref_slice %arg16[%dma_wait3A_288, %dma_wait3A_289] : memref<10240x128xf32, #tpu.memory_space<vmem_shared>> -> memref<10240x128xf32, #tpu.memory_space<vmem_shared>>
        tpu.wait_indirect_dma semaphore(%run_scoped3A : memref<!tpu.dma_semaphore, #tpu.memory_space<semaphore_mem>>) src(%arg8 : memref<64x128xf32, #tpu.memory_space<vmem>>) dst(%dma_wait3A_290 : memref<10240x128xf32, #tpu.memory_space<vmem_shared>>)
        tpu.yield
      }) : () -> ()
      %add3A_216 = arith.constant 0 : i32
      %add3A_217 = arith.addi %mul3A_206, %add3A_216 : i32
      %add3A_218 = arith.constant 4 : i32
      %add3A_219 = arith.addi %add3A_217, %add3A_218 : i32
      %lt3A = arith.constant 40 : i32
      %lt3A_220 = arith.cmpi slt, %add3A_219, %lt3A : i32
      %convert_element_type3A = arith.extui %lt3A_220 : i1 to i32
      %cond3A = arith.constant 0 : i32
      %cond3A_221 = arith.cmpi ne, %convert_element_type3A, %cond3A : i32
      scf.if %cond3A_221 {
        %add3A_279 = arith.constant 0 : i32
        %add3A_280 = arith.addi %mul3A_206, %add3A_279 : i32
        %add3A_281 = arith.constant 4 : i32
        %add3A_282 = arith.addi %add3A_280, %add3A_281 : i32
        %dma_start3A_283 = arith.constant 0 : i32
        %dma_start3A_284 = tpu.memref_slice %arg6[%add3A_282, %dma_start3A_283] : memref<40x64xi32, #tpu.memory_space<vmem>> -> memref<1x64xi32, #tpu.memory_space<vmem>>
        %dma_start3A_285 = tpu.memref_squeeze %dma_start3A_284 : memref<1x64xi32, #tpu.memory_space<vmem>> -> memref<64xi32, #tpu.memory_space<vmem>>
        %dma_start3A_286 = arith.constant 0 : i32
        %dma_start3A_287 = arith.constant 0 : i32
        %dma_start3A_288 = tpu.memref_slice %arg2[%dma_start3A_286, %dma_start3A_287] : memref<10000x128xf32, #tpu.memory_space<hbm>> -> memref<10000x128xf32, #tpu.memory_space<hbm>>
        tpu.enqueue_indirect_dma source(%dma_start3A_288 : memref<10000x128xf32, #tpu.memory_space<hbm>>) target(%arg8 : memref<64x128xf32, #tpu.memory_space<vmem>>) offsets(%dma_start3A_285 : memref<64xi32, #tpu.memory_space<vmem>>) semaphore(%arg12 : memref<!tpu.dma_semaphore, #tpu.memory_space<semaphore_mem>>)
      } else {
      }
      %add3A_222 = arith.constant 1 : i32
      %add3A_223 = arith.addi %mul3A_206, %add3A_222 : i32
      %dma_wait3A_224 = arith.constant 0 : i32
      %dma_wait3A_225 = tpu.memref_slice %arg6[%add3A_223, %dma_wait3A_224] : memref<40x64xi32, #tpu.memory_space<vmem>> -> memref<1x64xi32, #tpu.memory_space<vmem>>
      %dma_wait3A_226 = tpu.memref_squeeze %dma_wait3A_225 : memref<1x64xi32, #tpu.memory_space<vmem>> -> memref<64xi32, #tpu.memory_space<vmem>>
      %dma_wait3A_227 = arith.constant 0 : i32
      %dma_wait3A_228 = arith.constant 0 : i32
      %dma_wait3A_229 = tpu.memref_slice %arg2[%dma_wait3A_227, %dma_wait3A_228] : memref<10000x128xf32, #tpu.memory_space<hbm>> -> memref<10000x128xf32, #tpu.memory_space<hbm>>
      tpu.wait_indirect_dma semaphore(%arg13 : memref<!tpu.dma_semaphore, #tpu.memory_space<semaphore_mem>>) src(%dma_wait3A_229 : memref<10000x128xf32, #tpu.memory_space<hbm>>) dst(%arg9 : memref<64x128xf32, #tpu.memory_space<vmem>>)
      %add3A_230 = arith.constant 1 : i32
      %add3A_231 = arith.addi %mul3A_206, %add3A_230 : i32
      "tpu.region"() ({
        %run_scoped3A = tpu.sem_alloc : memref<!tpu.dma_semaphore, #tpu.memory_space<semaphore_mem>>
        %dma_start3A_279 = arith.constant 0 : i32
        %dma_start3A_280 = tpu.memref_slice %arg7[%add3A_231, %dma_start3A_279] : memref<40x64xi32, #tpu.memory_space<vmem>> -> memref<1x64xi32, #tpu.memory_space<vmem>>
        %dma_start3A_281 = tpu.memref_squeeze %dma_start3A_280 : memref<1x64xi32, #tpu.memory_space<vmem>> -> memref<64xi32, #tpu.memory_space<vmem>>
        %dma_start3A_282 = arith.constant 0 : i32
        %dma_start3A_283 = arith.constant 0 : i32
        %dma_start3A_284 = tpu.memref_slice %arg16[%dma_start3A_282, %dma_start3A_283] : memref<10240x128xf32, #tpu.memory_space<vmem_shared>> -> memref<10240x128xf32, #tpu.memory_space<vmem_shared>>
        tpu.enqueue_indirect_dma source(%arg9 : memref<64x128xf32, #tpu.memory_space<vmem>>) target(%dma_start3A_284 : memref<10240x128xf32, #tpu.memory_space<vmem_shared>>) offsets(%dma_start3A_281 : memref<64xi32, #tpu.memory_space<vmem>>) semaphore(%run_scoped3A : memref<!tpu.dma_semaphore, #tpu.memory_space<semaphore_mem>>) {add = true}
        %dma_wait3A_285 = arith.constant 0 : i32
        %dma_wait3A_286 = tpu.memref_slice %arg7[%add3A_231, %dma_wait3A_285] : memref<40x64xi32, #tpu.memory_space<vmem>> -> memref<1x64xi32, #tpu.memory_space<vmem>>
        %dma_wait3A_287 = tpu.memref_squeeze %dma_wait3A_286 : memref<1x64xi32, #tpu.memory_space<vmem>> -> memref<64xi32, #tpu.memory_space<vmem>>
        %dma_wait3A_288 = arith.constant 0 : i32
        %dma_wait3A_289 = arith.constant 0 : i32
        %dma_wait3A_290 = tpu.memref_slice %arg16[%dma_wait3A_288, %dma_wait3A_289] : memref<10240x128xf32, #tpu.memory_space<vmem_shared>> -> memref<10240x128xf32, #tpu.memory_space<vmem_shared>>
        tpu.wait_indirect_dma semaphore(%run_scoped3A : memref<!tpu.dma_semaphore, #tpu.memory_space<semaphore_mem>>) src(%arg9 : memref<64x128xf32, #tpu.memory_space<vmem>>) dst(%dma_wait3A_290 : memref<10240x128xf32, #tpu.memory_space<vmem_shared>>)
        tpu.yield
      }) : () -> ()
      %add3A_232 = arith.constant 1 : i32
      %add3A_233 = arith.addi %mul3A_206, %add3A_232 : i32
      %add3A_234 = arith.constant 4 : i32
      %add3A_235 = arith.addi %add3A_233, %add3A_234 : i32
      %lt3A_236 = arith.constant 40 : i32
      %lt3A_237 = arith.cmpi slt, %add3A_235, %lt3A_236 : i32
      %convert_element_type3A_238 = arith.extui %lt3A_237 : i1 to i32
      %cond3A_239 = arith.constant 0 : i32
      %cond3A_240 = arith.cmpi ne, %convert_element_type3A_238, %cond3A_239 : i32
      scf.if %cond3A_240 {
        %add3A_279 = arith.constant 1 : i32
        %add3A_280 = arith.addi %mul3A_206, %add3A_279 : i32
        %add3A_281 = arith.constant 4 : i32
        %add3A_282 = arith.addi %add3A_280, %add3A_281 : i32
        %dma_start3A_283 = arith.constant 0 : i32
        %dma_start3A_284 = tpu.memref_slice %arg6[%add3A_282, %dma_start3A_283] : memref<40x64xi32, #tpu.memory_space<vmem>> -> memref<1x64xi32, #tpu.memory_space<vmem>>
        %dma_start3A_285 = tpu.memref_squeeze %dma_start3A_284 : memref<1x64xi32, #tpu.memory_space<vmem>> -> memref<64xi32, #tpu.memory_space<vmem>>
        %dma_start3A_286 = arith.constant 0 : i32
        %dma_start3A_287 = arith.constant 0 : i32
        %dma_start3A_288 = tpu.memref_slice %arg2[%dma_start3A_286, %dma_start3A_287] : memref<10000x128xf32, #tpu.memory_space<hbm>> -> memref<10000x128xf32, #tpu.memory_space<hbm>>
        tpu.enqueue_indirect_dma source(%dma_start3A_288 : memref<10000x128xf32, #tpu.memory_space<hbm>>) target(%arg9 : memref<64x128xf32, #tpu.memory_space<vmem>>) offsets(%dma_start3A_285 : memref<64xi32, #tpu.memory_space<vmem>>) semaphore(%arg13 : memref<!tpu.dma_semaphore, #tpu.memory_space<semaphore_mem>>)
      } else {
      }
      %add3A_241 = arith.constant 2 : i32
      %add3A_242 = arith.addi %mul3A_206, %add3A_241 : i32
      %dma_wait3A_243 = arith.constant 0 : i32
      %dma_wait3A_244 = tpu.memref_slice %arg6[%add3A_242, %dma_wait3A_243] : memref<40x64xi32, #tpu.memory_space<vmem>> -> memref<1x64xi32, #tpu.memory_space<vmem>>
      %dma_wait3A_245 = tpu.memref_squeeze %dma_wait3A_244 : memref<1x64xi32, #tpu.memory_space<vmem>> -> memref<64xi32, #tpu.memory_space<vmem>>
      %dma_wait3A_246 = arith.constant 0 : i32
      %dma_wait3A_247 = arith.constant 0 : i32
      %dma_wait3A_248 = tpu.memref_slice %arg2[%dma_wait3A_246, %dma_wait3A_247] : memref<10000x128xf32, #tpu.memory_space<hbm>> -> memref<10000x128xf32, #tpu.memory_space<hbm>>
      tpu.wait_indirect_dma semaphore(%arg14 : memref<!tpu.dma_semaphore, #tpu.memory_space<semaphore_mem>>) src(%dma_wait3A_248 : memref<10000x128xf32, #tpu.memory_space<hbm>>) dst(%arg10 : memref<64x128xf32, #tpu.memory_space<vmem>>)
      %add3A_249 = arith.constant 2 : i32
      %add3A_250 = arith.addi %mul3A_206, %add3A_249 : i32
      "tpu.region"() ({
        %run_scoped3A = tpu.sem_alloc : memref<!tpu.dma_semaphore, #tpu.memory_space<semaphore_mem>>
        %dma_start3A_279 = arith.constant 0 : i32
        %dma_start3A_280 = tpu.memref_slice %arg7[%add3A_250, %dma_start3A_279] : memref<40x64xi32, #tpu.memory_space<vmem>> -> memref<1x64xi32, #tpu.memory_space<vmem>>
        %dma_start3A_281 = tpu.memref_squeeze %dma_start3A_280 : memref<1x64xi32, #tpu.memory_space<vmem>> -> memref<64xi32, #tpu.memory_space<vmem>>
        %dma_start3A_282 = arith.constant 0 : i32
        %dma_start3A_283 = arith.constant 0 : i32
        %dma_start3A_284 = tpu.memref_slice %arg16[%dma_start3A_282, %dma_start3A_283] : memref<10240x128xf32, #tpu.memory_space<vmem_shared>> -> memref<10240x128xf32, #tpu.memory_space<vmem_shared>>
        tpu.enqueue_indirect_dma source(%arg10 : memref<64x128xf32, #tpu.memory_space<vmem>>) target(%dma_start3A_284 : memref<10240x128xf32, #tpu.memory_space<vmem_shared>>) offsets(%dma_start3A_281 : memref<64xi32, #tpu.memory_space<vmem>>) semaphore(%run_scoped3A : memref<!tpu.dma_semaphore, #tpu.memory_space<semaphore_mem>>) {add = true}
        %dma_wait3A_285 = arith.constant 0 : i32
        %dma_wait3A_286 = tpu.memref_slice %arg7[%add3A_250, %dma_wait3A_285] : memref<40x64xi32, #tpu.memory_space<vmem>> -> memref<1x64xi32, #tpu.memory_space<vmem>>
        %dma_wait3A_287 = tpu.memref_squeeze %dma_wait3A_286 : memref<1x64xi32, #tpu.memory_space<vmem>> -> memref<64xi32, #tpu.memory_space<vmem>>
        %dma_wait3A_288 = arith.constant 0 : i32
        %dma_wait3A_289 = arith.constant 0 : i32
        %dma_wait3A_290 = tpu.memref_slice %arg16[%dma_wait3A_288, %dma_wait3A_289] : memref<10240x128xf32, #tpu.memory_space<vmem_shared>> -> memref<10240x128xf32, #tpu.memory_space<vmem_shared>>
        tpu.wait_indirect_dma semaphore(%run_scoped3A : memref<!tpu.dma_semaphore, #tpu.memory_space<semaphore_mem>>) src(%arg10 : memref<64x128xf32, #tpu.memory_space<vmem>>) dst(%dma_wait3A_290 : memref<10240x128xf32, #tpu.memory_space<vmem_shared>>)
        tpu.yield
      }) : () -> ()
      %add3A_251 = arith.constant 2 : i32
      %add3A_252 = arith.addi %mul3A_206, %add3A_251 : i32
      %add3A_253 = arith.constant 4 : i32
      %add3A_254 = arith.addi %add3A_252, %add3A_253 : i32
      %lt3A_255 = arith.constant 40 : i32
      %lt3A_256 = arith.cmpi slt, %add3A_254, %lt3A_255 : i32
      %convert_element_type3A_257 = arith.extui %lt3A_256 : i1 to i32
      %cond3A_258 = arith.constant 0 : i32
      %cond3A_259 = arith.cmpi ne, %convert_element_type3A_257, %cond3A_258 : i32
      scf.if %cond3A_259 {
        %add3A_279 = arith.constant 2 : i32
        %add3A_280 = arith.addi %mul3A_206, %add3A_279 : i32
        %add3A_281 = arith.constant 4 : i32
        %add3A_282 = arith.addi %add3A_280, %add3A_281 : i32
        %dma_start3A_283 = arith.constant 0 : i32
        %dma_start3A_284 = tpu.memref_slice %arg6[%add3A_282, %dma_start3A_283] : memref<40x64xi32, #tpu.memory_space<vmem>> -> memref<1x64xi32, #tpu.memory_space<vmem>>
        %dma_start3A_285 = tpu.memref_squeeze %dma_start3A_284 : memref<1x64xi32, #tpu.memory_space<vmem>> -> memref<64xi32, #tpu.memory_space<vmem>>
        %dma_start3A_286 = arith.constant 0 : i32
        %dma_start3A_287 = arith.constant 0 : i32
        %dma_start3A_288 = tpu.memref_slice %arg2[%dma_start3A_286, %dma_start3A_287] : memref<10000x128xf32, #tpu.memory_space<hbm>> -> memref<10000x128xf32, #tpu.memory_space<hbm>>
        tpu.enqueue_indirect_dma source(%dma_start3A_288 : memref<10000x128xf32, #tpu.memory_space<hbm>>) target(%arg10 : memref<64x128xf32, #tpu.memory_space<vmem>>) offsets(%dma_start3A_285 : memref<64xi32, #tpu.memory_space<vmem>>) semaphore(%arg14 : memref<!tpu.dma_semaphore, #tpu.memory_space<semaphore_mem>>)
      } else {
      }
      %add3A_260 = arith.constant 3 : i32
      %add3A_261 = arith.addi %mul3A_206, %add3A_260 : i32
      %dma_wait3A_262 = arith.constant 0 : i32
      %dma_wait3A_263 = tpu.memref_slice %arg6[%add3A_261, %dma_wait3A_262] : memref<40x64xi32, #tpu.memory_space<vmem>> -> memref<1x64xi32, #tpu.memory_space<vmem>>
      %dma_wait3A_264 = tpu.memref_squeeze %dma_wait3A_263 : memref<1x64xi32, #tpu.memory_space<vmem>> -> memref<64xi32, #tpu.memory_space<vmem>>
      %dma_wait3A_265 = arith.constant 0 : i32
      %dma_wait3A_266 = arith.constant 0 : i32
      %dma_wait3A_267 = tpu.memref_slice %arg2[%dma_wait3A_265, %dma_wait3A_266] : memref<10000x128xf32, #tpu.memory_space<hbm>> -> memref<10000x128xf32, #tpu.memory_space<hbm>>
      tpu.wait_indirect_dma semaphore(%arg15 : memref<!tpu.dma_semaphore, #tpu.memory_space<semaphore_mem>>) src(%dma_wait3A_267 : memref<10000x128xf32, #tpu.memory_space<hbm>>) dst(%arg11 : memref<64x128xf32, #tpu.memory_space<vmem>>)
      %add3A_268 = arith.constant 3 : i32
      %add3A_269 = arith.addi %mul3A_206, %add3A_268 : i32
      "tpu.region"() ({
        %run_scoped3A = tpu.sem_alloc : memref<!tpu.dma_semaphore, #tpu.memory_space<semaphore_mem>>
        %dma_start3A_279 = arith.constant 0 : i32
        %dma_start3A_280 = tpu.memref_slice %arg7[%add3A_269, %dma_start3A_279] : memref<40x64xi32, #tpu.memory_space<vmem>> -> memref<1x64xi32, #tpu.memory_space<vmem>>
        %dma_start3A_281 = tpu.memref_squeeze %dma_start3A_280 : memref<1x64xi32, #tpu.memory_space<vmem>> -> memref<64xi32, #tpu.memory_space<vmem>>
        %dma_start3A_282 = arith.constant 0 : i32
        %dma_start3A_283 = arith.constant 0 : i32
        %dma_start3A_284 = tpu.memref_slice %arg16[%dma_start3A_282, %dma_start3A_283] : memref<10240x128xf32, #tpu.memory_space<vmem_shared>> -> memref<10240x128xf32, #tpu.memory_space<vmem_shared>>
        tpu.enqueue_indirect_dma source(%arg11 : memref<64x128xf32, #tpu.memory_space<vmem>>) target(%dma_start3A_284 : memref<10240x128xf32, #tpu.memory_space<vmem_shared>>) offsets(%dma_start3A_281 : memref<64xi32, #tpu.memory_space<vmem>>) semaphore(%run_scoped3A : memref<!tpu.dma_semaphore, #tpu.memory_space<semaphore_mem>>) {add = true}
        %dma_wait3A_285 = arith.constant 0 : i32
        %dma_wait3A_286 = tpu.memref_slice %arg7[%add3A_269, %dma_wait3A_285] : memref<40x64xi32, #tpu.memory_space<vmem>> -> memref<1x64xi32, #tpu.memory_space<vmem>>
        %dma_wait3A_287 = tpu.memref_squeeze %dma_wait3A_286 : memref<1x64xi32, #tpu.memory_space<vmem>> -> memref<64xi32, #tpu.memory_space<vmem>>
        %dma_wait3A_288 = arith.constant 0 : i32
        %dma_wait3A_289 = arith.constant 0 : i32
        %dma_wait3A_290 = tpu.memref_slice %arg16[%dma_wait3A_288, %dma_wait3A_289] : memref<10240x128xf32, #tpu.memory_space<vmem_shared>> -> memref<10240x128xf32, #tpu.memory_space<vmem_shared>>
        tpu.wait_indirect_dma semaphore(%run_scoped3A : memref<!tpu.dma_semaphore, #tpu.memory_space<semaphore_mem>>) src(%arg11 : memref<64x128xf32, #tpu.memory_space<vmem>>) dst(%dma_wait3A_290 : memref<10240x128xf32, #tpu.memory_space<vmem_shared>>)
        tpu.yield
      }) : () -> ()
      %add3A_270 = arith.constant 3 : i32
      %add3A_271 = arith.addi %mul3A_206, %add3A_270 : i32
      %add3A_272 = arith.constant 4 : i32
      %add3A_273 = arith.addi %add3A_271, %add3A_272 : i32
      %lt3A_274 = arith.constant 40 : i32
      %lt3A_275 = arith.cmpi slt, %add3A_273, %lt3A_274 : i32
      %convert_element_type3A_276 = arith.extui %lt3A_275 : i1 to i32
      %cond3A_277 = arith.constant 0 : i32
      %cond3A_278 = arith.cmpi ne, %convert_element_type3A_276, %cond3A_277 : i32
      scf.if %cond3A_278 {
        %add3A_279 = arith.constant 3 : i32
        %add3A_280 = arith.addi %mul3A_206, %add3A_279 : i32
        %add3A_281 = arith.constant 4 : i32
        %add3A_282 = arith.addi %add3A_280, %add3A_281 : i32
        %dma_start3A_283 = arith.constant 0 : i32
        %dma_start3A_284 = tpu.memref_slice %arg6[%add3A_282, %dma_start3A_283] : memref<40x64xi32, #tpu.memory_space<vmem>> -> memref<1x64xi32, #tpu.memory_space<vmem>>
        %dma_start3A_285 = tpu.memref_squeeze %dma_start3A_284 : memref<1x64xi32, #tpu.memory_space<vmem>> -> memref<64xi32, #tpu.memory_space<vmem>>
        %dma_start3A_286 = arith.constant 0 : i32
        %dma_start3A_287 = arith.constant 0 : i32
        %dma_start3A_288 = tpu.memref_slice %arg2[%dma_start3A_286, %dma_start3A_287] : memref<10000x128xf32, #tpu.memory_space<hbm>> -> memref<10000x128xf32, #tpu.memory_space<hbm>>
        tpu.enqueue_indirect_dma source(%dma_start3A_288 : memref<10000x128xf32, #tpu.memory_space<hbm>>) target(%arg11 : memref<64x128xf32, #tpu.memory_space<vmem>>) offsets(%dma_start3A_285 : memref<64xi32, #tpu.memory_space<vmem>>) semaphore(%arg15 : memref<!tpu.dma_semaphore, #tpu.memory_space<semaphore_mem>>)
      } else {
      }
    }
    %scan3A_84 = arith.constant 10 : i32
    %add3A_85 = arith.constant 40 : i32
    %add3A_86 = arith.addi %mul3A_2, %add3A_85 : i32
    "tpu.region"() ({
      %run_scoped3A = tpu.sem_alloc : memref<!tpu.dma_semaphore, #tpu.memory_space<semaphore_mem>>
      %dma_start3A_204 = arith.constant 0 : i32
      %dma_start3A_205 = tpu.memref_slice %arg3[%add3A_86, %dma_start3A_204] : memref<5120x64xi32, #tpu.memory_space<hbm>> -> memref<40x64xi32, #tpu.memory_space<hbm>>
      %dma_start3A_206 = arith.constant 0 : i32
      %dma_start3A_207 = tpu.memref_slice %arg3[%add3A_86, %dma_start3A_206] : memref<5120x64xi32, #tpu.memory_space<hbm>> -> memref<40x64xi32, #tpu.memory_space<hbm>>
      tpu.enqueue_dma source(%dma_start3A_207 : memref<40x64xi32, #tpu.memory_space<hbm>>) target(%arg6 : memref<40x64xi32, #tpu.memory_space<vmem>>) target_semaphore(%run_scoped3A : memref<!tpu.dma_semaphore, #tpu.memory_space<semaphore_mem>>)
      %dma_wait3A = arith.constant 0 : i32
      %dma_wait3A_208 = tpu.memref_slice %arg3[%add3A_86, %dma_wait3A] : memref<5120x64xi32, #tpu.memory_space<hbm>> -> memref<40x64xi32, #tpu.memory_space<hbm>>
      %dma_wait3A_209 = arith.constant 0 : i32
      %dma_wait3A_210 = tpu.memref_slice %arg3[%add3A_86, %dma_wait3A_209] : memref<5120x64xi32, #tpu.memory_space<hbm>> -> memref<40x64xi32, #tpu.memory_space<hbm>>
      tpu.wait_dma2 semaphore(%run_scoped3A : memref<!tpu.dma_semaphore, #tpu.memory_space<semaphore_mem>>) src(%dma_wait3A_210 : memref<40x64xi32, #tpu.memory_space<hbm>>) dst(%arg6 : memref<40x64xi32, #tpu.memory_space<vmem>>)
      tpu.yield
    }) : () -> ()
    %add3A_87 = arith.constant 40 : i32
    %add3A_88 = arith.addi %mul3A_2, %add3A_87 : i32
    "tpu.region"() ({
      %run_scoped3A = tpu.sem_alloc : memref<!tpu.dma_semaphore, #tpu.memory_space<semaphore_mem>>
      %dma_start3A_204 = arith.constant 0 : i32
      %dma_start3A_205 = tpu.memref_slice %arg4[%add3A_88, %dma_start3A_204] : memref<5120x64xi32, #tpu.memory_space<hbm>> -> memref<40x64xi32, #tpu.memory_space<hbm>>
      %dma_start3A_206 = arith.constant 0 : i32
      %dma_start3A_207 = tpu.memref_slice %arg4[%add3A_88, %dma_start3A_206] : memref<5120x64xi32, #tpu.memory_space<hbm>> -> memref<40x64xi32, #tpu.memory_space<hbm>>
      tpu.enqueue_dma source(%dma_start3A_207 : memref<40x64xi32, #tpu.memory_space<hbm>>) target(%arg7 : memref<40x64xi32, #tpu.memory_space<vmem>>) target_semaphore(%run_scoped3A : memref<!tpu.dma_semaphore, #tpu.memory_space<semaphore_mem>>)
      %dma_wait3A = arith.constant 0 : i32
      %dma_wait3A_208 = tpu.memref_slice %arg4[%add3A_88, %dma_wait3A] : memref<5120x64xi32, #tpu.memory_space<hbm>> -> memref<40x64xi32, #tpu.memory_space<hbm>>
      %dma_wait3A_209 = arith.constant 0 : i32
      %dma_wait3A_210 = tpu.memref_slice %arg4[%add3A_88, %dma_wait3A_209] : memref<5120x64xi32, #tpu.memory_space<hbm>> -> memref<40x64xi32, #tpu.memory_space<hbm>>
      tpu.wait_dma2 semaphore(%run_scoped3A : memref<!tpu.dma_semaphore, #tpu.memory_space<semaphore_mem>>) src(%dma_wait3A_210 : memref<40x64xi32, #tpu.memory_space<hbm>>) dst(%arg7 : memref<40x64xi32, #tpu.memory_space<vmem>>)
      tpu.yield
    }) : () -> ()
    %dma_start3A_89 = arith.constant 0 : i32
    %dma_start3A_90 = arith.constant 0 : i32
    %dma_start3A_91 = tpu.memref_slice %arg6[%dma_start3A_89, %dma_start3A_90] : memref<40x64xi32, #tpu.memory_space<vmem>> -> memref<1x64xi32, #tpu.memory_space<vmem>>
    %dma_start3A_92 = tpu.memref_squeeze %dma_start3A_91 : memref<1x64xi32, #tpu.memory_space<vmem>> -> memref<64xi32, #tpu.memory_space<vmem>>
    %dma_start3A_93 = arith.constant 0 : i32
    %dma_start3A_94 = arith.constant 0 : i32
    %dma_start3A_95 = tpu.memref_slice %arg2[%dma_start3A_93, %dma_start3A_94] : memref<10000x128xf32, #tpu.memory_space<hbm>> -> memref<10000x128xf32, #tpu.memory_space<hbm>>
    tpu.enqueue_indirect_dma source(%dma_start3A_95 : memref<10000x128xf32, #tpu.memory_space<hbm>>) target(%arg8 : memref<64x128xf32, #tpu.memory_space<vmem>>) offsets(%dma_start3A_92 : memref<64xi32, #tpu.memory_space<vmem>>) semaphore(%arg12 : memref<!tpu.dma_semaphore, #tpu.memory_space<semaphore_mem>>)
    %dma_start3A_96 = arith.constant 1 : i32
    %dma_start3A_97 = arith.constant 0 : i32
    %dma_start3A_98 = tpu.memref_slice %arg6[%dma_start3A_96, %dma_start3A_97] : memref<40x64xi32, #tpu.memory_space<vmem>> -> memref<1x64xi32, #tpu.memory_space<vmem>>
    %dma_start3A_99 = tpu.memref_squeeze %dma_start3A_98 : memref<1x64xi32, #tpu.memory_space<vmem>> -> memref<64xi32, #tpu.memory_space<vmem>>
    %dma_start3A_100 = arith.constant 0 : i32
    %dma_start3A_101 = arith.constant 0 : i32
    %dma_start3A_102 = tpu.memref_slice %arg2[%dma_start3A_100, %dma_start3A_101] : memref<10000x128xf32, #tpu.memory_space<hbm>> -> memref<10000x128xf32, #tpu.memory_space<hbm>>
    tpu.enqueue_indirect_dma source(%dma_start3A_102 : memref<10000x128xf32, #tpu.memory_space<hbm>>) target(%arg9 : memref<64x128xf32, #tpu.memory_space<vmem>>) offsets(%dma_start3A_99 : memref<64xi32, #tpu.memory_space<vmem>>) semaphore(%arg13 : memref<!tpu.dma_semaphore, #tpu.memory_space<semaphore_mem>>)
    %dma_start3A_103 = arith.constant 2 : i32
    %dma_start3A_104 = arith.constant 0 : i32
    %dma_start3A_105 = tpu.memref_slice %arg6[%dma_start3A_103, %dma_start3A_104] : memref<40x64xi32, #tpu.memory_space<vmem>> -> memref<1x64xi32, #tpu.memory_space<vmem>>
    %dma_start3A_106 = tpu.memref_squeeze %dma_start3A_105 : memref<1x64xi32, #tpu.memory_space<vmem>> -> memref<64xi32, #tpu.memory_space<vmem>>
    %dma_start3A_107 = arith.constant 0 : i32
    %dma_start3A_108 = arith.constant 0 : i32
    %dma_start3A_109 = tpu.memref_slice %arg2[%dma_start3A_107, %dma_start3A_108] : memref<10000x128xf32, #tpu.memory_space<hbm>> -> memref<10000x128xf32, #tpu.memory_space<hbm>>
    tpu.enqueue_indirect_dma source(%dma_start3A_109 : memref<10000x128xf32, #tpu.memory_space<hbm>>) target(%arg10 : memref<64x128xf32, #tpu.memory_space<vmem>>) offsets(%dma_start3A_106 : memref<64xi32, #tpu.memory_space<vmem>>) semaphore(%arg14 : memref<!tpu.dma_semaphore, #tpu.memory_space<semaphore_mem>>)
    %dma_start3A_110 = arith.constant 3 : i32
    %dma_start3A_111 = arith.constant 0 : i32
    %dma_start3A_112 = tpu.memref_slice %arg6[%dma_start3A_110, %dma_start3A_111] : memref<40x64xi32, #tpu.memory_space<vmem>> -> memref<1x64xi32, #tpu.memory_space<vmem>>
    %dma_start3A_113 = tpu.memref_squeeze %dma_start3A_112 : memref<1x64xi32, #tpu.memory_space<vmem>> -> memref<64xi32, #tpu.memory_space<vmem>>
    %dma_start3A_114 = arith.constant 0 : i32
    %dma_start3A_115 = arith.constant 0 : i32
    %dma_start3A_116 = tpu.memref_slice %arg2[%dma_start3A_114, %dma_start3A_115] : memref<10000x128xf32, #tpu.memory_space<hbm>> -> memref<10000x128xf32, #tpu.memory_space<hbm>>
    tpu.enqueue_indirect_dma source(%dma_start3A_116 : memref<10000x128xf32, #tpu.memory_space<hbm>>) target(%arg11 : memref<64x128xf32, #tpu.memory_space<vmem>>) offsets(%dma_start3A_113 : memref<64xi32, #tpu.memory_space<vmem>>) semaphore(%arg15 : memref<!tpu.dma_semaphore, #tpu.memory_space<semaphore_mem>>)
    %scan3A_117 = arith.constant 0 : i32
    %scan3A_118 = arith.constant 0 : i32
    %scan3A_119 = arith.constant 10 : i32
    %scan3A_120 = arith.addi %scan3A_118, %scan3A_119 : i32
    %scan3A_121 = arith.constant 1 : i32
    scf.for %scan3A_204 = %scan3A_118 to %scan3A_120 step %scan3A_121  : i32 {
      %mul3A_205 = arith.constant 4 : i32
      %mul3A_206 = arith.muli %scan3A_204, %mul3A_205 : i32
      %add3A_207 = arith.constant 0 : i32
      %add3A_208 = arith.addi %mul3A_206, %add3A_207 : i32
      %dma_wait3A = arith.constant 0 : i32
      %dma_wait3A_209 = tpu.memref_slice %arg6[%add3A_208, %dma_wait3A] : memref<40x64xi32, #tpu.memory_space<vmem>> -> memref<1x64xi32, #tpu.memory_space<vmem>>
      %dma_wait3A_210 = tpu.memref_squeeze %dma_wait3A_209 : memref<1x64xi32, #tpu.memory_space<vmem>> -> memref<64xi32, #tpu.memory_space<vmem>>
      %dma_wait3A_211 = arith.constant 0 : i32
      %dma_wait3A_212 = arith.constant 0 : i32
      %dma_wait3A_213 = tpu.memref_slice %arg2[%dma_wait3A_211, %dma_wait3A_212] : memref<10000x128xf32, #tpu.memory_space<hbm>> -> memref<10000x128xf32, #tpu.memory_space<hbm>>
      tpu.wait_indirect_dma semaphore(%arg12 : memref<!tpu.dma_semaphore, #tpu.memory_space<semaphore_mem>>) src(%dma_wait3A_213 : memref<10000x128xf32, #tpu.memory_space<hbm>>) dst(%arg8 : memref<64x128xf32, #tpu.memory_space<vmem>>)
      %add3A_214 = arith.constant 0 : i32
      %add3A_215 = arith.addi %mul3A_206, %add3A_214 : i32
      "tpu.region"() ({
        %run_scoped3A = tpu.sem_alloc : memref<!tpu.dma_semaphore, #tpu.memory_space<semaphore_mem>>
        %dma_start3A_279 = arith.constant 0 : i32
        %dma_start3A_280 = tpu.memref_slice %arg7[%add3A_215, %dma_start3A_279] : memref<40x64xi32, #tpu.memory_space<vmem>> -> memref<1x64xi32, #tpu.memory_space<vmem>>
        %dma_start3A_281 = tpu.memref_squeeze %dma_start3A_280 : memref<1x64xi32, #tpu.memory_space<vmem>> -> memref<64xi32, #tpu.memory_space<vmem>>
        %dma_start3A_282 = arith.constant 0 : i32
        %dma_start3A_283 = arith.constant 0 : i32
        %dma_start3A_284 = tpu.memref_slice %arg16[%dma_start3A_282, %dma_start3A_283] : memref<10240x128xf32, #tpu.memory_space<vmem_shared>> -> memref<10240x128xf32, #tpu.memory_space<vmem_shared>>
        tpu.enqueue_indirect_dma source(%arg8 : memref<64x128xf32, #tpu.memory_space<vmem>>) target(%dma_start3A_284 : memref<10240x128xf32, #tpu.memory_space<vmem_shared>>) offsets(%dma_start3A_281 : memref<64xi32, #tpu.memory_space<vmem>>) semaphore(%run_scoped3A : memref<!tpu.dma_semaphore, #tpu.memory_space<semaphore_mem>>) {add = true}
        %dma_wait3A_285 = arith.constant 0 : i32
        %dma_wait3A_286 = tpu.memref_slice %arg7[%add3A_215, %dma_wait3A_285] : memref<40x64xi32, #tpu.memory_space<vmem>> -> memref<1x64xi32, #tpu.memory_space<vmem>>
        %dma_wait3A_287 = tpu.memref_squeeze %dma_wait3A_286 : memref<1x64xi32, #tpu.memory_space<vmem>> -> memref<64xi32, #tpu.memory_space<vmem>>
        %dma_wait3A_288 = arith.constant 0 : i32
        %dma_wait3A_289 = arith.constant 0 : i32
        %dma_wait3A_290 = tpu.memref_slice %arg16[%dma_wait3A_288, %dma_wait3A_289] : memref<10240x128xf32, #tpu.memory_space<vmem_shared>> -> memref<10240x128xf32, #tpu.memory_space<vmem_shared>>
        tpu.wait_indirect_dma semaphore(%run_scoped3A : memref<!tpu.dma_semaphore, #tpu.memory_space<semaphore_mem>>) src(%arg8 : memref<64x128xf32, #tpu.memory_space<vmem>>) dst(%dma_wait3A_290 : memref<10240x128xf32, #tpu.memory_space<vmem_shared>>)
        tpu.yield
      }) : () -> ()
      %add3A_216 = arith.constant 0 : i32
      %add3A_217 = arith.addi %mul3A_206, %add3A_216 : i32
      %add3A_218 = arith.constant 4 : i32
      %add3A_219 = arith.addi %add3A_217, %add3A_218 : i32
      %lt3A = arith.constant 40 : i32
      %lt3A_220 = arith.cmpi slt, %add3A_219, %lt3A : i32
      %convert_element_type3A = arith.extui %lt3A_220 : i1 to i32
      %cond3A = arith.constant 0 : i32
      %cond3A_221 = arith.cmpi ne, %convert_element_type3A, %cond3A : i32
      scf.if %cond3A_221 {
        %add3A_279 = arith.constant 0 : i32
        %add3A_280 = arith.addi %mul3A_206, %add3A_279 : i32
        %add3A_281 = arith.constant 4 : i32
        %add3A_282 = arith.addi %add3A_280, %add3A_281 : i32
        %dma_start3A_283 = arith.constant 0 : i32
        %dma_start3A_284 = tpu.memref_slice %arg6[%add3A_282, %dma_start3A_283] : memref<40x64xi32, #tpu.memory_space<vmem>> -> memref<1x64xi32, #tpu.memory_space<vmem>>
        %dma_start3A_285 = tpu.memref_squeeze %dma_start3A_284 : memref<1x64xi32, #tpu.memory_space<vmem>> -> memref<64xi32, #tpu.memory_space<vmem>>
        %dma_start3A_286 = arith.constant 0 : i32
        %dma_start3A_287 = arith.constant 0 : i32
        %dma_start3A_288 = tpu.memref_slice %arg2[%dma_start3A_286, %dma_start3A_287] : memref<10000x128xf32, #tpu.memory_space<hbm>> -> memref<10000x128xf32, #tpu.memory_space<hbm>>
        tpu.enqueue_indirect_dma source(%dma_start3A_288 : memref<10000x128xf32, #tpu.memory_space<hbm>>) target(%arg8 : memref<64x128xf32, #tpu.memory_space<vmem>>) offsets(%dma_start3A_285 : memref<64xi32, #tpu.memory_space<vmem>>) semaphore(%arg12 : memref<!tpu.dma_semaphore, #tpu.memory_space<semaphore_mem>>)
      } else {
      }
      %add3A_222 = arith.constant 1 : i32
      %add3A_223 = arith.addi %mul3A_206, %add3A_222 : i32
      %dma_wait3A_224 = arith.constant 0 : i32
      %dma_wait3A_225 = tpu.memref_slice %arg6[%add3A_223, %dma_wait3A_224] : memref<40x64xi32, #tpu.memory_space<vmem>> -> memref<1x64xi32, #tpu.memory_space<vmem>>
      %dma_wait3A_226 = tpu.memref_squeeze %dma_wait3A_225 : memref<1x64xi32, #tpu.memory_space<vmem>> -> memref<64xi32, #tpu.memory_space<vmem>>
      %dma_wait3A_227 = arith.constant 0 : i32
      %dma_wait3A_228 = arith.constant 0 : i32
      %dma_wait3A_229 = tpu.memref_slice %arg2[%dma_wait3A_227, %dma_wait3A_228] : memref<10000x128xf32, #tpu.memory_space<hbm>> -> memref<10000x128xf32, #tpu.memory_space<hbm>>
      tpu.wait_indirect_dma semaphore(%arg13 : memref<!tpu.dma_semaphore, #tpu.memory_space<semaphore_mem>>) src(%dma_wait3A_229 : memref<10000x128xf32, #tpu.memory_space<hbm>>) dst(%arg9 : memref<64x128xf32, #tpu.memory_space<vmem>>)
      %add3A_230 = arith.constant 1 : i32
      %add3A_231 = arith.addi %mul3A_206, %add3A_230 : i32
      "tpu.region"() ({
        %run_scoped3A = tpu.sem_alloc : memref<!tpu.dma_semaphore, #tpu.memory_space<semaphore_mem>>
        %dma_start3A_279 = arith.constant 0 : i32
        %dma_start3A_280 = tpu.memref_slice %arg7[%add3A_231, %dma_start3A_279] : memref<40x64xi32, #tpu.memory_space<vmem>> -> memref<1x64xi32, #tpu.memory_space<vmem>>
        %dma_start3A_281 = tpu.memref_squeeze %dma_start3A_280 : memref<1x64xi32, #tpu.memory_space<vmem>> -> memref<64xi32, #tpu.memory_space<vmem>>
        %dma_start3A_282 = arith.constant 0 : i32
        %dma_start3A_283 = arith.constant 0 : i32
        %dma_start3A_284 = tpu.memref_slice %arg16[%dma_start3A_282, %dma_start3A_283] : memref<10240x128xf32, #tpu.memory_space<vmem_shared>> -> memref<10240x128xf32, #tpu.memory_space<vmem_shared>>
        tpu.enqueue_indirect_dma source(%arg9 : memref<64x128xf32, #tpu.memory_space<vmem>>) target(%dma_start3A_284 : memref<10240x128xf32, #tpu.memory_space<vmem_shared>>) offsets(%dma_start3A_281 : memref<64xi32, #tpu.memory_space<vmem>>) semaphore(%run_scoped3A : memref<!tpu.dma_semaphore, #tpu.memory_space<semaphore_mem>>) {add = true}
        %dma_wait3A_285 = arith.constant 0 : i32
        %dma_wait3A_286 = tpu.memref_slice %arg7[%add3A_231, %dma_wait3A_285] : memref<40x64xi32, #tpu.memory_space<vmem>> -> memref<1x64xi32, #tpu.memory_space<vmem>>
        %dma_wait3A_287 = tpu.memref_squeeze %dma_wait3A_286 : memref<1x64xi32, #tpu.memory_space<vmem>> -> memref<64xi32, #tpu.memory_space<vmem>>
        %dma_wait3A_288 = arith.constant 0 : i32
        %dma_wait3A_289 = arith.constant 0 : i32
        %dma_wait3A_290 = tpu.memref_slice %arg16[%dma_wait3A_288, %dma_wait3A_289] : memref<10240x128xf32, #tpu.memory_space<vmem_shared>> -> memref<10240x128xf32, #tpu.memory_space<vmem_shared>>
        tpu.wait_indirect_dma semaphore(%run_scoped3A : memref<!tpu.dma_semaphore, #tpu.memory_space<semaphore_mem>>) src(%arg9 : memref<64x128xf32, #tpu.memory_space<vmem>>) dst(%dma_wait3A_290 : memref<10240x128xf32, #tpu.memory_space<vmem_shared>>)
        tpu.yield
      }) : () -> ()
      %add3A_232 = arith.constant 1 : i32
      %add3A_233 = arith.addi %mul3A_206, %add3A_232 : i32
      %add3A_234 = arith.constant 4 : i32
      %add3A_235 = arith.addi %add3A_233, %add3A_234 : i32
      %lt3A_236 = arith.constant 40 : i32
      %lt3A_237 = arith.cmpi slt, %add3A_235, %lt3A_236 : i32
      %convert_element_type3A_238 = arith.extui %lt3A_237 : i1 to i32
      %cond3A_239 = arith.constant 0 : i32
      %cond3A_240 = arith.cmpi ne, %convert_element_type3A_238, %cond3A_239 : i32
      scf.if %cond3A_240 {
        %add3A_279 = arith.constant 1 : i32
        %add3A_280 = arith.addi %mul3A_206, %add3A_279 : i32
        %add3A_281 = arith.constant 4 : i32
        %add3A_282 = arith.addi %add3A_280, %add3A_281 : i32
        %dma_start3A_283 = arith.constant 0 : i32
        %dma_start3A_284 = tpu.memref_slice %arg6[%add3A_282, %dma_start3A_283] : memref<40x64xi32, #tpu.memory_space<vmem>> -> memref<1x64xi32, #tpu.memory_space<vmem>>
        %dma_start3A_285 = tpu.memref_squeeze %dma_start3A_284 : memref<1x64xi32, #tpu.memory_space<vmem>> -> memref<64xi32, #tpu.memory_space<vmem>>
        %dma_start3A_286 = arith.constant 0 : i32
        %dma_start3A_287 = arith.constant 0 : i32
        %dma_start3A_288 = tpu.memref_slice %arg2[%dma_start3A_286, %dma_start3A_287] : memref<10000x128xf32, #tpu.memory_space<hbm>> -> memref<10000x128xf32, #tpu.memory_space<hbm>>
        tpu.enqueue_indirect_dma source(%dma_start3A_288 : memref<10000x128xf32, #tpu.memory_space<hbm>>) target(%arg9 : memref<64x128xf32, #tpu.memory_space<vmem>>) offsets(%dma_start3A_285 : memref<64xi32, #tpu.memory_space<vmem>>) semaphore(%arg13 : memref<!tpu.dma_semaphore, #tpu.memory_space<semaphore_mem>>)
      } else {
      }
      %add3A_241 = arith.constant 2 : i32
      %add3A_242 = arith.addi %mul3A_206, %add3A_241 : i32
      %dma_wait3A_243 = arith.constant 0 : i32
      %dma_wait3A_244 = tpu.memref_slice %arg6[%add3A_242, %dma_wait3A_243] : memref<40x64xi32, #tpu.memory_space<vmem>> -> memref<1x64xi32, #tpu.memory_space<vmem>>
      %dma_wait3A_245 = tpu.memref_squeeze %dma_wait3A_244 : memref<1x64xi32, #tpu.memory_space<vmem>> -> memref<64xi32, #tpu.memory_space<vmem>>
      %dma_wait3A_246 = arith.constant 0 : i32
      %dma_wait3A_247 = arith.constant 0 : i32
      %dma_wait3A_248 = tpu.memref_slice %arg2[%dma_wait3A_246, %dma_wait3A_247] : memref<10000x128xf32, #tpu.memory_space<hbm>> -> memref<10000x128xf32, #tpu.memory_space<hbm>>
      tpu.wait_indirect_dma semaphore(%arg14 : memref<!tpu.dma_semaphore, #tpu.memory_space<semaphore_mem>>) src(%dma_wait3A_248 : memref<10000x128xf32, #tpu.memory_space<hbm>>) dst(%arg10 : memref<64x128xf32, #tpu.memory_space<vmem>>)
      %add3A_249 = arith.constant 2 : i32
      %add3A_250 = arith.addi %mul3A_206, %add3A_249 : i32
      "tpu.region"() ({
        %run_scoped3A = tpu.sem_alloc : memref<!tpu.dma_semaphore, #tpu.memory_space<semaphore_mem>>
        %dma_start3A_279 = arith.constant 0 : i32
        %dma_start3A_280 = tpu.memref_slice %arg7[%add3A_250, %dma_start3A_279] : memref<40x64xi32, #tpu.memory_space<vmem>> -> memref<1x64xi32, #tpu.memory_space<vmem>>
        %dma_start3A_281 = tpu.memref_squeeze %dma_start3A_280 : memref<1x64xi32, #tpu.memory_space<vmem>> -> memref<64xi32, #tpu.memory_space<vmem>>
        %dma_start3A_282 = arith.constant 0 : i32
        %dma_start3A_283 = arith.constant 0 : i32
        %dma_start3A_284 = tpu.memref_slice %arg16[%dma_start3A_282, %dma_start3A_283] : memref<10240x128xf32, #tpu.memory_space<vmem_shared>> -> memref<10240x128xf32, #tpu.memory_space<vmem_shared>>
        tpu.enqueue_indirect_dma source(%arg10 : memref<64x128xf32, #tpu.memory_space<vmem>>) target(%dma_start3A_284 : memref<10240x128xf32, #tpu.memory_space<vmem_shared>>) offsets(%dma_start3A_281 : memref<64xi32, #tpu.memory_space<vmem>>) semaphore(%run_scoped3A : memref<!tpu.dma_semaphore, #tpu.memory_space<semaphore_mem>>) {add = true}
        %dma_wait3A_285 = arith.constant 0 : i32
        %dma_wait3A_286 = tpu.memref_slice %arg7[%add3A_250, %dma_wait3A_285] : memref<40x64xi32, #tpu.memory_space<vmem>> -> memref<1x64xi32, #tpu.memory_space<vmem>>
        %dma_wait3A_287 = tpu.memref_squeeze %dma_wait3A_286 : memref<1x64xi32, #tpu.memory_space<vmem>> -> memref<64xi32, #tpu.memory_space<vmem>>
        %dma_wait3A_288 = arith.constant 0 : i32
        %dma_wait3A_289 = arith.constant 0 : i32
        %dma_wait3A_290 = tpu.memref_slice %arg16[%dma_wait3A_288, %dma_wait3A_289] : memref<10240x128xf32, #tpu.memory_space<vmem_shared>> -> memref<10240x128xf32, #tpu.memory_space<vmem_shared>>
        tpu.wait_indirect_dma semaphore(%run_scoped3A : memref<!tpu.dma_semaphore, #tpu.memory_space<semaphore_mem>>) src(%arg10 : memref<64x128xf32, #tpu.memory_space<vmem>>) dst(%dma_wait3A_290 : memref<10240x128xf32, #tpu.memory_space<vmem_shared>>)
        tpu.yield
      }) : () -> ()
      %add3A_251 = arith.constant 2 : i32
      %add3A_252 = arith.addi %mul3A_206, %add3A_251 : i32
      %add3A_253 = arith.constant 4 : i32
      %add3A_254 = arith.addi %add3A_252, %add3A_253 : i32
      %lt3A_255 = arith.constant 40 : i32
      %lt3A_256 = arith.cmpi slt, %add3A_254, %lt3A_255 : i32
      %convert_element_type3A_257 = arith.extui %lt3A_256 : i1 to i32
      %cond3A_258 = arith.constant 0 : i32
      %cond3A_259 = arith.cmpi ne, %convert_element_type3A_257, %cond3A_258 : i32
      scf.if %cond3A_259 {
        %add3A_279 = arith.constant 2 : i32
        %add3A_280 = arith.addi %mul3A_206, %add3A_279 : i32
        %add3A_281 = arith.constant 4 : i32
        %add3A_282 = arith.addi %add3A_280, %add3A_281 : i32
        %dma_start3A_283 = arith.constant 0 : i32
        %dma_start3A_284 = tpu.memref_slice %arg6[%add3A_282, %dma_start3A_283] : memref<40x64xi32, #tpu.memory_space<vmem>> -> memref<1x64xi32, #tpu.memory_space<vmem>>
        %dma_start3A_285 = tpu.memref_squeeze %dma_start3A_284 : memref<1x64xi32, #tpu.memory_space<vmem>> -> memref<64xi32, #tpu.memory_space<vmem>>
        %dma_start3A_286 = arith.constant 0 : i32
        %dma_start3A_287 = arith.constant 0 : i32
        %dma_start3A_288 = tpu.memref_slice %arg2[%dma_start3A_286, %dma_start3A_287] : memref<10000x128xf32, #tpu.memory_space<hbm>> -> memref<10000x128xf32, #tpu.memory_space<hbm>>
        tpu.enqueue_indirect_dma source(%dma_start3A_288 : memref<10000x128xf32, #tpu.memory_space<hbm>>) target(%arg10 : memref<64x128xf32, #tpu.memory_space<vmem>>) offsets(%dma_start3A_285 : memref<64xi32, #tpu.memory_space<vmem>>) semaphore(%arg14 : memref<!tpu.dma_semaphore, #tpu.memory_space<semaphore_mem>>)
      } else {
      }
      %add3A_260 = arith.constant 3 : i32
      %add3A_261 = arith.addi %mul3A_206, %add3A_260 : i32
      %dma_wait3A_262 = arith.constant 0 : i32
      %dma_wait3A_263 = tpu.memref_slice %arg6[%add3A_261, %dma_wait3A_262] : memref<40x64xi32, #tpu.memory_space<vmem>> -> memref<1x64xi32, #tpu.memory_space<vmem>>
      %dma_wait3A_264 = tpu.memref_squeeze %dma_wait3A_263 : memref<1x64xi32, #tpu.memory_space<vmem>> -> memref<64xi32, #tpu.memory_space<vmem>>
      %dma_wait3A_265 = arith.constant 0 : i32
      %dma_wait3A_266 = arith.constant 0 : i32
      %dma_wait3A_267 = tpu.memref_slice %arg2[%dma_wait3A_265, %dma_wait3A_266] : memref<10000x128xf32, #tpu.memory_space<hbm>> -> memref<10000x128xf32, #tpu.memory_space<hbm>>
      tpu.wait_indirect_dma semaphore(%arg15 : memref<!tpu.dma_semaphore, #tpu.memory_space<semaphore_mem>>) src(%dma_wait3A_267 : memref<10000x128xf32, #tpu.memory_space<hbm>>) dst(%arg11 : memref<64x128xf32, #tpu.memory_space<vmem>>)
      %add3A_268 = arith.constant 3 : i32
      %add3A_269 = arith.addi %mul3A_206, %add3A_268 : i32
      "tpu.region"() ({
        %run_scoped3A = tpu.sem_alloc : memref<!tpu.dma_semaphore, #tpu.memory_space<semaphore_mem>>
        %dma_start3A_279 = arith.constant 0 : i32
        %dma_start3A_280 = tpu.memref_slice %arg7[%add3A_269, %dma_start3A_279] : memref<40x64xi32, #tpu.memory_space<vmem>> -> memref<1x64xi32, #tpu.memory_space<vmem>>
        %dma_start3A_281 = tpu.memref_squeeze %dma_start3A_280 : memref<1x64xi32, #tpu.memory_space<vmem>> -> memref<64xi32, #tpu.memory_space<vmem>>
        %dma_start3A_282 = arith.constant 0 : i32
        %dma_start3A_283 = arith.constant 0 : i32
        %dma_start3A_284 = tpu.memref_slice %arg16[%dma_start3A_282, %dma_start3A_283] : memref<10240x128xf32, #tpu.memory_space<vmem_shared>> -> memref<10240x128xf32, #tpu.memory_space<vmem_shared>>
        tpu.enqueue_indirect_dma source(%arg11 : memref<64x128xf32, #tpu.memory_space<vmem>>) target(%dma_start3A_284 : memref<10240x128xf32, #tpu.memory_space<vmem_shared>>) offsets(%dma_start3A_281 : memref<64xi32, #tpu.memory_space<vmem>>) semaphore(%run_scoped3A : memref<!tpu.dma_semaphore, #tpu.memory_space<semaphore_mem>>) {add = true}
        %dma_wait3A_285 = arith.constant 0 : i32
        %dma_wait3A_286 = tpu.memref_slice %arg7[%add3A_269, %dma_wait3A_285] : memref<40x64xi32, #tpu.memory_space<vmem>> -> memref<1x64xi32, #tpu.memory_space<vmem>>
        %dma_wait3A_287 = tpu.memref_squeeze %dma_wait3A_286 : memref<1x64xi32, #tpu.memory_space<vmem>> -> memref<64xi32, #tpu.memory_space<vmem>>
        %dma_wait3A_288 = arith.constant 0 : i32
        %dma_wait3A_289 = arith.constant 0 : i32
        %dma_wait3A_290 = tpu.memref_slice %arg16[%dma_wait3A_288, %dma_wait3A_289] : memref<10240x128xf32, #tpu.memory_space<vmem_shared>> -> memref<10240x128xf32, #tpu.memory_space<vmem_shared>>
        tpu.wait_indirect_dma semaphore(%run_scoped3A : memref<!tpu.dma_semaphore, #tpu.memory_space<semaphore_mem>>) src(%arg11 : memref<64x128xf32, #tpu.memory_space<vmem>>) dst(%dma_wait3A_290 : memref<10240x128xf32, #tpu.memory_space<vmem_shared>>)
        tpu.yield
      }) : () -> ()
      %add3A_270 = arith.constant 3 : i32
      %add3A_271 = arith.addi %mul3A_206, %add3A_270 : i32
      %add3A_272 = arith.constant 4 : i32
      %add3A_273 = arith.addi %add3A_271, %add3A_272 : i32
      %lt3A_274 = arith.constant 40 : i32
      %lt3A_275 = arith.cmpi slt, %add3A_273, %lt3A_274 : i32
      %convert_element_type3A_276 = arith.extui %lt3A_275 : i1 to i32
      %cond3A_277 = arith.constant 0 : i32
      %cond3A_278 = arith.cmpi ne, %convert_element_type3A_276, %cond3A_277 : i32
      scf.if %cond3A_278 {
        %add3A_279 = arith.constant 3 : i32
        %add3A_280 = arith.addi %mul3A_206, %add3A_279 : i32
        %add3A_281 = arith.constant 4 : i32
        %add3A_282 = arith.addi %add3A_280, %add3A_281 : i32
        %dma_start3A_283 = arith.constant 0 : i32
        %dma_start3A_284 = tpu.memref_slice %arg6[%add3A_282, %dma_start3A_283] : memref<40x64xi32, #tpu.memory_space<vmem>> -> memref<1x64xi32, #tpu.memory_space<vmem>>
        %dma_start3A_285 = tpu.memref_squeeze %dma_start3A_284 : memref<1x64xi32, #tpu.memory_space<vmem>> -> memref<64xi32, #tpu.memory_space<vmem>>
        %dma_start3A_286 = arith.constant 0 : i32
        %dma_start3A_287 = arith.constant 0 : i32
        %dma_start3A_288 = tpu.memref_slice %arg2[%dma_start3A_286, %dma_start3A_287] : memref<10000x128xf32, #tpu.memory_space<hbm>> -> memref<10000x128xf32, #tpu.memory_space<hbm>>
        tpu.enqueue_indirect_dma source(%dma_start3A_288 : memref<10000x128xf32, #tpu.memory_space<hbm>>) target(%arg11 : memref<64x128xf32, #tpu.memory_space<vmem>>) offsets(%dma_start3A_285 : memref<64xi32, #tpu.memory_space<vmem>>) semaphore(%arg15 : memref<!tpu.dma_semaphore, #tpu.memory_space<semaphore_mem>>)
      } else {
      }
    }
    %scan3A_122 = arith.constant 10 : i32
    %add3A_123 = arith.constant 80 : i32
    %add3A_124 = arith.addi %mul3A_2, %add3A_123 : i32
    "tpu.region"() ({
      %run_scoped3A = tpu.sem_alloc : memref<!tpu.dma_semaphore, #tpu.memory_space<semaphore_mem>>
      %dma_start3A_204 = arith.constant 0 : i32
      %dma_start3A_205 = tpu.memref_slice %arg3[%add3A_124, %dma_start3A_204] : memref<5120x64xi32, #tpu.memory_space<hbm>> -> memref<40x64xi32, #tpu.memory_space<hbm>>
      %dma_start3A_206 = arith.constant 0 : i32
      %dma_start3A_207 = tpu.memref_slice %arg3[%add3A_124, %dma_start3A_206] : memref<5120x64xi32, #tpu.memory_space<hbm>> -> memref<40x64xi32, #tpu.memory_space<hbm>>
      tpu.enqueue_dma source(%dma_start3A_207 : memref<40x64xi32, #tpu.memory_space<hbm>>) target(%arg6 : memref<40x64xi32, #tpu.memory_space<vmem>>) target_semaphore(%run_scoped3A : memref<!tpu.dma_semaphore, #tpu.memory_space<semaphore_mem>>)
      %dma_wait3A = arith.constant 0 : i32
      %dma_wait3A_208 = tpu.memref_slice %arg3[%add3A_124, %dma_wait3A] : memref<5120x64xi32, #tpu.memory_space<hbm>> -> memref<40x64xi32, #tpu.memory_space<hbm>>
      %dma_wait3A_209 = arith.constant 0 : i32
      %dma_wait3A_210 = tpu.memref_slice %arg3[%add3A_124, %dma_wait3A_209] : memref<5120x64xi32, #tpu.memory_space<hbm>> -> memref<40x64xi32, #tpu.memory_space<hbm>>
      tpu.wait_dma2 semaphore(%run_scoped3A : memref<!tpu.dma_semaphore, #tpu.memory_space<semaphore_mem>>) src(%dma_wait3A_210 : memref<40x64xi32, #tpu.memory_space<hbm>>) dst(%arg6 : memref<40x64xi32, #tpu.memory_space<vmem>>)
      tpu.yield
    }) : () -> ()
    %add3A_125 = arith.constant 80 : i32
    %add3A_126 = arith.addi %mul3A_2, %add3A_125 : i32
    "tpu.region"() ({
      %run_scoped3A = tpu.sem_alloc : memref<!tpu.dma_semaphore, #tpu.memory_space<semaphore_mem>>
      %dma_start3A_204 = arith.constant 0 : i32
      %dma_start3A_205 = tpu.memref_slice %arg4[%add3A_126, %dma_start3A_204] : memref<5120x64xi32, #tpu.memory_space<hbm>> -> memref<40x64xi32, #tpu.memory_space<hbm>>
      %dma_start3A_206 = arith.constant 0 : i32
      %dma_start3A_207 = tpu.memref_slice %arg4[%add3A_126, %dma_start3A_206] : memref<5120x64xi32, #tpu.memory_space<hbm>> -> memref<40x64xi32, #tpu.memory_space<hbm>>
      tpu.enqueue_dma source(%dma_start3A_207 : memref<40x64xi32, #tpu.memory_space<hbm>>) target(%arg7 : memref<40x64xi32, #tpu.memory_space<vmem>>) target_semaphore(%run_scoped3A : memref<!tpu.dma_semaphore, #tpu.memory_space<semaphore_mem>>)
      %dma_wait3A = arith.constant 0 : i32
      %dma_wait3A_208 = tpu.memref_slice %arg4[%add3A_126, %dma_wait3A] : memref<5120x64xi32, #tpu.memory_space<hbm>> -> memref<40x64xi32, #tpu.memory_space<hbm>>
      %dma_wait3A_209 = arith.constant 0 : i32
      %dma_wait3A_210 = tpu.memref_slice %arg4[%add3A_126, %dma_wait3A_209] : memref<5120x64xi32, #tpu.memory_space<hbm>> -> memref<40x64xi32, #tpu.memory_space<hbm>>
      tpu.wait_dma2 semaphore(%run_scoped3A : memref<!tpu.dma_semaphore, #tpu.memory_space<semaphore_mem>>) src(%dma_wait3A_210 : memref<40x64xi32, #tpu.memory_space<hbm>>) dst(%arg7 : memref<40x64xi32, #tpu.memory_space<vmem>>)
      tpu.yield
    }) : () -> ()
    %dma_start3A_127 = arith.constant 0 : i32
    %dma_start3A_128 = arith.constant 0 : i32
    %dma_start3A_129 = tpu.memref_slice %arg6[%dma_start3A_127, %dma_start3A_128] : memref<40x64xi32, #tpu.memory_space<vmem>> -> memref<1x64xi32, #tpu.memory_space<vmem>>
    %dma_start3A_130 = tpu.memref_squeeze %dma_start3A_129 : memref<1x64xi32, #tpu.memory_space<vmem>> -> memref<64xi32, #tpu.memory_space<vmem>>
    %dma_start3A_131 = arith.constant 0 : i32
    %dma_start3A_132 = arith.constant 0 : i32
    %dma_start3A_133 = tpu.memref_slice %arg2[%dma_start3A_131, %dma_start3A_132] : memref<10000x128xf32, #tpu.memory_space<hbm>> -> memref<10000x128xf32, #tpu.memory_space<hbm>>
    tpu.enqueue_indirect_dma source(%dma_start3A_133 : memref<10000x128xf32, #tpu.memory_space<hbm>>) target(%arg8 : memref<64x128xf32, #tpu.memory_space<vmem>>) offsets(%dma_start3A_130 : memref<64xi32, #tpu.memory_space<vmem>>) semaphore(%arg12 : memref<!tpu.dma_semaphore, #tpu.memory_space<semaphore_mem>>)
    %dma_start3A_134 = arith.constant 1 : i32
    %dma_start3A_135 = arith.constant 0 : i32
    %dma_start3A_136 = tpu.memref_slice %arg6[%dma_start3A_134, %dma_start3A_135] : memref<40x64xi32, #tpu.memory_space<vmem>> -> memref<1x64xi32, #tpu.memory_space<vmem>>
    %dma_start3A_137 = tpu.memref_squeeze %dma_start3A_136 : memref<1x64xi32, #tpu.memory_space<vmem>> -> memref<64xi32, #tpu.memory_space<vmem>>
    %dma_start3A_138 = arith.constant 0 : i32
    %dma_start3A_139 = arith.constant 0 : i32
    %dma_start3A_140 = tpu.memref_slice %arg2[%dma_start3A_138, %dma_start3A_139] : memref<10000x128xf32, #tpu.memory_space<hbm>> -> memref<10000x128xf32, #tpu.memory_space<hbm>>
    tpu.enqueue_indirect_dma source(%dma_start3A_140 : memref<10000x128xf32, #tpu.memory_space<hbm>>) target(%arg9 : memref<64x128xf32, #tpu.memory_space<vmem>>) offsets(%dma_start3A_137 : memref<64xi32, #tpu.memory_space<vmem>>) semaphore(%arg13 : memref<!tpu.dma_semaphore, #tpu.memory_space<semaphore_mem>>)
    %dma_start3A_141 = arith.constant 2 : i32
    %dma_start3A_142 = arith.constant 0 : i32
    %dma_start3A_143 = tpu.memref_slice %arg6[%dma_start3A_141, %dma_start3A_142] : memref<40x64xi32, #tpu.memory_space<vmem>> -> memref<1x64xi32, #tpu.memory_space<vmem>>
    %dma_start3A_144 = tpu.memref_squeeze %dma_start3A_143 : memref<1x64xi32, #tpu.memory_space<vmem>> -> memref<64xi32, #tpu.memory_space<vmem>>
    %dma_start3A_145 = arith.constant 0 : i32
    %dma_start3A_146 = arith.constant 0 : i32
    %dma_start3A_147 = tpu.memref_slice %arg2[%dma_start3A_145, %dma_start3A_146] : memref<10000x128xf32, #tpu.memory_space<hbm>> -> memref<10000x128xf32, #tpu.memory_space<hbm>>
    tpu.enqueue_indirect_dma source(%dma_start3A_147 : memref<10000x128xf32, #tpu.memory_space<hbm>>) target(%arg10 : memref<64x128xf32, #tpu.memory_space<vmem>>) offsets(%dma_start3A_144 : memref<64xi32, #tpu.memory_space<vmem>>) semaphore(%arg14 : memref<!tpu.dma_semaphore, #tpu.memory_space<semaphore_mem>>)
    %dma_start3A_148 = arith.constant 3 : i32
    %dma_start3A_149 = arith.constant 0 : i32
    %dma_start3A_150 = tpu.memref_slice %arg6[%dma_start3A_148, %dma_start3A_149] : memref<40x64xi32, #tpu.memory_space<vmem>> -> memref<1x64xi32, #tpu.memory_space<vmem>>
    %dma_start3A_151 = tpu.memref_squeeze %dma_start3A_150 : memref<1x64xi32, #tpu.memory_space<vmem>> -> memref<64xi32, #tpu.memory_space<vmem>>
    %dma_start3A_152 = arith.constant 0 : i32
    %dma_start3A_153 = arith.constant 0 : i32
    %dma_start3A_154 = tpu.memref_slice %arg2[%dma_start3A_152, %dma_start3A_153] : memref<10000x128xf32, #tpu.memory_space<hbm>> -> memref<10000x128xf32, #tpu.memory_space<hbm>>
    tpu.enqueue_indirect_dma source(%dma_start3A_154 : memref<10000x128xf32, #tpu.memory_space<hbm>>) target(%arg11 : memref<64x128xf32, #tpu.memory_space<vmem>>) offsets(%dma_start3A_151 : memref<64xi32, #tpu.memory_space<vmem>>) semaphore(%arg15 : memref<!tpu.dma_semaphore, #tpu.memory_space<semaphore_mem>>)
    %scan3A_155 = arith.constant 0 : i32
    %scan3A_156 = arith.constant 0 : i32
    %scan3A_157 = arith.constant 10 : i32
    %scan3A_158 = arith.addi %scan3A_156, %scan3A_157 : i32
    %scan3A_159 = arith.constant 1 : i32
    scf.for %scan3A_204 = %scan3A_156 to %scan3A_158 step %scan3A_159  : i32 {
      %mul3A_205 = arith.constant 4 : i32
      %mul3A_206 = arith.muli %scan3A_204, %mul3A_205 : i32
      %add3A_207 = arith.constant 0 : i32
      %add3A_208 = arith.addi %mul3A_206, %add3A_207 : i32
      %dma_wait3A = arith.constant 0 : i32
      %dma_wait3A_209 = tpu.memref_slice %arg6[%add3A_208, %dma_wait3A] : memref<40x64xi32, #tpu.memory_space<vmem>> -> memref<1x64xi32, #tpu.memory_space<vmem>>
      %dma_wait3A_210 = tpu.memref_squeeze %dma_wait3A_209 : memref<1x64xi32, #tpu.memory_space<vmem>> -> memref<64xi32, #tpu.memory_space<vmem>>
      %dma_wait3A_211 = arith.constant 0 : i32
      %dma_wait3A_212 = arith.constant 0 : i32
      %dma_wait3A_213 = tpu.memref_slice %arg2[%dma_wait3A_211, %dma_wait3A_212] : memref<10000x128xf32, #tpu.memory_space<hbm>> -> memref<10000x128xf32, #tpu.memory_space<hbm>>
      tpu.wait_indirect_dma semaphore(%arg12 : memref<!tpu.dma_semaphore, #tpu.memory_space<semaphore_mem>>) src(%dma_wait3A_213 : memref<10000x128xf32, #tpu.memory_space<hbm>>) dst(%arg8 : memref<64x128xf32, #tpu.memory_space<vmem>>)
      %add3A_214 = arith.constant 0 : i32
      %add3A_215 = arith.addi %mul3A_206, %add3A_214 : i32
      "tpu.region"() ({
        %run_scoped3A = tpu.sem_alloc : memref<!tpu.dma_semaphore, #tpu.memory_space<semaphore_mem>>
        %dma_start3A_279 = arith.constant 0 : i32
        %dma_start3A_280 = tpu.memref_slice %arg7[%add3A_215, %dma_start3A_279] : memref<40x64xi32, #tpu.memory_space<vmem>> -> memref<1x64xi32, #tpu.memory_space<vmem>>
        %dma_start3A_281 = tpu.memref_squeeze %dma_start3A_280 : memref<1x64xi32, #tpu.memory_space<vmem>> -> memref<64xi32, #tpu.memory_space<vmem>>
        %dma_start3A_282 = arith.constant 0 : i32
        %dma_start3A_283 = arith.constant 0 : i32
        %dma_start3A_284 = tpu.memref_slice %arg16[%dma_start3A_282, %dma_start3A_283] : memref<10240x128xf32, #tpu.memory_space<vmem_shared>> -> memref<10240x128xf32, #tpu.memory_space<vmem_shared>>
        tpu.enqueue_indirect_dma source(%arg8 : memref<64x128xf32, #tpu.memory_space<vmem>>) target(%dma_start3A_284 : memref<10240x128xf32, #tpu.memory_space<vmem_shared>>) offsets(%dma_start3A_281 : memref<64xi32, #tpu.memory_space<vmem>>) semaphore(%run_scoped3A : memref<!tpu.dma_semaphore, #tpu.memory_space<semaphore_mem>>) {add = true}
        %dma_wait3A_285 = arith.constant 0 : i32
        %dma_wait3A_286 = tpu.memref_slice %arg7[%add3A_215, %dma_wait3A_285] : memref<40x64xi32, #tpu.memory_space<vmem>> -> memref<1x64xi32, #tpu.memory_space<vmem>>
        %dma_wait3A_287 = tpu.memref_squeeze %dma_wait3A_286 : memref<1x64xi32, #tpu.memory_space<vmem>> -> memref<64xi32, #tpu.memory_space<vmem>>
        %dma_wait3A_288 = arith.constant 0 : i32
        %dma_wait3A_289 = arith.constant 0 : i32
        %dma_wait3A_290 = tpu.memref_slice %arg16[%dma_wait3A_288, %dma_wait3A_289] : memref<10240x128xf32, #tpu.memory_space<vmem_shared>> -> memref<10240x128xf32, #tpu.memory_space<vmem_shared>>
        tpu.wait_indirect_dma semaphore(%run_scoped3A : memref<!tpu.dma_semaphore, #tpu.memory_space<semaphore_mem>>) src(%arg8 : memref<64x128xf32, #tpu.memory_space<vmem>>) dst(%dma_wait3A_290 : memref<10240x128xf32, #tpu.memory_space<vmem_shared>>)
        tpu.yield
      }) : () -> ()
      %add3A_216 = arith.constant 0 : i32
      %add3A_217 = arith.addi %mul3A_206, %add3A_216 : i32
      %add3A_218 = arith.constant 4 : i32
      %add3A_219 = arith.addi %add3A_217, %add3A_218 : i32
      %lt3A = arith.constant 40 : i32
      %lt3A_220 = arith.cmpi slt, %add3A_219, %lt3A : i32
      %convert_element_type3A = arith.extui %lt3A_220 : i1 to i32
      %cond3A = arith.constant 0 : i32
      %cond3A_221 = arith.cmpi ne, %convert_element_type3A, %cond3A : i32
      scf.if %cond3A_221 {
        %add3A_279 = arith.constant 0 : i32
        %add3A_280 = arith.addi %mul3A_206, %add3A_279 : i32
        %add3A_281 = arith.constant 4 : i32
        %add3A_282 = arith.addi %add3A_280, %add3A_281 : i32
        %dma_start3A_283 = arith.constant 0 : i32
        %dma_start3A_284 = tpu.memref_slice %arg6[%add3A_282, %dma_start3A_283] : memref<40x64xi32, #tpu.memory_space<vmem>> -> memref<1x64xi32, #tpu.memory_space<vmem>>
        %dma_start3A_285 = tpu.memref_squeeze %dma_start3A_284 : memref<1x64xi32, #tpu.memory_space<vmem>> -> memref<64xi32, #tpu.memory_space<vmem>>
        %dma_start3A_286 = arith.constant 0 : i32
        %dma_start3A_287 = arith.constant 0 : i32
        %dma_start3A_288 = tpu.memref_slice %arg2[%dma_start3A_286, %dma_start3A_287] : memref<10000x128xf32, #tpu.memory_space<hbm>> -> memref<10000x128xf32, #tpu.memory_space<hbm>>
        tpu.enqueue_indirect_dma source(%dma_start3A_288 : memref<10000x128xf32, #tpu.memory_space<hbm>>) target(%arg8 : memref<64x128xf32, #tpu.memory_space<vmem>>) offsets(%dma_start3A_285 : memref<64xi32, #tpu.memory_space<vmem>>) semaphore(%arg12 : memref<!tpu.dma_semaphore, #tpu.memory_space<semaphore_mem>>)
      } else {
      }
      %add3A_222 = arith.constant 1 : i32
      %add3A_223 = arith.addi %mul3A_206, %add3A_222 : i32
      %dma_wait3A_224 = arith.constant 0 : i32
      %dma_wait3A_225 = tpu.memref_slice %arg6[%add3A_223, %dma_wait3A_224] : memref<40x64xi32, #tpu.memory_space<vmem>> -> memref<1x64xi32, #tpu.memory_space<vmem>>
      %dma_wait3A_226 = tpu.memref_squeeze %dma_wait3A_225 : memref<1x64xi32, #tpu.memory_space<vmem>> -> memref<64xi32, #tpu.memory_space<vmem>>
      %dma_wait3A_227 = arith.constant 0 : i32
      %dma_wait3A_228 = arith.constant 0 : i32
      %dma_wait3A_229 = tpu.memref_slice %arg2[%dma_wait3A_227, %dma_wait3A_228] : memref<10000x128xf32, #tpu.memory_space<hbm>> -> memref<10000x128xf32, #tpu.memory_space<hbm>>
      tpu.wait_indirect_dma semaphore(%arg13 : memref<!tpu.dma_semaphore, #tpu.memory_space<semaphore_mem>>) src(%dma_wait3A_229 : memref<10000x128xf32, #tpu.memory_space<hbm>>) dst(%arg9 : memref<64x128xf32, #tpu.memory_space<vmem>>)
      %add3A_230 = arith.constant 1 : i32
      %add3A_231 = arith.addi %mul3A_206, %add3A_230 : i32
      "tpu.region"() ({
        %run_scoped3A = tpu.sem_alloc : memref<!tpu.dma_semaphore, #tpu.memory_space<semaphore_mem>>
        %dma_start3A_279 = arith.constant 0 : i32
        %dma_start3A_280 = tpu.memref_slice %arg7[%add3A_231, %dma_start3A_279] : memref<40x64xi32, #tpu.memory_space<vmem>> -> memref<1x64xi32, #tpu.memory_space<vmem>>
        %dma_start3A_281 = tpu.memref_squeeze %dma_start3A_280 : memref<1x64xi32, #tpu.memory_space<vmem>> -> memref<64xi32, #tpu.memory_space<vmem>>
        %dma_start3A_282 = arith.constant 0 : i32
        %dma_start3A_283 = arith.constant 0 : i32
        %dma_start3A_284 = tpu.memref_slice %arg16[%dma_start3A_282, %dma_start3A_283] : memref<10240x128xf32, #tpu.memory_space<vmem_shared>> -> memref<10240x128xf32, #tpu.memory_space<vmem_shared>>
        tpu.enqueue_indirect_dma source(%arg9 : memref<64x128xf32, #tpu.memory_space<vmem>>) target(%dma_start3A_284 : memref<10240x128xf32, #tpu.memory_space<vmem_shared>>) offsets(%dma_start3A_281 : memref<64xi32, #tpu.memory_space<vmem>>) semaphore(%run_scoped3A : memref<!tpu.dma_semaphore, #tpu.memory_space<semaphore_mem>>) {add = true}
        %dma_wait3A_285 = arith.constant 0 : i32
        %dma_wait3A_286 = tpu.memref_slice %arg7[%add3A_231, %dma_wait3A_285] : memref<40x64xi32, #tpu.memory_space<vmem>> -> memref<1x64xi32, #tpu.memory_space<vmem>>
        %dma_wait3A_287 = tpu.memref_squeeze %dma_wait3A_286 : memref<1x64xi32, #tpu.memory_space<vmem>> -> memref<64xi32, #tpu.memory_space<vmem>>
        %dma_wait3A_288 = arith.constant 0 : i32
        %dma_wait3A_289 = arith.constant 0 : i32
        %dma_wait3A_290 = tpu.memref_slice %arg16[%dma_wait3A_288, %dma_wait3A_289] : memref<10240x128xf32, #tpu.memory_space<vmem_shared>> -> memref<10240x128xf32, #tpu.memory_space<vmem_shared>>
        tpu.wait_indirect_dma semaphore(%run_scoped3A : memref<!tpu.dma_semaphore, #tpu.memory_space<semaphore_mem>>) src(%arg9 : memref<64x128xf32, #tpu.memory_space<vmem>>) dst(%dma_wait3A_290 : memref<10240x128xf32, #tpu.memory_space<vmem_shared>>)
        tpu.yield
      }) : () -> ()
      %add3A_232 = arith.constant 1 : i32
      %add3A_233 = arith.addi %mul3A_206, %add3A_232 : i32
      %add3A_234 = arith.constant 4 : i32
      %add3A_235 = arith.addi %add3A_233, %add3A_234 : i32
      %lt3A_236 = arith.constant 40 : i32
      %lt3A_237 = arith.cmpi slt, %add3A_235, %lt3A_236 : i32
      %convert_element_type3A_238 = arith.extui %lt3A_237 : i1 to i32
      %cond3A_239 = arith.constant 0 : i32
      %cond3A_240 = arith.cmpi ne, %convert_element_type3A_238, %cond3A_239 : i32
      scf.if %cond3A_240 {
        %add3A_279 = arith.constant 1 : i32
        %add3A_280 = arith.addi %mul3A_206, %add3A_279 : i32
        %add3A_281 = arith.constant 4 : i32
        %add3A_282 = arith.addi %add3A_280, %add3A_281 : i32
        %dma_start3A_283 = arith.constant 0 : i32
        %dma_start3A_284 = tpu.memref_slice %arg6[%add3A_282, %dma_start3A_283] : memref<40x64xi32, #tpu.memory_space<vmem>> -> memref<1x64xi32, #tpu.memory_space<vmem>>
        %dma_start3A_285 = tpu.memref_squeeze %dma_start3A_284 : memref<1x64xi32, #tpu.memory_space<vmem>> -> memref<64xi32, #tpu.memory_space<vmem>>
        %dma_start3A_286 = arith.constant 0 : i32
        %dma_start3A_287 = arith.constant 0 : i32
        %dma_start3A_288 = tpu.memref_slice %arg2[%dma_start3A_286, %dma_start3A_287] : memref<10000x128xf32, #tpu.memory_space<hbm>> -> memref<10000x128xf32, #tpu.memory_space<hbm>>
        tpu.enqueue_indirect_dma source(%dma_start3A_288 : memref<10000x128xf32, #tpu.memory_space<hbm>>) target(%arg9 : memref<64x128xf32, #tpu.memory_space<vmem>>) offsets(%dma_start3A_285 : memref<64xi32, #tpu.memory_space<vmem>>) semaphore(%arg13 : memref<!tpu.dma_semaphore, #tpu.memory_space<semaphore_mem>>)
      } else {
      }
      %add3A_241 = arith.constant 2 : i32
      %add3A_242 = arith.addi %mul3A_206, %add3A_241 : i32
      %dma_wait3A_243 = arith.constant 0 : i32
      %dma_wait3A_244 = tpu.memref_slice %arg6[%add3A_242, %dma_wait3A_243] : memref<40x64xi32, #tpu.memory_space<vmem>> -> memref<1x64xi32, #tpu.memory_space<vmem>>
      %dma_wait3A_245 = tpu.memref_squeeze %dma_wait3A_244 : memref<1x64xi32, #tpu.memory_space<vmem>> -> memref<64xi32, #tpu.memory_space<vmem>>
      %dma_wait3A_246 = arith.constant 0 : i32
      %dma_wait3A_247 = arith.constant 0 : i32
      %dma_wait3A_248 = tpu.memref_slice %arg2[%dma_wait3A_246, %dma_wait3A_247] : memref<10000x128xf32, #tpu.memory_space<hbm>> -> memref<10000x128xf32, #tpu.memory_space<hbm>>
      tpu.wait_indirect_dma semaphore(%arg14 : memref<!tpu.dma_semaphore, #tpu.memory_space<semaphore_mem>>) src(%dma_wait3A_248 : memref<10000x128xf32, #tpu.memory_space<hbm>>) dst(%arg10 : memref<64x128xf32, #tpu.memory_space<vmem>>)
      %add3A_249 = arith.constant 2 : i32
      %add3A_250 = arith.addi %mul3A_206, %add3A_249 : i32
      "tpu.region"() ({
        %run_scoped3A = tpu.sem_alloc : memref<!tpu.dma_semaphore, #tpu.memory_space<semaphore_mem>>
        %dma_start3A_279 = arith.constant 0 : i32
        %dma_start3A_280 = tpu.memref_slice %arg7[%add3A_250, %dma_start3A_279] : memref<40x64xi32, #tpu.memory_space<vmem>> -> memref<1x64xi32, #tpu.memory_space<vmem>>
        %dma_start3A_281 = tpu.memref_squeeze %dma_start3A_280 : memref<1x64xi32, #tpu.memory_space<vmem>> -> memref<64xi32, #tpu.memory_space<vmem>>
        %dma_start3A_282 = arith.constant 0 : i32
        %dma_start3A_283 = arith.constant 0 : i32
        %dma_start3A_284 = tpu.memref_slice %arg16[%dma_start3A_282, %dma_start3A_283] : memref<10240x128xf32, #tpu.memory_space<vmem_shared>> -> memref<10240x128xf32, #tpu.memory_space<vmem_shared>>
        tpu.enqueue_indirect_dma source(%arg10 : memref<64x128xf32, #tpu.memory_space<vmem>>) target(%dma_start3A_284 : memref<10240x128xf32, #tpu.memory_space<vmem_shared>>) offsets(%dma_start3A_281 : memref<64xi32, #tpu.memory_space<vmem>>) semaphore(%run_scoped3A : memref<!tpu.dma_semaphore, #tpu.memory_space<semaphore_mem>>) {add = true}
        %dma_wait3A_285 = arith.constant 0 : i32
        %dma_wait3A_286 = tpu.memref_slice %arg7[%add3A_250, %dma_wait3A_285] : memref<40x64xi32, #tpu.memory_space<vmem>> -> memref<1x64xi32, #tpu.memory_space<vmem>>
        %dma_wait3A_287 = tpu.memref_squeeze %dma_wait3A_286 : memref<1x64xi32, #tpu.memory_space<vmem>> -> memref<64xi32, #tpu.memory_space<vmem>>
        %dma_wait3A_288 = arith.constant 0 : i32
        %dma_wait3A_289 = arith.constant 0 : i32
        %dma_wait3A_290 = tpu.memref_slice %arg16[%dma_wait3A_288, %dma_wait3A_289] : memref<10240x128xf32, #tpu.memory_space<vmem_shared>> -> memref<10240x128xf32, #tpu.memory_space<vmem_shared>>
        tpu.wait_indirect_dma semaphore(%run_scoped3A : memref<!tpu.dma_semaphore, #tpu.memory_space<semaphore_mem>>) src(%arg10 : memref<64x128xf32, #tpu.memory_space<vmem>>) dst(%dma_wait3A_290 : memref<10240x128xf32, #tpu.memory_space<vmem_shared>>)
        tpu.yield
      }) : () -> ()
      %add3A_251 = arith.constant 2 : i32
      %add3A_252 = arith.addi %mul3A_206, %add3A_251 : i32
      %add3A_253 = arith.constant 4 : i32
      %add3A_254 = arith.addi %add3A_252, %add3A_253 : i32
      %lt3A_255 = arith.constant 40 : i32
      %lt3A_256 = arith.cmpi slt, %add3A_254, %lt3A_255 : i32
      %convert_element_type3A_257 = arith.extui %lt3A_256 : i1 to i32
      %cond3A_258 = arith.constant 0 : i32
      %cond3A_259 = arith.cmpi ne, %convert_element_type3A_257, %cond3A_258 : i32
      scf.if %cond3A_259 {
        %add3A_279 = arith.constant 2 : i32
        %add3A_280 = arith.addi %mul3A_206, %add3A_279 : i32
        %add3A_281 = arith.constant 4 : i32
        %add3A_282 = arith.addi %add3A_280, %add3A_281 : i32
        %dma_start3A_283 = arith.constant 0 : i32
        %dma_start3A_284 = tpu.memref_slice %arg6[%add3A_282, %dma_start3A_283] : memref<40x64xi32, #tpu.memory_space<vmem>> -> memref<1x64xi32, #tpu.memory_space<vmem>>
        %dma_start3A_285 = tpu.memref_squeeze %dma_start3A_284 : memref<1x64xi32, #tpu.memory_space<vmem>> -> memref<64xi32, #tpu.memory_space<vmem>>
        %dma_start3A_286 = arith.constant 0 : i32
        %dma_start3A_287 = arith.constant 0 : i32
        %dma_start3A_288 = tpu.memref_slice %arg2[%dma_start3A_286, %dma_start3A_287] : memref<10000x128xf32, #tpu.memory_space<hbm>> -> memref<10000x128xf32, #tpu.memory_space<hbm>>
        tpu.enqueue_indirect_dma source(%dma_start3A_288 : memref<10000x128xf32, #tpu.memory_space<hbm>>) target(%arg10 : memref<64x128xf32, #tpu.memory_space<vmem>>) offsets(%dma_start3A_285 : memref<64xi32, #tpu.memory_space<vmem>>) semaphore(%arg14 : memref<!tpu.dma_semaphore, #tpu.memory_space<semaphore_mem>>)
      } else {
      }
      %add3A_260 = arith.constant 3 : i32
      %add3A_261 = arith.addi %mul3A_206, %add3A_260 : i32
      %dma_wait3A_262 = arith.constant 0 : i32
      %dma_wait3A_263 = tpu.memref_slice %arg6[%add3A_261, %dma_wait3A_262] : memref<40x64xi32, #tpu.memory_space<vmem>> -> memref<1x64xi32, #tpu.memory_space<vmem>>
      %dma_wait3A_264 = tpu.memref_squeeze %dma_wait3A_263 : memref<1x64xi32, #tpu.memory_space<vmem>> -> memref<64xi32, #tpu.memory_space<vmem>>
      %dma_wait3A_265 = arith.constant 0 : i32
      %dma_wait3A_266 = arith.constant 0 : i32
      %dma_wait3A_267 = tpu.memref_slice %arg2[%dma_wait3A_265, %dma_wait3A_266] : memref<10000x128xf32, #tpu.memory_space<hbm>> -> memref<10000x128xf32, #tpu.memory_space<hbm>>
      tpu.wait_indirect_dma semaphore(%arg15 : memref<!tpu.dma_semaphore, #tpu.memory_space<semaphore_mem>>) src(%dma_wait3A_267 : memref<10000x128xf32, #tpu.memory_space<hbm>>) dst(%arg11 : memref<64x128xf32, #tpu.memory_space<vmem>>)
      %add3A_268 = arith.constant 3 : i32
      %add3A_269 = arith.addi %mul3A_206, %add3A_268 : i32
      "tpu.region"() ({
        %run_scoped3A = tpu.sem_alloc : memref<!tpu.dma_semaphore, #tpu.memory_space<semaphore_mem>>
        %dma_start3A_279 = arith.constant 0 : i32
        %dma_start3A_280 = tpu.memref_slice %arg7[%add3A_269, %dma_start3A_279] : memref<40x64xi32, #tpu.memory_space<vmem>> -> memref<1x64xi32, #tpu.memory_space<vmem>>
        %dma_start3A_281 = tpu.memref_squeeze %dma_start3A_280 : memref<1x64xi32, #tpu.memory_space<vmem>> -> memref<64xi32, #tpu.memory_space<vmem>>
        %dma_start3A_282 = arith.constant 0 : i32
        %dma_start3A_283 = arith.constant 0 : i32
        %dma_start3A_284 = tpu.memref_slice %arg16[%dma_start3A_282, %dma_start3A_283] : memref<10240x128xf32, #tpu.memory_space<vmem_shared>> -> memref<10240x128xf32, #tpu.memory_space<vmem_shared>>
        tpu.enqueue_indirect_dma source(%arg11 : memref<64x128xf32, #tpu.memory_space<vmem>>) target(%dma_start3A_284 : memref<10240x128xf32, #tpu.memory_space<vmem_shared>>) offsets(%dma_start3A_281 : memref<64xi32, #tpu.memory_space<vmem>>) semaphore(%run_scoped3A : memref<!tpu.dma_semaphore, #tpu.memory_space<semaphore_mem>>) {add = true}
        %dma_wait3A_285 = arith.constant 0 : i32
        %dma_wait3A_286 = tpu.memref_slice %arg7[%add3A_269, %dma_wait3A_285] : memref<40x64xi32, #tpu.memory_space<vmem>> -> memref<1x64xi32, #tpu.memory_space<vmem>>
        %dma_wait3A_287 = tpu.memref_squeeze %dma_wait3A_286 : memref<1x64xi32, #tpu.memory_space<vmem>> -> memref<64xi32, #tpu.memory_space<vmem>>
        %dma_wait3A_288 = arith.constant 0 : i32
        %dma_wait3A_289 = arith.constant 0 : i32
        %dma_wait3A_290 = tpu.memref_slice %arg16[%dma_wait3A_288, %dma_wait3A_289] : memref<10240x128xf32, #tpu.memory_space<vmem_shared>> -> memref<10240x128xf32, #tpu.memory_space<vmem_shared>>
        tpu.wait_indirect_dma semaphore(%run_scoped3A : memref<!tpu.dma_semaphore, #tpu.memory_space<semaphore_mem>>) src(%arg11 : memref<64x128xf32, #tpu.memory_space<vmem>>) dst(%dma_wait3A_290 : memref<10240x128xf32, #tpu.memory_space<vmem_shared>>)
        tpu.yield
      }) : () -> ()
      %add3A_270 = arith.constant 3 : i32
      %add3A_271 = arith.addi %mul3A_206, %add3A_270 : i32
      %add3A_272 = arith.constant 4 : i32
      %add3A_273 = arith.addi %add3A_271, %add3A_272 : i32
      %lt3A_274 = arith.constant 40 : i32
      %lt3A_275 = arith.cmpi slt, %add3A_273, %lt3A_274 : i32
      %convert_element_type3A_276 = arith.extui %lt3A_275 : i1 to i32
      %cond3A_277 = arith.constant 0 : i32
      %cond3A_278 = arith.cmpi ne, %convert_element_type3A_276, %cond3A_277 : i32
      scf.if %cond3A_278 {
        %add3A_279 = arith.constant 3 : i32
        %add3A_280 = arith.addi %mul3A_206, %add3A_279 : i32
        %add3A_281 = arith.constant 4 : i32
        %add3A_282 = arith.addi %add3A_280, %add3A_281 : i32
        %dma_start3A_283 = arith.constant 0 : i32
        %dma_start3A_284 = tpu.memref_slice %arg6[%add3A_282, %dma_start3A_283] : memref<40x64xi32, #tpu.memory_space<vmem>> -> memref<1x64xi32, #tpu.memory_space<vmem>>
        %dma_start3A_285 = tpu.memref_squeeze %dma_start3A_284 : memref<1x64xi32, #tpu.memory_space<vmem>> -> memref<64xi32, #tpu.memory_space<vmem>>
        %dma_start3A_286 = arith.constant 0 : i32
        %dma_start3A_287 = arith.constant 0 : i32
        %dma_start3A_288 = tpu.memref_slice %arg2[%dma_start3A_286, %dma_start3A_287] : memref<10000x128xf32, #tpu.memory_space<hbm>> -> memref<10000x128xf32, #tpu.memory_space<hbm>>
        tpu.enqueue_indirect_dma source(%dma_start3A_288 : memref<10000x128xf32, #tpu.memory_space<hbm>>) target(%arg11 : memref<64x128xf32, #tpu.memory_space<vmem>>) offsets(%dma_start3A_285 : memref<64xi32, #tpu.memory_space<vmem>>) semaphore(%arg15 : memref<!tpu.dma_semaphore, #tpu.memory_space<semaphore_mem>>)
      } else {
      }
    }
    %scan3A_160 = arith.constant 10 : i32
    %add3A_161 = arith.constant 120 : i32
    %add3A_162 = arith.addi %mul3A_2, %add3A_161 : i32
    "tpu.region"() ({
      %run_scoped3A = tpu.sem_alloc : memref<!tpu.dma_semaphore, #tpu.memory_space<semaphore_mem>>
      %dma_start3A_204 = arith.constant 0 : i32
      %dma_start3A_205 = tpu.memref_slice %arg3[%add3A_162, %dma_start3A_204] : memref<5120x64xi32, #tpu.memory_space<hbm>> -> memref<40x64xi32, #tpu.memory_space<hbm>>
      %dma_start3A_206 = arith.constant 0 : i32
      %dma_start3A_207 = tpu.memref_slice %arg3[%add3A_162, %dma_start3A_206] : memref<5120x64xi32, #tpu.memory_space<hbm>> -> memref<40x64xi32, #tpu.memory_space<hbm>>
      tpu.enqueue_dma source(%dma_start3A_207 : memref<40x64xi32, #tpu.memory_space<hbm>>) target(%arg6 : memref<40x64xi32, #tpu.memory_space<vmem>>) target_semaphore(%run_scoped3A : memref<!tpu.dma_semaphore, #tpu.memory_space<semaphore_mem>>)
      %dma_wait3A = arith.constant 0 : i32
      %dma_wait3A_208 = tpu.memref_slice %arg3[%add3A_162, %dma_wait3A] : memref<5120x64xi32, #tpu.memory_space<hbm>> -> memref<40x64xi32, #tpu.memory_space<hbm>>
      %dma_wait3A_209 = arith.constant 0 : i32
      %dma_wait3A_210 = tpu.memref_slice %arg3[%add3A_162, %dma_wait3A_209] : memref<5120x64xi32, #tpu.memory_space<hbm>> -> memref<40x64xi32, #tpu.memory_space<hbm>>
      tpu.wait_dma2 semaphore(%run_scoped3A : memref<!tpu.dma_semaphore, #tpu.memory_space<semaphore_mem>>) src(%dma_wait3A_210 : memref<40x64xi32, #tpu.memory_space<hbm>>) dst(%arg6 : memref<40x64xi32, #tpu.memory_space<vmem>>)
      tpu.yield
    }) : () -> ()
    %add3A_163 = arith.constant 120 : i32
    %add3A_164 = arith.addi %mul3A_2, %add3A_163 : i32
    "tpu.region"() ({
      %run_scoped3A = tpu.sem_alloc : memref<!tpu.dma_semaphore, #tpu.memory_space<semaphore_mem>>
      %dma_start3A_204 = arith.constant 0 : i32
      %dma_start3A_205 = tpu.memref_slice %arg4[%add3A_164, %dma_start3A_204] : memref<5120x64xi32, #tpu.memory_space<hbm>> -> memref<40x64xi32, #tpu.memory_space<hbm>>
      %dma_start3A_206 = arith.constant 0 : i32
      %dma_start3A_207 = tpu.memref_slice %arg4[%add3A_164, %dma_start3A_206] : memref<5120x64xi32, #tpu.memory_space<hbm>> -> memref<40x64xi32, #tpu.memory_space<hbm>>
      tpu.enqueue_dma source(%dma_start3A_207 : memref<40x64xi32, #tpu.memory_space<hbm>>) target(%arg7 : memref<40x64xi32, #tpu.memory_space<vmem>>) target_semaphore(%run_scoped3A : memref<!tpu.dma_semaphore, #tpu.memory_space<semaphore_mem>>)
      %dma_wait3A = arith.constant 0 : i32
      %dma_wait3A_208 = tpu.memref_slice %arg4[%add3A_164, %dma_wait3A] : memref<5120x64xi32, #tpu.memory_space<hbm>> -> memref<40x64xi32, #tpu.memory_space<hbm>>
      %dma_wait3A_209 = arith.constant 0 : i32
      %dma_wait3A_210 = tpu.memref_slice %arg4[%add3A_164, %dma_wait3A_209] : memref<5120x64xi32, #tpu.memory_space<hbm>> -> memref<40x64xi32, #tpu.memory_space<hbm>>
      tpu.wait_dma2 semaphore(%run_scoped3A : memref<!tpu.dma_semaphore, #tpu.memory_space<semaphore_mem>>) src(%dma_wait3A_210 : memref<40x64xi32, #tpu.memory_space<hbm>>) dst(%arg7 : memref<40x64xi32, #tpu.memory_space<vmem>>)
      tpu.yield
    }) : () -> ()
    %dma_start3A_165 = arith.constant 0 : i32
    %dma_start3A_166 = arith.constant 0 : i32
    %dma_start3A_167 = tpu.memref_slice %arg6[%dma_start3A_165, %dma_start3A_166] : memref<40x64xi32, #tpu.memory_space<vmem>> -> memref<1x64xi32, #tpu.memory_space<vmem>>
    %dma_start3A_168 = tpu.memref_squeeze %dma_start3A_167 : memref<1x64xi32, #tpu.memory_space<vmem>> -> memref<64xi32, #tpu.memory_space<vmem>>
    %dma_start3A_169 = arith.constant 0 : i32
    %dma_start3A_170 = arith.constant 0 : i32
    %dma_start3A_171 = tpu.memref_slice %arg2[%dma_start3A_169, %dma_start3A_170] : memref<10000x128xf32, #tpu.memory_space<hbm>> -> memref<10000x128xf32, #tpu.memory_space<hbm>>
    tpu.enqueue_indirect_dma source(%dma_start3A_171 : memref<10000x128xf32, #tpu.memory_space<hbm>>) target(%arg8 : memref<64x128xf32, #tpu.memory_space<vmem>>) offsets(%dma_start3A_168 : memref<64xi32, #tpu.memory_space<vmem>>) semaphore(%arg12 : memref<!tpu.dma_semaphore, #tpu.memory_space<semaphore_mem>>)
    %dma_start3A_172 = arith.constant 1 : i32
    %dma_start3A_173 = arith.constant 0 : i32
    %dma_start3A_174 = tpu.memref_slice %arg6[%dma_start3A_172, %dma_start3A_173] : memref<40x64xi32, #tpu.memory_space<vmem>> -> memref<1x64xi32, #tpu.memory_space<vmem>>
    %dma_start3A_175 = tpu.memref_squeeze %dma_start3A_174 : memref<1x64xi32, #tpu.memory_space<vmem>> -> memref<64xi32, #tpu.memory_space<vmem>>
    %dma_start3A_176 = arith.constant 0 : i32
    %dma_start3A_177 = arith.constant 0 : i32
    %dma_start3A_178 = tpu.memref_slice %arg2[%dma_start3A_176, %dma_start3A_177] : memref<10000x128xf32, #tpu.memory_space<hbm>> -> memref<10000x128xf32, #tpu.memory_space<hbm>>
    tpu.enqueue_indirect_dma source(%dma_start3A_178 : memref<10000x128xf32, #tpu.memory_space<hbm>>) target(%arg9 : memref<64x128xf32, #tpu.memory_space<vmem>>) offsets(%dma_start3A_175 : memref<64xi32, #tpu.memory_space<vmem>>) semaphore(%arg13 : memref<!tpu.dma_semaphore, #tpu.memory_space<semaphore_mem>>)
    %dma_start3A_179 = arith.constant 2 : i32
    %dma_start3A_180 = arith.constant 0 : i32
    %dma_start3A_181 = tpu.memref_slice %arg6[%dma_start3A_179, %dma_start3A_180] : memref<40x64xi32, #tpu.memory_space<vmem>> -> memref<1x64xi32, #tpu.memory_space<vmem>>
    %dma_start3A_182 = tpu.memref_squeeze %dma_start3A_181 : memref<1x64xi32, #tpu.memory_space<vmem>> -> memref<64xi32, #tpu.memory_space<vmem>>
    %dma_start3A_183 = arith.constant 0 : i32
    %dma_start3A_184 = arith.constant 0 : i32
    %dma_start3A_185 = tpu.memref_slice %arg2[%dma_start3A_183, %dma_start3A_184] : memref<10000x128xf32, #tpu.memory_space<hbm>> -> memref<10000x128xf32, #tpu.memory_space<hbm>>
    tpu.enqueue_indirect_dma source(%dma_start3A_185 : memref<10000x128xf32, #tpu.memory_space<hbm>>) target(%arg10 : memref<64x128xf32, #tpu.memory_space<vmem>>) offsets(%dma_start3A_182 : memref<64xi32, #tpu.memory_space<vmem>>) semaphore(%arg14 : memref<!tpu.dma_semaphore, #tpu.memory_space<semaphore_mem>>)
    %dma_start3A_186 = arith.constant 3 : i32
    %dma_start3A_187 = arith.constant 0 : i32
    %dma_start3A_188 = tpu.memref_slice %arg6[%dma_start3A_186, %dma_start3A_187] : memref<40x64xi32, #tpu.memory_space<vmem>> -> memref<1x64xi32, #tpu.memory_space<vmem>>
    %dma_start3A_189 = tpu.memref_squeeze %dma_start3A_188 : memref<1x64xi32, #tpu.memory_space<vmem>> -> memref<64xi32, #tpu.memory_space<vmem>>
    %dma_start3A_190 = arith.constant 0 : i32
    %dma_start3A_191 = arith.constant 0 : i32
    %dma_start3A_192 = tpu.memref_slice %arg2[%dma_start3A_190, %dma_start3A_191] : memref<10000x128xf32, #tpu.memory_space<hbm>> -> memref<10000x128xf32, #tpu.memory_space<hbm>>
    tpu.enqueue_indirect_dma source(%dma_start3A_192 : memref<10000x128xf32, #tpu.memory_space<hbm>>) target(%arg11 : memref<64x128xf32, #tpu.memory_space<vmem>>) offsets(%dma_start3A_189 : memref<64xi32, #tpu.memory_space<vmem>>) semaphore(%arg15 : memref<!tpu.dma_semaphore, #tpu.memory_space<semaphore_mem>>)
    %scan3A_193 = arith.constant 0 : i32
    %scan3A_194 = arith.constant 0 : i32
    %scan3A_195 = arith.constant 10 : i32
    %scan3A_196 = arith.addi %scan3A_194, %scan3A_195 : i32
    %scan3A_197 = arith.constant 1 : i32
    scf.for %scan3A_204 = %scan3A_194 to %scan3A_196 step %scan3A_197  : i32 {
      %mul3A_205 = arith.constant 4 : i32
      %mul3A_206 = arith.muli %scan3A_204, %mul3A_205 : i32
      %add3A_207 = arith.constant 0 : i32
      %add3A_208 = arith.addi %mul3A_206, %add3A_207 : i32
      %dma_wait3A = arith.constant 0 : i32
      %dma_wait3A_209 = tpu.memref_slice %arg6[%add3A_208, %dma_wait3A] : memref<40x64xi32, #tpu.memory_space<vmem>> -> memref<1x64xi32, #tpu.memory_space<vmem>>
      %dma_wait3A_210 = tpu.memref_squeeze %dma_wait3A_209 : memref<1x64xi32, #tpu.memory_space<vmem>> -> memref<64xi32, #tpu.memory_space<vmem>>
      %dma_wait3A_211 = arith.constant 0 : i32
      %dma_wait3A_212 = arith.constant 0 : i32
      %dma_wait3A_213 = tpu.memref_slice %arg2[%dma_wait3A_211, %dma_wait3A_212] : memref<10000x128xf32, #tpu.memory_space<hbm>> -> memref<10000x128xf32, #tpu.memory_space<hbm>>
      tpu.wait_indirect_dma semaphore(%arg12 : memref<!tpu.dma_semaphore, #tpu.memory_space<semaphore_mem>>) src(%dma_wait3A_213 : memref<10000x128xf32, #tpu.memory_space<hbm>>) dst(%arg8 : memref<64x128xf32, #tpu.memory_space<vmem>>)
      %add3A_214 = arith.constant 0 : i32
      %add3A_215 = arith.addi %mul3A_206, %add3A_214 : i32
      "tpu.region"() ({
        %run_scoped3A = tpu.sem_alloc : memref<!tpu.dma_semaphore, #tpu.memory_space<semaphore_mem>>
        %dma_start3A_279 = arith.constant 0 : i32
        %dma_start3A_280 = tpu.memref_slice %arg7[%add3A_215, %dma_start3A_279] : memref<40x64xi32, #tpu.memory_space<vmem>> -> memref<1x64xi32, #tpu.memory_space<vmem>>
        %dma_start3A_281 = tpu.memref_squeeze %dma_start3A_280 : memref<1x64xi32, #tpu.memory_space<vmem>> -> memref<64xi32, #tpu.memory_space<vmem>>
        %dma_start3A_282 = arith.constant 0 : i32
        %dma_start3A_283 = arith.constant 0 : i32
        %dma_start3A_284 = tpu.memref_slice %arg16[%dma_start3A_282, %dma_start3A_283] : memref<10240x128xf32, #tpu.memory_space<vmem_shared>> -> memref<10240x128xf32, #tpu.memory_space<vmem_shared>>
        tpu.enqueue_indirect_dma source(%arg8 : memref<64x128xf32, #tpu.memory_space<vmem>>) target(%dma_start3A_284 : memref<10240x128xf32, #tpu.memory_space<vmem_shared>>) offsets(%dma_start3A_281 : memref<64xi32, #tpu.memory_space<vmem>>) semaphore(%run_scoped3A : memref<!tpu.dma_semaphore, #tpu.memory_space<semaphore_mem>>) {add = true}
        %dma_wait3A_285 = arith.constant 0 : i32
        %dma_wait3A_286 = tpu.memref_slice %arg7[%add3A_215, %dma_wait3A_285] : memref<40x64xi32, #tpu.memory_space<vmem>> -> memref<1x64xi32, #tpu.memory_space<vmem>>
        %dma_wait3A_287 = tpu.memref_squeeze %dma_wait3A_286 : memref<1x64xi32, #tpu.memory_space<vmem>> -> memref<64xi32, #tpu.memory_space<vmem>>
        %dma_wait3A_288 = arith.constant 0 : i32
        %dma_wait3A_289 = arith.constant 0 : i32
        %dma_wait3A_290 = tpu.memref_slice %arg16[%dma_wait3A_288, %dma_wait3A_289] : memref<10240x128xf32, #tpu.memory_space<vmem_shared>> -> memref<10240x128xf32, #tpu.memory_space<vmem_shared>>
        tpu.wait_indirect_dma semaphore(%run_scoped3A : memref<!tpu.dma_semaphore, #tpu.memory_space<semaphore_mem>>) src(%arg8 : memref<64x128xf32, #tpu.memory_space<vmem>>) dst(%dma_wait3A_290 : memref<10240x128xf32, #tpu.memory_space<vmem_shared>>)
        tpu.yield
      }) : () -> ()
      %add3A_216 = arith.constant 0 : i32
      %add3A_217 = arith.addi %mul3A_206, %add3A_216 : i32
      %add3A_218 = arith.constant 4 : i32
      %add3A_219 = arith.addi %add3A_217, %add3A_218 : i32
      %lt3A = arith.constant 40 : i32
      %lt3A_220 = arith.cmpi slt, %add3A_219, %lt3A : i32
      %convert_element_type3A = arith.extui %lt3A_220 : i1 to i32
      %cond3A = arith.constant 0 : i32
      %cond3A_221 = arith.cmpi ne, %convert_element_type3A, %cond3A : i32
      scf.if %cond3A_221 {
        %add3A_279 = arith.constant 0 : i32
        %add3A_280 = arith.addi %mul3A_206, %add3A_279 : i32
        %add3A_281 = arith.constant 4 : i32
        %add3A_282 = arith.addi %add3A_280, %add3A_281 : i32
        %dma_start3A_283 = arith.constant 0 : i32
        %dma_start3A_284 = tpu.memref_slice %arg6[%add3A_282, %dma_start3A_283] : memref<40x64xi32, #tpu.memory_space<vmem>> -> memref<1x64xi32, #tpu.memory_space<vmem>>
        %dma_start3A_285 = tpu.memref_squeeze %dma_start3A_284 : memref<1x64xi32, #tpu.memory_space<vmem>> -> memref<64xi32, #tpu.memory_space<vmem>>
        %dma_start3A_286 = arith.constant 0 : i32
        %dma_start3A_287 = arith.constant 0 : i32
        %dma_start3A_288 = tpu.memref_slice %arg2[%dma_start3A_286, %dma_start3A_287] : memref<10000x128xf32, #tpu.memory_space<hbm>> -> memref<10000x128xf32, #tpu.memory_space<hbm>>
        tpu.enqueue_indirect_dma source(%dma_start3A_288 : memref<10000x128xf32, #tpu.memory_space<hbm>>) target(%arg8 : memref<64x128xf32, #tpu.memory_space<vmem>>) offsets(%dma_start3A_285 : memref<64xi32, #tpu.memory_space<vmem>>) semaphore(%arg12 : memref<!tpu.dma_semaphore, #tpu.memory_space<semaphore_mem>>)
      } else {
      }
      %add3A_222 = arith.constant 1 : i32
      %add3A_223 = arith.addi %mul3A_206, %add3A_222 : i32
      %dma_wait3A_224 = arith.constant 0 : i32
      %dma_wait3A_225 = tpu.memref_slice %arg6[%add3A_223, %dma_wait3A_224] : memref<40x64xi32, #tpu.memory_space<vmem>> -> memref<1x64xi32, #tpu.memory_space<vmem>>
      %dma_wait3A_226 = tpu.memref_squeeze %dma_wait3A_225 : memref<1x64xi32, #tpu.memory_space<vmem>> -> memref<64xi32, #tpu.memory_space<vmem>>
      %dma_wait3A_227 = arith.constant 0 : i32
      %dma_wait3A_228 = arith.constant 0 : i32
      %dma_wait3A_229 = tpu.memref_slice %arg2[%dma_wait3A_227, %dma_wait3A_228] : memref<10000x128xf32, #tpu.memory_space<hbm>> -> memref<10000x128xf32, #tpu.memory_space<hbm>>
      tpu.wait_indirect_dma semaphore(%arg13 : memref<!tpu.dma_semaphore, #tpu.memory_space<semaphore_mem>>) src(%dma_wait3A_229 : memref<10000x128xf32, #tpu.memory_space<hbm>>) dst(%arg9 : memref<64x128xf32, #tpu.memory_space<vmem>>)
      %add3A_230 = arith.constant 1 : i32
      %add3A_231 = arith.addi %mul3A_206, %add3A_230 : i32
      "tpu.region"() ({
        %run_scoped3A = tpu.sem_alloc : memref<!tpu.dma_semaphore, #tpu.memory_space<semaphore_mem>>
        %dma_start3A_279 = arith.constant 0 : i32
        %dma_start3A_280 = tpu.memref_slice %arg7[%add3A_231, %dma_start3A_279] : memref<40x64xi32, #tpu.memory_space<vmem>> -> memref<1x64xi32, #tpu.memory_space<vmem>>
        %dma_start3A_281 = tpu.memref_squeeze %dma_start3A_280 : memref<1x64xi32, #tpu.memory_space<vmem>> -> memref<64xi32, #tpu.memory_space<vmem>>
        %dma_start3A_282 = arith.constant 0 : i32
        %dma_start3A_283 = arith.constant 0 : i32
        %dma_start3A_284 = tpu.memref_slice %arg16[%dma_start3A_282, %dma_start3A_283] : memref<10240x128xf32, #tpu.memory_space<vmem_shared>> -> memref<10240x128xf32, #tpu.memory_space<vmem_shared>>
        tpu.enqueue_indirect_dma source(%arg9 : memref<64x128xf32, #tpu.memory_space<vmem>>) target(%dma_start3A_284 : memref<10240x128xf32, #tpu.memory_space<vmem_shared>>) offsets(%dma_start3A_281 : memref<64xi32, #tpu.memory_space<vmem>>) semaphore(%run_scoped3A : memref<!tpu.dma_semaphore, #tpu.memory_space<semaphore_mem>>) {add = true}
        %dma_wait3A_285 = arith.constant 0 : i32
        %dma_wait3A_286 = tpu.memref_slice %arg7[%add3A_231, %dma_wait3A_285] : memref<40x64xi32, #tpu.memory_space<vmem>> -> memref<1x64xi32, #tpu.memory_space<vmem>>
        %dma_wait3A_287 = tpu.memref_squeeze %dma_wait3A_286 : memref<1x64xi32, #tpu.memory_space<vmem>> -> memref<64xi32, #tpu.memory_space<vmem>>
        %dma_wait3A_288 = arith.constant 0 : i32
        %dma_wait3A_289 = arith.constant 0 : i32
        %dma_wait3A_290 = tpu.memref_slice %arg16[%dma_wait3A_288, %dma_wait3A_289] : memref<10240x128xf32, #tpu.memory_space<vmem_shared>> -> memref<10240x128xf32, #tpu.memory_space<vmem_shared>>
        tpu.wait_indirect_dma semaphore(%run_scoped3A : memref<!tpu.dma_semaphore, #tpu.memory_space<semaphore_mem>>) src(%arg9 : memref<64x128xf32, #tpu.memory_space<vmem>>) dst(%dma_wait3A_290 : memref<10240x128xf32, #tpu.memory_space<vmem_shared>>)
        tpu.yield
      }) : () -> ()
      %add3A_232 = arith.constant 1 : i32
      %add3A_233 = arith.addi %mul3A_206, %add3A_232 : i32
      %add3A_234 = arith.constant 4 : i32
      %add3A_235 = arith.addi %add3A_233, %add3A_234 : i32
      %lt3A_236 = arith.constant 40 : i32
      %lt3A_237 = arith.cmpi slt, %add3A_235, %lt3A_236 : i32
      %convert_element_type3A_238 = arith.extui %lt3A_237 : i1 to i32
      %cond3A_239 = arith.constant 0 : i32
      %cond3A_240 = arith.cmpi ne, %convert_element_type3A_238, %cond3A_239 : i32
      scf.if %cond3A_240 {
        %add3A_279 = arith.constant 1 : i32
        %add3A_280 = arith.addi %mul3A_206, %add3A_279 : i32
        %add3A_281 = arith.constant 4 : i32
        %add3A_282 = arith.addi %add3A_280, %add3A_281 : i32
        %dma_start3A_283 = arith.constant 0 : i32
        %dma_start3A_284 = tpu.memref_slice %arg6[%add3A_282, %dma_start3A_283] : memref<40x64xi32, #tpu.memory_space<vmem>> -> memref<1x64xi32, #tpu.memory_space<vmem>>
        %dma_start3A_285 = tpu.memref_squeeze %dma_start3A_284 : memref<1x64xi32, #tpu.memory_space<vmem>> -> memref<64xi32, #tpu.memory_space<vmem>>
        %dma_start3A_286 = arith.constant 0 : i32
        %dma_start3A_287 = arith.constant 0 : i32
        %dma_start3A_288 = tpu.memref_slice %arg2[%dma_start3A_286, %dma_start3A_287] : memref<10000x128xf32, #tpu.memory_space<hbm>> -> memref<10000x128xf32, #tpu.memory_space<hbm>>
        tpu.enqueue_indirect_dma source(%dma_start3A_288 : memref<10000x128xf32, #tpu.memory_space<hbm>>) target(%arg9 : memref<64x128xf32, #tpu.memory_space<vmem>>) offsets(%dma_start3A_285 : memref<64xi32, #tpu.memory_space<vmem>>) semaphore(%arg13 : memref<!tpu.dma_semaphore, #tpu.memory_space<semaphore_mem>>)
      } else {
      }
      %add3A_241 = arith.constant 2 : i32
      %add3A_242 = arith.addi %mul3A_206, %add3A_241 : i32
      %dma_wait3A_243 = arith.constant 0 : i32
      %dma_wait3A_244 = tpu.memref_slice %arg6[%add3A_242, %dma_wait3A_243] : memref<40x64xi32, #tpu.memory_space<vmem>> -> memref<1x64xi32, #tpu.memory_space<vmem>>
      %dma_wait3A_245 = tpu.memref_squeeze %dma_wait3A_244 : memref<1x64xi32, #tpu.memory_space<vmem>> -> memref<64xi32, #tpu.memory_space<vmem>>
      %dma_wait3A_246 = arith.constant 0 : i32
      %dma_wait3A_247 = arith.constant 0 : i32
      %dma_wait3A_248 = tpu.memref_slice %arg2[%dma_wait3A_246, %dma_wait3A_247] : memref<10000x128xf32, #tpu.memory_space<hbm>> -> memref<10000x128xf32, #tpu.memory_space<hbm>>
      tpu.wait_indirect_dma semaphore(%arg14 : memref<!tpu.dma_semaphore, #tpu.memory_space<semaphore_mem>>) src(%dma_wait3A_248 : memref<10000x128xf32, #tpu.memory_space<hbm>>) dst(%arg10 : memref<64x128xf32, #tpu.memory_space<vmem>>)
      %add3A_249 = arith.constant 2 : i32
      %add3A_250 = arith.addi %mul3A_206, %add3A_249 : i32
      "tpu.region"() ({
        %run_scoped3A = tpu.sem_alloc : memref<!tpu.dma_semaphore, #tpu.memory_space<semaphore_mem>>
        %dma_start3A_279 = arith.constant 0 : i32
        %dma_start3A_280 = tpu.memref_slice %arg7[%add3A_250, %dma_start3A_279] : memref<40x64xi32, #tpu.memory_space<vmem>> -> memref<1x64xi32, #tpu.memory_space<vmem>>
        %dma_start3A_281 = tpu.memref_squeeze %dma_start3A_280 : memref<1x64xi32, #tpu.memory_space<vmem>> -> memref<64xi32, #tpu.memory_space<vmem>>
        %dma_start3A_282 = arith.constant 0 : i32
        %dma_start3A_283 = arith.constant 0 : i32
        %dma_start3A_284 = tpu.memref_slice %arg16[%dma_start3A_282, %dma_start3A_283] : memref<10240x128xf32, #tpu.memory_space<vmem_shared>> -> memref<10240x128xf32, #tpu.memory_space<vmem_shared>>
        tpu.enqueue_indirect_dma source(%arg10 : memref<64x128xf32, #tpu.memory_space<vmem>>) target(%dma_start3A_284 : memref<10240x128xf32, #tpu.memory_space<vmem_shared>>) offsets(%dma_start3A_281 : memref<64xi32, #tpu.memory_space<vmem>>) semaphore(%run_scoped3A : memref<!tpu.dma_semaphore, #tpu.memory_space<semaphore_mem>>) {add = true}
        %dma_wait3A_285 = arith.constant 0 : i32
        %dma_wait3A_286 = tpu.memref_slice %arg7[%add3A_250, %dma_wait3A_285] : memref<40x64xi32, #tpu.memory_space<vmem>> -> memref<1x64xi32, #tpu.memory_space<vmem>>
        %dma_wait3A_287 = tpu.memref_squeeze %dma_wait3A_286 : memref<1x64xi32, #tpu.memory_space<vmem>> -> memref<64xi32, #tpu.memory_space<vmem>>
        %dma_wait3A_288 = arith.constant 0 : i32
        %dma_wait3A_289 = arith.constant 0 : i32
        %dma_wait3A_290 = tpu.memref_slice %arg16[%dma_wait3A_288, %dma_wait3A_289] : memref<10240x128xf32, #tpu.memory_space<vmem_shared>> -> memref<10240x128xf32, #tpu.memory_space<vmem_shared>>
        tpu.wait_indirect_dma semaphore(%run_scoped3A : memref<!tpu.dma_semaphore, #tpu.memory_space<semaphore_mem>>) src(%arg10 : memref<64x128xf32, #tpu.memory_space<vmem>>) dst(%dma_wait3A_290 : memref<10240x128xf32, #tpu.memory_space<vmem_shared>>)
        tpu.yield
      }) : () -> ()
      %add3A_251 = arith.constant 2 : i32
      %add3A_252 = arith.addi %mul3A_206, %add3A_251 : i32
      %add3A_253 = arith.constant 4 : i32
      %add3A_254 = arith.addi %add3A_252, %add3A_253 : i32
      %lt3A_255 = arith.constant 40 : i32
      %lt3A_256 = arith.cmpi slt, %add3A_254, %lt3A_255 : i32
      %convert_element_type3A_257 = arith.extui %lt3A_256 : i1 to i32
      %cond3A_258 = arith.constant 0 : i32
      %cond3A_259 = arith.cmpi ne, %convert_element_type3A_257, %cond3A_258 : i32
      scf.if %cond3A_259 {
        %add3A_279 = arith.constant 2 : i32
        %add3A_280 = arith.addi %mul3A_206, %add3A_279 : i32
        %add3A_281 = arith.constant 4 : i32
        %add3A_282 = arith.addi %add3A_280, %add3A_281 : i32
        %dma_start3A_283 = arith.constant 0 : i32
        %dma_start3A_284 = tpu.memref_slice %arg6[%add3A_282, %dma_start3A_283] : memref<40x64xi32, #tpu.memory_space<vmem>> -> memref<1x64xi32, #tpu.memory_space<vmem>>
        %dma_start3A_285 = tpu.memref_squeeze %dma_start3A_284 : memref<1x64xi32, #tpu.memory_space<vmem>> -> memref<64xi32, #tpu.memory_space<vmem>>
        %dma_start3A_286 = arith.constant 0 : i32
        %dma_start3A_287 = arith.constant 0 : i32
        %dma_start3A_288 = tpu.memref_slice %arg2[%dma_start3A_286, %dma_start3A_287] : memref<10000x128xf32, #tpu.memory_space<hbm>> -> memref<10000x128xf32, #tpu.memory_space<hbm>>
        tpu.enqueue_indirect_dma source(%dma_start3A_288 : memref<10000x128xf32, #tpu.memory_space<hbm>>) target(%arg10 : memref<64x128xf32, #tpu.memory_space<vmem>>) offsets(%dma_start3A_285 : memref<64xi32, #tpu.memory_space<vmem>>) semaphore(%arg14 : memref<!tpu.dma_semaphore, #tpu.memory_space<semaphore_mem>>)
      } else {
      }
      %add3A_260 = arith.constant 3 : i32
      %add3A_261 = arith.addi %mul3A_206, %add3A_260 : i32
      %dma_wait3A_262 = arith.constant 0 : i32
      %dma_wait3A_263 = tpu.memref_slice %arg6[%add3A_261, %dma_wait3A_262] : memref<40x64xi32, #tpu.memory_space<vmem>> -> memref<1x64xi32, #tpu.memory_space<vmem>>
      %dma_wait3A_264 = tpu.memref_squeeze %dma_wait3A_263 : memref<1x64xi32, #tpu.memory_space<vmem>> -> memref<64xi32, #tpu.memory_space<vmem>>
      %dma_wait3A_265 = arith.constant 0 : i32
      %dma_wait3A_266 = arith.constant 0 : i32
      %dma_wait3A_267 = tpu.memref_slice %arg2[%dma_wait3A_265, %dma_wait3A_266] : memref<10000x128xf32, #tpu.memory_space<hbm>> -> memref<10000x128xf32, #tpu.memory_space<hbm>>
      tpu.wait_indirect_dma semaphore(%arg15 : memref<!tpu.dma_semaphore, #tpu.memory_space<semaphore_mem>>) src(%dma_wait3A_267 : memref<10000x128xf32, #tpu.memory_space<hbm>>) dst(%arg11 : memref<64x128xf32, #tpu.memory_space<vmem>>)
      %add3A_268 = arith.constant 3 : i32
      %add3A_269 = arith.addi %mul3A_206, %add3A_268 : i32
      "tpu.region"() ({
        %run_scoped3A = tpu.sem_alloc : memref<!tpu.dma_semaphore, #tpu.memory_space<semaphore_mem>>
        %dma_start3A_279 = arith.constant 0 : i32
        %dma_start3A_280 = tpu.memref_slice %arg7[%add3A_269, %dma_start3A_279] : memref<40x64xi32, #tpu.memory_space<vmem>> -> memref<1x64xi32, #tpu.memory_space<vmem>>
        %dma_start3A_281 = tpu.memref_squeeze %dma_start3A_280 : memref<1x64xi32, #tpu.memory_space<vmem>> -> memref<64xi32, #tpu.memory_space<vmem>>
        %dma_start3A_282 = arith.constant 0 : i32
        %dma_start3A_283 = arith.constant 0 : i32
        %dma_start3A_284 = tpu.memref_slice %arg16[%dma_start3A_282, %dma_start3A_283] : memref<10240x128xf32, #tpu.memory_space<vmem_shared>> -> memref<10240x128xf32, #tpu.memory_space<vmem_shared>>
        tpu.enqueue_indirect_dma source(%arg11 : memref<64x128xf32, #tpu.memory_space<vmem>>) target(%dma_start3A_284 : memref<10240x128xf32, #tpu.memory_space<vmem_shared>>) offsets(%dma_start3A_281 : memref<64xi32, #tpu.memory_space<vmem>>) semaphore(%run_scoped3A : memref<!tpu.dma_semaphore, #tpu.memory_space<semaphore_mem>>) {add = true}
        %dma_wait3A_285 = arith.constant 0 : i32
        %dma_wait3A_286 = tpu.memref_slice %arg7[%add3A_269, %dma_wait3A_285] : memref<40x64xi32, #tpu.memory_space<vmem>> -> memref<1x64xi32, #tpu.memory_space<vmem>>
        %dma_wait3A_287 = tpu.memref_squeeze %dma_wait3A_286 : memref<1x64xi32, #tpu.memory_space<vmem>> -> memref<64xi32, #tpu.memory_space<vmem>>
        %dma_wait3A_288 = arith.constant 0 : i32
        %dma_wait3A_289 = arith.constant 0 : i32
        %dma_wait3A_290 = tpu.memref_slice %arg16[%dma_wait3A_288, %dma_wait3A_289] : memref<10240x128xf32, #tpu.memory_space<vmem_shared>> -> memref<10240x128xf32, #tpu.memory_space<vmem_shared>>
        tpu.wait_indirect_dma semaphore(%run_scoped3A : memref<!tpu.dma_semaphore, #tpu.memory_space<semaphore_mem>>) src(%arg11 : memref<64x128xf32, #tpu.memory_space<vmem>>) dst(%dma_wait3A_290 : memref<10240x128xf32, #tpu.memory_space<vmem_shared>>)
        tpu.yield
      }) : () -> ()
      %add3A_270 = arith.constant 3 : i32
      %add3A_271 = arith.addi %mul3A_206, %add3A_270 : i32
      %add3A_272 = arith.constant 4 : i32
      %add3A_273 = arith.addi %add3A_271, %add3A_272 : i32
      %lt3A_274 = arith.constant 40 : i32
      %lt3A_275 = arith.cmpi slt, %add3A_273, %lt3A_274 : i32
      %convert_element_type3A_276 = arith.extui %lt3A_275 : i1 to i32
      %cond3A_277 = arith.constant 0 : i32
      %cond3A_278 = arith.cmpi ne, %convert_element_type3A_276, %cond3A_277 : i32
      scf.if %cond3A_278 {
        %add3A_279 = arith.constant 3 : i32
        %add3A_280 = arith.addi %mul3A_206, %add3A_279 : i32
        %add3A_281 = arith.constant 4 : i32
        %add3A_282 = arith.addi %add3A_280, %add3A_281 : i32
        %dma_start3A_283 = arith.constant 0 : i32
        %dma_start3A_284 = tpu.memref_slice %arg6[%add3A_282, %dma_start3A_283] : memref<40x64xi32, #tpu.memory_space<vmem>> -> memref<1x64xi32, #tpu.memory_space<vmem>>
        %dma_start3A_285 = tpu.memref_squeeze %dma_start3A_284 : memref<1x64xi32, #tpu.memory_space<vmem>> -> memref<64xi32, #tpu.memory_space<vmem>>
        %dma_start3A_286 = arith.constant 0 : i32
        %dma_start3A_287 = arith.constant 0 : i32
        %dma_start3A_288 = tpu.memref_slice %arg2[%dma_start3A_286, %dma_start3A_287] : memref<10000x128xf32, #tpu.memory_space<hbm>> -> memref<10000x128xf32, #tpu.memory_space<hbm>>
        tpu.enqueue_indirect_dma source(%dma_start3A_288 : memref<10000x128xf32, #tpu.memory_space<hbm>>) target(%arg11 : memref<64x128xf32, #tpu.memory_space<vmem>>) offsets(%dma_start3A_285 : memref<64xi32, #tpu.memory_space<vmem>>) semaphore(%arg15 : memref<!tpu.dma_semaphore, #tpu.memory_space<semaphore_mem>>)
      } else {
      }
    }
    %scan3A_198 = arith.constant 10 : i32
    %barrier3A_199 = arith.constant 0 : index
    tpu.barrier barrier_id(%barrier3A_199)
    %mul3A_200 = arith.constant 640 : i32
    %mul3A_201 = arith.muli %arg1, %mul3A_200 : i32
    %mul3A_202 = arith.constant 640 : i32
    %mul3A_203 = arith.muli %arg1, %mul3A_202 : i32
    "tpu.region"() ({
      %run_scoped3A = tpu.sem_alloc : memref<!tpu.dma_semaphore, #tpu.memory_space<semaphore_mem>>
      %dma_start3A_204 = arith.constant 0 : i32
      %dma_start3A_205 = tpu.memref_slice %arg5[%arg0, %mul3A_203, %dma_start3A_204] : memref<2x10240x128xf32, #tpu.memory_space<hbm>> -> memref<1x640x128xf32, #tpu.memory_space<hbm>>
      %dma_start3A_206 = tpu.memref_squeeze %dma_start3A_205 : memref<1x640x128xf32, #tpu.memory_space<hbm>> -> memref<640x128xf32, #tpu.memory_space<hbm>>
      %dma_start3A_207 = arith.constant 0 : i32
      %dma_start3A_208 = tpu.memref_slice %arg16[%mul3A_201, %dma_start3A_207] : memref<10240x128xf32, #tpu.memory_space<vmem_shared>> -> memref<640x128xf32, #tpu.memory_space<vmem_shared>>
      tpu.enqueue_dma source(%dma_start3A_208 : memref<640x128xf32, #tpu.memory_space<vmem_shared>>) target(%dma_start3A_206 : memref<640x128xf32, #tpu.memory_space<hbm>>) target_semaphore(%run_scoped3A : memref<!tpu.dma_semaphore, #tpu.memory_space<semaphore_mem>>)
      %dma_wait3A = arith.constant 0 : i32
      %dma_wait3A_209 = tpu.memref_slice %arg5[%arg0, %mul3A_203, %dma_wait3A] : memref<2x10240x128xf32, #tpu.memory_space<hbm>> -> memref<1x640x128xf32, #tpu.memory_space<hbm>>
      %dma_wait3A_210 = tpu.memref_squeeze %dma_wait3A_209 : memref<1x640x128xf32, #tpu.memory_space<hbm>> -> memref<640x128xf32, #tpu.memory_space<hbm>>
      %dma_wait3A_211 = arith.constant 0 : i32
      %dma_wait3A_212 = tpu.memref_slice %arg16[%mul3A_201, %dma_wait3A_211] : memref<10240x128xf32, #tpu.memory_space<vmem_shared>> -> memref<640x128xf32, #tpu.memory_space<vmem_shared>>
      tpu.wait_dma2 semaphore(%run_scoped3A : memref<!tpu.dma_semaphore, #tpu.memory_space<semaphore_mem>>) src(%dma_wait3A_212 : memref<640x128xf32, #tpu.memory_space<vmem_shared>>) dst(%dma_wait3A_210 : memref<640x128xf32, #tpu.memory_space<hbm>>)
      tpu.yield
    }) : () -> ()
    return
  }
}

#map = affine_map<(d0, d1) -> (0, 0)>
#map1 = affine_map<(d0, d1) -> (0, 0, 0)>
module attributes {stable_mosaic.version = 14 : i64} {
  func.func @body(%arg0: i32, %arg1: i32, %arg2: memref<10000x128xf32, #tpu.memory_space<hbm>>, %arg3: memref<5120x64xi32, #tpu.memory_space<hbm>>, %arg4: memref<5120x64xi32, #tpu.memory_space<hbm>>, %arg5: memref<2x10240x128xf32, #tpu.memory_space<hbm>>, %arg6: memref<40x64xi32, #tpu.memory_space<vmem>>, %arg7: memref<40x64xi32, #tpu.memory_space<vmem>>, %arg8: memref<64x128xf32, #tpu.memory_space<vmem>>, %arg9: memref<64x128xf32, #tpu.memory_space<vmem>>, %arg10: memref<64x128xf32, #tpu.memory_space<vmem>>, %arg11: memref<64x128xf32, #tpu.memory_space<vmem>>, %arg12: memref<!tpu.dma_semaphore, #tpu.memory_space<semaphore_mem>>, %arg13: memref<!tpu.dma_semaphore, #tpu.memory_space<semaphore_mem>>, %arg14: memref<!tpu.dma_semaphore, #tpu.memory_space<semaphore_mem>>, %arg15: memref<!tpu.dma_semaphore, #tpu.memory_space<semaphore_mem>>, %arg16: memref<10240x128xf32, #tpu.memory_space<vmem_shared>>) attributes {dimension_semantics = [#tpu.dimension_semantics<core_parallel>, #tpu.dimension_semantics<subcore_parallel>], iteration_bounds = array<i64: 2, 16>, scalar_prefetch = 0 : i64, scratch_operands = 11 : i64, tpu.core_type = #tpu.core_type<sc_vector_subcore>, window_params = [{transform_indices = #map}, {transform_indices = #map}, {transform_indices = #map}, {transform_indices = #map1}]} {
    %mul3A = arith.constant 16 : i32
    %mul3A_0 = arith.muli %arg0, %mul3A : i32
    %add3A = arith.addi %mul3A_0, %arg1 : i32
    %mul3A_1 = arith.constant 160 : i32
    %mul3A_2 = arith.muli %add3A, %mul3A_1 : i32
    %add3A_3 = arith.constant 0 : i32
    %add3A_4 = arith.addi %mul3A_2, %add3A_3 : i32
    "tpu.region"() ({
      %run_scoped3A = tpu.sem_alloc : memref<!tpu.dma_semaphore, #tpu.memory_space<semaphore_mem>>
      %dma_start3A_204 = arith.constant 0 : i32
      %dma_start3A_205 = tpu.memref_slice %arg3[%add3A_4, %dma_start3A_204] : memref<5120x64xi32, #tpu.memory_space<hbm>> -> memref<40x64xi32, #tpu.memory_space<hbm>>
      %dma_start3A_206 = arith.constant 0 : i32
      %dma_start3A_207 = tpu.memref_slice %arg3[%add3A_4, %dma_start3A_206] : memref<5120x64xi32, #tpu.memory_space<hbm>> -> memref<40x64xi32, #tpu.memory_space<hbm>>
      tpu.enqueue_dma source(%dma_start3A_207 : memref<40x64xi32, #tpu.memory_space<hbm>>) target(%arg6 : memref<40x64xi32, #tpu.memory_space<vmem>>) target_semaphore(%run_scoped3A : memref<!tpu.dma_semaphore, #tpu.memory_space<semaphore_mem>>)
      %dma_wait3A = arith.constant 0 : i32
      %dma_wait3A_208 = tpu.memref_slice %arg3[%add3A_4, %dma_wait3A] : memref<5120x64xi32, #tpu.memory_space<hbm>> -> memref<40x64xi32, #tpu.memory_space<hbm>>
      %dma_wait3A_209 = arith.constant 0 : i32
      %dma_wait3A_210 = tpu.memref_slice %arg3[%add3A_4, %dma_wait3A_209] : memref<5120x64xi32, #tpu.memory_space<hbm>> -> memref<40x64xi32, #tpu.memory_space<hbm>>
      tpu.wait_dma2 semaphore(%run_scoped3A : memref<!tpu.dma_semaphore, #tpu.memory_space<semaphore_mem>>) src(%dma_wait3A_210 : memref<40x64xi32, #tpu.memory_space<hbm>>) dst(%arg6 : memref<40x64xi32, #tpu.memory_space<vmem>>)
      tpu.yield
    }) : () -> ()
    %add3A_5 = arith.constant 0 : i32
    %add3A_6 = arith.addi %mul3A_2, %add3A_5 : i32
    "tpu.region"() ({
      %run_scoped3A = tpu.sem_alloc : memref<!tpu.dma_semaphore, #tpu.memory_space<semaphore_mem>>
      %dma_start3A_204 = arith.constant 0 : i32
      %dma_start3A_205 = tpu.memref_slice %arg4[%add3A_6, %dma_start3A_204] : memref<5120x64xi32, #tpu.memory_space<hbm>> -> memref<40x64xi32, #tpu.memory_space<hbm>>
      %dma_start3A_206 = arith.constant 0 : i32
      %dma_start3A_207 = tpu.memref_slice %arg4[%add3A_6, %dma_start3A_206] : memref<5120x64xi32, #tpu.memory_space<hbm>> -> memref<40x64xi32, #tpu.memory_space<hbm>>
      tpu.enqueue_dma source(%dma_start3A_207 : memref<40x64xi32, #tpu.memory_space<hbm>>) target(%arg7 : memref<40x64xi32, #tpu.memory_space<vmem>>) target_semaphore(%run_scoped3A : memref<!tpu.dma_semaphore, #tpu.memory_space<semaphore_mem>>)
      %dma_wait3A = arith.constant 0 : i32
      %dma_wait3A_208 = tpu.memref_slice %arg4[%add3A_6, %dma_wait3A] : memref<5120x64xi32, #tpu.memory_space<hbm>> -> memref<40x64xi32, #tpu.memory_space<hbm>>
      %dma_wait3A_209 = arith.constant 0 : i32
      %dma_wait3A_210 = tpu.memref_slice %arg4[%add3A_6, %dma_wait3A_209] : memref<5120x64xi32, #tpu.memory_space<hbm>> -> memref<40x64xi32, #tpu.memory_space<hbm>>
      tpu.wait_dma2 semaphore(%run_scoped3A : memref<!tpu.dma_semaphore, #tpu.memory_space<semaphore_mem>>) src(%dma_wait3A_210 : memref<40x64xi32, #tpu.memory_space<hbm>>) dst(%arg7 : memref<40x64xi32, #tpu.memory_space<vmem>>)
      tpu.yield
    }) : () -> ()
    %scan3A = arith.constant 0 : i32
    %scan3A_7 = arith.constant 0 : i32
    %scan3A_8 = arith.constant 64 : i32
    %scan3A_9 = arith.addi %scan3A_7, %scan3A_8 : i32
    %scan3A_10 = arith.constant 1 : i32
    scf.for %scan3A_204 = %scan3A_7 to %scan3A_9 step %scan3A_10  : i32 {
      %broadcast_in_dim3A = arith.constant 0.000000e+00 : f32
      %broadcast_in_dim3A_205 = vector.broadcast %broadcast_in_dim3A : f32 to vector<16xf32>
      %swap3A = arith.index_cast %scan3A_204 : i32 to index
      %swap3A_206 = arith.constant 0 : index
      %swap3A_207 = tpu.vector_load %arg8[%swap3A, %swap3A_206] {strides = array<i32>} : memref<64x128xf32, #tpu.memory_space<vmem>>, vector<1x16xf32>,
      %swap3A_208 = vector.shape_cast %swap3A_207 : vector<1x16xf32> to vector<16xf32>
      %swap3A_209 = vector.shape_cast %broadcast_in_dim3A_205 : vector<16xf32> to vector<1x16xf32>
      tpu.vector_store %arg8[%swap3A, %swap3A_206], %swap3A_209 {strides = array<i32>} : memref<64x128xf32, #tpu.memory_space<vmem>>, vector<1x16xf32>,
      %broadcast_in_dim3A_210 = arith.constant 0.000000e+00 : f32
      %broadcast_in_dim3A_211 = vector.broadcast %broadcast_in_dim3A_210 : f32 to vector<16xf32>
      %swap3A_212 = arith.index_cast %scan3A_204 : i32 to index
      %swap3A_213 = arith.constant 16 : index
      %swap3A_214 = tpu.vector_load %arg8[%swap3A_212, %swap3A_213] {strides = array<i32>} : memref<64x128xf32, #tpu.memory_space<vmem>>, vector<1x16xf32>,
      %swap3A_215 = vector.shape_cast %swap3A_214 : vector<1x16xf32> to vector<16xf32>
      %swap3A_216 = vector.shape_cast %broadcast_in_dim3A_211 : vector<16xf32> to vector<1x16xf32>
      tpu.vector_store %arg8[%swap3A_212, %swap3A_213], %swap3A_216 {strides = array<i32>} : memref<64x128xf32, #tpu.memory_space<vmem>>, vector<1x16xf32>,
      %broadcast_in_dim3A_217 = arith.constant 0.000000e+00 : f32
      %broadcast_in_dim3A_218 = vector.broadcast %broadcast_in_dim3A_217 : f32 to vector<16xf32>
      %swap3A_219 = arith.index_cast %scan3A_204 : i32 to index
      %swap3A_220 = arith.constant 32 : index
      %swap3A_221 = tpu.vector_load %arg8[%swap3A_219, %swap3A_220] {strides = array<i32>} : memref<64x128xf32, #tpu.memory_space<vmem>>, vector<1x16xf32>,
      %swap3A_222 = vector.shape_cast %swap3A_221 : vector<1x16xf32> to vector<16xf32>
      %swap3A_223 = vector.shape_cast %broadcast_in_dim3A_218 : vector<16xf32> to vector<1x16xf32>
      tpu.vector_store %arg8[%swap3A_219, %swap3A_220], %swap3A_223 {strides = array<i32>} : memref<64x128xf32, #tpu.memory_space<vmem>>, vector<1x16xf32>,
      %broadcast_in_dim3A_224 = arith.constant 0.000000e+00 : f32
      %broadcast_in_dim3A_225 = vector.broadcast %broadcast_in_dim3A_224 : f32 to vector<16xf32>
      %swap3A_226 = arith.index_cast %scan3A_204 : i32 to index
      %swap3A_227 = arith.constant 48 : index
      %swap3A_228 = tpu.vector_load %arg8[%swap3A_226, %swap3A_227] {strides = array<i32>} : memref<64x128xf32, #tpu.memory_space<vmem>>, vector<1x16xf32>,
      %swap3A_229 = vector.shape_cast %swap3A_228 : vector<1x16xf32> to vector<16xf32>
      %swap3A_230 = vector.shape_cast %broadcast_in_dim3A_225 : vector<16xf32> to vector<1x16xf32>
      tpu.vector_store %arg8[%swap3A_226, %swap3A_227], %swap3A_230 {strides = array<i32>} : memref<64x128xf32, #tpu.memory_space<vmem>>, vector<1x16xf32>,
      %broadcast_in_dim3A_231 = arith.constant 0.000000e+00 : f32
      %broadcast_in_dim3A_232 = vector.broadcast %broadcast_in_dim3A_231 : f32 to vector<16xf32>
      %swap3A_233 = arith.index_cast %scan3A_204 : i32 to index
      %swap3A_234 = arith.constant 64 : index
      %swap3A_235 = tpu.vector_load %arg8[%swap3A_233, %swap3A_234] {strides = array<i32>} : memref<64x128xf32, #tpu.memory_space<vmem>>, vector<1x16xf32>,
      %swap3A_236 = vector.shape_cast %swap3A_235 : vector<1x16xf32> to vector<16xf32>
      %swap3A_237 = vector.shape_cast %broadcast_in_dim3A_232 : vector<16xf32> to vector<1x16xf32>
      tpu.vector_store %arg8[%swap3A_233, %swap3A_234], %swap3A_237 {strides = array<i32>} : memref<64x128xf32, #tpu.memory_space<vmem>>, vector<1x16xf32>,
      %broadcast_in_dim3A_238 = arith.constant 0.000000e+00 : f32
      %broadcast_in_dim3A_239 = vector.broadcast %broadcast_in_dim3A_238 : f32 to vector<16xf32>
      %swap3A_240 = arith.index_cast %scan3A_204 : i32 to index
      %swap3A_241 = arith.constant 80 : index
      %swap3A_242 = tpu.vector_load %arg8[%swap3A_240, %swap3A_241] {strides = array<i32>} : memref<64x128xf32, #tpu.memory_space<vmem>>, vector<1x16xf32>,
      %swap3A_243 = vector.shape_cast %swap3A_242 : vector<1x16xf32> to vector<16xf32>
      %swap3A_244 = vector.shape_cast %broadcast_in_dim3A_239 : vector<16xf32> to vector<1x16xf32>
      tpu.vector_store %arg8[%swap3A_240, %swap3A_241], %swap3A_244 {strides = array<i32>} : memref<64x128xf32, #tpu.memory_space<vmem>>, vector<1x16xf32>,
      %broadcast_in_dim3A_245 = arith.constant 0.000000e+00 : f32
      %broadcast_in_dim3A_246 = vector.broadcast %broadcast_in_dim3A_245 : f32 to vector<16xf32>
      %swap3A_247 = arith.index_cast %scan3A_204 : i32 to index
      %swap3A_248 = arith.constant 96 : index
      %swap3A_249 = tpu.vector_load %arg8[%swap3A_247, %swap3A_248] {strides = array<i32>} : memref<64x128xf32, #tpu.memory_space<vmem>>, vector<1x16xf32>,
      %swap3A_250 = vector.shape_cast %swap3A_249 : vector<1x16xf32> to vector<16xf32>
      %swap3A_251 = vector.shape_cast %broadcast_in_dim3A_246 : vector<16xf32> to vector<1x16xf32>
      tpu.vector_store %arg8[%swap3A_247, %swap3A_248], %swap3A_251 {strides = array<i32>} : memref<64x128xf32, #tpu.memory_space<vmem>>, vector<1x16xf32>,
      %broadcast_in_dim3A_252 = arith.constant 0.000000e+00 : f32
      %broadcast_in_dim3A_253 = vector.broadcast %broadcast_in_dim3A_252 : f32 to vector<16xf32>
      %swap3A_254 = arith.index_cast %scan3A_204 : i32 to index
      %swap3A_255 = arith.constant 112 : index
      %swap3A_256 = tpu.vector_load %arg8[%swap3A_254, %swap3A_255] {strides = array<i32>} : memref<64x128xf32, #tpu.memory_space<vmem>>, vector<1x16xf32>,
      %swap3A_257 = vector.shape_cast %swap3A_256 : vector<1x16xf32> to vector<16xf32>
      %swap3A_258 = vector.shape_cast %broadcast_in_dim3A_253 : vector<16xf32> to vector<1x16xf32>
      tpu.vector_store %arg8[%swap3A_254, %swap3A_255], %swap3A_258 {strides = array<i32>} : memref<64x128xf32, #tpu.memory_space<vmem>>, vector<1x16xf32>,
    }
    %scan3A_11 = arith.constant 64 : i32
    %mul3A_12 = arith.constant 640 : i32
    %mul3A_13 = arith.muli %arg1, %mul3A_12 : i32
    %add3A_14 = arith.constant 0 : i32
    %add3A_15 = arith.addi %mul3A_13, %add3A_14 : i32
    "tpu.region"() ({
      %run_scoped3A = tpu.sem_alloc : memref<!tpu.dma_semaphore, #tpu.memory_space<semaphore_mem>>
      %dma_start3A_204 = arith.constant 0 : i32
      %dma_start3A_205 = tpu.memref_slice %arg16[%add3A_15, %dma_start3A_204] : memref<10240x128xf32, #tpu.memory_space<vmem_shared>> -> memref<64x128xf32, #tpu.memory_space<vmem_shared>>
      %dma_start3A_206 = arith.constant 0 : i32
      %dma_start3A_207 = tpu.memref_slice %arg16[%add3A_15, %dma_start3A_206] : memref<10240x128xf32, #tpu.memory_space<vmem_shared>> -> memref<64x128xf32, #tpu.memory_space<vmem_shared>>
      tpu.enqueue_dma source(%arg8 : memref<64x128xf32, #tpu.memory_space<vmem>>) target(%dma_start3A_207 : memref<64x128xf32, #tpu.memory_space<vmem_shared>>) target_semaphore(%run_scoped3A : memref<!tpu.dma_semaphore, #tpu.memory_space<semaphore_mem>>)
      %dma_wait3A = arith.constant 0 : i32
      %dma_wait3A_208 = tpu.memref_slice %arg16[%add3A_15, %dma_wait3A] : memref<10240x128xf32, #tpu.memory_space<vmem_shared>> -> memref<64x128xf32, #tpu.memory_space<vmem_shared>>
      %dma_wait3A_209 = arith.constant 0 : i32
      %dma_wait3A_210 = tpu.memref_slice %arg16[%add3A_15, %dma_wait3A_209] : memref<10240x128xf32, #tpu.memory_space<vmem_shared>> -> memref<64x128xf32, #tpu.memory_space<vmem_shared>>
      tpu.wait_dma2 semaphore(%run_scoped3A : memref<!tpu.dma_semaphore, #tpu.memory_space<semaphore_mem>>) src(%arg8 : memref<64x128xf32, #tpu.memory_space<vmem>>) dst(%dma_wait3A_210 : memref<64x128xf32, #tpu.memory_space<vmem_shared>>)
      tpu.yield
    }) : () -> ()
    %mul3A_16 = arith.constant 640 : i32
    %mul3A_17 = arith.muli %arg1, %mul3A_16 : i32
    %add3A_18 = arith.constant 64 : i32
    %add3A_19 = arith.addi %mul3A_17, %add3A_18 : i32
    "tpu.region"() ({
      %run_scoped3A = tpu.sem_alloc : memref<!tpu.dma_semaphore, #tpu.memory_space<semaphore_mem>>
      %dma_start3A_204 = arith.constant 0 : i32
      %dma_start3A_205 = tpu.memref_slice %arg16[%add3A_19, %dma_start3A_204] : memref<10240x128xf32, #tpu.memory_space<vmem_shared>> -> memref<64x128xf32, #tpu.memory_space<vmem_shared>>
      %dma_start3A_206 = arith.constant 0 : i32
      %dma_start3A_207 = tpu.memref_slice %arg16[%add3A_19, %dma_start3A_206] : memref<10240x128xf32, #tpu.memory_space<vmem_shared>> -> memref<64x128xf32, #tpu.memory_space<vmem_shared>>
      tpu.enqueue_dma source(%arg8 : memref<64x128xf32, #tpu.memory_space<vmem>>) target(%dma_start3A_207 : memref<64x128xf32, #tpu.memory_space<vmem_shared>>) target_semaphore(%run_scoped3A : memref<!tpu.dma_semaphore, #tpu.memory_space<semaphore_mem>>)
      %dma_wait3A = arith.constant 0 : i32
      %dma_wait3A_208 = tpu.memref_slice %arg16[%add3A_19, %dma_wait3A] : memref<10240x128xf32, #tpu.memory_space<vmem_shared>> -> memref<64x128xf32, #tpu.memory_space<vmem_shared>>
      %dma_wait3A_209 = arith.constant 0 : i32
      %dma_wait3A_210 = tpu.memref_slice %arg16[%add3A_19, %dma_wait3A_209] : memref<10240x128xf32, #tpu.memory_space<vmem_shared>> -> memref<64x128xf32, #tpu.memory_space<vmem_shared>>
      tpu.wait_dma2 semaphore(%run_scoped3A : memref<!tpu.dma_semaphore, #tpu.memory_space<semaphore_mem>>) src(%arg8 : memref<64x128xf32, #tpu.memory_space<vmem>>) dst(%dma_wait3A_210 : memref<64x128xf32, #tpu.memory_space<vmem_shared>>)
      tpu.yield
    }) : () -> ()
    %mul3A_20 = arith.constant 640 : i32
    %mul3A_21 = arith.muli %arg1, %mul3A_20 : i32
    %add3A_22 = arith.constant 128 : i32
    %add3A_23 = arith.addi %mul3A_21, %add3A_22 : i32
    "tpu.region"() ({
      %run_scoped3A = tpu.sem_alloc : memref<!tpu.dma_semaphore, #tpu.memory_space<semaphore_mem>>
      %dma_start3A_204 = arith.constant 0 : i32
      %dma_start3A_205 = tpu.memref_slice %arg16[%add3A_23, %dma_start3A_204] : memref<10240x128xf32, #tpu.memory_space<vmem_shared>> -> memref<64x128xf32, #tpu.memory_space<vmem_shared>>
      %dma_start3A_206 = arith.constant 0 : i32
      %dma_start3A_207 = tpu.memref_slice %arg16[%add3A_23, %dma_start3A_206] : memref<10240x128xf32, #tpu.memory_space<vmem_shared>> -> memref<64x128xf32, #tpu.memory_space<vmem_shared>>
      tpu.enqueue_dma source(%arg8 : memref<64x128xf32, #tpu.memory_space<vmem>>) target(%dma_start3A_207 : memref<64x128xf32, #tpu.memory_space<vmem_shared>>) target_semaphore(%run_scoped3A : memref<!tpu.dma_semaphore, #tpu.memory_space<semaphore_mem>>)
      %dma_wait3A = arith.constant 0 : i32
      %dma_wait3A_208 = tpu.memref_slice %arg16[%add3A_23, %dma_wait3A] : memref<10240x128xf32, #tpu.memory_space<vmem_shared>> -> memref<64x128xf32, #tpu.memory_space<vmem_shared>>
      %dma_wait3A_209 = arith.constant 0 : i32
      %dma_wait3A_210 = tpu.memref_slice %arg16[%add3A_23, %dma_wait3A_209] : memref<10240x128xf32, #tpu.memory_space<vmem_shared>> -> memref<64x128xf32, #tpu.memory_space<vmem_shared>>
      tpu.wait_dma2 semaphore(%run_scoped3A : memref<!tpu.dma_semaphore, #tpu.memory_space<semaphore_mem>>) src(%arg8 : memref<64x128xf32, #tpu.memory_space<vmem>>) dst(%dma_wait3A_210 : memref<64x128xf32, #tpu.memory_space<vmem_shared>>)
      tpu.yield
    }) : () -> ()
    %mul3A_24 = arith.constant 640 : i32
    %mul3A_25 = arith.muli %arg1, %mul3A_24 : i32
    %add3A_26 = arith.constant 192 : i32
    %add3A_27 = arith.addi %mul3A_25, %add3A_26 : i32
    "tpu.region"() ({
      %run_scoped3A = tpu.sem_alloc : memref<!tpu.dma_semaphore, #tpu.memory_space<semaphore_mem>>
      %dma_start3A_204 = arith.constant 0 : i32
      %dma_start3A_205 = tpu.memref_slice %arg16[%add3A_27, %dma_start3A_204] : memref<10240x128xf32, #tpu.memory_space<vmem_shared>> -> memref<64x128xf32, #tpu.memory_space<vmem_shared>>
      %dma_start3A_206 = arith.constant 0 : i32
      %dma_start3A_207 = tpu.memref_slice %arg16[%add3A_27, %dma_start3A_206] : memref<10240x128xf32, #tpu.memory_space<vmem_shared>> -> memref<64x128xf32, #tpu.memory_space<vmem_shared>>
      tpu.enqueue_dma source(%arg8 : memref<64x128xf32, #tpu.memory_space<vmem>>) target(%dma_start3A_207 : memref<64x128xf32, #tpu.memory_space<vmem_shared>>) target_semaphore(%run_scoped3A : memref<!tpu.dma_semaphore, #tpu.memory_space<semaphore_mem>>)
      %dma_wait3A = arith.constant 0 : i32
      %dma_wait3A_208 = tpu.memref_slice %arg16[%add3A_27, %dma_wait3A] : memref<10240x128xf32, #tpu.memory_space<vmem_shared>> -> memref<64x128xf32, #tpu.memory_space<vmem_shared>>
      %dma_wait3A_209 = arith.constant 0 : i32
      %dma_wait3A_210 = tpu.memref_slice %arg16[%add3A_27, %dma_wait3A_209] : memref<10240x128xf32, #tpu.memory_space<vmem_shared>> -> memref<64x128xf32, #tpu.memory_space<vmem_shared>>
      tpu.wait_dma2 semaphore(%run_scoped3A : memref<!tpu.dma_semaphore, #tpu.memory_space<semaphore_mem>>) src(%arg8 : memref<64x128xf32, #tpu.memory_space<vmem>>) dst(%dma_wait3A_210 : memref<64x128xf32, #tpu.memory_space<vmem_shared>>)
      tpu.yield
    }) : () -> ()
    %mul3A_28 = arith.constant 640 : i32
    %mul3A_29 = arith.muli %arg1, %mul3A_28 : i32
    %add3A_30 = arith.constant 256 : i32
    %add3A_31 = arith.addi %mul3A_29, %add3A_30 : i32
    "tpu.region"() ({
      %run_scoped3A = tpu.sem_alloc : memref<!tpu.dma_semaphore, #tpu.memory_space<semaphore_mem>>
      %dma_start3A_204 = arith.constant 0 : i32
      %dma_start3A_205 = tpu.memref_slice %arg16[%add3A_31, %dma_start3A_204] : memref<10240x128xf32, #tpu.memory_space<vmem_shared>> -> memref<64x128xf32, #tpu.memory_space<vmem_shared>>
      %dma_start3A_206 = arith.constant 0 : i32
      %dma_start3A_207 = tpu.memref_slice %arg16[%add3A_31, %dma_start3A_206] : memref<10240x128xf32, #tpu.memory_space<vmem_shared>> -> memref<64x128xf32, #tpu.memory_space<vmem_shared>>
      tpu.enqueue_dma source(%arg8 : memref<64x128xf32, #tpu.memory_space<vmem>>) target(%dma_start3A_207 : memref<64x128xf32, #tpu.memory_space<vmem_shared>>) target_semaphore(%run_scoped3A : memref<!tpu.dma_semaphore, #tpu.memory_space<semaphore_mem>>)
      %dma_wait3A = arith.constant 0 : i32
      %dma_wait3A_208 = tpu.memref_slice %arg16[%add3A_31, %dma_wait3A] : memref<10240x128xf32, #tpu.memory_space<vmem_shared>> -> memref<64x128xf32, #tpu.memory_space<vmem_shared>>
      %dma_wait3A_209 = arith.constant 0 : i32
      %dma_wait3A_210 = tpu.memref_slice %arg16[%add3A_31, %dma_wait3A_209] : memref<10240x128xf32, #tpu.memory_space<vmem_shared>> -> memref<64x128xf32, #tpu.memory_space<vmem_shared>>
      tpu.wait_dma2 semaphore(%run_scoped3A : memref<!tpu.dma_semaphore, #tpu.memory_space<semaphore_mem>>) src(%arg8 : memref<64x128xf32, #tpu.memory_space<vmem>>) dst(%dma_wait3A_210 : memref<64x128xf32, #tpu.memory_space<vmem_shared>>)
      tpu.yield
    }) : () -> ()
    %mul3A_32 = arith.constant 640 : i32
    %mul3A_33 = arith.muli %arg1, %mul3A_32 : i32
    %add3A_34 = arith.constant 320 : i32
    %add3A_35 = arith.addi %mul3A_33, %add3A_34 : i32
    "tpu.region"() ({
      %run_scoped3A = tpu.sem_alloc : memref<!tpu.dma_semaphore, #tpu.memory_space<semaphore_mem>>
      %dma_start3A_204 = arith.constant 0 : i32
      %dma_start3A_205 = tpu.memref_slice %arg16[%add3A_35, %dma_start3A_204] : memref<10240x128xf32, #tpu.memory_space<vmem_shared>> -> memref<64x128xf32, #tpu.memory_space<vmem_shared>>
      %dma_start3A_206 = arith.constant 0 : i32
      %dma_start3A_207 = tpu.memref_slice %arg16[%add3A_35, %dma_start3A_206] : memref<10240x128xf32, #tpu.memory_space<vmem_shared>> -> memref<64x128xf32, #tpu.memory_space<vmem_shared>>
      tpu.enqueue_dma source(%arg8 : memref<64x128xf32, #tpu.memory_space<vmem>>) target(%dma_start3A_207 : memref<64x128xf32, #tpu.memory_space<vmem_shared>>) target_semaphore(%run_scoped3A : memref<!tpu.dma_semaphore, #tpu.memory_space<semaphore_mem>>)
      %dma_wait3A = arith.constant 0 : i32
      %dma_wait3A_208 = tpu.memref_slice %arg16[%add3A_35, %dma_wait3A] : memref<10240x128xf32, #tpu.memory_space<vmem_shared>> -> memref<64x128xf32, #tpu.memory_space<vmem_shared>>
      %dma_wait3A_209 = arith.constant 0 : i32
      %dma_wait3A_210 = tpu.memref_slice %arg16[%add3A_35, %dma_wait3A_209] : memref<10240x128xf32, #tpu.memory_space<vmem_shared>> -> memref<64x128xf32, #tpu.memory_space<vmem_shared>>
      tpu.wait_dma2 semaphore(%run_scoped3A : memref<!tpu.dma_semaphore, #tpu.memory_space<semaphore_mem>>) src(%arg8 : memref<64x128xf32, #tpu.memory_space<vmem>>) dst(%dma_wait3A_210 : memref<64x128xf32, #tpu.memory_space<vmem_shared>>)
      tpu.yield
    }) : () -> ()
    %mul3A_36 = arith.constant 640 : i32
    %mul3A_37 = arith.muli %arg1, %mul3A_36 : i32
    %add3A_38 = arith.constant 384 : i32
    %add3A_39 = arith.addi %mul3A_37, %add3A_38 : i32
    "tpu.region"() ({
      %run_scoped3A = tpu.sem_alloc : memref<!tpu.dma_semaphore, #tpu.memory_space<semaphore_mem>>
      %dma_start3A_204 = arith.constant 0 : i32
      %dma_start3A_205 = tpu.memref_slice %arg16[%add3A_39, %dma_start3A_204] : memref<10240x128xf32, #tpu.memory_space<vmem_shared>> -> memref<64x128xf32, #tpu.memory_space<vmem_shared>>
      %dma_start3A_206 = arith.constant 0 : i32
      %dma_start3A_207 = tpu.memref_slice %arg16[%add3A_39, %dma_start3A_206] : memref<10240x128xf32, #tpu.memory_space<vmem_shared>> -> memref<64x128xf32, #tpu.memory_space<vmem_shared>>
      tpu.enqueue_dma source(%arg8 : memref<64x128xf32, #tpu.memory_space<vmem>>) target(%dma_start3A_207 : memref<64x128xf32, #tpu.memory_space<vmem_shared>>) target_semaphore(%run_scoped3A : memref<!tpu.dma_semaphore, #tpu.memory_space<semaphore_mem>>)
      %dma_wait3A = arith.constant 0 : i32
      %dma_wait3A_208 = tpu.memref_slice %arg16[%add3A_39, %dma_wait3A] : memref<10240x128xf32, #tpu.memory_space<vmem_shared>> -> memref<64x128xf32, #tpu.memory_space<vmem_shared>>
      %dma_wait3A_209 = arith.constant 0 : i32
      %dma_wait3A_210 = tpu.memref_slice %arg16[%add3A_39, %dma_wait3A_209] : memref<10240x128xf32, #tpu.memory_space<vmem_shared>> -> memref<64x128xf32, #tpu.memory_space<vmem_shared>>
      tpu.wait_dma2 semaphore(%run_scoped3A : memref<!tpu.dma_semaphore, #tpu.memory_space<semaphore_mem>>) src(%arg8 : memref<64x128xf32, #tpu.memory_space<vmem>>) dst(%dma_wait3A_210 : memref<64x128xf32, #tpu.memory_space<vmem_shared>>)
      tpu.yield
    }) : () -> ()
    %mul3A_40 = arith.constant 640 : i32
    %mul3A_41 = arith.muli %arg1, %mul3A_40 : i32
    %add3A_42 = arith.constant 448 : i32
    %add3A_43 = arith.addi %mul3A_41, %add3A_42 : i32
    "tpu.region"() ({
      %run_scoped3A = tpu.sem_alloc : memref<!tpu.dma_semaphore, #tpu.memory_space<semaphore_mem>>
      %dma_start3A_204 = arith.constant 0 : i32
      %dma_start3A_205 = tpu.memref_slice %arg16[%add3A_43, %dma_start3A_204] : memref<10240x128xf32, #tpu.memory_space<vmem_shared>> -> memref<64x128xf32, #tpu.memory_space<vmem_shared>>
      %dma_start3A_206 = arith.constant 0 : i32
      %dma_start3A_207 = tpu.memref_slice %arg16[%add3A_43, %dma_start3A_206] : memref<10240x128xf32, #tpu.memory_space<vmem_shared>> -> memref<64x128xf32, #tpu.memory_space<vmem_shared>>
      tpu.enqueue_dma source(%arg8 : memref<64x128xf32, #tpu.memory_space<vmem>>) target(%dma_start3A_207 : memref<64x128xf32, #tpu.memory_space<vmem_shared>>) target_semaphore(%run_scoped3A : memref<!tpu.dma_semaphore, #tpu.memory_space<semaphore_mem>>)
      %dma_wait3A = arith.constant 0 : i32
      %dma_wait3A_208 = tpu.memref_slice %arg16[%add3A_43, %dma_wait3A] : memref<10240x128xf32, #tpu.memory_space<vmem_shared>> -> memref<64x128xf32, #tpu.memory_space<vmem_shared>>
      %dma_wait3A_209 = arith.constant 0 : i32
      %dma_wait3A_210 = tpu.memref_slice %arg16[%add3A_43, %dma_wait3A_209] : memref<10240x128xf32, #tpu.memory_space<vmem_shared>> -> memref<64x128xf32, #tpu.memory_space<vmem_shared>>
      tpu.wait_dma2 semaphore(%run_scoped3A : memref<!tpu.dma_semaphore, #tpu.memory_space<semaphore_mem>>) src(%arg8 : memref<64x128xf32, #tpu.memory_space<vmem>>) dst(%dma_wait3A_210 : memref<64x128xf32, #tpu.memory_space<vmem_shared>>)
      tpu.yield
    }) : () -> ()
    %mul3A_44 = arith.constant 640 : i32
    %mul3A_45 = arith.muli %arg1, %mul3A_44 : i32
    %add3A_46 = arith.constant 512 : i32
    %add3A_47 = arith.addi %mul3A_45, %add3A_46 : i32
    "tpu.region"() ({
      %run_scoped3A = tpu.sem_alloc : memref<!tpu.dma_semaphore, #tpu.memory_space<semaphore_mem>>
      %dma_start3A_204 = arith.constant 0 : i32
      %dma_start3A_205 = tpu.memref_slice %arg16[%add3A_47, %dma_start3A_204] : memref<10240x128xf32, #tpu.memory_space<vmem_shared>> -> memref<64x128xf32, #tpu.memory_space<vmem_shared>>
      %dma_start3A_206 = arith.constant 0 : i32
      %dma_start3A_207 = tpu.memref_slice %arg16[%add3A_47, %dma_start3A_206] : memref<10240x128xf32, #tpu.memory_space<vmem_shared>> -> memref<64x128xf32, #tpu.memory_space<vmem_shared>>
      tpu.enqueue_dma source(%arg8 : memref<64x128xf32, #tpu.memory_space<vmem>>) target(%dma_start3A_207 : memref<64x128xf32, #tpu.memory_space<vmem_shared>>) target_semaphore(%run_scoped3A : memref<!tpu.dma_semaphore, #tpu.memory_space<semaphore_mem>>)
      %dma_wait3A = arith.constant 0 : i32
      %dma_wait3A_208 = tpu.memref_slice %arg16[%add3A_47, %dma_wait3A] : memref<10240x128xf32, #tpu.memory_space<vmem_shared>> -> memref<64x128xf32, #tpu.memory_space<vmem_shared>>
      %dma_wait3A_209 = arith.constant 0 : i32
      %dma_wait3A_210 = tpu.memref_slice %arg16[%add3A_47, %dma_wait3A_209] : memref<10240x128xf32, #tpu.memory_space<vmem_shared>> -> memref<64x128xf32, #tpu.memory_space<vmem_shared>>
      tpu.wait_dma2 semaphore(%run_scoped3A : memref<!tpu.dma_semaphore, #tpu.memory_space<semaphore_mem>>) src(%arg8 : memref<64x128xf32, #tpu.memory_space<vmem>>) dst(%dma_wait3A_210 : memref<64x128xf32, #tpu.memory_space<vmem_shared>>)
      tpu.yield
    }) : () -> ()
    %mul3A_48 = arith.constant 640 : i32
    %mul3A_49 = arith.muli %arg1, %mul3A_48 : i32
    %add3A_50 = arith.constant 576 : i32
    %add3A_51 = arith.addi %mul3A_49, %add3A_50 : i32
    "tpu.region"() ({
      %run_scoped3A = tpu.sem_alloc : memref<!tpu.dma_semaphore, #tpu.memory_space<semaphore_mem>>
      %dma_start3A_204 = arith.constant 0 : i32
      %dma_start3A_205 = tpu.memref_slice %arg16[%add3A_51, %dma_start3A_204] : memref<10240x128xf32, #tpu.memory_space<vmem_shared>> -> memref<64x128xf32, #tpu.memory_space<vmem_shared>>
      %dma_start3A_206 = arith.constant 0 : i32
      %dma_start3A_207 = tpu.memref_slice %arg16[%add3A_51, %dma_start3A_206] : memref<10240x128xf32, #tpu.memory_space<vmem_shared>> -> memref<64x128xf32, #tpu.memory_space<vmem_shared>>
      tpu.enqueue_dma source(%arg8 : memref<64x128xf32, #tpu.memory_space<vmem>>) target(%dma_start3A_207 : memref<64x128xf32, #tpu.memory_space<vmem_shared>>) target_semaphore(%run_scoped3A : memref<!tpu.dma_semaphore, #tpu.memory_space<semaphore_mem>>)
      %dma_wait3A = arith.constant 0 : i32
      %dma_wait3A_208 = tpu.memref_slice %arg16[%add3A_51, %dma_wait3A] : memref<10240x128xf32, #tpu.memory_space<vmem_shared>> -> memref<64x128xf32, #tpu.memory_space<vmem_shared>>
      %dma_wait3A_209 = arith.constant 0 : i32
      %dma_wait3A_210 = tpu.memref_slice %arg16[%add3A_51, %dma_wait3A_209] : memref<10240x128xf32, #tpu.memory_space<vmem_shared>> -> memref<64x128xf32, #tpu.memory_space<vmem_shared>>
      tpu.wait_dma2 semaphore(%run_scoped3A : memref<!tpu.dma_semaphore, #tpu.memory_space<semaphore_mem>>) src(%arg8 : memref<64x128xf32, #tpu.memory_space<vmem>>) dst(%dma_wait3A_210 : memref<64x128xf32, #tpu.memory_space<vmem_shared>>)
      tpu.yield
    }) : () -> ()
    %barrier3A = arith.constant 0 : index
    tpu.barrier barrier_id(%barrier3A)
    %dma_start3A = arith.constant 0 : i32
    %dma_start3A_52 = arith.constant 0 : i32
    %dma_start3A_53 = tpu.memref_slice %arg6[%dma_start3A, %dma_start3A_52] : memref<40x64xi32, #tpu.memory_space<vmem>> -> memref<1x64xi32, #tpu.memory_space<vmem>>
    %dma_start3A_54 = tpu.memref_squeeze %dma_start3A_53 : memref<1x64xi32, #tpu.memory_space<vmem>> -> memref<64xi32, #tpu.memory_space<vmem>>
    %dma_start3A_55 = arith.constant 0 : i32
    %dma_start3A_56 = arith.constant 0 : i32
    %dma_start3A_57 = tpu.memref_slice %arg2[%dma_start3A_55, %dma_start3A_56] : memref<10000x128xf32, #tpu.memory_space<hbm>> -> memref<10000x128xf32, #tpu.memory_space<hbm>>
    tpu.enqueue_indirect_dma source(%dma_start3A_57 : memref<10000x128xf32, #tpu.memory_space<hbm>>) target(%arg8 : memref<64x128xf32, #tpu.memory_space<vmem>>) offsets(%dma_start3A_54 : memref<64xi32, #tpu.memory_space<vmem>>) semaphore(%arg12 : memref<!tpu.dma_semaphore, #tpu.memory_space<semaphore_mem>>)
    %dma_start3A_58 = arith.constant 1 : i32
    %dma_start3A_59 = arith.constant 0 : i32
    %dma_start3A_60 = tpu.memref_slice %arg6[%dma_start3A_58, %dma_start3A_59] : memref<40x64xi32, #tpu.memory_space<vmem>> -> memref<1x64xi32, #tpu.memory_space<vmem>>
    %dma_start3A_61 = tpu.memref_squeeze %dma_start3A_60 : memref<1x64xi32, #tpu.memory_space<vmem>> -> memref<64xi32, #tpu.memory_space<vmem>>
    %dma_start3A_62 = arith.constant 0 : i32
    %dma_start3A_63 = arith.constant 0 : i32
    %dma_start3A_64 = tpu.memref_slice %arg2[%dma_start3A_62, %dma_start3A_63] : memref<10000x128xf32, #tpu.memory_space<hbm>> -> memref<10000x128xf32, #tpu.memory_space<hbm>>
    tpu.enqueue_indirect_dma source(%dma_start3A_64 : memref<10000x128xf32, #tpu.memory_space<hbm>>) target(%arg9 : memref<64x128xf32, #tpu.memory_space<vmem>>) offsets(%dma_start3A_61 : memref<64xi32, #tpu.memory_space<vmem>>) semaphore(%arg13 : memref<!tpu.dma_semaphore, #tpu.memory_space<semaphore_mem>>)
    %dma_start3A_65 = arith.constant 2 : i32
    %dma_start3A_66 = arith.constant 0 : i32
    %dma_start3A_67 = tpu.memref_slice %arg6[%dma_start3A_65, %dma_start3A_66] : memref<40x64xi32, #tpu.memory_space<vmem>> -> memref<1x64xi32, #tpu.memory_space<vmem>>
    %dma_start3A_68 = tpu.memref_squeeze %dma_start3A_67 : memref<1x64xi32, #tpu.memory_space<vmem>> -> memref<64xi32, #tpu.memory_space<vmem>>
    %dma_start3A_69 = arith.constant 0 : i32
    %dma_start3A_70 = arith.constant 0 : i32
    %dma_start3A_71 = tpu.memref_slice %arg2[%dma_start3A_69, %dma_start3A_70] : memref<10000x128xf32, #tpu.memory_space<hbm>> -> memref<10000x128xf32, #tpu.memory_space<hbm>>
    tpu.enqueue_indirect_dma source(%dma_start3A_71 : memref<10000x128xf32, #tpu.memory_space<hbm>>) target(%arg10 : memref<64x128xf32, #tpu.memory_space<vmem>>) offsets(%dma_start3A_68 : memref<64xi32, #tpu.memory_space<vmem>>) semaphore(%arg14 : memref<!tpu.dma_semaphore, #tpu.memory_space<semaphore_mem>>)
    %dma_start3A_72 = arith.constant 3 : i32
    %dma_start3A_73 = arith.constant 0 : i32
    %dma_start3A_74 = tpu.memref_slice %arg6[%dma_start3A_72, %dma_start3A_73] : memref<40x64xi32, #tpu.memory_space<vmem>> -> memref<1x64xi32, #tpu.memory_space<vmem>>
    %dma_start3A_75 = tpu.memref_squeeze %dma_start3A_74 : memref<1x64xi32, #tpu.memory_space<vmem>> -> memref<64xi32, #tpu.memory_space<vmem>>
    %dma_start3A_76 = arith.constant 0 : i32
    %dma_start3A_77 = arith.constant 0 : i32
    %dma_start3A_78 = tpu.memref_slice %arg2[%dma_start3A_76, %dma_start3A_77] : memref<10000x128xf32, #tpu.memory_space<hbm>> -> memref<10000x128xf32, #tpu.memory_space<hbm>>
    tpu.enqueue_indirect_dma source(%dma_start3A_78 : memref<10000x128xf32, #tpu.memory_space<hbm>>) target(%arg11 : memref<64x128xf32, #tpu.memory_space<vmem>>) offsets(%dma_start3A_75 : memref<64xi32, #tpu.memory_space<vmem>>) semaphore(%arg15 : memref<!tpu.dma_semaphore, #tpu.memory_space<semaphore_mem>>)
    %scan3A_79 = arith.constant 0 : i32
    %scan3A_80 = arith.constant 0 : i32
    %scan3A_81 = arith.constant 10 : i32
    %scan3A_82 = arith.addi %scan3A_80, %scan3A_81 : i32
    %scan3A_83 = arith.constant 1 : i32
    scf.for %scan3A_204 = %scan3A_80 to %scan3A_82 step %scan3A_83  : i32 {
      %mul3A_205 = arith.constant 4 : i32
      %mul3A_206 = arith.muli %scan3A_204, %mul3A_205 : i32
      %add3A_207 = arith.constant 0 : i32
      %add3A_208 = arith.addi %mul3A_206, %add3A_207 : i32
      %dma_wait3A = arith.constant 0 : i32
      %dma_wait3A_209 = tpu.memref_slice %arg6[%add3A_208, %dma_wait3A] : memref<40x64xi32, #tpu.memory_space<vmem>> -> memref<1x64xi32, #tpu.memory_space<vmem>>
      %dma_wait3A_210 = tpu.memref_squeeze %dma_wait3A_209 : memref<1x64xi32, #tpu.memory_space<vmem>> -> memref<64xi32, #tpu.memory_space<vmem>>
      %dma_wait3A_211 = arith.constant 0 : i32
      %dma_wait3A_212 = arith.constant 0 : i32
      %dma_wait3A_213 = tpu.memref_slice %arg2[%dma_wait3A_211, %dma_wait3A_212] : memref<10000x128xf32, #tpu.memory_space<hbm>> -> memref<10000x128xf32, #tpu.memory_space<hbm>>
      tpu.wait_indirect_dma semaphore(%arg12 : memref<!tpu.dma_semaphore, #tpu.memory_space<semaphore_mem>>) src(%dma_wait3A_213 : memref<10000x128xf32, #tpu.memory_space<hbm>>) dst(%arg8 : memref<64x128xf32, #tpu.memory_space<vmem>>)
      %add3A_214 = arith.constant 0 : i32
      %add3A_215 = arith.addi %mul3A_206, %add3A_214 : i32
      "tpu.region"() ({
        %run_scoped3A = tpu.sem_alloc : memref<!tpu.dma_semaphore, #tpu.memory_space<semaphore_mem>>
        %dma_start3A_279 = arith.constant 0 : i32
        %dma_start3A_280 = tpu.memref_slice %arg7[%add3A_215, %dma_start3A_279] : memref<40x64xi32, #tpu.memory_space<vmem>> -> memref<1x64xi32, #tpu.memory_space<vmem>>
        %dma_start3A_281 = tpu.memref_squeeze %dma_start3A_280 : memref<1x64xi32, #tpu.memory_space<vmem>> -> memref<64xi32, #tpu.memory_space<vmem>>
        %dma_start3A_282 = arith.constant 0 : i32
        %dma_start3A_283 = arith.constant 0 : i32
        %dma_start3A_284 = tpu.memref_slice %arg16[%dma_start3A_282, %dma_start3A_283] : memref<10240x128xf32, #tpu.memory_space<vmem_shared>> -> memref<10240x128xf32, #tpu.memory_space<vmem_shared>>
        tpu.enqueue_indirect_dma source(%arg8 : memref<64x128xf32, #tpu.memory_space<vmem>>) target(%dma_start3A_284 : memref<10240x128xf32, #tpu.memory_space<vmem_shared>>) offsets(%dma_start3A_281 : memref<64xi32, #tpu.memory_space<vmem>>) semaphore(%run_scoped3A : memref<!tpu.dma_semaphore, #tpu.memory_space<semaphore_mem>>) {add = true}
        %dma_wait3A_285 = arith.constant 0 : i32
        %dma_wait3A_286 = tpu.memref_slice %arg7[%add3A_215, %dma_wait3A_285] : memref<40x64xi32, #tpu.memory_space<vmem>> -> memref<1x64xi32, #tpu.memory_space<vmem>>
        %dma_wait3A_287 = tpu.memref_squeeze %dma_wait3A_286 : memref<1x64xi32, #tpu.memory_space<vmem>> -> memref<64xi32, #tpu.memory_space<vmem>>
        %dma_wait3A_288 = arith.constant 0 : i32
        %dma_wait3A_289 = arith.constant 0 : i32
        %dma_wait3A_290 = tpu.memref_slice %arg16[%dma_wait3A_288, %dma_wait3A_289] : memref<10240x128xf32, #tpu.memory_space<vmem_shared>> -> memref<10240x128xf32, #tpu.memory_space<vmem_shared>>
        tpu.wait_indirect_dma semaphore(%run_scoped3A : memref<!tpu.dma_semaphore, #tpu.memory_space<semaphore_mem>>) src(%arg8 : memref<64x128xf32, #tpu.memory_space<vmem>>) dst(%dma_wait3A_290 : memref<10240x128xf32, #tpu.memory_space<vmem_shared>>)
        tpu.yield
      }) : () -> ()
      %add3A_216 = arith.constant 0 : i32
      %add3A_217 = arith.addi %mul3A_206, %add3A_216 : i32
      %add3A_218 = arith.constant 4 : i32
      %add3A_219 = arith.addi %add3A_217, %add3A_218 : i32
      %lt3A = arith.constant 40 : i32
      %lt3A_220 = arith.cmpi slt, %add3A_219, %lt3A : i32
      %convert_element_type3A = arith.extui %lt3A_220 : i1 to i32
      %cond3A = arith.constant 0 : i32
      %cond3A_221 = arith.cmpi ne, %convert_element_type3A, %cond3A : i32
      scf.if %cond3A_221 {
        %add3A_279 = arith.constant 0 : i32
        %add3A_280 = arith.addi %mul3A_206, %add3A_279 : i32
        %add3A_281 = arith.constant 4 : i32
        %add3A_282 = arith.addi %add3A_280, %add3A_281 : i32
        %dma_start3A_283 = arith.constant 0 : i32
        %dma_start3A_284 = tpu.memref_slice %arg6[%add3A_282, %dma_start3A_283] : memref<40x64xi32, #tpu.memory_space<vmem>> -> memref<1x64xi32, #tpu.memory_space<vmem>>
        %dma_start3A_285 = tpu.memref_squeeze %dma_start3A_284 : memref<1x64xi32, #tpu.memory_space<vmem>> -> memref<64xi32, #tpu.memory_space<vmem>>
        %dma_start3A_286 = arith.constant 0 : i32
        %dma_start3A_287 = arith.constant 0 : i32
        %dma_start3A_288 = tpu.memref_slice %arg2[%dma_start3A_286, %dma_start3A_287] : memref<10000x128xf32, #tpu.memory_space<hbm>> -> memref<10000x128xf32, #tpu.memory_space<hbm>>
        tpu.enqueue_indirect_dma source(%dma_start3A_288 : memref<10000x128xf32, #tpu.memory_space<hbm>>) target(%arg8 : memref<64x128xf32, #tpu.memory_space<vmem>>) offsets(%dma_start3A_285 : memref<64xi32, #tpu.memory_space<vmem>>) semaphore(%arg12 : memref<!tpu.dma_semaphore, #tpu.memory_space<semaphore_mem>>)
      } else {
      }
      %add3A_222 = arith.constant 1 : i32
      %add3A_223 = arith.addi %mul3A_206, %add3A_222 : i32
      %dma_wait3A_224 = arith.constant 0 : i32
      %dma_wait3A_225 = tpu.memref_slice %arg6[%add3A_223, %dma_wait3A_224] : memref<40x64xi32, #tpu.memory_space<vmem>> -> memref<1x64xi32, #tpu.memory_space<vmem>>
      %dma_wait3A_226 = tpu.memref_squeeze %dma_wait3A_225 : memref<1x64xi32, #tpu.memory_space<vmem>> -> memref<64xi32, #tpu.memory_space<vmem>>
      %dma_wait3A_227 = arith.constant 0 : i32
      %dma_wait3A_228 = arith.constant 0 : i32
      %dma_wait3A_229 = tpu.memref_slice %arg2[%dma_wait3A_227, %dma_wait3A_228] : memref<10000x128xf32, #tpu.memory_space<hbm>> -> memref<10000x128xf32, #tpu.memory_space<hbm>>
      tpu.wait_indirect_dma semaphore(%arg13 : memref<!tpu.dma_semaphore, #tpu.memory_space<semaphore_mem>>) src(%dma_wait3A_229 : memref<10000x128xf32, #tpu.memory_space<hbm>>) dst(%arg9 : memref<64x128xf32, #tpu.memory_space<vmem>>)
      %add3A_230 = arith.constant 1 : i32
      %add3A_231 = arith.addi %mul3A_206, %add3A_230 : i32
      "tpu.region"() ({
        %run_scoped3A = tpu.sem_alloc : memref<!tpu.dma_semaphore, #tpu.memory_space<semaphore_mem>>
        %dma_start3A_279 = arith.constant 0 : i32
        %dma_start3A_280 = tpu.memref_slice %arg7[%add3A_231, %dma_start3A_279] : memref<40x64xi32, #tpu.memory_space<vmem>> -> memref<1x64xi32, #tpu.memory_space<vmem>>
        %dma_start3A_281 = tpu.memref_squeeze %dma_start3A_280 : memref<1x64xi32, #tpu.memory_space<vmem>> -> memref<64xi32, #tpu.memory_space<vmem>>
        %dma_start3A_282 = arith.constant 0 : i32
        %dma_start3A_283 = arith.constant 0 : i32
        %dma_start3A_284 = tpu.memref_slice %arg16[%dma_start3A_282, %dma_start3A_283] : memref<10240x128xf32, #tpu.memory_space<vmem_shared>> -> memref<10240x128xf32, #tpu.memory_space<vmem_shared>>
        tpu.enqueue_indirect_dma source(%arg9 : memref<64x128xf32, #tpu.memory_space<vmem>>) target(%dma_start3A_284 : memref<10240x128xf32, #tpu.memory_space<vmem_shared>>) offsets(%dma_start3A_281 : memref<64xi32, #tpu.memory_space<vmem>>) semaphore(%run_scoped3A : memref<!tpu.dma_semaphore, #tpu.memory_space<semaphore_mem>>) {add = true}
        %dma_wait3A_285 = arith.constant 0 : i32
        %dma_wait3A_286 = tpu.memref_slice %arg7[%add3A_231, %dma_wait3A_285] : memref<40x64xi32, #tpu.memory_space<vmem>> -> memref<1x64xi32, #tpu.memory_space<vmem>>
        %dma_wait3A_287 = tpu.memref_squeeze %dma_wait3A_286 : memref<1x64xi32, #tpu.memory_space<vmem>> -> memref<64xi32, #tpu.memory_space<vmem>>
        %dma_wait3A_288 = arith.constant 0 : i32
        %dma_wait3A_289 = arith.constant 0 : i32
        %dma_wait3A_290 = tpu.memref_slice %arg16[%dma_wait3A_288, %dma_wait3A_289] : memref<10240x128xf32, #tpu.memory_space<vmem_shared>> -> memref<10240x128xf32, #tpu.memory_space<vmem_shared>>
        tpu.wait_indirect_dma semaphore(%run_scoped3A : memref<!tpu.dma_semaphore, #tpu.memory_space<semaphore_mem>>) src(%arg9 : memref<64x128xf32, #tpu.memory_space<vmem>>) dst(%dma_wait3A_290 : memref<10240x128xf32, #tpu.memory_space<vmem_shared>>)
        tpu.yield
      }) : () -> ()
      %add3A_232 = arith.constant 1 : i32
      %add3A_233 = arith.addi %mul3A_206, %add3A_232 : i32
      %add3A_234 = arith.constant 4 : i32
      %add3A_235 = arith.addi %add3A_233, %add3A_234 : i32
      %lt3A_236 = arith.constant 40 : i32
      %lt3A_237 = arith.cmpi slt, %add3A_235, %lt3A_236 : i32
      %convert_element_type3A_238 = arith.extui %lt3A_237 : i1 to i32
      %cond3A_239 = arith.constant 0 : i32
      %cond3A_240 = arith.cmpi ne, %convert_element_type3A_238, %cond3A_239 : i32
      scf.if %cond3A_240 {
        %add3A_279 = arith.constant 1 : i32
        %add3A_280 = arith.addi %mul3A_206, %add3A_279 : i32
        %add3A_281 = arith.constant 4 : i32
        %add3A_282 = arith.addi %add3A_280, %add3A_281 : i32
        %dma_start3A_283 = arith.constant 0 : i32
        %dma_start3A_284 = tpu.memref_slice %arg6[%add3A_282, %dma_start3A_283] : memref<40x64xi32, #tpu.memory_space<vmem>> -> memref<1x64xi32, #tpu.memory_space<vmem>>
        %dma_start3A_285 = tpu.memref_squeeze %dma_start3A_284 : memref<1x64xi32, #tpu.memory_space<vmem>> -> memref<64xi32, #tpu.memory_space<vmem>>
        %dma_start3A_286 = arith.constant 0 : i32
        %dma_start3A_287 = arith.constant 0 : i32
        %dma_start3A_288 = tpu.memref_slice %arg2[%dma_start3A_286, %dma_start3A_287] : memref<10000x128xf32, #tpu.memory_space<hbm>> -> memref<10000x128xf32, #tpu.memory_space<hbm>>
        tpu.enqueue_indirect_dma source(%dma_start3A_288 : memref<10000x128xf32, #tpu.memory_space<hbm>>) target(%arg9 : memref<64x128xf32, #tpu.memory_space<vmem>>) offsets(%dma_start3A_285 : memref<64xi32, #tpu.memory_space<vmem>>) semaphore(%arg13 : memref<!tpu.dma_semaphore, #tpu.memory_space<semaphore_mem>>)
      } else {
      }
      %add3A_241 = arith.constant 2 : i32
      %add3A_242 = arith.addi %mul3A_206, %add3A_241 : i32
      %dma_wait3A_243 = arith.constant 0 : i32
      %dma_wait3A_244 = tpu.memref_slice %arg6[%add3A_242, %dma_wait3A_243] : memref<40x64xi32, #tpu.memory_space<vmem>> -> memref<1x64xi32, #tpu.memory_space<vmem>>
      %dma_wait3A_245 = tpu.memref_squeeze %dma_wait3A_244 : memref<1x64xi32, #tpu.memory_space<vmem>> -> memref<64xi32, #tpu.memory_space<vmem>>
      %dma_wait3A_246 = arith.constant 0 : i32
      %dma_wait3A_247 = arith.constant 0 : i32
      %dma_wait3A_248 = tpu.memref_slice %arg2[%dma_wait3A_246, %dma_wait3A_247] : memref<10000x128xf32, #tpu.memory_space<hbm>> -> memref<10000x128xf32, #tpu.memory_space<hbm>>
      tpu.wait_indirect_dma semaphore(%arg14 : memref<!tpu.dma_semaphore, #tpu.memory_space<semaphore_mem>>) src(%dma_wait3A_248 : memref<10000x128xf32, #tpu.memory_space<hbm>>) dst(%arg10 : memref<64x128xf32, #tpu.memory_space<vmem>>)
      %add3A_249 = arith.constant 2 : i32
      %add3A_250 = arith.addi %mul3A_206, %add3A_249 : i32
      "tpu.region"() ({
        %run_scoped3A = tpu.sem_alloc : memref<!tpu.dma_semaphore, #tpu.memory_space<semaphore_mem>>
        %dma_start3A_279 = arith.constant 0 : i32
        %dma_start3A_280 = tpu.memref_slice %arg7[%add3A_250, %dma_start3A_279] : memref<40x64xi32, #tpu.memory_space<vmem>> -> memref<1x64xi32, #tpu.memory_space<vmem>>
        %dma_start3A_281 = tpu.memref_squeeze %dma_start3A_280 : memref<1x64xi32, #tpu.memory_space<vmem>> -> memref<64xi32, #tpu.memory_space<vmem>>
        %dma_start3A_282 = arith.constant 0 : i32
        %dma_start3A_283 = arith.constant 0 : i32
        %dma_start3A_284 = tpu.memref_slice %arg16[%dma_start3A_282, %dma_start3A_283] : memref<10240x128xf32, #tpu.memory_space<vmem_shared>> -> memref<10240x128xf32, #tpu.memory_space<vmem_shared>>
        tpu.enqueue_indirect_dma source(%arg10 : memref<64x128xf32, #tpu.memory_space<vmem>>) target(%dma_start3A_284 : memref<10240x128xf32, #tpu.memory_space<vmem_shared>>) offsets(%dma_start3A_281 : memref<64xi32, #tpu.memory_space<vmem>>) semaphore(%run_scoped3A : memref<!tpu.dma_semaphore, #tpu.memory_space<semaphore_mem>>) {add = true}
        %dma_wait3A_285 = arith.constant 0 : i32
        %dma_wait3A_286 = tpu.memref_slice %arg7[%add3A_250, %dma_wait3A_285] : memref<40x64xi32, #tpu.memory_space<vmem>> -> memref<1x64xi32, #tpu.memory_space<vmem>>
        %dma_wait3A_287 = tpu.memref_squeeze %dma_wait3A_286 : memref<1x64xi32, #tpu.memory_space<vmem>> -> memref<64xi32, #tpu.memory_space<vmem>>
        %dma_wait3A_288 = arith.constant 0 : i32
        %dma_wait3A_289 = arith.constant 0 : i32
        %dma_wait3A_290 = tpu.memref_slice %arg16[%dma_wait3A_288, %dma_wait3A_289] : memref<10240x128xf32, #tpu.memory_space<vmem_shared>> -> memref<10240x128xf32, #tpu.memory_space<vmem_shared>>
        tpu.wait_indirect_dma semaphore(%run_scoped3A : memref<!tpu.dma_semaphore, #tpu.memory_space<semaphore_mem>>) src(%arg10 : memref<64x128xf32, #tpu.memory_space<vmem>>) dst(%dma_wait3A_290 : memref<10240x128xf32, #tpu.memory_space<vmem_shared>>)
        tpu.yield
      }) : () -> ()
      %add3A_251 = arith.constant 2 : i32
      %add3A_252 = arith.addi %mul3A_206, %add3A_251 : i32
      %add3A_253 = arith.constant 4 : i32
      %add3A_254 = arith.addi %add3A_252, %add3A_253 : i32
      %lt3A_255 = arith.constant 40 : i32
      %lt3A_256 = arith.cmpi slt, %add3A_254, %lt3A_255 : i32
      %convert_element_type3A_257 = arith.extui %lt3A_256 : i1 to i32
      %cond3A_258 = arith.constant 0 : i32
      %cond3A_259 = arith.cmpi ne, %convert_element_type3A_257, %cond3A_258 : i32
      scf.if %cond3A_259 {
        %add3A_279 = arith.constant 2 : i32
        %add3A_280 = arith.addi %mul3A_206, %add3A_279 : i32
        %add3A_281 = arith.constant 4 : i32
        %add3A_282 = arith.addi %add3A_280, %add3A_281 : i32
        %dma_start3A_283 = arith.constant 0 : i32
        %dma_start3A_284 = tpu.memref_slice %arg6[%add3A_282, %dma_start3A_283] : memref<40x64xi32, #tpu.memory_space<vmem>> -> memref<1x64xi32, #tpu.memory_space<vmem>>
        %dma_start3A_285 = tpu.memref_squeeze %dma_start3A_284 : memref<1x64xi32, #tpu.memory_space<vmem>> -> memref<64xi32, #tpu.memory_space<vmem>>
        %dma_start3A_286 = arith.constant 0 : i32
        %dma_start3A_287 = arith.constant 0 : i32
        %dma_start3A_288 = tpu.memref_slice %arg2[%dma_start3A_286, %dma_start3A_287] : memref<10000x128xf32, #tpu.memory_space<hbm>> -> memref<10000x128xf32, #tpu.memory_space<hbm>>
        tpu.enqueue_indirect_dma source(%dma_start3A_288 : memref<10000x128xf32, #tpu.memory_space<hbm>>) target(%arg10 : memref<64x128xf32, #tpu.memory_space<vmem>>) offsets(%dma_start3A_285 : memref<64xi32, #tpu.memory_space<vmem>>) semaphore(%arg14 : memref<!tpu.dma_semaphore, #tpu.memory_space<semaphore_mem>>)
      } else {
      }
      %add3A_260 = arith.constant 3 : i32
      %add3A_261 = arith.addi %mul3A_206, %add3A_260 : i32
      %dma_wait3A_262 = arith.constant 0 : i32
      %dma_wait3A_263 = tpu.memref_slice %arg6[%add3A_261, %dma_wait3A_262] : memref<40x64xi32, #tpu.memory_space<vmem>> -> memref<1x64xi32, #tpu.memory_space<vmem>>
      %dma_wait3A_264 = tpu.memref_squeeze %dma_wait3A_263 : memref<1x64xi32, #tpu.memory_space<vmem>> -> memref<64xi32, #tpu.memory_space<vmem>>
      %dma_wait3A_265 = arith.constant 0 : i32
      %dma_wait3A_266 = arith.constant 0 : i32
      %dma_wait3A_267 = tpu.memref_slice %arg2[%dma_wait3A_265, %dma_wait3A_266] : memref<10000x128xf32, #tpu.memory_space<hbm>> -> memref<10000x128xf32, #tpu.memory_space<hbm>>
      tpu.wait_indirect_dma semaphore(%arg15 : memref<!tpu.dma_semaphore, #tpu.memory_space<semaphore_mem>>) src(%dma_wait3A_267 : memref<10000x128xf32, #tpu.memory_space<hbm>>) dst(%arg11 : memref<64x128xf32, #tpu.memory_space<vmem>>)
      %add3A_268 = arith.constant 3 : i32
      %add3A_269 = arith.addi %mul3A_206, %add3A_268 : i32
      "tpu.region"() ({
        %run_scoped3A = tpu.sem_alloc : memref<!tpu.dma_semaphore, #tpu.memory_space<semaphore_mem>>
        %dma_start3A_279 = arith.constant 0 : i32
        %dma_start3A_280 = tpu.memref_slice %arg7[%add3A_269, %dma_start3A_279] : memref<40x64xi32, #tpu.memory_space<vmem>> -> memref<1x64xi32, #tpu.memory_space<vmem>>
        %dma_start3A_281 = tpu.memref_squeeze %dma_start3A_280 : memref<1x64xi32, #tpu.memory_space<vmem>> -> memref<64xi32, #tpu.memory_space<vmem>>
        %dma_start3A_282 = arith.constant 0 : i32
        %dma_start3A_283 = arith.constant 0 : i32
        %dma_start3A_284 = tpu.memref_slice %arg16[%dma_start3A_282, %dma_start3A_283] : memref<10240x128xf32, #tpu.memory_space<vmem_shared>> -> memref<10240x128xf32, #tpu.memory_space<vmem_shared>>
        tpu.enqueue_indirect_dma source(%arg11 : memref<64x128xf32, #tpu.memory_space<vmem>>) target(%dma_start3A_284 : memref<10240x128xf32, #tpu.memory_space<vmem_shared>>) offsets(%dma_start3A_281 : memref<64xi32, #tpu.memory_space<vmem>>) semaphore(%run_scoped3A : memref<!tpu.dma_semaphore, #tpu.memory_space<semaphore_mem>>) {add = true}
        %dma_wait3A_285 = arith.constant 0 : i32
        %dma_wait3A_286 = tpu.memref_slice %arg7[%add3A_269, %dma_wait3A_285] : memref<40x64xi32, #tpu.memory_space<vmem>> -> memref<1x64xi32, #tpu.memory_space<vmem>>
        %dma_wait3A_287 = tpu.memref_squeeze %dma_wait3A_286 : memref<1x64xi32, #tpu.memory_space<vmem>> -> memref<64xi32, #tpu.memory_space<vmem>>
        %dma_wait3A_288 = arith.constant 0 : i32
        %dma_wait3A_289 = arith.constant 0 : i32
        %dma_wait3A_290 = tpu.memref_slice %arg16[%dma_wait3A_288, %dma_wait3A_289] : memref<10240x128xf32, #tpu.memory_space<vmem_shared>> -> memref<10240x128xf32, #tpu.memory_space<vmem_shared>>
        tpu.wait_indirect_dma semaphore(%run_scoped3A : memref<!tpu.dma_semaphore, #tpu.memory_space<semaphore_mem>>) src(%arg11 : memref<64x128xf32, #tpu.memory_space<vmem>>) dst(%dma_wait3A_290 : memref<10240x128xf32, #tpu.memory_space<vmem_shared>>)
        tpu.yield
      }) : () -> ()
      %add3A_270 = arith.constant 3 : i32
      %add3A_271 = arith.addi %mul3A_206, %add3A_270 : i32
      %add3A_272 = arith.constant 4 : i32
      %add3A_273 = arith.addi %add3A_271, %add3A_272 : i32
      %lt3A_274 = arith.constant 40 : i32
      %lt3A_275 = arith.cmpi slt, %add3A_273, %lt3A_274 : i32
      %convert_element_type3A_276 = arith.extui %lt3A_275 : i1 to i32
      %cond3A_277 = arith.constant 0 : i32
      %cond3A_278 = arith.cmpi ne, %convert_element_type3A_276, %cond3A_277 : i32
      scf.if %cond3A_278 {
        %add3A_279 = arith.constant 3 : i32
        %add3A_280 = arith.addi %mul3A_206, %add3A_279 : i32
        %add3A_281 = arith.constant 4 : i32
        %add3A_282 = arith.addi %add3A_280, %add3A_281 : i32
        %dma_start3A_283 = arith.constant 0 : i32
        %dma_start3A_284 = tpu.memref_slice %arg6[%add3A_282, %dma_start3A_283] : memref<40x64xi32, #tpu.memory_space<vmem>> -> memref<1x64xi32, #tpu.memory_space<vmem>>
        %dma_start3A_285 = tpu.memref_squeeze %dma_start3A_284 : memref<1x64xi32, #tpu.memory_space<vmem>> -> memref<64xi32, #tpu.memory_space<vmem>>
        %dma_start3A_286 = arith.constant 0 : i32
        %dma_start3A_287 = arith.constant 0 : i32
        %dma_start3A_288 = tpu.memref_slice %arg2[%dma_start3A_286, %dma_start3A_287] : memref<10000x128xf32, #tpu.memory_space<hbm>> -> memref<10000x128xf32, #tpu.memory_space<hbm>>
        tpu.enqueue_indirect_dma source(%dma_start3A_288 : memref<10000x128xf32, #tpu.memory_space<hbm>>) target(%arg11 : memref<64x128xf32, #tpu.memory_space<vmem>>) offsets(%dma_start3A_285 : memref<64xi32, #tpu.memory_space<vmem>>) semaphore(%arg15 : memref<!tpu.dma_semaphore, #tpu.memory_space<semaphore_mem>>)
      } else {
      }
    }
    %scan3A_84 = arith.constant 10 : i32
    %add3A_85 = arith.constant 40 : i32
    %add3A_86 = arith.addi %mul3A_2, %add3A_85 : i32
    "tpu.region"() ({
      %run_scoped3A = tpu.sem_alloc : memref<!tpu.dma_semaphore, #tpu.memory_space<semaphore_mem>>
      %dma_start3A_204 = arith.constant 0 : i32
      %dma_start3A_205 = tpu.memref_slice %arg3[%add3A_86, %dma_start3A_204] : memref<5120x64xi32, #tpu.memory_space<hbm>> -> memref<40x64xi32, #tpu.memory_space<hbm>>
      %dma_start3A_206 = arith.constant 0 : i32
      %dma_start3A_207 = tpu.memref_slice %arg3[%add3A_86, %dma_start3A_206] : memref<5120x64xi32, #tpu.memory_space<hbm>> -> memref<40x64xi32, #tpu.memory_space<hbm>>
      tpu.enqueue_dma source(%dma_start3A_207 : memref<40x64xi32, #tpu.memory_space<hbm>>) target(%arg6 : memref<40x64xi32, #tpu.memory_space<vmem>>) target_semaphore(%run_scoped3A : memref<!tpu.dma_semaphore, #tpu.memory_space<semaphore_mem>>)
      %dma_wait3A = arith.constant 0 : i32
      %dma_wait3A_208 = tpu.memref_slice %arg3[%add3A_86, %dma_wait3A] : memref<5120x64xi32, #tpu.memory_space<hbm>> -> memref<40x64xi32, #tpu.memory_space<hbm>>
      %dma_wait3A_209 = arith.constant 0 : i32
      %dma_wait3A_210 = tpu.memref_slice %arg3[%add3A_86, %dma_wait3A_209] : memref<5120x64xi32, #tpu.memory_space<hbm>> -> memref<40x64xi32, #tpu.memory_space<hbm>>
      tpu.wait_dma2 semaphore(%run_scoped3A : memref<!tpu.dma_semaphore, #tpu.memory_space<semaphore_mem>>) src(%dma_wait3A_210 : memref<40x64xi32, #tpu.memory_space<hbm>>) dst(%arg6 : memref<40x64xi32, #tpu.memory_space<vmem>>)
      tpu.yield
    }) : () -> ()
    %add3A_87 = arith.constant 40 : i32
    %add3A_88 = arith.addi %mul3A_2, %add3A_87 : i32
    "tpu.region"() ({
      %run_scoped3A = tpu.sem_alloc : memref<!tpu.dma_semaphore, #tpu.memory_space<semaphore_mem>>
      %dma_start3A_204 = arith.constant 0 : i32
      %dma_start3A_205 = tpu.memref_slice %arg4[%add3A_88, %dma_start3A_204] : memref<5120x64xi32, #tpu.memory_space<hbm>> -> memref<40x64xi32, #tpu.memory_space<hbm>>
      %dma_start3A_206 = arith.constant 0 : i32
      %dma_start3A_207 = tpu.memref_slice %arg4[%add3A_88, %dma_start3A_206] : memref<5120x64xi32, #tpu.memory_space<hbm>> -> memref<40x64xi32, #tpu.memory_space<hbm>>
      tpu.enqueue_dma source(%dma_start3A_207 : memref<40x64xi32, #tpu.memory_space<hbm>>) target(%arg7 : memref<40x64xi32, #tpu.memory_space<vmem>>) target_semaphore(%run_scoped3A : memref<!tpu.dma_semaphore, #tpu.memory_space<semaphore_mem>>)
      %dma_wait3A = arith.constant 0 : i32
      %dma_wait3A_208 = tpu.memref_slice %arg4[%add3A_88, %dma_wait3A] : memref<5120x64xi32, #tpu.memory_space<hbm>> -> memref<40x64xi32, #tpu.memory_space<hbm>>
      %dma_wait3A_209 = arith.constant 0 : i32
      %dma_wait3A_210 = tpu.memref_slice %arg4[%add3A_88, %dma_wait3A_209] : memref<5120x64xi32, #tpu.memory_space<hbm>> -> memref<40x64xi32, #tpu.memory_space<hbm>>
      tpu.wait_dma2 semaphore(%run_scoped3A : memref<!tpu.dma_semaphore, #tpu.memory_space<semaphore_mem>>) src(%dma_wait3A_210 : memref<40x64xi32, #tpu.memory_space<hbm>>) dst(%arg7 : memref<40x64xi32, #tpu.memory_space<vmem>>)
      tpu.yield
    }) : () -> ()
    %dma_start3A_89 = arith.constant 0 : i32
    %dma_start3A_90 = arith.constant 0 : i32
    %dma_start3A_91 = tpu.memref_slice %arg6[%dma_start3A_89, %dma_start3A_90] : memref<40x64xi32, #tpu.memory_space<vmem>> -> memref<1x64xi32, #tpu.memory_space<vmem>>
    %dma_start3A_92 = tpu.memref_squeeze %dma_start3A_91 : memref<1x64xi32, #tpu.memory_space<vmem>> -> memref<64xi32, #tpu.memory_space<vmem>>
    %dma_start3A_93 = arith.constant 0 : i32
    %dma_start3A_94 = arith.constant 0 : i32
    %dma_start3A_95 = tpu.memref_slice %arg2[%dma_start3A_93, %dma_start3A_94] : memref<10000x128xf32, #tpu.memory_space<hbm>> -> memref<10000x128xf32, #tpu.memory_space<hbm>>
    tpu.enqueue_indirect_dma source(%dma_start3A_95 : memref<10000x128xf32, #tpu.memory_space<hbm>>) target(%arg8 : memref<64x128xf32, #tpu.memory_space<vmem>>) offsets(%dma_start3A_92 : memref<64xi32, #tpu.memory_space<vmem>>) semaphore(%arg12 : memref<!tpu.dma_semaphore, #tpu.memory_space<semaphore_mem>>)
    %dma_start3A_96 = arith.constant 1 : i32
    %dma_start3A_97 = arith.constant 0 : i32
    %dma_start3A_98 = tpu.memref_slice %arg6[%dma_start3A_96, %dma_start3A_97] : memref<40x64xi32, #tpu.memory_space<vmem>> -> memref<1x64xi32, #tpu.memory_space<vmem>>
    %dma_start3A_99 = tpu.memref_squeeze %dma_start3A_98 : memref<1x64xi32, #tpu.memory_space<vmem>> -> memref<64xi32, #tpu.memory_space<vmem>>
    %dma_start3A_100 = arith.constant 0 : i32
    %dma_start3A_101 = arith.constant 0 : i32
    %dma_start3A_102 = tpu.memref_slice %arg2[%dma_start3A_100, %dma_start3A_101] : memref<10000x128xf32, #tpu.memory_space<hbm>> -> memref<10000x128xf32, #tpu.memory_space<hbm>>
    tpu.enqueue_indirect_dma source(%dma_start3A_102 : memref<10000x128xf32, #tpu.memory_space<hbm>>) target(%arg9 : memref<64x128xf32, #tpu.memory_space<vmem>>) offsets(%dma_start3A_99 : memref<64xi32, #tpu.memory_space<vmem>>) semaphore(%arg13 : memref<!tpu.dma_semaphore, #tpu.memory_space<semaphore_mem>>)
    %dma_start3A_103 = arith.constant 2 : i32
    %dma_start3A_104 = arith.constant 0 : i32
    %dma_start3A_105 = tpu.memref_slice %arg6[%dma_start3A_103, %dma_start3A_104] : memref<40x64xi32, #tpu.memory_space<vmem>> -> memref<1x64xi32, #tpu.memory_space<vmem>>
    %dma_start3A_106 = tpu.memref_squeeze %dma_start3A_105 : memref<1x64xi32, #tpu.memory_space<vmem>> -> memref<64xi32, #tpu.memory_space<vmem>>
    %dma_start3A_107 = arith.constant 0 : i32
    %dma_start3A_108 = arith.constant 0 : i32
    %dma_start3A_109 = tpu.memref_slice %arg2[%dma_start3A_107, %dma_start3A_108] : memref<10000x128xf32, #tpu.memory_space<hbm>> -> memref<10000x128xf32, #tpu.memory_space<hbm>>
    tpu.enqueue_indirect_dma source(%dma_start3A_109 : memref<10000x128xf32, #tpu.memory_space<hbm>>) target(%arg10 : memref<64x128xf32, #tpu.memory_space<vmem>>) offsets(%dma_start3A_106 : memref<64xi32, #tpu.memory_space<vmem>>) semaphore(%arg14 : memref<!tpu.dma_semaphore, #tpu.memory_space<semaphore_mem>>)
    %dma_start3A_110 = arith.constant 3 : i32
    %dma_start3A_111 = arith.constant 0 : i32
    %dma_start3A_112 = tpu.memref_slice %arg6[%dma_start3A_110, %dma_start3A_111] : memref<40x64xi32, #tpu.memory_space<vmem>> -> memref<1x64xi32, #tpu.memory_space<vmem>>
    %dma_start3A_113 = tpu.memref_squeeze %dma_start3A_112 : memref<1x64xi32, #tpu.memory_space<vmem>> -> memref<64xi32, #tpu.memory_space<vmem>>
    %dma_start3A_114 = arith.constant 0 : i32
    %dma_start3A_115 = arith.constant 0 : i32
    %dma_start3A_116 = tpu.memref_slice %arg2[%dma_start3A_114, %dma_start3A_115] : memref<10000x128xf32, #tpu.memory_space<hbm>> -> memref<10000x128xf32, #tpu.memory_space<hbm>>
    tpu.enqueue_indirect_dma source(%dma_start3A_116 : memref<10000x128xf32, #tpu.memory_space<hbm>>) target(%arg11 : memref<64x128xf32, #tpu.memory_space<vmem>>) offsets(%dma_start3A_113 : memref<64xi32, #tpu.memory_space<vmem>>) semaphore(%arg15 : memref<!tpu.dma_semaphore, #tpu.memory_space<semaphore_mem>>)
    %scan3A_117 = arith.constant 0 : i32
    %scan3A_118 = arith.constant 0 : i32
    %scan3A_119 = arith.constant 10 : i32
    %scan3A_120 = arith.addi %scan3A_118, %scan3A_119 : i32
    %scan3A_121 = arith.constant 1 : i32
    scf.for %scan3A_204 = %scan3A_118 to %scan3A_120 step %scan3A_121  : i32 {
      %mul3A_205 = arith.constant 4 : i32
      %mul3A_206 = arith.muli %scan3A_204, %mul3A_205 : i32
      %add3A_207 = arith.constant 0 : i32
      %add3A_208 = arith.addi %mul3A_206, %add3A_207 : i32
      %dma_wait3A = arith.constant 0 : i32
      %dma_wait3A_209 = tpu.memref_slice %arg6[%add3A_208, %dma_wait3A] : memref<40x64xi32, #tpu.memory_space<vmem>> -> memref<1x64xi32, #tpu.memory_space<vmem>>
      %dma_wait3A_210 = tpu.memref_squeeze %dma_wait3A_209 : memref<1x64xi32, #tpu.memory_space<vmem>> -> memref<64xi32, #tpu.memory_space<vmem>>
      %dma_wait3A_211 = arith.constant 0 : i32
      %dma_wait3A_212 = arith.constant 0 : i32
      %dma_wait3A_213 = tpu.memref_slice %arg2[%dma_wait3A_211, %dma_wait3A_212] : memref<10000x128xf32, #tpu.memory_space<hbm>> -> memref<10000x128xf32, #tpu.memory_space<hbm>>
      tpu.wait_indirect_dma semaphore(%arg12 : memref<!tpu.dma_semaphore, #tpu.memory_space<semaphore_mem>>) src(%dma_wait3A_213 : memref<10000x128xf32, #tpu.memory_space<hbm>>) dst(%arg8 : memref<64x128xf32, #tpu.memory_space<vmem>>)
      %add3A_214 = arith.constant 0 : i32
      %add3A_215 = arith.addi %mul3A_206, %add3A_214 : i32
      "tpu.region"() ({
        %run_scoped3A = tpu.sem_alloc : memref<!tpu.dma_semaphore, #tpu.memory_space<semaphore_mem>>
        %dma_start3A_279 = arith.constant 0 : i32
        %dma_start3A_280 = tpu.memref_slice %arg7[%add3A_215, %dma_start3A_279] : memref<40x64xi32, #tpu.memory_space<vmem>> -> memref<1x64xi32, #tpu.memory_space<vmem>>
        %dma_start3A_281 = tpu.memref_squeeze %dma_start3A_280 : memref<1x64xi32, #tpu.memory_space<vmem>> -> memref<64xi32, #tpu.memory_space<vmem>>
        %dma_start3A_282 = arith.constant 0 : i32
        %dma_start3A_283 = arith.constant 0 : i32
        %dma_start3A_284 = tpu.memref_slice %arg16[%dma_start3A_282, %dma_start3A_283] : memref<10240x128xf32, #tpu.memory_space<vmem_shared>> -> memref<10240x128xf32, #tpu.memory_space<vmem_shared>>
        tpu.enqueue_indirect_dma source(%arg8 : memref<64x128xf32, #tpu.memory_space<vmem>>) target(%dma_start3A_284 : memref<10240x128xf32, #tpu.memory_space<vmem_shared>>) offsets(%dma_start3A_281 : memref<64xi32, #tpu.memory_space<vmem>>) semaphore(%run_scoped3A : memref<!tpu.dma_semaphore, #tpu.memory_space<semaphore_mem>>) {add = true}
        %dma_wait3A_285 = arith.constant 0 : i32
        %dma_wait3A_286 = tpu.memref_slice %arg7[%add3A_215, %dma_wait3A_285] : memref<40x64xi32, #tpu.memory_space<vmem>> -> memref<1x64xi32, #tpu.memory_space<vmem>>
        %dma_wait3A_287 = tpu.memref_squeeze %dma_wait3A_286 : memref<1x64xi32, #tpu.memory_space<vmem>> -> memref<64xi32, #tpu.memory_space<vmem>>
        %dma_wait3A_288 = arith.constant 0 : i32
        %dma_wait3A_289 = arith.constant 0 : i32
        %dma_wait3A_290 = tpu.memref_slice %arg16[%dma_wait3A_288, %dma_wait3A_289] : memref<10240x128xf32, #tpu.memory_space<vmem_shared>> -> memref<10240x128xf32, #tpu.memory_space<vmem_shared>>
        tpu.wait_indirect_dma semaphore(%run_scoped3A : memref<!tpu.dma_semaphore, #tpu.memory_space<semaphore_mem>>) src(%arg8 : memref<64x128xf32, #tpu.memory_space<vmem>>) dst(%dma_wait3A_290 : memref<10240x128xf32, #tpu.memory_space<vmem_shared>>)
        tpu.yield
      }) : () -> ()
      %add3A_216 = arith.constant 0 : i32
      %add3A_217 = arith.addi %mul3A_206, %add3A_216 : i32
      %add3A_218 = arith.constant 4 : i32
      %add3A_219 = arith.addi %add3A_217, %add3A_218 : i32
      %lt3A = arith.constant 40 : i32
      %lt3A_220 = arith.cmpi slt, %add3A_219, %lt3A : i32
      %convert_element_type3A = arith.extui %lt3A_220 : i1 to i32
      %cond3A = arith.constant 0 : i32
      %cond3A_221 = arith.cmpi ne, %convert_element_type3A, %cond3A : i32
      scf.if %cond3A_221 {
        %add3A_279 = arith.constant 0 : i32
        %add3A_280 = arith.addi %mul3A_206, %add3A_279 : i32
        %add3A_281 = arith.constant 4 : i32
        %add3A_282 = arith.addi %add3A_280, %add3A_281 : i32
        %dma_start3A_283 = arith.constant 0 : i32
        %dma_start3A_284 = tpu.memref_slice %arg6[%add3A_282, %dma_start3A_283] : memref<40x64xi32, #tpu.memory_space<vmem>> -> memref<1x64xi32, #tpu.memory_space<vmem>>
        %dma_start3A_285 = tpu.memref_squeeze %dma_start3A_284 : memref<1x64xi32, #tpu.memory_space<vmem>> -> memref<64xi32, #tpu.memory_space<vmem>>
        %dma_start3A_286 = arith.constant 0 : i32
        %dma_start3A_287 = arith.constant 0 : i32
        %dma_start3A_288 = tpu.memref_slice %arg2[%dma_start3A_286, %dma_start3A_287] : memref<10000x128xf32, #tpu.memory_space<hbm>> -> memref<10000x128xf32, #tpu.memory_space<hbm>>
        tpu.enqueue_indirect_dma source(%dma_start3A_288 : memref<10000x128xf32, #tpu.memory_space<hbm>>) target(%arg8 : memref<64x128xf32, #tpu.memory_space<vmem>>) offsets(%dma_start3A_285 : memref<64xi32, #tpu.memory_space<vmem>>) semaphore(%arg12 : memref<!tpu.dma_semaphore, #tpu.memory_space<semaphore_mem>>)
      } else {
      }
      %add3A_222 = arith.constant 1 : i32
      %add3A_223 = arith.addi %mul3A_206, %add3A_222 : i32
      %dma_wait3A_224 = arith.constant 0 : i32
      %dma_wait3A_225 = tpu.memref_slice %arg6[%add3A_223, %dma_wait3A_224] : memref<40x64xi32, #tpu.memory_space<vmem>> -> memref<1x64xi32, #tpu.memory_space<vmem>>
      %dma_wait3A_226 = tpu.memref_squeeze %dma_wait3A_225 : memref<1x64xi32, #tpu.memory_space<vmem>> -> memref<64xi32, #tpu.memory_space<vmem>>
      %dma_wait3A_227 = arith.constant 0 : i32
      %dma_wait3A_228 = arith.constant 0 : i32
      %dma_wait3A_229 = tpu.memref_slice %arg2[%dma_wait3A_227, %dma_wait3A_228] : memref<10000x128xf32, #tpu.memory_space<hbm>> -> memref<10000x128xf32, #tpu.memory_space<hbm>>
      tpu.wait_indirect_dma semaphore(%arg13 : memref<!tpu.dma_semaphore, #tpu.memory_space<semaphore_mem>>) src(%dma_wait3A_229 : memref<10000x128xf32, #tpu.memory_space<hbm>>) dst(%arg9 : memref<64x128xf32, #tpu.memory_space<vmem>>)
      %add3A_230 = arith.constant 1 : i32
      %add3A_231 = arith.addi %mul3A_206, %add3A_230 : i32
      "tpu.region"() ({
        %run_scoped3A = tpu.sem_alloc : memref<!tpu.dma_semaphore, #tpu.memory_space<semaphore_mem>>
        %dma_start3A_279 = arith.constant 0 : i32
        %dma_start3A_280 = tpu.memref_slice %arg7[%add3A_231, %dma_start3A_279] : memref<40x64xi32, #tpu.memory_space<vmem>> -> memref<1x64xi32, #tpu.memory_space<vmem>>
        %dma_start3A_281 = tpu.memref_squeeze %dma_start3A_280 : memref<1x64xi32, #tpu.memory_space<vmem>> -> memref<64xi32, #tpu.memory_space<vmem>>
        %dma_start3A_282 = arith.constant 0 : i32
        %dma_start3A_283 = arith.constant 0 : i32
        %dma_start3A_284 = tpu.memref_slice %arg16[%dma_start3A_282, %dma_start3A_283] : memref<10240x128xf32, #tpu.memory_space<vmem_shared>> -> memref<10240x128xf32, #tpu.memory_space<vmem_shared>>
        tpu.enqueue_indirect_dma source(%arg9 : memref<64x128xf32, #tpu.memory_space<vmem>>) target(%dma_start3A_284 : memref<10240x128xf32, #tpu.memory_space<vmem_shared>>) offsets(%dma_start3A_281 : memref<64xi32, #tpu.memory_space<vmem>>) semaphore(%run_scoped3A : memref<!tpu.dma_semaphore, #tpu.memory_space<semaphore_mem>>) {add = true}
        %dma_wait3A_285 = arith.constant 0 : i32
        %dma_wait3A_286 = tpu.memref_slice %arg7[%add3A_231, %dma_wait3A_285] : memref<40x64xi32, #tpu.memory_space<vmem>> -> memref<1x64xi32, #tpu.memory_space<vmem>>
        %dma_wait3A_287 = tpu.memref_squeeze %dma_wait3A_286 : memref<1x64xi32, #tpu.memory_space<vmem>> -> memref<64xi32, #tpu.memory_space<vmem>>
        %dma_wait3A_288 = arith.constant 0 : i32
        %dma_wait3A_289 = arith.constant 0 : i32
        %dma_wait3A_290 = tpu.memref_slice %arg16[%dma_wait3A_288, %dma_wait3A_289] : memref<10240x128xf32, #tpu.memory_space<vmem_shared>> -> memref<10240x128xf32, #tpu.memory_space<vmem_shared>>
        tpu.wait_indirect_dma semaphore(%run_scoped3A : memref<!tpu.dma_semaphore, #tpu.memory_space<semaphore_mem>>) src(%arg9 : memref<64x128xf32, #tpu.memory_space<vmem>>) dst(%dma_wait3A_290 : memref<10240x128xf32, #tpu.memory_space<vmem_shared>>)
        tpu.yield
      }) : () -> ()
      %add3A_232 = arith.constant 1 : i32
      %add3A_233 = arith.addi %mul3A_206, %add3A_232 : i32
      %add3A_234 = arith.constant 4 : i32
      %add3A_235 = arith.addi %add3A_233, %add3A_234 : i32
      %lt3A_236 = arith.constant 40 : i32
      %lt3A_237 = arith.cmpi slt, %add3A_235, %lt3A_236 : i32
      %convert_element_type3A_238 = arith.extui %lt3A_237 : i1 to i32
      %cond3A_239 = arith.constant 0 : i32
      %cond3A_240 = arith.cmpi ne, %convert_element_type3A_238, %cond3A_239 : i32
      scf.if %cond3A_240 {
        %add3A_279 = arith.constant 1 : i32
        %add3A_280 = arith.addi %mul3A_206, %add3A_279 : i32
        %add3A_281 = arith.constant 4 : i32
        %add3A_282 = arith.addi %add3A_280, %add3A_281 : i32
        %dma_start3A_283 = arith.constant 0 : i32
        %dma_start3A_284 = tpu.memref_slice %arg6[%add3A_282, %dma_start3A_283] : memref<40x64xi32, #tpu.memory_space<vmem>> -> memref<1x64xi32, #tpu.memory_space<vmem>>
        %dma_start3A_285 = tpu.memref_squeeze %dma_start3A_284 : memref<1x64xi32, #tpu.memory_space<vmem>> -> memref<64xi32, #tpu.memory_space<vmem>>
        %dma_start3A_286 = arith.constant 0 : i32
        %dma_start3A_287 = arith.constant 0 : i32
        %dma_start3A_288 = tpu.memref_slice %arg2[%dma_start3A_286, %dma_start3A_287] : memref<10000x128xf32, #tpu.memory_space<hbm>> -> memref<10000x128xf32, #tpu.memory_space<hbm>>
        tpu.enqueue_indirect_dma source(%dma_start3A_288 : memref<10000x128xf32, #tpu.memory_space<hbm>>) target(%arg9 : memref<64x128xf32, #tpu.memory_space<vmem>>) offsets(%dma_start3A_285 : memref<64xi32, #tpu.memory_space<vmem>>) semaphore(%arg13 : memref<!tpu.dma_semaphore, #tpu.memory_space<semaphore_mem>>)
      } else {
      }
      %add3A_241 = arith.constant 2 : i32
      %add3A_242 = arith.addi %mul3A_206, %add3A_241 : i32
      %dma_wait3A_243 = arith.constant 0 : i32
      %dma_wait3A_244 = tpu.memref_slice %arg6[%add3A_242, %dma_wait3A_243] : memref<40x64xi32, #tpu.memory_space<vmem>> -> memref<1x64xi32, #tpu.memory_space<vmem>>
      %dma_wait3A_245 = tpu.memref_squeeze %dma_wait3A_244 : memref<1x64xi32, #tpu.memory_space<vmem>> -> memref<64xi32, #tpu.memory_space<vmem>>
      %dma_wait3A_246 = arith.constant 0 : i32
      %dma_wait3A_247 = arith.constant 0 : i32
      %dma_wait3A_248 = tpu.memref_slice %arg2[%dma_wait3A_246, %dma_wait3A_247] : memref<10000x128xf32, #tpu.memory_space<hbm>> -> memref<10000x128xf32, #tpu.memory_space<hbm>>
      tpu.wait_indirect_dma semaphore(%arg14 : memref<!tpu.dma_semaphore, #tpu.memory_space<semaphore_mem>>) src(%dma_wait3A_248 : memref<10000x128xf32, #tpu.memory_space<hbm>>) dst(%arg10 : memref<64x128xf32, #tpu.memory_space<vmem>>)
      %add3A_249 = arith.constant 2 : i32
      %add3A_250 = arith.addi %mul3A_206, %add3A_249 : i32
      "tpu.region"() ({
        %run_scoped3A = tpu.sem_alloc : memref<!tpu.dma_semaphore, #tpu.memory_space<semaphore_mem>>
        %dma_start3A_279 = arith.constant 0 : i32
        %dma_start3A_280 = tpu.memref_slice %arg7[%add3A_250, %dma_start3A_279] : memref<40x64xi32, #tpu.memory_space<vmem>> -> memref<1x64xi32, #tpu.memory_space<vmem>>
        %dma_start3A_281 = tpu.memref_squeeze %dma_start3A_280 : memref<1x64xi32, #tpu.memory_space<vmem>> -> memref<64xi32, #tpu.memory_space<vmem>>
        %dma_start3A_282 = arith.constant 0 : i32
        %dma_start3A_283 = arith.constant 0 : i32
        %dma_start3A_284 = tpu.memref_slice %arg16[%dma_start3A_282, %dma_start3A_283] : memref<10240x128xf32, #tpu.memory_space<vmem_shared>> -> memref<10240x128xf32, #tpu.memory_space<vmem_shared>>
        tpu.enqueue_indirect_dma source(%arg10 : memref<64x128xf32, #tpu.memory_space<vmem>>) target(%dma_start3A_284 : memref<10240x128xf32, #tpu.memory_space<vmem_shared>>) offsets(%dma_start3A_281 : memref<64xi32, #tpu.memory_space<vmem>>) semaphore(%run_scoped3A : memref<!tpu.dma_semaphore, #tpu.memory_space<semaphore_mem>>) {add = true}
        %dma_wait3A_285 = arith.constant 0 : i32
        %dma_wait3A_286 = tpu.memref_slice %arg7[%add3A_250, %dma_wait3A_285] : memref<40x64xi32, #tpu.memory_space<vmem>> -> memref<1x64xi32, #tpu.memory_space<vmem>>
        %dma_wait3A_287 = tpu.memref_squeeze %dma_wait3A_286 : memref<1x64xi32, #tpu.memory_space<vmem>> -> memref<64xi32, #tpu.memory_space<vmem>>
        %dma_wait3A_288 = arith.constant 0 : i32
        %dma_wait3A_289 = arith.constant 0 : i32
        %dma_wait3A_290 = tpu.memref_slice %arg16[%dma_wait3A_288, %dma_wait3A_289] : memref<10240x128xf32, #tpu.memory_space<vmem_shared>> -> memref<10240x128xf32, #tpu.memory_space<vmem_shared>>
        tpu.wait_indirect_dma semaphore(%run_scoped3A : memref<!tpu.dma_semaphore, #tpu.memory_space<semaphore_mem>>) src(%arg10 : memref<64x128xf32, #tpu.memory_space<vmem>>) dst(%dma_wait3A_290 : memref<10240x128xf32, #tpu.memory_space<vmem_shared>>)
        tpu.yield
      }) : () -> ()
      %add3A_251 = arith.constant 2 : i32
      %add3A_252 = arith.addi %mul3A_206, %add3A_251 : i32
      %add3A_253 = arith.constant 4 : i32
      %add3A_254 = arith.addi %add3A_252, %add3A_253 : i32
      %lt3A_255 = arith.constant 40 : i32
      %lt3A_256 = arith.cmpi slt, %add3A_254, %lt3A_255 : i32
      %convert_element_type3A_257 = arith.extui %lt3A_256 : i1 to i32
      %cond3A_258 = arith.constant 0 : i32
      %cond3A_259 = arith.cmpi ne, %convert_element_type3A_257, %cond3A_258 : i32
      scf.if %cond3A_259 {
        %add3A_279 = arith.constant 2 : i32
        %add3A_280 = arith.addi %mul3A_206, %add3A_279 : i32
        %add3A_281 = arith.constant 4 : i32
        %add3A_282 = arith.addi %add3A_280, %add3A_281 : i32
        %dma_start3A_283 = arith.constant 0 : i32
        %dma_start3A_284 = tpu.memref_slice %arg6[%add3A_282, %dma_start3A_283] : memref<40x64xi32, #tpu.memory_space<vmem>> -> memref<1x64xi32, #tpu.memory_space<vmem>>
        %dma_start3A_285 = tpu.memref_squeeze %dma_start3A_284 : memref<1x64xi32, #tpu.memory_space<vmem>> -> memref<64xi32, #tpu.memory_space<vmem>>
        %dma_start3A_286 = arith.constant 0 : i32
        %dma_start3A_287 = arith.constant 0 : i32
        %dma_start3A_288 = tpu.memref_slice %arg2[%dma_start3A_286, %dma_start3A_287] : memref<10000x128xf32, #tpu.memory_space<hbm>> -> memref<10000x128xf32, #tpu.memory_space<hbm>>
        tpu.enqueue_indirect_dma source(%dma_start3A_288 : memref<10000x128xf32, #tpu.memory_space<hbm>>) target(%arg10 : memref<64x128xf32, #tpu.memory_space<vmem>>) offsets(%dma_start3A_285 : memref<64xi32, #tpu.memory_space<vmem>>) semaphore(%arg14 : memref<!tpu.dma_semaphore, #tpu.memory_space<semaphore_mem>>)
      } else {
      }
      %add3A_260 = arith.constant 3 : i32
      %add3A_261 = arith.addi %mul3A_206, %add3A_260 : i32
      %dma_wait3A_262 = arith.constant 0 : i32
      %dma_wait3A_263 = tpu.memref_slice %arg6[%add3A_261, %dma_wait3A_262] : memref<40x64xi32, #tpu.memory_space<vmem>> -> memref<1x64xi32, #tpu.memory_space<vmem>>
      %dma_wait3A_264 = tpu.memref_squeeze %dma_wait3A_263 : memref<1x64xi32, #tpu.memory_space<vmem>> -> memref<64xi32, #tpu.memory_space<vmem>>
      %dma_wait3A_265 = arith.constant 0 : i32
      %dma_wait3A_266 = arith.constant 0 : i32
      %dma_wait3A_267 = tpu.memref_slice %arg2[%dma_wait3A_265, %dma_wait3A_266] : memref<10000x128xf32, #tpu.memory_space<hbm>> -> memref<10000x128xf32, #tpu.memory_space<hbm>>
      tpu.wait_indirect_dma semaphore(%arg15 : memref<!tpu.dma_semaphore, #tpu.memory_space<semaphore_mem>>) src(%dma_wait3A_267 : memref<10000x128xf32, #tpu.memory_space<hbm>>) dst(%arg11 : memref<64x128xf32, #tpu.memory_space<vmem>>)
      %add3A_268 = arith.constant 3 : i32
      %add3A_269 = arith.addi %mul3A_206, %add3A_268 : i32
      "tpu.region"() ({
        %run_scoped3A = tpu.sem_alloc : memref<!tpu.dma_semaphore, #tpu.memory_space<semaphore_mem>>
        %dma_start3A_279 = arith.constant 0 : i32
        %dma_start3A_280 = tpu.memref_slice %arg7[%add3A_269, %dma_start3A_279] : memref<40x64xi32, #tpu.memory_space<vmem>> -> memref<1x64xi32, #tpu.memory_space<vmem>>
        %dma_start3A_281 = tpu.memref_squeeze %dma_start3A_280 : memref<1x64xi32, #tpu.memory_space<vmem>> -> memref<64xi32, #tpu.memory_space<vmem>>
        %dma_start3A_282 = arith.constant 0 : i32
        %dma_start3A_283 = arith.constant 0 : i32
        %dma_start3A_284 = tpu.memref_slice %arg16[%dma_start3A_282, %dma_start3A_283] : memref<10240x128xf32, #tpu.memory_space<vmem_shared>> -> memref<10240x128xf32, #tpu.memory_space<vmem_shared>>
        tpu.enqueue_indirect_dma source(%arg11 : memref<64x128xf32, #tpu.memory_space<vmem>>) target(%dma_start3A_284 : memref<10240x128xf32, #tpu.memory_space<vmem_shared>>) offsets(%dma_start3A_281 : memref<64xi32, #tpu.memory_space<vmem>>) semaphore(%run_scoped3A : memref<!tpu.dma_semaphore, #tpu.memory_space<semaphore_mem>>) {add = true}
        %dma_wait3A_285 = arith.constant 0 : i32
        %dma_wait3A_286 = tpu.memref_slice %arg7[%add3A_269, %dma_wait3A_285] : memref<40x64xi32, #tpu.memory_space<vmem>> -> memref<1x64xi32, #tpu.memory_space<vmem>>
        %dma_wait3A_287 = tpu.memref_squeeze %dma_wait3A_286 : memref<1x64xi32, #tpu.memory_space<vmem>> -> memref<64xi32, #tpu.memory_space<vmem>>
        %dma_wait3A_288 = arith.constant 0 : i32
        %dma_wait3A_289 = arith.constant 0 : i32
        %dma_wait3A_290 = tpu.memref_slice %arg16[%dma_wait3A_288, %dma_wait3A_289] : memref<10240x128xf32, #tpu.memory_space<vmem_shared>> -> memref<10240x128xf32, #tpu.memory_space<vmem_shared>>
        tpu.wait_indirect_dma semaphore(%run_scoped3A : memref<!tpu.dma_semaphore, #tpu.memory_space<semaphore_mem>>) src(%arg11 : memref<64x128xf32, #tpu.memory_space<vmem>>) dst(%dma_wait3A_290 : memref<10240x128xf32, #tpu.memory_space<vmem_shared>>)
        tpu.yield
      }) : () -> ()
      %add3A_270 = arith.constant 3 : i32
      %add3A_271 = arith.addi %mul3A_206, %add3A_270 : i32
      %add3A_272 = arith.constant 4 : i32
      %add3A_273 = arith.addi %add3A_271, %add3A_272 : i32
      %lt3A_274 = arith.constant 40 : i32
      %lt3A_275 = arith.cmpi slt, %add3A_273, %lt3A_274 : i32
      %convert_element_type3A_276 = arith.extui %lt3A_275 : i1 to i32
      %cond3A_277 = arith.constant 0 : i32
      %cond3A_278 = arith.cmpi ne, %convert_element_type3A_276, %cond3A_277 : i32
      scf.if %cond3A_278 {
        %add3A_279 = arith.constant 3 : i32
        %add3A_280 = arith.addi %mul3A_206, %add3A_279 : i32
        %add3A_281 = arith.constant 4 : i32
        %add3A_282 = arith.addi %add3A_280, %add3A_281 : i32
        %dma_start3A_283 = arith.constant 0 : i32
        %dma_start3A_284 = tpu.memref_slice %arg6[%add3A_282, %dma_start3A_283] : memref<40x64xi32, #tpu.memory_space<vmem>> -> memref<1x64xi32, #tpu.memory_space<vmem>>
        %dma_start3A_285 = tpu.memref_squeeze %dma_start3A_284 : memref<1x64xi32, #tpu.memory_space<vmem>> -> memref<64xi32, #tpu.memory_space<vmem>>
        %dma_start3A_286 = arith.constant 0 : i32
        %dma_start3A_287 = arith.constant 0 : i32
        %dma_start3A_288 = tpu.memref_slice %arg2[%dma_start3A_286, %dma_start3A_287] : memref<10000x128xf32, #tpu.memory_space<hbm>> -> memref<10000x128xf32, #tpu.memory_space<hbm>>
        tpu.enqueue_indirect_dma source(%dma_start3A_288 : memref<10000x128xf32, #tpu.memory_space<hbm>>) target(%arg11 : memref<64x128xf32, #tpu.memory_space<vmem>>) offsets(%dma_start3A_285 : memref<64xi32, #tpu.memory_space<vmem>>) semaphore(%arg15 : memref<!tpu.dma_semaphore, #tpu.memory_space<semaphore_mem>>)
      } else {
      }
    }
    %scan3A_122 = arith.constant 10 : i32
    %add3A_123 = arith.constant 80 : i32
    %add3A_124 = arith.addi %mul3A_2, %add3A_123 : i32
    "tpu.region"() ({
      %run_scoped3A = tpu.sem_alloc : memref<!tpu.dma_semaphore, #tpu.memory_space<semaphore_mem>>
      %dma_start3A_204 = arith.constant 0 : i32
      %dma_start3A_205 = tpu.memref_slice %arg3[%add3A_124, %dma_start3A_204] : memref<5120x64xi32, #tpu.memory_space<hbm>> -> memref<40x64xi32, #tpu.memory_space<hbm>>
      %dma_start3A_206 = arith.constant 0 : i32
      %dma_start3A_207 = tpu.memref_slice %arg3[%add3A_124, %dma_start3A_206] : memref<5120x64xi32, #tpu.memory_space<hbm>> -> memref<40x64xi32, #tpu.memory_space<hbm>>
      tpu.enqueue_dma source(%dma_start3A_207 : memref<40x64xi32, #tpu.memory_space<hbm>>) target(%arg6 : memref<40x64xi32, #tpu.memory_space<vmem>>) target_semaphore(%run_scoped3A : memref<!tpu.dma_semaphore, #tpu.memory_space<semaphore_mem>>)
      %dma_wait3A = arith.constant 0 : i32
      %dma_wait3A_208 = tpu.memref_slice %arg3[%add3A_124, %dma_wait3A] : memref<5120x64xi32, #tpu.memory_space<hbm>> -> memref<40x64xi32, #tpu.memory_space<hbm>>
      %dma_wait3A_209 = arith.constant 0 : i32
      %dma_wait3A_210 = tpu.memref_slice %arg3[%add3A_124, %dma_wait3A_209] : memref<5120x64xi32, #tpu.memory_space<hbm>> -> memref<40x64xi32, #tpu.memory_space<hbm>>
      tpu.wait_dma2 semaphore(%run_scoped3A : memref<!tpu.dma_semaphore, #tpu.memory_space<semaphore_mem>>) src(%dma_wait3A_210 : memref<40x64xi32, #tpu.memory_space<hbm>>) dst(%arg6 : memref<40x64xi32, #tpu.memory_space<vmem>>)
      tpu.yield
    }) : () -> ()
    %add3A_125 = arith.constant 80 : i32
    %add3A_126 = arith.addi %mul3A_2, %add3A_125 : i32
    "tpu.region"() ({
      %run_scoped3A = tpu.sem_alloc : memref<!tpu.dma_semaphore, #tpu.memory_space<semaphore_mem>>
      %dma_start3A_204 = arith.constant 0 : i32
      %dma_start3A_205 = tpu.memref_slice %arg4[%add3A_126, %dma_start3A_204] : memref<5120x64xi32, #tpu.memory_space<hbm>> -> memref<40x64xi32, #tpu.memory_space<hbm>>
      %dma_start3A_206 = arith.constant 0 : i32
      %dma_start3A_207 = tpu.memref_slice %arg4[%add3A_126, %dma_start3A_206] : memref<5120x64xi32, #tpu.memory_space<hbm>> -> memref<40x64xi32, #tpu.memory_space<hbm>>
      tpu.enqueue_dma source(%dma_start3A_207 : memref<40x64xi32, #tpu.memory_space<hbm>>) target(%arg7 : memref<40x64xi32, #tpu.memory_space<vmem>>) target_semaphore(%run_scoped3A : memref<!tpu.dma_semaphore, #tpu.memory_space<semaphore_mem>>)
      %dma_wait3A = arith.constant 0 : i32
      %dma_wait3A_208 = tpu.memref_slice %arg4[%add3A_126, %dma_wait3A] : memref<5120x64xi32, #tpu.memory_space<hbm>> -> memref<40x64xi32, #tpu.memory_space<hbm>>
      %dma_wait3A_209 = arith.constant 0 : i32
      %dma_wait3A_210 = tpu.memref_slice %arg4[%add3A_126, %dma_wait3A_209] : memref<5120x64xi32, #tpu.memory_space<hbm>> -> memref<40x64xi32, #tpu.memory_space<hbm>>
      tpu.wait_dma2 semaphore(%run_scoped3A : memref<!tpu.dma_semaphore, #tpu.memory_space<semaphore_mem>>) src(%dma_wait3A_210 : memref<40x64xi32, #tpu.memory_space<hbm>>) dst(%arg7 : memref<40x64xi32, #tpu.memory_space<vmem>>)
      tpu.yield
    }) : () -> ()
    %dma_start3A_127 = arith.constant 0 : i32
    %dma_start3A_128 = arith.constant 0 : i32
    %dma_start3A_129 = tpu.memref_slice %arg6[%dma_start3A_127, %dma_start3A_128] : memref<40x64xi32, #tpu.memory_space<vmem>> -> memref<1x64xi32, #tpu.memory_space<vmem>>
    %dma_start3A_130 = tpu.memref_squeeze %dma_start3A_129 : memref<1x64xi32, #tpu.memory_space<vmem>> -> memref<64xi32, #tpu.memory_space<vmem>>
    %dma_start3A_131 = arith.constant 0 : i32
    %dma_start3A_132 = arith.constant 0 : i32
    %dma_start3A_133 = tpu.memref_slice %arg2[%dma_start3A_131, %dma_start3A_132] : memref<10000x128xf32, #tpu.memory_space<hbm>> -> memref<10000x128xf32, #tpu.memory_space<hbm>>
    tpu.enqueue_indirect_dma source(%dma_start3A_133 : memref<10000x128xf32, #tpu.memory_space<hbm>>) target(%arg8 : memref<64x128xf32, #tpu.memory_space<vmem>>) offsets(%dma_start3A_130 : memref<64xi32, #tpu.memory_space<vmem>>) semaphore(%arg12 : memref<!tpu.dma_semaphore, #tpu.memory_space<semaphore_mem>>)
    %dma_start3A_134 = arith.constant 1 : i32
    %dma_start3A_135 = arith.constant 0 : i32
    %dma_start3A_136 = tpu.memref_slice %arg6[%dma_start3A_134, %dma_start3A_135] : memref<40x64xi32, #tpu.memory_space<vmem>> -> memref<1x64xi32, #tpu.memory_space<vmem>>
    %dma_start3A_137 = tpu.memref_squeeze %dma_start3A_136 : memref<1x64xi32, #tpu.memory_space<vmem>> -> memref<64xi32, #tpu.memory_space<vmem>>
    %dma_start3A_138 = arith.constant 0 : i32
    %dma_start3A_139 = arith.constant 0 : i32
    %dma_start3A_140 = tpu.memref_slice %arg2[%dma_start3A_138, %dma_start3A_139] : memref<10000x128xf32, #tpu.memory_space<hbm>> -> memref<10000x128xf32, #tpu.memory_space<hbm>>
    tpu.enqueue_indirect_dma source(%dma_start3A_140 : memref<10000x128xf32, #tpu.memory_space<hbm>>) target(%arg9 : memref<64x128xf32, #tpu.memory_space<vmem>>) offsets(%dma_start3A_137 : memref<64xi32, #tpu.memory_space<vmem>>) semaphore(%arg13 : memref<!tpu.dma_semaphore, #tpu.memory_space<semaphore_mem>>)
    %dma_start3A_141 = arith.constant 2 : i32
    %dma_start3A_142 = arith.constant 0 : i32
    %dma_start3A_143 = tpu.memref_slice %arg6[%dma_start3A_141, %dma_start3A_142] : memref<40x64xi32, #tpu.memory_space<vmem>> -> memref<1x64xi32, #tpu.memory_space<vmem>>
    %dma_start3A_144 = tpu.memref_squeeze %dma_start3A_143 : memref<1x64xi32, #tpu.memory_space<vmem>> -> memref<64xi32, #tpu.memory_space<vmem>>
    %dma_start3A_145 = arith.constant 0 : i32
    %dma_start3A_146 = arith.constant 0 : i32
    %dma_start3A_147 = tpu.memref_slice %arg2[%dma_start3A_145, %dma_start3A_146] : memref<10000x128xf32, #tpu.memory_space<hbm>> -> memref<10000x128xf32, #tpu.memory_space<hbm>>
    tpu.enqueue_indirect_dma source(%dma_start3A_147 : memref<10000x128xf32, #tpu.memory_space<hbm>>) target(%arg10 : memref<64x128xf32, #tpu.memory_space<vmem>>) offsets(%dma_start3A_144 : memref<64xi32, #tpu.memory_space<vmem>>) semaphore(%arg14 : memref<!tpu.dma_semaphore, #tpu.memory_space<semaphore_mem>>)
    %dma_start3A_148 = arith.constant 3 : i32
    %dma_start3A_149 = arith.constant 0 : i32
    %dma_start3A_150 = tpu.memref_slice %arg6[%dma_start3A_148, %dma_start3A_149] : memref<40x64xi32, #tpu.memory_space<vmem>> -> memref<1x64xi32, #tpu.memory_space<vmem>>
    %dma_start3A_151 = tpu.memref_squeeze %dma_start3A_150 : memref<1x64xi32, #tpu.memory_space<vmem>> -> memref<64xi32, #tpu.memory_space<vmem>>
    %dma_start3A_152 = arith.constant 0 : i32
    %dma_start3A_153 = arith.constant 0 : i32
    %dma_start3A_154 = tpu.memref_slice %arg2[%dma_start3A_152, %dma_start3A_153] : memref<10000x128xf32, #tpu.memory_space<hbm>> -> memref<10000x128xf32, #tpu.memory_space<hbm>>
    tpu.enqueue_indirect_dma source(%dma_start3A_154 : memref<10000x128xf32, #tpu.memory_space<hbm>>) target(%arg11 : memref<64x128xf32, #tpu.memory_space<vmem>>) offsets(%dma_start3A_151 : memref<64xi32, #tpu.memory_space<vmem>>) semaphore(%arg15 : memref<!tpu.dma_semaphore, #tpu.memory_space<semaphore_mem>>)
    %scan3A_155 = arith.constant 0 : i32
    %scan3A_156 = arith.constant 0 : i32
    %scan3A_157 = arith.constant 10 : i32
    %scan3A_158 = arith.addi %scan3A_156, %scan3A_157 : i32
    %scan3A_159 = arith.constant 1 : i32
    scf.for %scan3A_204 = %scan3A_156 to %scan3A_158 step %scan3A_159  : i32 {
      %mul3A_205 = arith.constant 4 : i32
      %mul3A_206 = arith.muli %scan3A_204, %mul3A_205 : i32
      %add3A_207 = arith.constant 0 : i32
      %add3A_208 = arith.addi %mul3A_206, %add3A_207 : i32
      %dma_wait3A = arith.constant 0 : i32
      %dma_wait3A_209 = tpu.memref_slice %arg6[%add3A_208, %dma_wait3A] : memref<40x64xi32, #tpu.memory_space<vmem>> -> memref<1x64xi32, #tpu.memory_space<vmem>>
      %dma_wait3A_210 = tpu.memref_squeeze %dma_wait3A_209 : memref<1x64xi32, #tpu.memory_space<vmem>> -> memref<64xi32, #tpu.memory_space<vmem>>
      %dma_wait3A_211 = arith.constant 0 : i32
      %dma_wait3A_212 = arith.constant 0 : i32
      %dma_wait3A_213 = tpu.memref_slice %arg2[%dma_wait3A_211, %dma_wait3A_212] : memref<10000x128xf32, #tpu.memory_space<hbm>> -> memref<10000x128xf32, #tpu.memory_space<hbm>>
      tpu.wait_indirect_dma semaphore(%arg12 : memref<!tpu.dma_semaphore, #tpu.memory_space<semaphore_mem>>) src(%dma_wait3A_213 : memref<10000x128xf32, #tpu.memory_space<hbm>>) dst(%arg8 : memref<64x128xf32, #tpu.memory_space<vmem>>)
      %add3A_214 = arith.constant 0 : i32
      %add3A_215 = arith.addi %mul3A_206, %add3A_214 : i32
      "tpu.region"() ({
        %run_scoped3A = tpu.sem_alloc : memref<!tpu.dma_semaphore, #tpu.memory_space<semaphore_mem>>
        %dma_start3A_279 = arith.constant 0 : i32
        %dma_start3A_280 = tpu.memref_slice %arg7[%add3A_215, %dma_start3A_279] : memref<40x64xi32, #tpu.memory_space<vmem>> -> memref<1x64xi32, #tpu.memory_space<vmem>>
        %dma_start3A_281 = tpu.memref_squeeze %dma_start3A_280 : memref<1x64xi32, #tpu.memory_space<vmem>> -> memref<64xi32, #tpu.memory_space<vmem>>
        %dma_start3A_282 = arith.constant 0 : i32
        %dma_start3A_283 = arith.constant 0 : i32
        %dma_start3A_284 = tpu.memref_slice %arg16[%dma_start3A_282, %dma_start3A_283] : memref<10240x128xf32, #tpu.memory_space<vmem_shared>> -> memref<10240x128xf32, #tpu.memory_space<vmem_shared>>
        tpu.enqueue_indirect_dma source(%arg8 : memref<64x128xf32, #tpu.memory_space<vmem>>) target(%dma_start3A_284 : memref<10240x128xf32, #tpu.memory_space<vmem_shared>>) offsets(%dma_start3A_281 : memref<64xi32, #tpu.memory_space<vmem>>) semaphore(%run_scoped3A : memref<!tpu.dma_semaphore, #tpu.memory_space<semaphore_mem>>) {add = true}
        %dma_wait3A_285 = arith.constant 0 : i32
        %dma_wait3A_286 = tpu.memref_slice %arg7[%add3A_215, %dma_wait3A_285] : memref<40x64xi32, #tpu.memory_space<vmem>> -> memref<1x64xi32, #tpu.memory_space<vmem>>
        %dma_wait3A_287 = tpu.memref_squeeze %dma_wait3A_286 : memref<1x64xi32, #tpu.memory_space<vmem>> -> memref<64xi32, #tpu.memory_space<vmem>>
        %dma_wait3A_288 = arith.constant 0 : i32
        %dma_wait3A_289 = arith.constant 0 : i32
        %dma_wait3A_290 = tpu.memref_slice %arg16[%dma_wait3A_288, %dma_wait3A_289] : memref<10240x128xf32, #tpu.memory_space<vmem_shared>> -> memref<10240x128xf32, #tpu.memory_space<vmem_shared>>
        tpu.wait_indirect_dma semaphore(%run_scoped3A : memref<!tpu.dma_semaphore, #tpu.memory_space<semaphore_mem>>) src(%arg8 : memref<64x128xf32, #tpu.memory_space<vmem>>) dst(%dma_wait3A_290 : memref<10240x128xf32, #tpu.memory_space<vmem_shared>>)
        tpu.yield
      }) : () -> ()
      %add3A_216 = arith.constant 0 : i32
      %add3A_217 = arith.addi %mul3A_206, %add3A_216 : i32
      %add3A_218 = arith.constant 4 : i32
      %add3A_219 = arith.addi %add3A_217, %add3A_218 : i32
      %lt3A = arith.constant 40 : i32
      %lt3A_220 = arith.cmpi slt, %add3A_219, %lt3A : i32
      %convert_element_type3A = arith.extui %lt3A_220 : i1 to i32
      %cond3A = arith.constant 0 : i32
      %cond3A_221 = arith.cmpi ne, %convert_element_type3A, %cond3A : i32
      scf.if %cond3A_221 {
        %add3A_279 = arith.constant 0 : i32
        %add3A_280 = arith.addi %mul3A_206, %add3A_279 : i32
        %add3A_281 = arith.constant 4 : i32
        %add3A_282 = arith.addi %add3A_280, %add3A_281 : i32
        %dma_start3A_283 = arith.constant 0 : i32
        %dma_start3A_284 = tpu.memref_slice %arg6[%add3A_282, %dma_start3A_283] : memref<40x64xi32, #tpu.memory_space<vmem>> -> memref<1x64xi32, #tpu.memory_space<vmem>>
        %dma_start3A_285 = tpu.memref_squeeze %dma_start3A_284 : memref<1x64xi32, #tpu.memory_space<vmem>> -> memref<64xi32, #tpu.memory_space<vmem>>
        %dma_start3A_286 = arith.constant 0 : i32
        %dma_start3A_287 = arith.constant 0 : i32
        %dma_start3A_288 = tpu.memref_slice %arg2[%dma_start3A_286, %dma_start3A_287] : memref<10000x128xf32, #tpu.memory_space<hbm>> -> memref<10000x128xf32, #tpu.memory_space<hbm>>
        tpu.enqueue_indirect_dma source(%dma_start3A_288 : memref<10000x128xf32, #tpu.memory_space<hbm>>) target(%arg8 : memref<64x128xf32, #tpu.memory_space<vmem>>) offsets(%dma_start3A_285 : memref<64xi32, #tpu.memory_space<vmem>>) semaphore(%arg12 : memref<!tpu.dma_semaphore, #tpu.memory_space<semaphore_mem>>)
      } else {
      }
      %add3A_222 = arith.constant 1 : i32
      %add3A_223 = arith.addi %mul3A_206, %add3A_222 : i32
      %dma_wait3A_224 = arith.constant 0 : i32
      %dma_wait3A_225 = tpu.memref_slice %arg6[%add3A_223, %dma_wait3A_224] : memref<40x64xi32, #tpu.memory_space<vmem>> -> memref<1x64xi32, #tpu.memory_space<vmem>>
      %dma_wait3A_226 = tpu.memref_squeeze %dma_wait3A_225 : memref<1x64xi32, #tpu.memory_space<vmem>> -> memref<64xi32, #tpu.memory_space<vmem>>
      %dma_wait3A_227 = arith.constant 0 : i32
      %dma_wait3A_228 = arith.constant 0 : i32
      %dma_wait3A_229 = tpu.memref_slice %arg2[%dma_wait3A_227, %dma_wait3A_228] : memref<10000x128xf32, #tpu.memory_space<hbm>> -> memref<10000x128xf32, #tpu.memory_space<hbm>>
      tpu.wait_indirect_dma semaphore(%arg13 : memref<!tpu.dma_semaphore, #tpu.memory_space<semaphore_mem>>) src(%dma_wait3A_229 : memref<10000x128xf32, #tpu.memory_space<hbm>>) dst(%arg9 : memref<64x128xf32, #tpu.memory_space<vmem>>)
      %add3A_230 = arith.constant 1 : i32
      %add3A_231 = arith.addi %mul3A_206, %add3A_230 : i32
      "tpu.region"() ({
        %run_scoped3A = tpu.sem_alloc : memref<!tpu.dma_semaphore, #tpu.memory_space<semaphore_mem>>
        %dma_start3A_279 = arith.constant 0 : i32
        %dma_start3A_280 = tpu.memref_slice %arg7[%add3A_231, %dma_start3A_279] : memref<40x64xi32, #tpu.memory_space<vmem>> -> memref<1x64xi32, #tpu.memory_space<vmem>>
        %dma_start3A_281 = tpu.memref_squeeze %dma_start3A_280 : memref<1x64xi32, #tpu.memory_space<vmem>> -> memref<64xi32, #tpu.memory_space<vmem>>
        %dma_start3A_282 = arith.constant 0 : i32
        %dma_start3A_283 = arith.constant 0 : i32
        %dma_start3A_284 = tpu.memref_slice %arg16[%dma_start3A_282, %dma_start3A_283] : memref<10240x128xf32, #tpu.memory_space<vmem_shared>> -> memref<10240x128xf32, #tpu.memory_space<vmem_shared>>
        tpu.enqueue_indirect_dma source(%arg9 : memref<64x128xf32, #tpu.memory_space<vmem>>) target(%dma_start3A_284 : memref<10240x128xf32, #tpu.memory_space<vmem_shared>>) offsets(%dma_start3A_281 : memref<64xi32, #tpu.memory_space<vmem>>) semaphore(%run_scoped3A : memref<!tpu.dma_semaphore, #tpu.memory_space<semaphore_mem>>) {add = true}
        %dma_wait3A_285 = arith.constant 0 : i32
        %dma_wait3A_286 = tpu.memref_slice %arg7[%add3A_231, %dma_wait3A_285] : memref<40x64xi32, #tpu.memory_space<vmem>> -> memref<1x64xi32, #tpu.memory_space<vmem>>
        %dma_wait3A_287 = tpu.memref_squeeze %dma_wait3A_286 : memref<1x64xi32, #tpu.memory_space<vmem>> -> memref<64xi32, #tpu.memory_space<vmem>>
        %dma_wait3A_288 = arith.constant 0 : i32
        %dma_wait3A_289 = arith.constant 0 : i32
        %dma_wait3A_290 = tpu.memref_slice %arg16[%dma_wait3A_288, %dma_wait3A_289] : memref<10240x128xf32, #tpu.memory_space<vmem_shared>> -> memref<10240x128xf32, #tpu.memory_space<vmem_shared>>
        tpu.wait_indirect_dma semaphore(%run_scoped3A : memref<!tpu.dma_semaphore, #tpu.memory_space<semaphore_mem>>) src(%arg9 : memref<64x128xf32, #tpu.memory_space<vmem>>) dst(%dma_wait3A_290 : memref<10240x128xf32, #tpu.memory_space<vmem_shared>>)
        tpu.yield
      }) : () -> ()
      %add3A_232 = arith.constant 1 : i32
      %add3A_233 = arith.addi %mul3A_206, %add3A_232 : i32
      %add3A_234 = arith.constant 4 : i32
      %add3A_235 = arith.addi %add3A_233, %add3A_234 : i32
      %lt3A_236 = arith.constant 40 : i32
      %lt3A_237 = arith.cmpi slt, %add3A_235, %lt3A_236 : i32
      %convert_element_type3A_238 = arith.extui %lt3A_237 : i1 to i32
      %cond3A_239 = arith.constant 0 : i32
      %cond3A_240 = arith.cmpi ne, %convert_element_type3A_238, %cond3A_239 : i32
      scf.if %cond3A_240 {
        %add3A_279 = arith.constant 1 : i32
        %add3A_280 = arith.addi %mul3A_206, %add3A_279 : i32
        %add3A_281 = arith.constant 4 : i32
        %add3A_282 = arith.addi %add3A_280, %add3A_281 : i32
        %dma_start3A_283 = arith.constant 0 : i32
        %dma_start3A_284 = tpu.memref_slice %arg6[%add3A_282, %dma_start3A_283] : memref<40x64xi32, #tpu.memory_space<vmem>> -> memref<1x64xi32, #tpu.memory_space<vmem>>
        %dma_start3A_285 = tpu.memref_squeeze %dma_start3A_284 : memref<1x64xi32, #tpu.memory_space<vmem>> -> memref<64xi32, #tpu.memory_space<vmem>>
        %dma_start3A_286 = arith.constant 0 : i32
        %dma_start3A_287 = arith.constant 0 : i32
        %dma_start3A_288 = tpu.memref_slice %arg2[%dma_start3A_286, %dma_start3A_287] : memref<10000x128xf32, #tpu.memory_space<hbm>> -> memref<10000x128xf32, #tpu.memory_space<hbm>>
        tpu.enqueue_indirect_dma source(%dma_start3A_288 : memref<10000x128xf32, #tpu.memory_space<hbm>>) target(%arg9 : memref<64x128xf32, #tpu.memory_space<vmem>>) offsets(%dma_start3A_285 : memref<64xi32, #tpu.memory_space<vmem>>) semaphore(%arg13 : memref<!tpu.dma_semaphore, #tpu.memory_space<semaphore_mem>>)
      } else {
      }
      %add3A_241 = arith.constant 2 : i32
      %add3A_242 = arith.addi %mul3A_206, %add3A_241 : i32
      %dma_wait3A_243 = arith.constant 0 : i32
      %dma_wait3A_244 = tpu.memref_slice %arg6[%add3A_242, %dma_wait3A_243] : memref<40x64xi32, #tpu.memory_space<vmem>> -> memref<1x64xi32, #tpu.memory_space<vmem>>
      %dma_wait3A_245 = tpu.memref_squeeze %dma_wait3A_244 : memref<1x64xi32, #tpu.memory_space<vmem>> -> memref<64xi32, #tpu.memory_space<vmem>>
      %dma_wait3A_246 = arith.constant 0 : i32
      %dma_wait3A_247 = arith.constant 0 : i32
      %dma_wait3A_248 = tpu.memref_slice %arg2[%dma_wait3A_246, %dma_wait3A_247] : memref<10000x128xf32, #tpu.memory_space<hbm>> -> memref<10000x128xf32, #tpu.memory_space<hbm>>
      tpu.wait_indirect_dma semaphore(%arg14 : memref<!tpu.dma_semaphore, #tpu.memory_space<semaphore_mem>>) src(%dma_wait3A_248 : memref<10000x128xf32, #tpu.memory_space<hbm>>) dst(%arg10 : memref<64x128xf32, #tpu.memory_space<vmem>>)
      %add3A_249 = arith.constant 2 : i32
      %add3A_250 = arith.addi %mul3A_206, %add3A_249 : i32
      "tpu.region"() ({
        %run_scoped3A = tpu.sem_alloc : memref<!tpu.dma_semaphore, #tpu.memory_space<semaphore_mem>>
        %dma_start3A_279 = arith.constant 0 : i32
        %dma_start3A_280 = tpu.memref_slice %arg7[%add3A_250, %dma_start3A_279] : memref<40x64xi32, #tpu.memory_space<vmem>> -> memref<1x64xi32, #tpu.memory_space<vmem>>
        %dma_start3A_281 = tpu.memref_squeeze %dma_start3A_280 : memref<1x64xi32, #tpu.memory_space<vmem>> -> memref<64xi32, #tpu.memory_space<vmem>>
        %dma_start3A_282 = arith.constant 0 : i32
        %dma_start3A_283 = arith.constant 0 : i32
        %dma_start3A_284 = tpu.memref_slice %arg16[%dma_start3A_282, %dma_start3A_283] : memref<10240x128xf32, #tpu.memory_space<vmem_shared>> -> memref<10240x128xf32, #tpu.memory_space<vmem_shared>>
        tpu.enqueue_indirect_dma source(%arg10 : memref<64x128xf32, #tpu.memory_space<vmem>>) target(%dma_start3A_284 : memref<10240x128xf32, #tpu.memory_space<vmem_shared>>) offsets(%dma_start3A_281 : memref<64xi32, #tpu.memory_space<vmem>>) semaphore(%run_scoped3A : memref<!tpu.dma_semaphore, #tpu.memory_space<semaphore_mem>>) {add = true}
        %dma_wait3A_285 = arith.constant 0 : i32
        %dma_wait3A_286 = tpu.memref_slice %arg7[%add3A_250, %dma_wait3A_285] : memref<40x64xi32, #tpu.memory_space<vmem>> -> memref<1x64xi32, #tpu.memory_space<vmem>>
        %dma_wait3A_287 = tpu.memref_squeeze %dma_wait3A_286 : memref<1x64xi32, #tpu.memory_space<vmem>> -> memref<64xi32, #tpu.memory_space<vmem>>
        %dma_wait3A_288 = arith.constant 0 : i32
        %dma_wait3A_289 = arith.constant 0 : i32
        %dma_wait3A_290 = tpu.memref_slice %arg16[%dma_wait3A_288, %dma_wait3A_289] : memref<10240x128xf32, #tpu.memory_space<vmem_shared>> -> memref<10240x128xf32, #tpu.memory_space<vmem_shared>>
        tpu.wait_indirect_dma semaphore(%run_scoped3A : memref<!tpu.dma_semaphore, #tpu.memory_space<semaphore_mem>>) src(%arg10 : memref<64x128xf32, #tpu.memory_space<vmem>>) dst(%dma_wait3A_290 : memref<10240x128xf32, #tpu.memory_space<vmem_shared>>)
        tpu.yield
      }) : () -> ()
      %add3A_251 = arith.constant 2 : i32
      %add3A_252 = arith.addi %mul3A_206, %add3A_251 : i32
      %add3A_253 = arith.constant 4 : i32
      %add3A_254 = arith.addi %add3A_252, %add3A_253 : i32
      %lt3A_255 = arith.constant 40 : i32
      %lt3A_256 = arith.cmpi slt, %add3A_254, %lt3A_255 : i32
      %convert_element_type3A_257 = arith.extui %lt3A_256 : i1 to i32
      %cond3A_258 = arith.constant 0 : i32
      %cond3A_259 = arith.cmpi ne, %convert_element_type3A_257, %cond3A_258 : i32
      scf.if %cond3A_259 {
        %add3A_279 = arith.constant 2 : i32
        %add3A_280 = arith.addi %mul3A_206, %add3A_279 : i32
        %add3A_281 = arith.constant 4 : i32
        %add3A_282 = arith.addi %add3A_280, %add3A_281 : i32
        %dma_start3A_283 = arith.constant 0 : i32
        %dma_start3A_284 = tpu.memref_slice %arg6[%add3A_282, %dma_start3A_283] : memref<40x64xi32, #tpu.memory_space<vmem>> -> memref<1x64xi32, #tpu.memory_space<vmem>>
        %dma_start3A_285 = tpu.memref_squeeze %dma_start3A_284 : memref<1x64xi32, #tpu.memory_space<vmem>> -> memref<64xi32, #tpu.memory_space<vmem>>
        %dma_start3A_286 = arith.constant 0 : i32
        %dma_start3A_287 = arith.constant 0 : i32
        %dma_start3A_288 = tpu.memref_slice %arg2[%dma_start3A_286, %dma_start3A_287] : memref<10000x128xf32, #tpu.memory_space<hbm>> -> memref<10000x128xf32, #tpu.memory_space<hbm>>
        tpu.enqueue_indirect_dma source(%dma_start3A_288 : memref<10000x128xf32, #tpu.memory_space<hbm>>) target(%arg10 : memref<64x128xf32, #tpu.memory_space<vmem>>) offsets(%dma_start3A_285 : memref<64xi32, #tpu.memory_space<vmem>>) semaphore(%arg14 : memref<!tpu.dma_semaphore, #tpu.memory_space<semaphore_mem>>)
      } else {
      }
      %add3A_260 = arith.constant 3 : i32
      %add3A_261 = arith.addi %mul3A_206, %add3A_260 : i32
      %dma_wait3A_262 = arith.constant 0 : i32
      %dma_wait3A_263 = tpu.memref_slice %arg6[%add3A_261, %dma_wait3A_262] : memref<40x64xi32, #tpu.memory_space<vmem>> -> memref<1x64xi32, #tpu.memory_space<vmem>>
      %dma_wait3A_264 = tpu.memref_squeeze %dma_wait3A_263 : memref<1x64xi32, #tpu.memory_space<vmem>> -> memref<64xi32, #tpu.memory_space<vmem>>
      %dma_wait3A_265 = arith.constant 0 : i32
      %dma_wait3A_266 = arith.constant 0 : i32
      %dma_wait3A_267 = tpu.memref_slice %arg2[%dma_wait3A_265, %dma_wait3A_266] : memref<10000x128xf32, #tpu.memory_space<hbm>> -> memref<10000x128xf32, #tpu.memory_space<hbm>>
      tpu.wait_indirect_dma semaphore(%arg15 : memref<!tpu.dma_semaphore, #tpu.memory_space<semaphore_mem>>) src(%dma_wait3A_267 : memref<10000x128xf32, #tpu.memory_space<hbm>>) dst(%arg11 : memref<64x128xf32, #tpu.memory_space<vmem>>)
      %add3A_268 = arith.constant 3 : i32
      %add3A_269 = arith.addi %mul3A_206, %add3A_268 : i32
      "tpu.region"() ({
        %run_scoped3A = tpu.sem_alloc : memref<!tpu.dma_semaphore, #tpu.memory_space<semaphore_mem>>
        %dma_start3A_279 = arith.constant 0 : i32
        %dma_start3A_280 = tpu.memref_slice %arg7[%add3A_269, %dma_start3A_279] : memref<40x64xi32, #tpu.memory_space<vmem>> -> memref<1x64xi32, #tpu.memory_space<vmem>>
        %dma_start3A_281 = tpu.memref_squeeze %dma_start3A_280 : memref<1x64xi32, #tpu.memory_space<vmem>> -> memref<64xi32, #tpu.memory_space<vmem>>
        %dma_start3A_282 = arith.constant 0 : i32
        %dma_start3A_283 = arith.constant 0 : i32
        %dma_start3A_284 = tpu.memref_slice %arg16[%dma_start3A_282, %dma_start3A_283] : memref<10240x128xf32, #tpu.memory_space<vmem_shared>> -> memref<10240x128xf32, #tpu.memory_space<vmem_shared>>
        tpu.enqueue_indirect_dma source(%arg11 : memref<64x128xf32, #tpu.memory_space<vmem>>) target(%dma_start3A_284 : memref<10240x128xf32, #tpu.memory_space<vmem_shared>>) offsets(%dma_start3A_281 : memref<64xi32, #tpu.memory_space<vmem>>) semaphore(%run_scoped3A : memref<!tpu.dma_semaphore, #tpu.memory_space<semaphore_mem>>) {add = true}
        %dma_wait3A_285 = arith.constant 0 : i32
        %dma_wait3A_286 = tpu.memref_slice %arg7[%add3A_269, %dma_wait3A_285] : memref<40x64xi32, #tpu.memory_space<vmem>> -> memref<1x64xi32, #tpu.memory_space<vmem>>
        %dma_wait3A_287 = tpu.memref_squeeze %dma_wait3A_286 : memref<1x64xi32, #tpu.memory_space<vmem>> -> memref<64xi32, #tpu.memory_space<vmem>>
        %dma_wait3A_288 = arith.constant 0 : i32
        %dma_wait3A_289 = arith.constant 0 : i32
        %dma_wait3A_290 = tpu.memref_slice %arg16[%dma_wait3A_288, %dma_wait3A_289] : memref<10240x128xf32, #tpu.memory_space<vmem_shared>> -> memref<10240x128xf32, #tpu.memory_space<vmem_shared>>
        tpu.wait_indirect_dma semaphore(%run_scoped3A : memref<!tpu.dma_semaphore, #tpu.memory_space<semaphore_mem>>) src(%arg11 : memref<64x128xf32, #tpu.memory_space<vmem>>) dst(%dma_wait3A_290 : memref<10240x128xf32, #tpu.memory_space<vmem_shared>>)
        tpu.yield
      }) : () -> ()
      %add3A_270 = arith.constant 3 : i32
      %add3A_271 = arith.addi %mul3A_206, %add3A_270 : i32
      %add3A_272 = arith.constant 4 : i32
      %add3A_273 = arith.addi %add3A_271, %add3A_272 : i32
      %lt3A_274 = arith.constant 40 : i32
      %lt3A_275 = arith.cmpi slt, %add3A_273, %lt3A_274 : i32
      %convert_element_type3A_276 = arith.extui %lt3A_275 : i1 to i32
      %cond3A_277 = arith.constant 0 : i32
      %cond3A_278 = arith.cmpi ne, %convert_element_type3A_276, %cond3A_277 : i32
      scf.if %cond3A_278 {
        %add3A_279 = arith.constant 3 : i32
        %add3A_280 = arith.addi %mul3A_206, %add3A_279 : i32
        %add3A_281 = arith.constant 4 : i32
        %add3A_282 = arith.addi %add3A_280, %add3A_281 : i32
        %dma_start3A_283 = arith.constant 0 : i32
        %dma_start3A_284 = tpu.memref_slice %arg6[%add3A_282, %dma_start3A_283] : memref<40x64xi32, #tpu.memory_space<vmem>> -> memref<1x64xi32, #tpu.memory_space<vmem>>
        %dma_start3A_285 = tpu.memref_squeeze %dma_start3A_284 : memref<1x64xi32, #tpu.memory_space<vmem>> -> memref<64xi32, #tpu.memory_space<vmem>>
        %dma_start3A_286 = arith.constant 0 : i32
        %dma_start3A_287 = arith.constant 0 : i32
        %dma_start3A_288 = tpu.memref_slice %arg2[%dma_start3A_286, %dma_start3A_287] : memref<10000x128xf32, #tpu.memory_space<hbm>> -> memref<10000x128xf32, #tpu.memory_space<hbm>>
        tpu.enqueue_indirect_dma source(%dma_start3A_288 : memref<10000x128xf32, #tpu.memory_space<hbm>>) target(%arg11 : memref<64x128xf32, #tpu.memory_space<vmem>>) offsets(%dma_start3A_285 : memref<64xi32, #tpu.memory_space<vmem>>) semaphore(%arg15 : memref<!tpu.dma_semaphore, #tpu.memory_space<semaphore_mem>>)
      } else {
      }
    }
    %scan3A_160 = arith.constant 10 : i32
    %add3A_161 = arith.constant 120 : i32
    %add3A_162 = arith.addi %mul3A_2, %add3A_161 : i32
    "tpu.region"() ({
      %run_scoped3A = tpu.sem_alloc : memref<!tpu.dma_semaphore, #tpu.memory_space<semaphore_mem>>
      %dma_start3A_204 = arith.constant 0 : i32
      %dma_start3A_205 = tpu.memref_slice %arg3[%add3A_162, %dma_start3A_204] : memref<5120x64xi32, #tpu.memory_space<hbm>> -> memref<40x64xi32, #tpu.memory_space<hbm>>
      %dma_start3A_206 = arith.constant 0 : i32
      %dma_start3A_207 = tpu.memref_slice %arg3[%add3A_162, %dma_start3A_206] : memref<5120x64xi32, #tpu.memory_space<hbm>> -> memref<40x64xi32, #tpu.memory_space<hbm>>
      tpu.enqueue_dma source(%dma_start3A_207 : memref<40x64xi32, #tpu.memory_space<hbm>>) target(%arg6 : memref<40x64xi32, #tpu.memory_space<vmem>>) target_semaphore(%run_scoped3A : memref<!tpu.dma_semaphore, #tpu.memory_space<semaphore_mem>>)
      %dma_wait3A = arith.constant 0 : i32
      %dma_wait3A_208 = tpu.memref_slice %arg3[%add3A_162, %dma_wait3A] : memref<5120x64xi32, #tpu.memory_space<hbm>> -> memref<40x64xi32, #tpu.memory_space<hbm>>
      %dma_wait3A_209 = arith.constant 0 : i32
      %dma_wait3A_210 = tpu.memref_slice %arg3[%add3A_162, %dma_wait3A_209] : memref<5120x64xi32, #tpu.memory_space<hbm>> -> memref<40x64xi32, #tpu.memory_space<hbm>>
      tpu.wait_dma2 semaphore(%run_scoped3A : memref<!tpu.dma_semaphore, #tpu.memory_space<semaphore_mem>>) src(%dma_wait3A_210 : memref<40x64xi32, #tpu.memory_space<hbm>>) dst(%arg6 : memref<40x64xi32, #tpu.memory_space<vmem>>)
      tpu.yield
    }) : () -> ()
    %add3A_163 = arith.constant 120 : i32
    %add3A_164 = arith.addi %mul3A_2, %add3A_163 : i32
    "tpu.region"() ({
      %run_scoped3A = tpu.sem_alloc : memref<!tpu.dma_semaphore, #tpu.memory_space<semaphore_mem>>
      %dma_start3A_204 = arith.constant 0 : i32
      %dma_start3A_205 = tpu.memref_slice %arg4[%add3A_164, %dma_start3A_204] : memref<5120x64xi32, #tpu.memory_space<hbm>> -> memref<40x64xi32, #tpu.memory_space<hbm>>
      %dma_start3A_206 = arith.constant 0 : i32
      %dma_start3A_207 = tpu.memref_slice %arg4[%add3A_164, %dma_start3A_206] : memref<5120x64xi32, #tpu.memory_space<hbm>> -> memref<40x64xi32, #tpu.memory_space<hbm>>
      tpu.enqueue_dma source(%dma_start3A_207 : memref<40x64xi32, #tpu.memory_space<hbm>>) target(%arg7 : memref<40x64xi32, #tpu.memory_space<vmem>>) target_semaphore(%run_scoped3A : memref<!tpu.dma_semaphore, #tpu.memory_space<semaphore_mem>>)
      %dma_wait3A = arith.constant 0 : i32
      %dma_wait3A_208 = tpu.memref_slice %arg4[%add3A_164, %dma_wait3A] : memref<5120x64xi32, #tpu.memory_space<hbm>> -> memref<40x64xi32, #tpu.memory_space<hbm>>
      %dma_wait3A_209 = arith.constant 0 : i32
      %dma_wait3A_210 = tpu.memref_slice %arg4[%add3A_164, %dma_wait3A_209] : memref<5120x64xi32, #tpu.memory_space<hbm>> -> memref<40x64xi32, #tpu.memory_space<hbm>>
      tpu.wait_dma2 semaphore(%run_scoped3A : memref<!tpu.dma_semaphore, #tpu.memory_space<semaphore_mem>>) src(%dma_wait3A_210 : memref<40x64xi32, #tpu.memory_space<hbm>>) dst(%arg7 : memref<40x64xi32, #tpu.memory_space<vmem>>)
      tpu.yield
    }) : () -> ()
    %dma_start3A_165 = arith.constant 0 : i32
    %dma_start3A_166 = arith.constant 0 : i32
    %dma_start3A_167 = tpu.memref_slice %arg6[%dma_start3A_165, %dma_start3A_166] : memref<40x64xi32, #tpu.memory_space<vmem>> -> memref<1x64xi32, #tpu.memory_space<vmem>>
    %dma_start3A_168 = tpu.memref_squeeze %dma_start3A_167 : memref<1x64xi32, #tpu.memory_space<vmem>> -> memref<64xi32, #tpu.memory_space<vmem>>
    %dma_start3A_169 = arith.constant 0 : i32
    %dma_start3A_170 = arith.constant 0 : i32
    %dma_start3A_171 = tpu.memref_slice %arg2[%dma_start3A_169, %dma_start3A_170] : memref<10000x128xf32, #tpu.memory_space<hbm>> -> memref<10000x128xf32, #tpu.memory_space<hbm>>
    tpu.enqueue_indirect_dma source(%dma_start3A_171 : memref<10000x128xf32, #tpu.memory_space<hbm>>) target(%arg8 : memref<64x128xf32, #tpu.memory_space<vmem>>) offsets(%dma_start3A_168 : memref<64xi32, #tpu.memory_space<vmem>>) semaphore(%arg12 : memref<!tpu.dma_semaphore, #tpu.memory_space<semaphore_mem>>)
    %dma_start3A_172 = arith.constant 1 : i32
    %dma_start3A_173 = arith.constant 0 : i32
    %dma_start3A_174 = tpu.memref_slice %arg6[%dma_start3A_172, %dma_start3A_173] : memref<40x64xi32, #tpu.memory_space<vmem>> -> memref<1x64xi32, #tpu.memory_space<vmem>>
    %dma_start3A_175 = tpu.memref_squeeze %dma_start3A_174 : memref<1x64xi32, #tpu.memory_space<vmem>> -> memref<64xi32, #tpu.memory_space<vmem>>
    %dma_start3A_176 = arith.constant 0 : i32
    %dma_start3A_177 = arith.constant 0 : i32
    %dma_start3A_178 = tpu.memref_slice %arg2[%dma_start3A_176, %dma_start3A_177] : memref<10000x128xf32, #tpu.memory_space<hbm>> -> memref<10000x128xf32, #tpu.memory_space<hbm>>
    tpu.enqueue_indirect_dma source(%dma_start3A_178 : memref<10000x128xf32, #tpu.memory_space<hbm>>) target(%arg9 : memref<64x128xf32, #tpu.memory_space<vmem>>) offsets(%dma_start3A_175 : memref<64xi32, #tpu.memory_space<vmem>>) semaphore(%arg13 : memref<!tpu.dma_semaphore, #tpu.memory_space<semaphore_mem>>)
    %dma_start3A_179 = arith.constant 2 : i32
    %dma_start3A_180 = arith.constant 0 : i32
    %dma_start3A_181 = tpu.memref_slice %arg6[%dma_start3A_179, %dma_start3A_180] : memref<40x64xi32, #tpu.memory_space<vmem>> -> memref<1x64xi32, #tpu.memory_space<vmem>>
    %dma_start3A_182 = tpu.memref_squeeze %dma_start3A_181 : memref<1x64xi32, #tpu.memory_space<vmem>> -> memref<64xi32, #tpu.memory_space<vmem>>
    %dma_start3A_183 = arith.constant 0 : i32
    %dma_start3A_184 = arith.constant 0 : i32
    %dma_start3A_185 = tpu.memref_slice %arg2[%dma_start3A_183, %dma_start3A_184] : memref<10000x128xf32, #tpu.memory_space<hbm>> -> memref<10000x128xf32, #tpu.memory_space<hbm>>
    tpu.enqueue_indirect_dma source(%dma_start3A_185 : memref<10000x128xf32, #tpu.memory_space<hbm>>) target(%arg10 : memref<64x128xf32, #tpu.memory_space<vmem>>) offsets(%dma_start3A_182 : memref<64xi32, #tpu.memory_space<vmem>>) semaphore(%arg14 : memref<!tpu.dma_semaphore, #tpu.memory_space<semaphore_mem>>)
    %dma_start3A_186 = arith.constant 3 : i32
    %dma_start3A_187 = arith.constant 0 : i32
    %dma_start3A_188 = tpu.memref_slice %arg6[%dma_start3A_186, %dma_start3A_187] : memref<40x64xi32, #tpu.memory_space<vmem>> -> memref<1x64xi32, #tpu.memory_space<vmem>>
    %dma_start3A_189 = tpu.memref_squeeze %dma_start3A_188 : memref<1x64xi32, #tpu.memory_space<vmem>> -> memref<64xi32, #tpu.memory_space<vmem>>
    %dma_start3A_190 = arith.constant 0 : i32
    %dma_start3A_191 = arith.constant 0 : i32
    %dma_start3A_192 = tpu.memref_slice %arg2[%dma_start3A_190, %dma_start3A_191] : memref<10000x128xf32, #tpu.memory_space<hbm>> -> memref<10000x128xf32, #tpu.memory_space<hbm>>
    tpu.enqueue_indirect_dma source(%dma_start3A_192 : memref<10000x128xf32, #tpu.memory_space<hbm>>) target(%arg11 : memref<64x128xf32, #tpu.memory_space<vmem>>) offsets(%dma_start3A_189 : memref<64xi32, #tpu.memory_space<vmem>>) semaphore(%arg15 : memref<!tpu.dma_semaphore, #tpu.memory_space<semaphore_mem>>)
    %scan3A_193 = arith.constant 0 : i32
    %scan3A_194 = arith.constant 0 : i32
    %scan3A_195 = arith.constant 10 : i32
    %scan3A_196 = arith.addi %scan3A_194, %scan3A_195 : i32
    %scan3A_197 = arith.constant 1 : i32
    scf.for %scan3A_204 = %scan3A_194 to %scan3A_196 step %scan3A_197  : i32 {
      %mul3A_205 = arith.constant 4 : i32
      %mul3A_206 = arith.muli %scan3A_204, %mul3A_205 : i32
      %add3A_207 = arith.constant 0 : i32
      %add3A_208 = arith.addi %mul3A_206, %add3A_207 : i32
      %dma_wait3A = arith.constant 0 : i32
      %dma_wait3A_209 = tpu.memref_slice %arg6[%add3A_208, %dma_wait3A] : memref<40x64xi32, #tpu.memory_space<vmem>> -> memref<1x64xi32, #tpu.memory_space<vmem>>
      %dma_wait3A_210 = tpu.memref_squeeze %dma_wait3A_209 : memref<1x64xi32, #tpu.memory_space<vmem>> -> memref<64xi32, #tpu.memory_space<vmem>>
      %dma_wait3A_211 = arith.constant 0 : i32
      %dma_wait3A_212 = arith.constant 0 : i32
      %dma_wait3A_213 = tpu.memref_slice %arg2[%dma_wait3A_211, %dma_wait3A_212] : memref<10000x128xf32, #tpu.memory_space<hbm>> -> memref<10000x128xf32, #tpu.memory_space<hbm>>
      tpu.wait_indirect_dma semaphore(%arg12 : memref<!tpu.dma_semaphore, #tpu.memory_space<semaphore_mem>>) src(%dma_wait3A_213 : memref<10000x128xf32, #tpu.memory_space<hbm>>) dst(%arg8 : memref<64x128xf32, #tpu.memory_space<vmem>>)
      %add3A_214 = arith.constant 0 : i32
      %add3A_215 = arith.addi %mul3A_206, %add3A_214 : i32
      "tpu.region"() ({
        %run_scoped3A = tpu.sem_alloc : memref<!tpu.dma_semaphore, #tpu.memory_space<semaphore_mem>>
        %dma_start3A_279 = arith.constant 0 : i32
        %dma_start3A_280 = tpu.memref_slice %arg7[%add3A_215, %dma_start3A_279] : memref<40x64xi32, #tpu.memory_space<vmem>> -> memref<1x64xi32, #tpu.memory_space<vmem>>
        %dma_start3A_281 = tpu.memref_squeeze %dma_start3A_280 : memref<1x64xi32, #tpu.memory_space<vmem>> -> memref<64xi32, #tpu.memory_space<vmem>>
        %dma_start3A_282 = arith.constant 0 : i32
        %dma_start3A_283 = arith.constant 0 : i32
        %dma_start3A_284 = tpu.memref_slice %arg16[%dma_start3A_282, %dma_start3A_283] : memref<10240x128xf32, #tpu.memory_space<vmem_shared>> -> memref<10240x128xf32, #tpu.memory_space<vmem_shared>>
        tpu.enqueue_indirect_dma source(%arg8 : memref<64x128xf32, #tpu.memory_space<vmem>>) target(%dma_start3A_284 : memref<10240x128xf32, #tpu.memory_space<vmem_shared>>) offsets(%dma_start3A_281 : memref<64xi32, #tpu.memory_space<vmem>>) semaphore(%run_scoped3A : memref<!tpu.dma_semaphore, #tpu.memory_space<semaphore_mem>>) {add = true}
        %dma_wait3A_285 = arith.constant 0 : i32
        %dma_wait3A_286 = tpu.memref_slice %arg7[%add3A_215, %dma_wait3A_285] : memref<40x64xi32, #tpu.memory_space<vmem>> -> memref<1x64xi32, #tpu.memory_space<vmem>>
        %dma_wait3A_287 = tpu.memref_squeeze %dma_wait3A_286 : memref<1x64xi32, #tpu.memory_space<vmem>> -> memref<64xi32, #tpu.memory_space<vmem>>
        %dma_wait3A_288 = arith.constant 0 : i32
        %dma_wait3A_289 = arith.constant 0 : i32
        %dma_wait3A_290 = tpu.memref_slice %arg16[%dma_wait3A_288, %dma_wait3A_289] : memref<10240x128xf32, #tpu.memory_space<vmem_shared>> -> memref<10240x128xf32, #tpu.memory_space<vmem_shared>>
        tpu.wait_indirect_dma semaphore(%run_scoped3A : memref<!tpu.dma_semaphore, #tpu.memory_space<semaphore_mem>>) src(%arg8 : memref<64x128xf32, #tpu.memory_space<vmem>>) dst(%dma_wait3A_290 : memref<10240x128xf32, #tpu.memory_space<vmem_shared>>)
        tpu.yield
      }) : () -> ()
      %add3A_216 = arith.constant 0 : i32
      %add3A_217 = arith.addi %mul3A_206, %add3A_216 : i32
      %add3A_218 = arith.constant 4 : i32
      %add3A_219 = arith.addi %add3A_217, %add3A_218 : i32
      %lt3A = arith.constant 40 : i32
      %lt3A_220 = arith.cmpi slt, %add3A_219, %lt3A : i32
      %convert_element_type3A = arith.extui %lt3A_220 : i1 to i32
      %cond3A = arith.constant 0 : i32
      %cond3A_221 = arith.cmpi ne, %convert_element_type3A, %cond3A : i32
      scf.if %cond3A_221 {
        %add3A_279 = arith.constant 0 : i32
        %add3A_280 = arith.addi %mul3A_206, %add3A_279 : i32
        %add3A_281 = arith.constant 4 : i32
        %add3A_282 = arith.addi %add3A_280, %add3A_281 : i32
        %dma_start3A_283 = arith.constant 0 : i32
        %dma_start3A_284 = tpu.memref_slice %arg6[%add3A_282, %dma_start3A_283] : memref<40x64xi32, #tpu.memory_space<vmem>> -> memref<1x64xi32, #tpu.memory_space<vmem>>
        %dma_start3A_285 = tpu.memref_squeeze %dma_start3A_284 : memref<1x64xi32, #tpu.memory_space<vmem>> -> memref<64xi32, #tpu.memory_space<vmem>>
        %dma_start3A_286 = arith.constant 0 : i32
        %dma_start3A_287 = arith.constant 0 : i32
        %dma_start3A_288 = tpu.memref_slice %arg2[%dma_start3A_286, %dma_start3A_287] : memref<10000x128xf32, #tpu.memory_space<hbm>> -> memref<10000x128xf32, #tpu.memory_space<hbm>>
        tpu.enqueue_indirect_dma source(%dma_start3A_288 : memref<10000x128xf32, #tpu.memory_space<hbm>>) target(%arg8 : memref<64x128xf32, #tpu.memory_space<vmem>>) offsets(%dma_start3A_285 : memref<64xi32, #tpu.memory_space<vmem>>) semaphore(%arg12 : memref<!tpu.dma_semaphore, #tpu.memory_space<semaphore_mem>>)
      } else {
      }
      %add3A_222 = arith.constant 1 : i32
      %add3A_223 = arith.addi %mul3A_206, %add3A_222 : i32
      %dma_wait3A_224 = arith.constant 0 : i32
      %dma_wait3A_225 = tpu.memref_slice %arg6[%add3A_223, %dma_wait3A_224] : memref<40x64xi32, #tpu.memory_space<vmem>> -> memref<1x64xi32, #tpu.memory_space<vmem>>
      %dma_wait3A_226 = tpu.memref_squeeze %dma_wait3A_225 : memref<1x64xi32, #tpu.memory_space<vmem>> -> memref<64xi32, #tpu.memory_space<vmem>>
      %dma_wait3A_227 = arith.constant 0 : i32
      %dma_wait3A_228 = arith.constant 0 : i32
      %dma_wait3A_229 = tpu.memref_slice %arg2[%dma_wait3A_227, %dma_wait3A_228] : memref<10000x128xf32, #tpu.memory_space<hbm>> -> memref<10000x128xf32, #tpu.memory_space<hbm>>
      tpu.wait_indirect_dma semaphore(%arg13 : memref<!tpu.dma_semaphore, #tpu.memory_space<semaphore_mem>>) src(%dma_wait3A_229 : memref<10000x128xf32, #tpu.memory_space<hbm>>) dst(%arg9 : memref<64x128xf32, #tpu.memory_space<vmem>>)
      %add3A_230 = arith.constant 1 : i32
      %add3A_231 = arith.addi %mul3A_206, %add3A_230 : i32
      "tpu.region"() ({
        %run_scoped3A = tpu.sem_alloc : memref<!tpu.dma_semaphore, #tpu.memory_space<semaphore_mem>>
        %dma_start3A_279 = arith.constant 0 : i32
        %dma_start3A_280 = tpu.memref_slice %arg7[%add3A_231, %dma_start3A_279] : memref<40x64xi32, #tpu.memory_space<vmem>> -> memref<1x64xi32, #tpu.memory_space<vmem>>
        %dma_start3A_281 = tpu.memref_squeeze %dma_start3A_280 : memref<1x64xi32, #tpu.memory_space<vmem>> -> memref<64xi32, #tpu.memory_space<vmem>>
        %dma_start3A_282 = arith.constant 0 : i32
        %dma_start3A_283 = arith.constant 0 : i32
        %dma_start3A_284 = tpu.memref_slice %arg16[%dma_start3A_282, %dma_start3A_283] : memref<10240x128xf32, #tpu.memory_space<vmem_shared>> -> memref<10240x128xf32, #tpu.memory_space<vmem_shared>>
        tpu.enqueue_indirect_dma source(%arg9 : memref<64x128xf32, #tpu.memory_space<vmem>>) target(%dma_start3A_284 : memref<10240x128xf32, #tpu.memory_space<vmem_shared>>) offsets(%dma_start3A_281 : memref<64xi32, #tpu.memory_space<vmem>>) semaphore(%run_scoped3A : memref<!tpu.dma_semaphore, #tpu.memory_space<semaphore_mem>>) {add = true}
        %dma_wait3A_285 = arith.constant 0 : i32
        %dma_wait3A_286 = tpu.memref_slice %arg7[%add3A_231, %dma_wait3A_285] : memref<40x64xi32, #tpu.memory_space<vmem>> -> memref<1x64xi32, #tpu.memory_space<vmem>>
        %dma_wait3A_287 = tpu.memref_squeeze %dma_wait3A_286 : memref<1x64xi32, #tpu.memory_space<vmem>> -> memref<64xi32, #tpu.memory_space<vmem>>
        %dma_wait3A_288 = arith.constant 0 : i32
        %dma_wait3A_289 = arith.constant 0 : i32
        %dma_wait3A_290 = tpu.memref_slice %arg16[%dma_wait3A_288, %dma_wait3A_289] : memref<10240x128xf32, #tpu.memory_space<vmem_shared>> -> memref<10240x128xf32, #tpu.memory_space<vmem_shared>>
        tpu.wait_indirect_dma semaphore(%run_scoped3A : memref<!tpu.dma_semaphore, #tpu.memory_space<semaphore_mem>>) src(%arg9 : memref<64x128xf32, #tpu.memory_space<vmem>>) dst(%dma_wait3A_290 : memref<10240x128xf32, #tpu.memory_space<vmem_shared>>)
        tpu.yield
      }) : () -> ()
      %add3A_232 = arith.constant 1 : i32
      %add3A_233 = arith.addi %mul3A_206, %add3A_232 : i32
      %add3A_234 = arith.constant 4 : i32
      %add3A_235 = arith.addi %add3A_233, %add3A_234 : i32
      %lt3A_236 = arith.constant 40 : i32
      %lt3A_237 = arith.cmpi slt, %add3A_235, %lt3A_236 : i32
      %convert_element_type3A_238 = arith.extui %lt3A_237 : i1 to i32
      %cond3A_239 = arith.constant 0 : i32
      %cond3A_240 = arith.cmpi ne, %convert_element_type3A_238, %cond3A_239 : i32
      scf.if %cond3A_240 {
        %add3A_279 = arith.constant 1 : i32
        %add3A_280 = arith.addi %mul3A_206, %add3A_279 : i32
        %add3A_281 = arith.constant 4 : i32
        %add3A_282 = arith.addi %add3A_280, %add3A_281 : i32
        %dma_start3A_283 = arith.constant 0 : i32
        %dma_start3A_284 = tpu.memref_slice %arg6[%add3A_282, %dma_start3A_283] : memref<40x64xi32, #tpu.memory_space<vmem>> -> memref<1x64xi32, #tpu.memory_space<vmem>>
        %dma_start3A_285 = tpu.memref_squeeze %dma_start3A_284 : memref<1x64xi32, #tpu.memory_space<vmem>> -> memref<64xi32, #tpu.memory_space<vmem>>
        %dma_start3A_286 = arith.constant 0 : i32
        %dma_start3A_287 = arith.constant 0 : i32
        %dma_start3A_288 = tpu.memref_slice %arg2[%dma_start3A_286, %dma_start3A_287] : memref<10000x128xf32, #tpu.memory_space<hbm>> -> memref<10000x128xf32, #tpu.memory_space<hbm>>
        tpu.enqueue_indirect_dma source(%dma_start3A_288 : memref<10000x128xf32, #tpu.memory_space<hbm>>) target(%arg9 : memref<64x128xf32, #tpu.memory_space<vmem>>) offsets(%dma_start3A_285 : memref<64xi32, #tpu.memory_space<vmem>>) semaphore(%arg13 : memref<!tpu.dma_semaphore, #tpu.memory_space<semaphore_mem>>)
      } else {
      }
      %add3A_241 = arith.constant 2 : i32
      %add3A_242 = arith.addi %mul3A_206, %add3A_241 : i32
      %dma_wait3A_243 = arith.constant 0 : i32
      %dma_wait3A_244 = tpu.memref_slice %arg6[%add3A_242, %dma_wait3A_243] : memref<40x64xi32, #tpu.memory_space<vmem>> -> memref<1x64xi32, #tpu.memory_space<vmem>>
      %dma_wait3A_245 = tpu.memref_squeeze %dma_wait3A_244 : memref<1x64xi32, #tpu.memory_space<vmem>> -> memref<64xi32, #tpu.memory_space<vmem>>
      %dma_wait3A_246 = arith.constant 0 : i32
      %dma_wait3A_247 = arith.constant 0 : i32
      %dma_wait3A_248 = tpu.memref_slice %arg2[%dma_wait3A_246, %dma_wait3A_247] : memref<10000x128xf32, #tpu.memory_space<hbm>> -> memref<10000x128xf32, #tpu.memory_space<hbm>>
      tpu.wait_indirect_dma semaphore(%arg14 : memref<!tpu.dma_semaphore, #tpu.memory_space<semaphore_mem>>) src(%dma_wait3A_248 : memref<10000x128xf32, #tpu.memory_space<hbm>>) dst(%arg10 : memref<64x128xf32, #tpu.memory_space<vmem>>)
      %add3A_249 = arith.constant 2 : i32
      %add3A_250 = arith.addi %mul3A_206, %add3A_249 : i32
      "tpu.region"() ({
        %run_scoped3A = tpu.sem_alloc : memref<!tpu.dma_semaphore, #tpu.memory_space<semaphore_mem>>
        %dma_start3A_279 = arith.constant 0 : i32
        %dma_start3A_280 = tpu.memref_slice %arg7[%add3A_250, %dma_start3A_279] : memref<40x64xi32, #tpu.memory_space<vmem>> -> memref<1x64xi32, #tpu.memory_space<vmem>>
        %dma_start3A_281 = tpu.memref_squeeze %dma_start3A_280 : memref<1x64xi32, #tpu.memory_space<vmem>> -> memref<64xi32, #tpu.memory_space<vmem>>
        %dma_start3A_282 = arith.constant 0 : i32
        %dma_start3A_283 = arith.constant 0 : i32
        %dma_start3A_284 = tpu.memref_slice %arg16[%dma_start3A_282, %dma_start3A_283] : memref<10240x128xf32, #tpu.memory_space<vmem_shared>> -> memref<10240x128xf32, #tpu.memory_space<vmem_shared>>
        tpu.enqueue_indirect_dma source(%arg10 : memref<64x128xf32, #tpu.memory_space<vmem>>) target(%dma_start3A_284 : memref<10240x128xf32, #tpu.memory_space<vmem_shared>>) offsets(%dma_start3A_281 : memref<64xi32, #tpu.memory_space<vmem>>) semaphore(%run_scoped3A : memref<!tpu.dma_semaphore, #tpu.memory_space<semaphore_mem>>) {add = true}
        %dma_wait3A_285 = arith.constant 0 : i32
        %dma_wait3A_286 = tpu.memref_slice %arg7[%add3A_250, %dma_wait3A_285] : memref<40x64xi32, #tpu.memory_space<vmem>> -> memref<1x64xi32, #tpu.memory_space<vmem>>
        %dma_wait3A_287 = tpu.memref_squeeze %dma_wait3A_286 : memref<1x64xi32, #tpu.memory_space<vmem>> -> memref<64xi32, #tpu.memory_space<vmem>>
        %dma_wait3A_288 = arith.constant 0 : i32
        %dma_wait3A_289 = arith.constant 0 : i32
        %dma_wait3A_290 = tpu.memref_slice %arg16[%dma_wait3A_288, %dma_wait3A_289] : memref<10240x128xf32, #tpu.memory_space<vmem_shared>> -> memref<10240x128xf32, #tpu.memory_space<vmem_shared>>
        tpu.wait_indirect_dma semaphore(%run_scoped3A : memref<!tpu.dma_semaphore, #tpu.memory_space<semaphore_mem>>) src(%arg10 : memref<64x128xf32, #tpu.memory_space<vmem>>) dst(%dma_wait3A_290 : memref<10240x128xf32, #tpu.memory_space<vmem_shared>>)
        tpu.yield
      }) : () -> ()
      %add3A_251 = arith.constant 2 : i32
      %add3A_252 = arith.addi %mul3A_206, %add3A_251 : i32
      %add3A_253 = arith.constant 4 : i32
      %add3A_254 = arith.addi %add3A_252, %add3A_253 : i32
      %lt3A_255 = arith.constant 40 : i32
      %lt3A_256 = arith.cmpi slt, %add3A_254, %lt3A_255 : i32
      %convert_element_type3A_257 = arith.extui %lt3A_256 : i1 to i32
      %cond3A_258 = arith.constant 0 : i32
      %cond3A_259 = arith.cmpi ne, %convert_element_type3A_257, %cond3A_258 : i32
      scf.if %cond3A_259 {
        %add3A_279 = arith.constant 2 : i32
        %add3A_280 = arith.addi %mul3A_206, %add3A_279 : i32
        %add3A_281 = arith.constant 4 : i32
        %add3A_282 = arith.addi %add3A_280, %add3A_281 : i32
        %dma_start3A_283 = arith.constant 0 : i32
        %dma_start3A_284 = tpu.memref_slice %arg6[%add3A_282, %dma_start3A_283] : memref<40x64xi32, #tpu.memory_space<vmem>> -> memref<1x64xi32, #tpu.memory_space<vmem>>
        %dma_start3A_285 = tpu.memref_squeeze %dma_start3A_284 : memref<1x64xi32, #tpu.memory_space<vmem>> -> memref<64xi32, #tpu.memory_space<vmem>>
        %dma_start3A_286 = arith.constant 0 : i32
        %dma_start3A_287 = arith.constant 0 : i32
        %dma_start3A_288 = tpu.memref_slice %arg2[%dma_start3A_286, %dma_start3A_287] : memref<10000x128xf32, #tpu.memory_space<hbm>> -> memref<10000x128xf32, #tpu.memory_space<hbm>>
        tpu.enqueue_indirect_dma source(%dma_start3A_288 : memref<10000x128xf32, #tpu.memory_space<hbm>>) target(%arg10 : memref<64x128xf32, #tpu.memory_space<vmem>>) offsets(%dma_start3A_285 : memref<64xi32, #tpu.memory_space<vmem>>) semaphore(%arg14 : memref<!tpu.dma_semaphore, #tpu.memory_space<semaphore_mem>>)
      } else {
      }
      %add3A_260 = arith.constant 3 : i32
      %add3A_261 = arith.addi %mul3A_206, %add3A_260 : i32
      %dma_wait3A_262 = arith.constant 0 : i32
      %dma_wait3A_263 = tpu.memref_slice %arg6[%add3A_261, %dma_wait3A_262] : memref<40x64xi32, #tpu.memory_space<vmem>> -> memref<1x64xi32, #tpu.memory_space<vmem>>
      %dma_wait3A_264 = tpu.memref_squeeze %dma_wait3A_263 : memref<1x64xi32, #tpu.memory_space<vmem>> -> memref<64xi32, #tpu.memory_space<vmem>>
      %dma_wait3A_265 = arith.constant 0 : i32
      %dma_wait3A_266 = arith.constant 0 : i32
      %dma_wait3A_267 = tpu.memref_slice %arg2[%dma_wait3A_265, %dma_wait3A_266] : memref<10000x128xf32, #tpu.memory_space<hbm>> -> memref<10000x128xf32, #tpu.memory_space<hbm>>
      tpu.wait_indirect_dma semaphore(%arg15 : memref<!tpu.dma_semaphore, #tpu.memory_space<semaphore_mem>>) src(%dma_wait3A_267 : memref<10000x128xf32, #tpu.memory_space<hbm>>) dst(%arg11 : memref<64x128xf32, #tpu.memory_space<vmem>>)
      %add3A_268 = arith.constant 3 : i32
      %add3A_269 = arith.addi %mul3A_206, %add3A_268 : i32
      "tpu.region"() ({
        %run_scoped3A = tpu.sem_alloc : memref<!tpu.dma_semaphore, #tpu.memory_space<semaphore_mem>>
        %dma_start3A_279 = arith.constant 0 : i32
        %dma_start3A_280 = tpu.memref_slice %arg7[%add3A_269, %dma_start3A_279] : memref<40x64xi32, #tpu.memory_space<vmem>> -> memref<1x64xi32, #tpu.memory_space<vmem>>
        %dma_start3A_281 = tpu.memref_squeeze %dma_start3A_280 : memref<1x64xi32, #tpu.memory_space<vmem>> -> memref<64xi32, #tpu.memory_space<vmem>>
        %dma_start3A_282 = arith.constant 0 : i32
        %dma_start3A_283 = arith.constant 0 : i32
        %dma_start3A_284 = tpu.memref_slice %arg16[%dma_start3A_282, %dma_start3A_283] : memref<10240x128xf32, #tpu.memory_space<vmem_shared>> -> memref<10240x128xf32, #tpu.memory_space<vmem_shared>>
        tpu.enqueue_indirect_dma source(%arg11 : memref<64x128xf32, #tpu.memory_space<vmem>>) target(%dma_start3A_284 : memref<10240x128xf32, #tpu.memory_space<vmem_shared>>) offsets(%dma_start3A_281 : memref<64xi32, #tpu.memory_space<vmem>>) semaphore(%run_scoped3A : memref<!tpu.dma_semaphore, #tpu.memory_space<semaphore_mem>>) {add = true}
        %dma_wait3A_285 = arith.constant 0 : i32
        %dma_wait3A_286 = tpu.memref_slice %arg7[%add3A_269, %dma_wait3A_285] : memref<40x64xi32, #tpu.memory_space<vmem>> -> memref<1x64xi32, #tpu.memory_space<vmem>>
        %dma_wait3A_287 = tpu.memref_squeeze %dma_wait3A_286 : memref<1x64xi32, #tpu.memory_space<vmem>> -> memref<64xi32, #tpu.memory_space<vmem>>
        %dma_wait3A_288 = arith.constant 0 : i32
        %dma_wait3A_289 = arith.constant 0 : i32
        %dma_wait3A_290 = tpu.memref_slice %arg16[%dma_wait3A_288, %dma_wait3A_289] : memref<10240x128xf32, #tpu.memory_space<vmem_shared>> -> memref<10240x128xf32, #tpu.memory_space<vmem_shared>>
        tpu.wait_indirect_dma semaphore(%run_scoped3A : memref<!tpu.dma_semaphore, #tpu.memory_space<semaphore_mem>>) src(%arg11 : memref<64x128xf32, #tpu.memory_space<vmem>>) dst(%dma_wait3A_290 : memref<10240x128xf32, #tpu.memory_space<vmem_shared>>)
        tpu.yield
      }) : () -> ()
      %add3A_270 = arith.constant 3 : i32
      %add3A_271 = arith.addi %mul3A_206, %add3A_270 : i32
      %add3A_272 = arith.constant 4 : i32
      %add3A_273 = arith.addi %add3A_271, %add3A_272 : i32
      %lt3A_274 = arith.constant 40 : i32
      %lt3A_275 = arith.cmpi slt, %add3A_273, %lt3A_274 : i32
      %convert_element_type3A_276 = arith.extui %lt3A_275 : i1 to i32
      %cond3A_277 = arith.constant 0 : i32
      %cond3A_278 = arith.cmpi ne, %convert_element_type3A_276, %cond3A_277 : i32
      scf.if %cond3A_278 {
        %add3A_279 = arith.constant 3 : i32
        %add3A_280 = arith.addi %mul3A_206, %add3A_279 : i32
        %add3A_281 = arith.constant 4 : i32
        %add3A_282 = arith.addi %add3A_280, %add3A_281 : i32
        %dma_start3A_283 = arith.constant 0 : i32
        %dma_start3A_284 = tpu.memref_slice %arg6[%add3A_282, %dma_start3A_283] : memref<40x64xi32, #tpu.memory_space<vmem>> -> memref<1x64xi32, #tpu.memory_space<vmem>>
        %dma_start3A_285 = tpu.memref_squeeze %dma_start3A_284 : memref<1x64xi32, #tpu.memory_space<vmem>> -> memref<64xi32, #tpu.memory_space<vmem>>
        %dma_start3A_286 = arith.constant 0 : i32
        %dma_start3A_287 = arith.constant 0 : i32
        %dma_start3A_288 = tpu.memref_slice %arg2[%dma_start3A_286, %dma_start3A_287] : memref<10000x128xf32, #tpu.memory_space<hbm>> -> memref<10000x128xf32, #tpu.memory_space<hbm>>
        tpu.enqueue_indirect_dma source(%dma_start3A_288 : memref<10000x128xf32, #tpu.memory_space<hbm>>) target(%arg11 : memref<64x128xf32, #tpu.memory_space<vmem>>) offsets(%dma_start3A_285 : memref<64xi32, #tpu.memory_space<vmem>>) semaphore(%arg15 : memref<!tpu.dma_semaphore, #tpu.memory_space<semaphore_mem>>)
      } else {
      }
    }
    %scan3A_198 = arith.constant 10 : i32
    %barrier3A_199 = arith.constant 0 : index
    tpu.barrier barrier_id(%barrier3A_199)
    %mul3A_200 = arith.constant 640 : i32
    %mul3A_201 = arith.muli %arg1, %mul3A_200 : i32
    %mul3A_202 = arith.constant 640 : i32
    %mul3A_203 = arith.muli %arg1, %mul3A_202 : i32
    "tpu.region"() ({
      %run_scoped3A = tpu.sem_alloc : memref<!tpu.dma_semaphore, #tpu.memory_space<semaphore_mem>>
      %dma_start3A_204 = arith.constant 0 : i32
      %dma_start3A_205 = tpu.memref_slice %arg5[%arg0, %mul3A_203, %dma_start3A_204] : memref<2x10240x128xf32, #tpu.memory_space<hbm>> -> memref<1x640x128xf32, #tpu.memory_space<hbm>>
      %dma_start3A_206 = tpu.memref_squeeze %dma_start3A_205 : memref<1x640x128xf32, #tpu.memory_space<hbm>> -> memref<640x128xf32, #tpu.memory_space<hbm>>
      %dma_start3A_207 = arith.constant 0 : i32
      %dma_start3A_208 = tpu.memref_slice %arg16[%mul3A_201, %dma_start3A_207] : memref<10240x128xf32, #tpu.memory_space<vmem_shared>> -> memref<640x128xf32, #tpu.memory_space<vmem_shared>>
      tpu.enqueue_dma source(%dma_start3A_208 : memref<640x128xf32, #tpu.memory_space<vmem_shared>>) target(%dma_start3A_206 : memref<640x128xf32, #tpu.memory_space<hbm>>) target_semaphore(%run_scoped3A : memref<!tpu.dma_semaphore, #tpu.memory_space<semaphore_mem>>)
      %dma_wait3A = arith.constant 0 : i32
      %dma_wait3A_209 = tpu.memref_slice %arg5[%arg0, %mul3A_203, %dma_wait3A] : memref<2x10240x128xf32, #tpu.memory_space<hbm>> -> memref<1x640x128xf32, #tpu.memory_space<hbm>>
      %dma_wait3A_210 = tpu.memref_squeeze %dma_wait3A_209 : memref<1x640x128xf32, #tpu.memory_space<hbm>> -> memref<640x128xf32, #tpu.memory_space<hbm>>
      %dma_wait3A_211 = arith.constant 0 : i32
      %dma_wait3A_212 = tpu.memref_slice %arg16[%mul3A_201, %dma_wait3A_211] : memref<10240x128xf32, #tpu.memory_space<vmem_shared>> -> memref<640x128xf32, #tpu.memory_space<vmem_shared>>
      tpu.wait_dma2 semaphore(%run_scoped3A : memref<!tpu.dma_semaphore, #tpu.memory_space<semaphore_mem>>) src(%dma_wait3A_212 : memref<640x128xf32, #tpu.memory_space<vmem_shared>>) dst(%dma_wait3A_210 : memref<640x128xf32, #tpu.memory_space<hbm>>)
      tpu.yield
    }) : () -> ()
    return
  }
}

module attributes {stable_mosaic.version = 14 : i64} {
  func.func @body(%arg0: memref<10000x128xf32, #tpu.memory_space<vmem>>, %arg1: memref<2x10240x128xf32, #tpu.memory_space<vmem>>, %arg2: memref<128x128xf32, #tpu.memory_space<vmem>>, %arg3: memref<1x128xf32, #tpu.memory_space<vmem>>, %arg4: memref<1x128xf32, #tpu.memory_space<vmem>>, %arg5: memref<1x128xf32, #tpu.memory_space<vmem>>, %arg6: memref<128x128xf32, #tpu.memory_space<vmem>>, %arg7: memref<1x128xf32, #tpu.memory_space<vmem>>, %arg8: memref<10000x128xf32, #tpu.memory_space<vmem>>) attributes {dimension_semantics = [], scalar_prefetch = 0 : i64, scratch_operands = 0 : i64, tpu.core_type = #tpu.core_type<tc>} {
    %get3A = arith.constant 0 : index
    %get3A_0 = arith.constant 0 : index
    %get3A_1 = vector.load %arg0[%get3A, %get3A_0] : memref<10000x128xf32, #tpu.memory_space<vmem>>, vector<10000x128xf32>
    %get3A_2 = arith.constant 0 : index
    %get3A_3 = arith.constant 0 : index
    %get3A_4 = arith.constant 0 : index
    %get3A_5 = vector.load %arg1[%get3A_2, %get3A_3, %get3A_4] : memref<2x10240x128xf32, #tpu.memory_space<vmem>>, vector<1x10000x128xf32>
    %get3A_6 = vector.shape_cast %get3A_5 : vector<1x10000x128xf32> to vector<10000x128xf32>
    %add3A = arith.addf %get3A_1, %get3A_6 : vector<10000x128xf32>
    %get3A_7 = arith.constant 1 : index
    %get3A_8 = arith.constant 0 : index
    %get3A_9 = arith.constant 0 : index
    %get3A_10 = vector.load %arg1[%get3A_7, %get3A_8, %get3A_9] : memref<2x10240x128xf32, #tpu.memory_space<vmem>>, vector<1x10000x128xf32>
    %get3A_11 = vector.shape_cast %get3A_10 : vector<1x10000x128xf32> to vector<10000x128xf32>
    %add3A_12 = arith.addf %add3A, %get3A_11 : vector<10000x128xf32>
    %get3A_13 = arith.constant 0 : index
    %get3A_14 = arith.constant 0 : index
    %get3A_15 = vector.load %arg2[%get3A_13, %get3A_14] : memref<128x128xf32, #tpu.memory_space<vmem>>, vector<128x128xf32>
    %get3A_16 = arith.constant 0 : index
    %get3A_17 = arith.constant 0 : index
    %get3A_18 = vector.load %arg3[%get3A_16, %get3A_17] : memref<1x128xf32, #tpu.memory_space<vmem>>, vector<1x128xf32>
    %get3A_19 = arith.constant 0 : index
    %get3A_20 = arith.constant 0 : index
    %get3A_21 = vector.load %arg4[%get3A_19, %get3A_20] : memref<1x128xf32, #tpu.memory_space<vmem>>, vector<1x128xf32>
    %get3A_22 = arith.constant 0 : index
    %get3A_23 = arith.constant 0 : index
    %get3A_24 = vector.load %arg5[%get3A_22, %get3A_23] : memref<1x128xf32, #tpu.memory_space<vmem>>, vector<1x128xf32>
    %get3A_25 = arith.constant 0 : index
    %get3A_26 = arith.constant 0 : index
    %get3A_27 = vector.load %arg6[%get3A_25, %get3A_26] : memref<128x128xf32, #tpu.memory_space<vmem>>, vector<128x128xf32>
    %get3A_28 = arith.constant 0 : index
    %get3A_29 = arith.constant 0 : index
    %get3A_30 = vector.load %arg7[%get3A_28, %get3A_29] : memref<1x128xf32, #tpu.memory_space<vmem>>, vector<1x128xf32>
    %dot_general3A = arith.constant dense<0.000000e+00> : vector<10000x128xf32>
    %dot_general3A_31 = tpu.matmul %add3A_12, %get3A_15, %dot_general3A {dimension_numbers = #tpu.dot_dimension_numbers<[1], [0], [0], [1], [0, 0, 1, 1], [], []>, transpose_lhs_hint = false} : vector<10000x128xf32>, vector<128x128xf32>, vector<10000x128xf32> -> vector<10000x128xf32>
    %add3A_32 = vector.broadcast %get3A_18 : vector<1x128xf32> to vector<10000x128xf32>
    %add3A_33 = arith.addf %dot_general3A_31, %add3A_32 : vector<10000x128xf32>
    %reduce_sum3A = arith.constant dense<0.000000e+00> : vector<128xf32>
    %reduce_sum3A_34 = vector.multi_reduction <add>, %add3A_33, %reduce_sum3A [0] : vector<10000x128xf32> to vector<128xf32>
    %broadcast_in_dim3A = vector.shape_cast %reduce_sum3A_34 : vector<128xf32> to vector<1x128xf32>
    %div3A = arith.constant 1.000000e+04 : f32
    %div3A_35 = vector.broadcast %div3A : f32 to vector<1x128xf32>
    %div3A_36 = arith.divf %broadcast_in_dim3A, %div3A_35 : vector<1x128xf32>
    %sub3A = vector.broadcast %div3A_36 : vector<1x128xf32> to vector<10000x128xf32>
    %sub3A_37 = arith.subf %add3A_33, %sub3A : vector<10000x128xf32>
    %integer_pow3A = arith.mulf %sub3A_37, %sub3A_37 : vector<10000x128xf32>
    %reduce_sum3A_38 = arith.constant dense<0.000000e+00> : vector<128xf32>
    %reduce_sum3A_39 = vector.multi_reduction <add>, %integer_pow3A, %reduce_sum3A_38 [0] : vector<10000x128xf32> to vector<128xf32>
    %broadcast_in_dim3A_40 = vector.shape_cast %reduce_sum3A_39 : vector<128xf32> to vector<1x128xf32>
    %div3A_41 = arith.constant 1.000000e+04 : f32
    %div3A_42 = vector.broadcast %div3A_41 : f32 to vector<1x128xf32>
    %div3A_43 = arith.divf %broadcast_in_dim3A_40, %div3A_42 : vector<1x128xf32>
    %sub3A_44 = vector.broadcast %div3A_36 : vector<1x128xf32> to vector<10000x128xf32>
    %sub3A_45 = arith.subf %add3A_33, %sub3A_44 : vector<10000x128xf32>
    %mul3A = vector.broadcast %get3A_21 : vector<1x128xf32> to vector<10000x128xf32>
    %mul3A_46 = arith.mulf %mul3A, %sub3A_45 : vector<10000x128xf32>
    %add3A_47 = arith.constant 9.99999974E-6 : f32
    %add3A_48 = vector.broadcast %add3A_47 : f32 to vector<1x128xf32>
    %add3A_49 = arith.addf %div3A_43, %add3A_48 : vector<1x128xf32>
    %rsqrt3A = math.rsqrt %add3A_49 : vector<1x128xf32>
    %mul3A_50 = vector.broadcast %rsqrt3A : vector<1x128xf32> to vector<10000x128xf32>
    %mul3A_51 = arith.mulf %mul3A_46, %mul3A_50 : vector<10000x128xf32>
    %add3A_52 = vector.broadcast %get3A_24 : vector<1x128xf32> to vector<10000x128xf32>
    %add3A_53 = arith.addf %mul3A_51, %add3A_52 : vector<10000x128xf32>
    %max3A = arith.constant 0.000000e+00 : f32
    %max3A_54 = vector.broadcast %max3A : f32 to vector<10000x128xf32>
    %max3A_55 = arith.maximumf %add3A_53, %max3A_54 : vector<10000x128xf32>
    %dot_general3A_56 = arith.constant dense<0.000000e+00> : vector<10000x128xf32>
    %dot_general3A_57 = tpu.matmul %max3A_55, %get3A_27, %dot_general3A_56 {dimension_numbers = #tpu.dot_dimension_numbers<[1], [0], [0], [1], [0, 0, 1, 1], [], []>, transpose_lhs_hint = false} : vector<10000x128xf32>, vector<128x128xf32>, vector<10000x128xf32> -> vector<10000x128xf32>
    %add3A_58 = vector.broadcast %get3A_30 : vector<1x128xf32> to vector<10000x128xf32>
    %add3A_59 = arith.addf %dot_general3A_57, %add3A_58 : vector<10000x128xf32>
    %max3A_60 = arith.constant 0.000000e+00 : f32
    %max3A_61 = vector.broadcast %max3A_60 : f32 to vector<10000x128xf32>
    %max3A_62 = arith.maximumf %add3A_59, %max3A_61 : vector<10000x128xf32>
    %swap3A = arith.constant 0 : index
    %swap3A_63 = arith.constant 0 : index
    %swap3A_64 = vector.load %arg8[%swap3A, %swap3A_63] : memref<10000x128xf32, #tpu.memory_space<vmem>>, vector<10000x128xf32>
    tpu.vector_store %arg8[%swap3A, %swap3A_63], %max3A_62 {strides = array<i32>} : memref<10000x128xf32, #tpu.memory_space<vmem>>, vector<10000x128xf32>,
    return
  }
}

module attributes {stable_mosaic.version = 14 : i64} {
  func.func @body(%arg0: memref<10000x128xf32, #tpu.memory_space<vmem>>, %arg1: memref<2x10240x128xf32, #tpu.memory_space<vmem>>, %arg2: memref<128x128xf32, #tpu.memory_space<vmem>>, %arg3: memref<1x128xf32, #tpu.memory_space<vmem>>, %arg4: memref<1x128xf32, #tpu.memory_space<vmem>>, %arg5: memref<1x128xf32, #tpu.memory_space<vmem>>, %arg6: memref<128x128xf32, #tpu.memory_space<vmem>>, %arg7: memref<1x128xf32, #tpu.memory_space<vmem>>, %arg8: memref<128x64xf32, #tpu.memory_space<vmem>>, %arg9: memref<1x64xf32, #tpu.memory_space<vmem>>, %arg10: memref<10000x64xf32, #tpu.memory_space<vmem>>) attributes {dimension_semantics = [], scalar_prefetch = 0 : i64, scratch_operands = 0 : i64, tpu.core_type = #tpu.core_type<tc>} {
    %get3A = arith.constant 0 : index
    %get3A_0 = arith.constant 0 : index
    %get3A_1 = vector.load %arg0[%get3A, %get3A_0] : memref<10000x128xf32, #tpu.memory_space<vmem>>, vector<10000x128xf32>
    %get3A_2 = arith.constant 0 : index
    %get3A_3 = arith.constant 0 : index
    %get3A_4 = arith.constant 0 : index
    %get3A_5 = vector.load %arg1[%get3A_2, %get3A_3, %get3A_4] : memref<2x10240x128xf32, #tpu.memory_space<vmem>>, vector<1x10000x128xf32>
    %get3A_6 = vector.shape_cast %get3A_5 : vector<1x10000x128xf32> to vector<10000x128xf32>
    %add3A = arith.addf %get3A_1, %get3A_6 : vector<10000x128xf32>
    %get3A_7 = arith.constant 1 : index
    %get3A_8 = arith.constant 0 : index
    %get3A_9 = arith.constant 0 : index
    %get3A_10 = vector.load %arg1[%get3A_7, %get3A_8, %get3A_9] : memref<2x10240x128xf32, #tpu.memory_space<vmem>>, vector<1x10000x128xf32>
    %get3A_11 = vector.shape_cast %get3A_10 : vector<1x10000x128xf32> to vector<10000x128xf32>
    %add3A_12 = arith.addf %add3A, %get3A_11 : vector<10000x128xf32>
    %get3A_13 = arith.constant 0 : index
    %get3A_14 = arith.constant 0 : index
    %get3A_15 = vector.load %arg2[%get3A_13, %get3A_14] : memref<128x128xf32, #tpu.memory_space<vmem>>, vector<128x128xf32>
    %get3A_16 = arith.constant 0 : index
    %get3A_17 = arith.constant 0 : index
    %get3A_18 = vector.load %arg3[%get3A_16, %get3A_17] : memref<1x128xf32, #tpu.memory_space<vmem>>, vector<1x128xf32>
    %get3A_19 = arith.constant 0 : index
    %get3A_20 = arith.constant 0 : index
    %get3A_21 = vector.load %arg4[%get3A_19, %get3A_20] : memref<1x128xf32, #tpu.memory_space<vmem>>, vector<1x128xf32>
    %get3A_22 = arith.constant 0 : index
    %get3A_23 = arith.constant 0 : index
    %get3A_24 = vector.load %arg5[%get3A_22, %get3A_23] : memref<1x128xf32, #tpu.memory_space<vmem>>, vector<1x128xf32>
    %get3A_25 = arith.constant 0 : index
    %get3A_26 = arith.constant 0 : index
    %get3A_27 = vector.load %arg6[%get3A_25, %get3A_26] : memref<128x128xf32, #tpu.memory_space<vmem>>, vector<128x128xf32>
    %get3A_28 = arith.constant 0 : index
    %get3A_29 = arith.constant 0 : index
    %get3A_30 = vector.load %arg7[%get3A_28, %get3A_29] : memref<1x128xf32, #tpu.memory_space<vmem>>, vector<1x128xf32>
    %dot_general3A = arith.constant dense<0.000000e+00> : vector<10000x128xf32>
    %dot_general3A_31 = tpu.matmul %add3A_12, %get3A_15, %dot_general3A {dimension_numbers = #tpu.dot_dimension_numbers<[1], [0], [0], [1], [0, 0, 1, 1], [], []>, transpose_lhs_hint = false} : vector<10000x128xf32>, vector<128x128xf32>, vector<10000x128xf32> -> vector<10000x128xf32>
    %add3A_32 = vector.broadcast %get3A_18 : vector<1x128xf32> to vector<10000x128xf32>
    %add3A_33 = arith.addf %dot_general3A_31, %add3A_32 : vector<10000x128xf32>
    %reduce_sum3A = arith.constant dense<0.000000e+00> : vector<128xf32>
    %reduce_sum3A_34 = vector.multi_reduction <add>, %add3A_33, %reduce_sum3A [0] : vector<10000x128xf32> to vector<128xf32>
    %broadcast_in_dim3A = vector.shape_cast %reduce_sum3A_34 : vector<128xf32> to vector<1x128xf32>
    %div3A = arith.constant 1.000000e+04 : f32
    %div3A_35 = vector.broadcast %div3A : f32 to vector<1x128xf32>
    %div3A_36 = arith.divf %broadcast_in_dim3A, %div3A_35 : vector<1x128xf32>
    %sub3A = vector.broadcast %div3A_36 : vector<1x128xf32> to vector<10000x128xf32>
    %sub3A_37 = arith.subf %add3A_33, %sub3A : vector<10000x128xf32>
    %integer_pow3A = arith.mulf %sub3A_37, %sub3A_37 : vector<10000x128xf32>
    %reduce_sum3A_38 = arith.constant dense<0.000000e+00> : vector<128xf32>
    %reduce_sum3A_39 = vector.multi_reduction <add>, %integer_pow3A, %reduce_sum3A_38 [0] : vector<10000x128xf32> to vector<128xf32>
    %broadcast_in_dim3A_40 = vector.shape_cast %reduce_sum3A_39 : vector<128xf32> to vector<1x128xf32>
    %div3A_41 = arith.constant 1.000000e+04 : f32
    %div3A_42 = vector.broadcast %div3A_41 : f32 to vector<1x128xf32>
    %div3A_43 = arith.divf %broadcast_in_dim3A_40, %div3A_42 : vector<1x128xf32>
    %sub3A_44 = vector.broadcast %div3A_36 : vector<1x128xf32> to vector<10000x128xf32>
    %sub3A_45 = arith.subf %add3A_33, %sub3A_44 : vector<10000x128xf32>
    %mul3A = vector.broadcast %get3A_21 : vector<1x128xf32> to vector<10000x128xf32>
    %mul3A_46 = arith.mulf %mul3A, %sub3A_45 : vector<10000x128xf32>
    %add3A_47 = arith.constant 9.99999974E-6 : f32
    %add3A_48 = vector.broadcast %add3A_47 : f32 to vector<1x128xf32>
    %add3A_49 = arith.addf %div3A_43, %add3A_48 : vector<1x128xf32>
    %rsqrt3A = math.rsqrt %add3A_49 : vector<1x128xf32>
    %mul3A_50 = vector.broadcast %rsqrt3A : vector<1x128xf32> to vector<10000x128xf32>
    %mul3A_51 = arith.mulf %mul3A_46, %mul3A_50 : vector<10000x128xf32>
    %add3A_52 = vector.broadcast %get3A_24 : vector<1x128xf32> to vector<10000x128xf32>
    %add3A_53 = arith.addf %mul3A_51, %add3A_52 : vector<10000x128xf32>
    %max3A = arith.constant 0.000000e+00 : f32
    %max3A_54 = vector.broadcast %max3A : f32 to vector<10000x128xf32>
    %max3A_55 = arith.maximumf %add3A_53, %max3A_54 : vector<10000x128xf32>
    %dot_general3A_56 = arith.constant dense<0.000000e+00> : vector<10000x128xf32>
    %dot_general3A_57 = tpu.matmul %max3A_55, %get3A_27, %dot_general3A_56 {dimension_numbers = #tpu.dot_dimension_numbers<[1], [0], [0], [1], [0, 0, 1, 1], [], []>, transpose_lhs_hint = false} : vector<10000x128xf32>, vector<128x128xf32>, vector<10000x128xf32> -> vector<10000x128xf32>
    %add3A_58 = vector.broadcast %get3A_30 : vector<1x128xf32> to vector<10000x128xf32>
    %add3A_59 = arith.addf %dot_general3A_57, %add3A_58 : vector<10000x128xf32>
    %max3A_60 = arith.constant 0.000000e+00 : f32
    %max3A_61 = vector.broadcast %max3A_60 : f32 to vector<10000x128xf32>
    %max3A_62 = arith.maximumf %add3A_59, %max3A_61 : vector<10000x128xf32>
    %get3A_63 = arith.constant 0 : index
    %get3A_64 = arith.constant 0 : index
    %get3A_65 = vector.load %arg8[%get3A_63, %get3A_64] : memref<128x64xf32, #tpu.memory_space<vmem>>, vector<128x64xf32>
    %dot_general3A_66 = arith.constant dense<0.000000e+00> : vector<10000x64xf32>
    %dot_general3A_67 = tpu.matmul %max3A_62, %get3A_65, %dot_general3A_66 {dimension_numbers = #tpu.dot_dimension_numbers<[1], [0], [0], [1], [0, 0, 1, 1], [], []>, transpose_lhs_hint = false} : vector<10000x128xf32>, vector<128x64xf32>, vector<10000x64xf32> -> vector<10000x64xf32>
    %get3A_68 = arith.constant 0 : index
    %get3A_69 = arith.constant 0 : index
    %get3A_70 = vector.load %arg9[%get3A_68, %get3A_69] : memref<1x64xf32, #tpu.memory_space<vmem>>, vector<1x64xf32>
    %add3A_71 = vector.broadcast %get3A_70 : vector<1x64xf32> to vector<10000x64xf32>
    %add3A_72 = arith.addf %dot_general3A_67, %add3A_71 : vector<10000x64xf32>
    %reduce_max3A = arith.constant dense<0xFF800000> : vector<10000xf32>
    %reduce_max3A_73 = vector.multi_reduction <maximumf>, %add3A_72, %reduce_max3A [1] : vector<10000x64xf32> to vector<10000xf32>
    %broadcast_in_dim3A_74 = vector.shape_cast %reduce_max3A_73 : vector<10000xf32> to vector<10000x1xf32>
    %sub3A_75 = vector.broadcast %broadcast_in_dim3A_74 : vector<10000x1xf32> to vector<10000x64xf32>
    %sub3A_76 = arith.subf %add3A_72, %sub3A_75 : vector<10000x64xf32>
    %exp3A = math.exp %sub3A_76 : vector<10000x64xf32>
    %reduce_sum3A_77 = arith.constant dense<0.000000e+00> : vector<10000xf32>
    %reduce_sum3A_78 = vector.multi_reduction <add>, %exp3A, %reduce_sum3A_77 [1] : vector<10000x64xf32> to vector<10000xf32>
    %broadcast_in_dim3A_79 = vector.shape_cast %reduce_sum3A_78 : vector<10000xf32> to vector<10000x1xf32>
    %log3A = math.log %broadcast_in_dim3A_79 : vector<10000x1xf32>
    %sub3A_80 = vector.broadcast %log3A : vector<10000x1xf32> to vector<10000x64xf32>
    %sub3A_81 = arith.subf %sub3A_76, %sub3A_80 : vector<10000x64xf32>
    %swap3A = arith.constant 0 : index
    %swap3A_82 = arith.constant 0 : index
    %swap3A_83 = vector.load %arg10[%swap3A, %swap3A_82] : memref<10000x64xf32, #tpu.memory_space<vmem>>, vector<10000x64xf32>
    tpu.vector_store %arg10[%swap3A, %swap3A_82], %sub3A_81 {strides = array<i32>} : memref<10000x64xf32, #tpu.memory_space<vmem>>, vector<10000x64xf32>,
    return
  }
}

</mosaic_0001>

<sc_bundles>
// kernel: kernel.6.cloned.1.call-start
scs
__scs_entry_jumppad:
0x0: {  	(pc) =	sbr.rel $0x88, $3  }
0x1: {  	(tag) =	ssettag $0x0;
	lr =	simm.s32 $0x1  }
0x2: {  	[smem:$0x3F91] =	sst lr;
	_ =	strace $0xD0000000  }
0x3: {  	_ = 	snop  }
0x4: {  	_ = 	snop  }
0x5: {  	_ = 	snop  }
0x6: {  	_ = 	snop  }
0x7: {  	_ = 	snop  }
__scs_overlays_trampoline_lowered:
0x8: {  	[smem:$0x3FA0] =	sst s0  }
0x9: {  	[smem:$0x3FA1] =	sst s1  }
0xa: {  	[smem:$0x3FA2] =	sst s2  }
0xb: {  	[smem:$0x3FA3] =	sst s3  }
0xc: {  	[smem:$0x3FA4] =	sst s4  }
0xd: {  	[smem:$0x3FA5] =	sst s5  }
0xe: {  	[smem:$0x3FA6] =	sst s6  }
0xf: {  	[smem:$0x3FA7] =	sst s7  }
0x10: {  	[smem:$0x3FA8] =	sst s8  }
0x11: {  	[smem:$0x3FA9] =	sst s9;
	s0 =	simm.s32 @!p0 $0x0  }
0x12: {  	s1 =	sld [smem:$0x3F8F];
	s0 =	simm.s32 @p0 $0x1  }
0x13: {  	[smem:$0x3FAA] =	sst s0;
	s0 =	simm.s32 @!p1 $0x0  }
0x14: {  	s2 =	sld [smem:$0x3F8E];
	s0 =	simm.s32 @p1 $0x1  }
0x15: {  	[smem:$0x3FAB] =	sst s0;
	s0 =	simm.s32 @!p2 $0x0  }
0x16: {  	s3 =	sld [smem:$0x3FDB];
	s0 =	simm.s32 @p2 $0x1  }
0x17: {  	s4 =	simm.s32 $0x1BF5;
	[smem:$0x3FAD] =	sst s0  }
0x18: {  	s0 =	sld [smem:$0x3F90];
	_ =	swait.ge [sflag:s4], $0x0  }
0x19: {  	s7 =	sld [smem:$0x3F91]  }
0x1a: {  	s8 =	sadd.s32 $0xFFFFE003, lr  }
0x1b: {  	s9 =	sadd.s32 $0xFFFFFEF7, lr;
	s5 =	simm.s32 $0xFFFFFFFF;
	p2 =	slt.u32 s8, $0xFFFFF086  }
0x1c: {  	p1 =	slt.u32 s9, $0xF7A;
	s5 =	simm.s32 @!p2 $0x0  }
0x1d: {  	s5 =	simm.s32 @p1 $0x1;
	p0 =	seq.s32 s7, s2  }
0x1e: {  	s7 =	smul.u32 @!p0 $0xF7A, s2;
	p2 =	seq.s32 @!p0 s5, $0x0  }
0x1f: {  	s9 =	smul.u32 $0xF7A, s1;
	s8 =	simm.s32 @!p0 $0x1BF5;
	p2 =	por !p2, p0  }
0x20: {  	[sflag:s8] =	ssyncset.s32 @!p0 $0xFFFFF086;
	s6 =	sadd.s32 @!p0 s3, s7;
	s7 =	simm.s32 @!p0 $0x108  }
0x21: {  	s3 =	sadd.s32 s3, s9;
	s6 =	sadd.s32 @!p0 $0x88, s6;
	s7 =	simm.s32 @p2 $0x1082  }
0x22: {  	[simem:s7], [sflag:s8] =	dma.local @!p0 [hbm:s6], $0xF7A  }
0x23: {  	s9 =	sor.u32 $0xD0000000, s2;
	s6 =	simm.s32 $0x108;
	_ =	swait.ge @!p0 [sflag:s8], $0x0  }
0x24: {  	s3 =	sadd.s32 $0x88, s3;
	s6 =	simm.s32 @!p1 $0x1082;
	[sflag:s4] =	ssyncset.s32 $0xFFFFF086  }
0x25: {  	[simem:s6], [sflag:s4] =	dma.local [hbm:s3], $0xF7A  }
0x26: {  	[smem:$0x3F91] =	sst s1;
	(tag) =	ssettag s2;
	_ =	strace s9  }
0x27: {  	s1 =	sld [smem:$0x3FA1]  }
0x28: {  	s2 =	sld [smem:$0x3FA2]  }
0x29: {  	s4 =	sld [smem:$0x3FA4]  }
0x2a: {  	p0 =	seq.s32 s5, $0x0;
	s5 =	sld [smem:$0x3FA5]  }
0x2b: {  	s6 =	sld [smem:$0x3FA6]  }
0x2c: {  	s7 =	sld [smem:$0x3FA7]  }
0x2d: {  	s3 =	simm.s32 $0x108;
	s8 =	sld [smem:$0x3FA8]  }
0x2e: {  	s3 =	simm.s32 @!p0 $0x1082;
	s9 =	sld [smem:$0x3FA9]  }
0x2f: {  	lr =	sadd.s32 s0, s3;
	s0 =	sld [smem:$0x3FA0]  }
0x30: {  	s3 =	sld [smem:$0x3FA3]  }
0x31: {  	[smem:$0x3FAC] =	sst s10  }
0x32: {  	s10 =	sld [smem:$0x3FAA];
	_ =	sdelay $0x3  }
0x33: {  	p0 =	seq.s32 s10, $0x1;
	s10 =	sld [smem:$0x3FAC];
	_ =	sdelay $0x3  }
0x34: {  	[smem:$0x3FAC] =	sst s10  }
0x35: {  	s10 =	sld [smem:$0x3FAB];
	_ =	sdelay $0x3  }
0x36: {  	p1 =	seq.s32 s10, $0x1;
	s10 =	sld [smem:$0x3FAC];
	_ =	sdelay $0x3  }
0x37: {  	[smem:$0x3FAC] =	sst s10  }
0x38: {  	s10 =	sld [smem:$0x3FAD]  }
0x39: {  	_ = 	snop;
	(pc) =	sbr.ind lr, $3  }
0x3a: {  	_ = 	snop  }
0x3b: {  	_ = 	snop  }
0x3c: {  	p2 =	seq.s32 s10, $0x1;
	s10 =	sld [smem:$0x3FAC]  }
0x3d: {  	_ =	shalt  }
0x3e: {  	_ =	shalt  }
0x3f: {  	_ =	shalt  }
0x40: {  	_ =	shalt  }
0x41: {  	_ =	shalt  }
0x42: {  	_ =	shalt  }
0x43: {  	_ =	shalt  }
0x44: {  	_ =	shalt  }
0x45: {  	_ =	shalt  }
0x46: {  	_ =	shalt  }
0x47: {  	_ =	shalt  }
0x48: {  	_ =	shalt  }
0x49: {  	_ =	shalt  }
0x4a: {  	_ =	shalt  }
0x4b: {  	_ =	shalt  }
0x4c: {  	_ =	shalt  }
0x4d: {  	_ =	shalt  }
0x4e: {  	_ =	shalt  }
0x4f: {  	_ =	shalt  }
0x50: {  	_ =	shalt  }
0x51: {  	_ =	shalt  }
0x52: {  	_ =	shalt  }
0x53: {  	_ =	shalt  }
0x54: {  	_ =	shalt  }
0x55: {  	_ =	shalt  }
0x56: {  	_ =	shalt  }
0x57: {  	_ =	shalt  }
0x58: {  	_ =	shalt  }
0x59: {  	_ =	shalt  }
0x5a: {  	_ =	shalt  }
0x5b: {  	_ =	shalt  }
0x5c: {  	_ =	shalt  }
0x5d: {  	_ =	shalt  }
0x5e: {  	_ =	shalt  }
0x5f: {  	_ =	shalt  }
0x60: {  	_ =	shalt  }
0x61: {  	_ =	shalt  }
0x62: {  	_ =	shalt  }
0x63: {  	_ =	shalt  }
0x64: {  	_ =	shalt  }
0x65: {  	_ =	shalt  }
0x66: {  	_ =	shalt  }
0x67: {  	_ =	shalt  }
0x68: {  	_ =	shalt  }
0x69: {  	_ =	shalt  }
0x6a: {  	_ =	shalt  }
0x6b: {  	_ =	shalt  }
0x6c: {  	_ =	shalt  }
0x6d: {  	_ =	shalt  }
0x6e: {  	_ =	shalt  }
0x6f: {  	_ =	shalt  }
0x70: {  	_ =	shalt  }
0x71: {  	_ =	shalt  }
0x72: {  	_ =	shalt  }
0x73: {  	_ =	shalt  }
0x74: {  	_ =	shalt  }
0x75: {  	_ =	shalt  }
0x76: {  	_ =	shalt  }
0x77: {  	_ =	shalt  }
0x78: {  	_ =	shalt  }
0x79: {  	_ =	shalt  }
0x7a: {  	_ =	shalt  }
0x7b: {  	_ =	shalt  }
0x7c: {  	_ =	shalt  }
0x7d: {  	_ =	shalt  }
0x7e: {  	_ =	shalt  }
0x7f: {  	_ =	shalt  }
0x80: {  	_ =	shalt  }
0x81: {  	_ =	shalt  }
0x82: {  	_ =	shalt  }
0x83: {  	_ =	shalt  }
0x84: {  	_ =	shalt  }
0x85: {  	_ =	shalt  }
0x86: {  	_ =	shalt  }
0x87: {  	_ =	shalt  }
.Lfunc_end0:
.L_simem_size_0:
called_computation_lowered:
.L_overlay_start_0:
0x88: {  	s2 =	sld [smem:$0x3FD9]  }
0x89: {  	s3 =	sld [smem:$0x3FFE];
	_ =	sdelay $0x1  }
0x8a: {  	s1 =	srdreg.scid  }
0x8b: {  	s0 =	sand.u32 $0x1, s1  }
0x8c: {  	s17 =	sshll.u32 s0, $0xA;
	s2 =	sadd.s32 s3, s2  }
0x8d: {  	s2 =	sadd.s32 s2, s17  }
0x8e: {  	[smem:$0x3FB8] =	sst s2  }
0x8f: {  	_ = 	snop  }
0x90: {  	s2 =	sld [smem:$0x3FC9];
	(tm) =	ssettm $0x1  }
0x91: {  	s18 =	sld [smem:$0x3FFB];
	_ =	sdelay $0x3  }
0x92: {  	_ =	strace s18  }
0x93: {  	s3 =	sld [smem:$0x3FFC];
	_ =	sdelay $0x3  }
0x94: {  	_ =	strace s3  }
0x95: {  	s3 =	sld [smem:$0x3FFD];
	_ =	sdelay $0x3  }
0x96: {  	_ =	strace s3  }
0x97: {  	_ =	strace $0x8FFFFFFF  }
0x98: {  	s19 =	sld [smem:$0x3FDB];
	_ =	sdelay $0x1  }
0x99: {  	s4 =	simm.s32 $_scs_section_size  }
0x9a: {  	s5 =	simm.s32 $_size__tile_overlayer_lowered;
	s6 =	simm.s32 $_tile_overlayer_lowered  }
0x9b: {  	s22 =	simm.s32 $0x1BFF;
	s21 =	sshll.u32 s6, $0x1;
	s3 =	sadd.s32 s4, s19  }
0x9c: {  	s7 =	simm.s32 $0x0;
	s20 =	sshll.u32 s5, $0x1;
	s5 =	sadd.s32 s21, s3  }
0x9d: {  	[timem:s7], [sflag:s22] =	dma.local [hbm:s5], s20  }
0x9e: {  	_ =	swait.ge [sflag:s22], s20  }
0x9f: {  	s4 =	ssub.s32 $0x0, s20;
	[sflag:s22] =	ssyncset.done $0x0  }
0xa0: {  	[sflag:s22] =	ssyncadd.s32 s4;
	_ =	sdelay $0x1  }
0xa1: {  	s23 =	simm.s32 $0x1B8B  }
0xa2: {  	_ =	swait.ge [sflag:s23], $0x1  }
0xa3: {  	[sflag:s23] =	ssyncset.done $0x0  }
0xa4: {  	s25 =	simm.s32 $0x1B8E;
	s24 =	sld [smem:$0x3FFE];
	[sflag:s23] =	ssyncadd.s32 $0xFFFFFFFF  }
0xa5: {  	s26 =	simm.s32 $execute0_lowered;
	[smem:$0x3FD2] =	sst s25  }
0xa6: {  	s5 =	sshll.u32 s26, $0x1;
	_ =	strace $0x80000046;
	[dreg:$0x1] =	wrdreg $0xFFFFFFFF  }
0xa7: {  	s28 =	simm.s32 $_size_execute0_lowered;
	s3 =	sadd.s32 s3, s5;
	[dreg:$0x0] =	wrdreg $0x0  }
0xa8: {  	s5 =	sshll.u32 s28, $0x1;
	[dreg:$0x2] =	wrdreg s3  }
0xa9: {  	[dreg:$0x3] =	wrdreg s5  }
0xaa: {  	[dreg:$0x4] =	wrdreg $0xC0  }
0xab: {  	_ =	task [dreg:s7], $0x5FFFF  }
0xac: {  	[dreg:$0x1] =	wrdreg $0xFFFFFFFF  }
0xad: {  	[dreg:$0x0] =	wrdreg $0x60  }
0xae: {  	[dreg:$0x2] =	wrdreg s2  }
0xaf: {  	[dreg:$0x3] =	wrdreg s24  }
0xb0: {  	[dreg:$0x4] =	wrdreg $0xA8000  }
0xb1: {  	[dreg:$0x5] =	wrdreg $0x9  }
0xb2: {  	_ =	task.clear_ibuf [dreg:s7], $0x6FFFF;
	_ =	strace $0x90000046  }
0xb3: {  	s29 =	simm.s32 $0x9;
	_ =	strace $0x80000048  }
0xb4: {  	_ =	swait.ge [sflag:s29], $0x1  }
0xb5: {  	[sflag:s29] =	ssyncadd.s32 $0xFFFFFFFF  }
0xb6: {  	_ =	strace $0x90000048  }
0xb7: {  	_ =	sfence  }
0xb8: {  	s30 =	sld [smem:$0x0];
	_ =	sdelay $0x2  }
0xb9: {  	s31 =	sshll.u32 s1, $0xD;
	s1 =	sshrl.u32 s1, $0x2  }
0xba: {  	s3 =	sand.u32 $0x4000, s31;
	s1 =	sadd.s32 s1, s30  }
0xbb: {  	s0 =	sor.u32 s3, s0;
	s1 =	sshll.u32 s1, $0x11  }
0xbc: {  	s0 =	sor.u32 s1, s0  }
0xbd: {  	s0 =	sadd.s32 $0x8F2B, s0  }
0xbe: {  	[sflag:s0] =	ssyncadd.remote.s32 $0x1  }
0xbf: {  	_ =	sfence.sel $0xFFFF  }
0xc0: {  	[dreg:$0x0] =	wrdreg $0xFFFFFFFF;
	(pc) =	sbr.abs _section_cstart, $3  }
0xc1: {  	[dreg:$0x1] =	wrdreg $0xFFFFFFFF  }
0xc2: {  	_ =	task.clear_ibuf [dreg:s7], $0x2FFFF;
	_ =	strace $0x9FFFFFFF  }
0xc3: {  	(tm) =	ssettm $0x7FFFFFFF  }
tec
execute0_lowered:
.L_overlay_start_1:
0x0: {  	(tag) =	ssettag $0x1  }
0x1: {  	s1 =	rddreg [dreg:$0x0]  }
0x2: {  	s0 =	rddreg [dreg:$0x1]  }
0x3: {  	s2 =	rddreg [dreg:$0x2]  }
0x4: {  	s4 =	simm.s32 $0x0;
	s3 =	srdreg.scid;
	s9 =	stileid.u32  }
0x5: {  	s28 =	simm.s32 $0x2800;
	s29 =	simm.s32 $0x40;
	s30 =	simm.s32 $0x80  }
0x6: {  	s31 =	simm.s32 $0x4800;
	[smem:$0x7FF] =	sst s4;
	s3 =	sand.u32 $0x1, s3  }
0x7: {  	s5 =	smul.u32 $0x14000, s9;
	s7 =	sadd.s32 $0x2E00, s0;
	s8 =	sadd.s32 $0x16E00, s0  }
0x8: {  	s25 =	smul.u32 $0x140000, s3;
	_ =	strace $0x80000047;
	s6 =	sshll.u32 s3, $0x4  }
0x9: {  	s3 =	ssub.s32 $0x2, s3;
	s26 =	sor.u32 s9, s6;
	s9 =	smul.u32 $0x50000, s9  }
0xa: {  	s11 =	sshrl.u32 s3, $0x1;
	s4 =	sadd.s32 s5, s25;
	s10 =	smul.u32 $0xA00, s26  }
0xb: {  	s3 =	ssub.s32 s3, s11;
	s15 =	smul.u32 $0x5000, s26;
	s11 =	simm.s32 $0x2600  }
0xc: {  	s4 =	sshrl.u32 s4, $0x3;
	s6 =	sshrl.u32 s9, $0x2;
	s12 =	sadd.s32 s7, s10  }
0xd: {  	s6 =	sadd.s32 s6, s2;
	s13 =	sadd.s32 s8, s10;
	[dreg:$0x4] =	wrdreg s12  }
0xe: {  	s9 =	simm.s32 $0x3;
	[dreg:$0x5] =	wrdreg s13;
	s14 =	sadd.s32 $0x2000, s6  }
0xf: {  	s0 =	sadd.s32 s4, s0;
	s16 =	sadd.s32 $0x4000, s6;
	[dreg:$0x6] =	wrdreg s14  }
0x10: {  	s4 =	sshrl.u32 s15, $0x3;
	s17 =	sadd.s32 $0x6000, s6;
	[dreg:$0x7] =	wrdreg s16  }
0x11: {  	s10 =	simm.s32 $0x4;
	s18 =	sadd.s32 $0x8000, s6;
	[dreg:$0x8] =	wrdreg s17  }
0x12: {  	s15 =	simm.s32 $0x0;
	s19 =	sadd.s32 $0xA000, s6;
	[dreg:$0x9] =	wrdreg s18  }
0x13: {  	s20 =	sadd.s32 $0xC000, s6;
	s21 =	sadd.s32 $0xE000, s6;
	[dreg:$0xa] =	wrdreg s19  }
0x14: {  	s22 =	sadd.s32 $0x10000, s6;
	s23 =	sadd.s32 $0x280, s4;
	[dreg:$0xb] =	wrdreg s20  }
0x15: {  	s24 =	sadd.s32 $0x12000, s6;
	s26 =	sadd.s32 $0x500, s4;
	[dreg:$0xc] =	wrdreg s21  }
0x16: {  	s4 =	sadd.s32 $0x780, s4;
	s12 =	simm.s32 $0x2680;
	[dreg:$0xd] =	wrdreg s22  }
0x17: {  	s13 =	simm.s32 $0x2700;
	[dreg:$0xe] =	wrdreg s24;
	s25 =	sadd.s32 s7, s23  }
0x18: {  	s5 =	sadd.s32 s8, s23;
	s19 =	sadd.s32 s7, s26;
	s20 =	sadd.s32 s8, s26  }
0x19: {  	s21 =	sadd.s32 s7, s4;
	s22 =	sadd.s32 s8, s4;
	s23 =	sadd.s32 $0x2AE00, s0  }
0x1a: {  	s24 =	smax.u32 s3, $0x1;
	s26 =	simm.s32 $0x1400;
	s0 =	simm.s32 $0x100  }
0x1b: {  	s3 =	simm.s32 $0x6800;
	s4 =	simm.s32 $0x180;
	s7 =	simm.s32 $0x1  }
0x1c: {  	s8 =	simm.s32 $0x2;
	s14 =	simm.s32 $0x2780;
	[dreg:$0xf] =	wrdreg s25  }
0x1d: {  	v0 =	vimm.f32 $0.0e+00;
	[dreg:$0x10] =	wrdreg s5;
	s25 =	simm.s32 $0x5;
	s5 =	simm.s32 $0x8800  }
.LBB2_1:
0x1e: {  	s16 =	simm.s32 $0x0;
	s17 =	rddreg [dreg:$0x4]  }
0x1f: {  	[tilespmem:s16], [sflag:$0x5] =	stream.linear.gather [hbm4b:s17+s16], $0x1400, $0x38;
	[tilespmem:$0x1E800] =	vst v63  }
0x20: {  	_ =	swait.ge [sflag:s25], $0x1400  }
0x21: {  	[sflag:s25] =	ssyncset.done $0x0  }
0x22: {  	s18 =	rddreg [dreg:$0x5];
	[sflag:s25] =	ssyncadd.s32 $0xFFFFEC00  }
0x23: {  	[tilespmem:s26], [sflag:$0x5] =	stream.linear.gather [hbm4b:s18+s16], $0x1400, $0x38;
	[tilespmem:$0x1E800] =	vst v63  }
0x24: {  	_ =	swait.ge [sflag:s25], $0x1400  }
0x25: {  	[sflag:s25] =	ssyncset.done $0x0  }
0x26: {  	s17 =	simm.s32 $0x200;
	s16 =	simm.s32 $0x0;
	[sflag:s25] =	ssyncadd.s32 $0xFFFFEC00  }
.LBB2_2:
0x27: {  	p0 =	sne.s32 s17, $0x7E00;
	[tilespmem:s16+$0x2870] =	vst v0  }
0x28: {  	[tilespmem:s16+$0x2800] =	vst v0  }
0x29: {  	[tilespmem:s16+$0x2810] =	vst v0  }
.Ltmp0:
0x2a: {  	[tilespmem:s16+$0x2820] =	vst v0;
	(pc) =	sbr.rel @p0 .LBB2_2-.Ltmp0, $4  }
0x2b: {  	[tilespmem:s16+$0x2830] =	vst v0  }
0x2c: {  	[tilespmem:s16+$0x2840] =	vst v0  }
0x2d: {  	[tilespmem:s16+$0x2850] =	vst v0  }
0x2e: {  	[tilespmem:s16+$0x2860] =	vst v0;
	s16 =	sshra.s32 s17, $0x2;
	s17 =	sadd.s32 $0x200, s17  }
0x2f: {  	[tilespmem:s16+$0x2870] =	vst v0  }
0x30: {  	[tilespmem:s16+$0x2800] =	vst v0  }
0x31: {  	[tilespmem:s16+$0x2810] =	vst v0  }
0x32: {  	[tilespmem:s16+$0x2820] =	vst v0  }
0x33: {  	[tilespmem:s16+$0x2830] =	vst v0  }
0x34: {  	[tilespmem:s16+$0x2840] =	vst v0  }
0x35: {  	[tilespmem:s16+$0x2850] =	vst v0  }
0x36: {  	[tilespmem:s16+$0x2860] =	vst v0  }
0x37: {  	[spmem:s6] =	stream.linear.scatter [tilespmem:s28], [sflag:$0x5], $0x2000, $0x38;
	[tilespmem:$0x1E800] =	vst v63  }
0x38: {  	_ =	swait.ge [sflag:s25], $0x2000  }
0x39: {  	[sflag:s25] =	ssyncset.done $0x0  }
0x3a: {  	s18 =	rddreg [dreg:$0x6];
	[sflag:s25] =	ssyncadd.s32 $0xFFFFE000  }
0x3b: {  	[spmem:s18] =	stream.linear.scatter [tilespmem:s28], [sflag:$0x5], $0x2000, $0x38;
	[tilespmem:$0x1E800] =	vst v63  }
0x3c: {  	_ =	swait.ge [sflag:s25], $0x2000  }
0x3d: {  	[sflag:s25] =	ssyncset.done $0x0  }
0x3e: {  	s17 =	rddreg [dreg:$0x7];
	[sflag:s25] =	ssyncadd.s32 $0xFFFFE000  }
0x3f: {  	[spmem:s17] =	stream.linear.scatter [tilespmem:s28], [sflag:$0x5], $0x2000, $0x38;
	[tilespmem:$0x1E800] =	vst v63  }
0x40: {  	_ =	swait.ge [sflag:s25], $0x2000  }
0x41: {  	[sflag:s25] =	ssyncset.done $0x0  }
0x42: {  	s18 =	rddreg [dreg:$0x8];
	[sflag:s25] =	ssyncadd.s32 $0xFFFFE000  }
0x43: {  	[spmem:s18] =	stream.linear.scatter [tilespmem:s28], [sflag:$0x5], $0x2000, $0x38;
	[tilespmem:$0x1E800] =	vst v63  }
0x44: {  	_ =	swait.ge [sflag:s25], $0x2000  }
0x45: {  	[sflag:s25] =	ssyncset.done $0x0  }
0x46: {  	s17 =	rddreg [dreg:$0x9];
	[sflag:s25] =	ssyncadd.s32 $0xFFFFE000  }
0x47: {  	[spmem:s17] =	stream.linear.scatter [tilespmem:s28], [sflag:$0x5], $0x2000, $0x38;
	[tilespmem:$0x1E800] =	vst v63  }
0x48: {  	_ =	swait.ge [sflag:s25], $0x2000  }
0x49: {  	[sflag:s25] =	ssyncset.done $0x0  }
0x4a: {  	s18 =	rddreg [dreg:$0xa];
	[sflag:s25] =	ssyncadd.s32 $0xFFFFE000  }
0x4b: {  	[spmem:s18] =	stream.linear.scatter [tilespmem:s28], [sflag:$0x5], $0x2000, $0x38;
	[tilespmem:$0x1E800] =	vst v63  }
0x4c: {  	_ =	swait.ge [sflag:s25], $0x2000  }
0x4d: {  	[sflag:s25] =	ssyncset.done $0x0  }
0x4e: {  	s17 =	rddreg [dreg:$0xb];
	[sflag:s25] =	ssyncadd.s32 $0xFFFFE000  }
0x4f: {  	[spmem:s17] =	stream.linear.scatter [tilespmem:s28], [sflag:$0x5], $0x2000, $0x38;
	[tilespmem:$0x1E800] =	vst v63  }
0x50: {  	_ =	swait.ge [sflag:s25], $0x2000  }
0x51: {  	[sflag:s25] =	ssyncset.done $0x0  }
0x52: {  	s18 =	rddreg [dreg:$0xc];
	[sflag:s25] =	ssyncadd.s32 $0xFFFFE000  }
0x53: {  	[spmem:s18] =	stream.linear.scatter [tilespmem:s28], [sflag:$0x5], $0x2000, $0x38;
	[tilespmem:$0x1E800] =	vst v63  }
0x54: {  	_ =	swait.ge [sflag:s25], $0x2000  }
0x55: {  	[sflag:s25] =	ssyncset.done $0x0  }
0x56: {  	s17 =	rddreg [dreg:$0xd];
	[sflag:s25] =	ssyncadd.s32 $0xFFFFE000  }
0x57: {  	[spmem:s17] =	stream.linear.scatter [tilespmem:s28], [sflag:$0x5], $0x2000, $0x38;
	[tilespmem:$0x1E800] =	vst v63  }
0x58: {  	_ =	swait.ge [sflag:s25], $0x2000  }
0x59: {  	[sflag:s25] =	ssyncset.done $0x0  }
0x5a: {  	s18 =	rddreg [dreg:$0xe];
	[sflag:s25] =	ssyncadd.s32 $0xFFFFE000  }
0x5b: {  	[spmem:s18] =	stream.linear.scatter [tilespmem:s28], [sflag:$0x5], $0x2000, $0x38;
	[tilespmem:$0x1E800] =	vst v63  }
0x5c: {  	_ =	swait.ge [sflag:s25], $0x2000  }
0x5d: {  	[sflag:s25] =	ssyncset.done $0x0  }
0x5e: {  	[sflag:s25] =	ssyncadd.s32 $0xFFFFE000  }
0x5f: {  	s17 =	simm.s32 $0x0;
	[bflag:$0x0] =	sbarrier.arrive $0xFFFF  }
0x60: {  	[tilespmem:s28], [sflag:$0x1] =	stream.indirect.gather [hbm4b:s1+s29], $0x80, s17, s29, $0xb8;
	[tilespmem:$0x1E800] =	vst v63  }
0x61: {  	_ = 	snop  }
0x62: {  	[tilespmem:s31], [sflag:$0x2] =	stream.indirect.gather [hbm4b:s1+s29], $0x80, s30, s29, $0xb8;
	[tilespmem:$0x1E800] =	vst v63  }
0x63: {  	_ = 	snop  }
0x64: {  	[tilespmem:s3], [sflag:$0x3] =	stream.indirect.gather [hbm4b:s1+s29], $0x80, s0, s29, $0xb8;
	[tilespmem:$0x1E800] =	vst v63  }
0x65: {  	_ = 	snop  }
0x66: {  	[tilespmem:s5], [sflag:$0x4] =	stream.indirect.gather [hbm4b:s1+s29], $0x80, s4, s29, $0xb8;
	[tilespmem:$0x1E800] =	vst v63  }
0x67: {  	_ =	swait.ge [sflag:s7], $0x2000  }
0x68: {  	[sflag:s7] =	ssyncset.done $0x0  }
0x69: {  	s18 =	simm.s32 $0x1400;
	[sflag:s7] =	ssyncadd.s32 $0xFFFFE000  }
0x6a: {  	[spmem:s2] =	stream.indirect.scatter.add.f32 [tilespmem:s28], [sflag:$0x5], $0x80, s18, s29, $0xb8;
	[tilespmem:$0x1E800] =	vst v63  }
0x6b: {  	_ =	swait.ge [sflag:s25], $0x2000  }
0x6c: {  	[sflag:s25] =	ssyncset.done $0x0  }
0x6d: {  	s17 =	simm.s32 $0x200;
	[sflag:s25] =	ssyncadd.s32 $0xFFFFE000  }
0x6e: {  	[tilespmem:s28], [sflag:$0x1] =	stream.indirect.gather [hbm4b:s1+s29], $0x80, s17, s29, $0xb8;
	[tilespmem:$0x1E800] =	vst v63  }
0x6f: {  	_ =	swait.ge [sflag:s8], $0x2000  }
0x70: {  	[sflag:s8] =	ssyncset.done $0x0  }
0x71: {  	s18 =	simm.s32 $0x1480;
	[sflag:s8] =	ssyncadd.s32 $0xFFFFE000  }
0x72: {  	[spmem:s2] =	stream.indirect.scatter.add.f32 [tilespmem:s31], [sflag:$0x5], $0x80, s18, s29, $0xb8;
	[tilespmem:$0x1E800] =	vst v63  }
0x73: {  	_ =	swait.ge [sflag:s25], $0x2000  }
0x74: {  	[sflag:s25] =	ssyncset.done $0x0  }
0x75: {  	s17 =	simm.s32 $0x280;
	[sflag:s25] =	ssyncadd.s32 $0xFFFFE000  }
0x76: {  	[tilespmem:s31], [sflag:$0x2] =	stream.indirect.gather [hbm4b:s1+s29], $0x80, s17, s29, $0xb8;
	[tilespmem:$0x1E800] =	vst v63  }
0x77: {  	_ =	swait.ge [sflag:s9], $0x2000  }
0x78: {  	[sflag:s9] =	ssyncset.done $0x0  }
0x79: {  	s18 =	simm.s32 $0x1500;
	[sflag:s9] =	ssyncadd.s32 $0xFFFFE000  }
0x7a: {  	[spmem:s2] =	stream.indirect.scatter.add.f32 [tilespmem:s3], [sflag:$0x5], $0x80, s18, s29, $0xb8;
	[tilespmem:$0x1E800] =	vst v63  }
0x7b: {  	_ =	swait.ge [sflag:s25], $0x2000  }
0x7c: {  	[sflag:s25] =	ssyncset.done $0x0  }
0x7d: {  	s17 =	simm.s32 $0x300;
	[sflag:s25] =	ssyncadd.s32 $0xFFFFE000  }
0x7e: {  	[tilespmem:s3], [sflag:$0x3] =	stream.indirect.gather [hbm4b:s1+s29], $0x80, s17, s29, $0xb8;
	[tilespmem:$0x1E800] =	vst v63  }
0x7f: {  	_ =	swait.ge [sflag:s10], $0x2000  }
0x80: {  	[sflag:s10] =	ssyncset.done $0x0  }
0x81: {  	s18 =	simm.s32 $0x1580;
	[sflag:s10] =	ssyncadd.s32 $0xFFFFE000  }
0x82: {  	[spmem:s2] =	stream.indirect.scatter.add.f32 [tilespmem:s5], [sflag:$0x5], $0x80, s18, s29, $0xb8;
	[tilespmem:$0x1E800] =	vst v63  }
0x83: {  	_ =	swait.ge [sflag:s25], $0x2000  }
0x84: {  	[sflag:s25] =	ssyncset.done $0x0  }
0x85: {  	s16 =	simm.s32 $0x800;
	s17 =	simm.s32 $0x380;
	[sflag:s25] =	ssyncadd.s32 $0xFFFFE000  }
.LBB2_4:
0x86: {  	[tilespmem:s5], [sflag:$0x4] =	stream.indirect.gather [hbm4b:s1+s29], $0x80, s17, s29, $0xb8;
	[tilespmem:$0x1E800] =	vst v63  }
0x87: {  	s17 =	smov.u32 s16  }
0x88: {  	p0 =	sne.s32 s16, $0x4000;
	s16 =	sadd.s32 $0x800, s16;
	_ =	swait.ge [sflag:s7], $0x2000  }
0x89: {  	s17 =	sshra.s32 s17, $0x2;
	[sflag:s7] =	ssyncset.done $0x0  }
0x8a: {  	s18 =	sadd.s32 $0x1400, s17;
	[sflag:s7] =	ssyncadd.s32 $0xFFFFE000  }
0x8b: {  	[spmem:s2] =	stream.indirect.scatter.add.f32 [tilespmem:s28], [sflag:$0x5], $0x80, s18, s29, $0xb8;
	[tilespmem:$0x1E800] =	vst v63  }
0x8c: {  	_ =	swait.ge [sflag:s25], $0x2000  }
0x8d: {  	[sflag:s25] =	ssyncset.done $0x0  }
0x8e: {  	s18 =	sadd.s32 $0x200, s17;
	[sflag:s25] =	ssyncadd.s32 $0xFFFFE000  }
0x8f: {  	[tilespmem:s28], [sflag:$0x1] =	stream.indirect.gather [hbm4b:s1+s29], $0x80, s18, s29, $0xb8;
	[tilespmem:$0x1E800] =	vst v63  }
0x90: {  	_ =	swait.ge [sflag:s8], $0x2000  }
0x91: {  	[sflag:s8] =	ssyncset.done $0x0  }
0x92: {  	s18 =	sadd.s32 $0x1480, s17;
	[sflag:s8] =	ssyncadd.s32 $0xFFFFE000  }
0x93: {  	[spmem:s2] =	stream.indirect.scatter.add.f32 [tilespmem:s31], [sflag:$0x5], $0x80, s18, s29, $0xb8;
	[tilespmem:$0x1E800] =	vst v63  }
0x94: {  	_ =	swait.ge [sflag:s25], $0x2000  }
0x95: {  	[sflag:s25] =	ssyncset.done $0x0  }
0x96: {  	s18 =	sadd.s32 $0x280, s17;
	[sflag:s25] =	ssyncadd.s32 $0xFFFFE000  }
0x97: {  	[tilespmem:s31], [sflag:$0x2] =	stream.indirect.gather [hbm4b:s1+s29], $0x80, s18, s29, $0xb8;
	[tilespmem:$0x1E800] =	vst v63  }
0x98: {  	_ =	swait.ge [sflag:s9], $0x2000  }
0x99: {  	[sflag:s9] =	ssyncset.done $0x0  }
0x9a: {  	s18 =	sadd.s32 $0x1500, s17;
	[sflag:s9] =	ssyncadd.s32 $0xFFFFE000  }
0x9b: {  	[spmem:s2] =	stream.indirect.scatter.add.f32 [tilespmem:s3], [sflag:$0x5], $0x80, s18, s29, $0xb8;
	[tilespmem:$0x1E800] =	vst v63  }
0x9c: {  	_ =	swait.ge [sflag:s25], $0x2000  }
0x9d: {  	[sflag:s25] =	ssyncset.done $0x0  }
0x9e: {  	s18 =	sadd.s32 $0x300, s17;
	[sflag:s25] =	ssyncadd.s32 $0xFFFFE000  }
0x9f: {  	[tilespmem:s3], [sflag:$0x3] =	stream.indirect.gather [hbm4b:s1+s29], $0x80, s18, s29, $0xb8;
	[tilespmem:$0x1E800] =	vst v63  }
0xa0: {  	_ =	swait.ge [sflag:s10], $0x2000  }
0xa1: {  	[sflag:s10] =	ssyncset.done $0x0  }
.Ltmp1:
0xa2: {  	s18 =	sadd.s32 $0x1580, s17;
	[sflag:s10] =	ssyncadd.s32 $0xFFFFE000;
	(pc) =	sbr.rel @p0 .LBB2_4-.Ltmp1, $4  }
0xa3: {  	[spmem:s2] =	stream.indirect.scatter.add.f32 [tilespmem:s5], [sflag:$0x5], $0x80, s18, s29, $0xb8;
	[tilespmem:$0x1E800] =	vst v63  }
0xa4: {  	_ =	swait.ge [sflag:s25], $0x2000  }
0xa5: {  	[sflag:s25] =	ssyncset.done $0x0  }
0xa6: {  	s17 =	sadd.s32 $0x380, s17;
	[sflag:s25] =	ssyncadd.s32 $0xFFFFE000  }
0xa7: {  	[tilespmem:s5], [sflag:$0x4] =	stream.indirect.gather [hbm4b:s1+s29], $0x80, s17, s29, $0xb8;
	[tilespmem:$0x1E800] =	vst v63  }
0xa8: {  	_ =	swait.ge [sflag:s7], $0x2000  }
0xa9: {  	[sflag:s7] =	ssyncset.done $0x0  }
0xaa: {  	[sflag:s7] =	ssyncadd.s32 $0xFFFFE000  }
0xab: {  	[spmem:s2] =	stream.indirect.scatter.add.f32 [tilespmem:s28], [sflag:$0x5], $0x80, s11, s29, $0xb8;
	[tilespmem:$0x1E800] =	vst v63  }
0xac: {  	_ =	swait.ge [sflag:s25], $0x2000  }
0xad: {  	[sflag:s25] =	ssyncset.done $0x0  }
0xae: {  	[sflag:s25] =	ssyncadd.s32 $0xFFFFE000  }
0xaf: {  	_ =	swait.ge [sflag:s8], $0x2000  }
0xb0: {  	[sflag:s8] =	ssyncset.done $0x0  }
0xb1: {  	[sflag:s8] =	ssyncadd.s32 $0xFFFFE000  }
0xb2: {  	[spmem:s2] =	stream.indirect.scatter.add.f32 [tilespmem:s31], [sflag:$0x5], $0x80, s12, s29, $0xb8;
	[tilespmem:$0x1E800] =	vst v63  }
0xb3: {  	_ =	swait.ge [sflag:s25], $0x2000  }
0xb4: {  	[sflag:s25] =	ssyncset.done $0x0  }
0xb5: {  	[sflag:s25] =	ssyncadd.s32 $0xFFFFE000  }
0xb6: {  	_ =	swait.ge [sflag:s9], $0x2000  }
0xb7: {  	[sflag:s9] =	ssyncset.done $0x0  }
0xb8: {  	[sflag:s9] =	ssyncadd.s32 $0xFFFFE000  }
0xb9: {  	[spmem:s2] =	stream.indirect.scatter.add.f32 [tilespmem:s3], [sflag:$0x5], $0x80, s13, s29, $0xb8;
	[tilespmem:$0x1E800] =	vst v63  }
0xba: {  	_ =	swait.ge [sflag:s25], $0x2000  }
0xbb: {  	[sflag:s25] =	ssyncset.done $0x0  }
0xbc: {  	[sflag:s25] =	ssyncadd.s32 $0xFFFFE000  }
0xbd: {  	_ =	swait.ge [sflag:s10], $0x2000  }
0xbe: {  	[sflag:s10] =	ssyncset.done $0x0  }
0xbf: {  	[sflag:s10] =	ssyncadd.s32 $0xFFFFE000  }
0xc0: {  	[spmem:s2] =	stream.indirect.scatter.add.f32 [tilespmem:s5], [sflag:$0x5], $0x80, s14, s29, $0xb8;
	[tilespmem:$0x1E800] =	vst v63  }
0xc1: {  	_ =	swait.ge [sflag:s25], $0x2000  }
0xc2: {  	[sflag:s25] =	ssyncset.done $0x0  }
0xc3: {  	s16 =	simm.s32 $0x0;
	s18 =	rddreg [dreg:$0xf];
	[sflag:s25] =	ssyncadd.s32 $0xFFFFE000  }
0xc4: {  	[tilespmem:s16], [sflag:$0x5] =	stream.linear.gather [hbm4b:s18+s16], $0x1400, $0x38;
	[tilespmem:$0x1E800] =	vst v63  }
0xc5: {  	_ =	swait.ge [sflag:s25], $0x1400  }
0xc6: {  	[sflag:s25] =	ssyncset.done $0x0  }
0xc7: {  	s18 =	rddreg [dreg:$0x10];
	[sflag:s25] =	ssyncadd.s32 $0xFFFFEC00  }
0xc8: {  	[tilespmem:s26], [sflag:$0x5] =	stream.linear.gather [hbm4b:s18+s16], $0x1400, $0x38;
	[tilespmem:$0x1E800] =	vst v63  }
0xc9: {  	_ =	swait.ge [sflag:s25], $0x1400  }
0xca: {  	[sflag:s25] =	ssyncset.done $0x0  }
0xcb: {  	[sflag:s25] =	ssyncadd.s32 $0xFFFFEC00  }
0xcc: {  	[tilespmem:s28], [sflag:$0x1] =	stream.indirect.gather [hbm4b:s1+s29], $0x80, s16, s29, $0xb8;
	[tilespmem:$0x1E800] =	vst v63  }
0xcd: {  	_ = 	snop  }
0xce: {  	[tilespmem:s31], [sflag:$0x2] =	stream.indirect.gather [hbm4b:s1+s29], $0x80, s30, s29, $0xb8;
	[tilespmem:$0x1E800] =	vst v63  }
0xcf: {  	_ = 	snop  }
0xd0: {  	[tilespmem:s3], [sflag:$0x3] =	stream.indirect.gather [hbm4b:s1+s29], $0x80, s0, s29, $0xb8;
	[tilespmem:$0x1E800] =	vst v63  }
0xd1: {  	_ = 	snop  }
0xd2: {  	[tilespmem:s5], [sflag:$0x4] =	stream.indirect.gather [hbm4b:s1+s29], $0x80, s4, s29, $0xb8;
	[tilespmem:$0x1E800] =	vst v63  }
0xd3: {  	_ =	swait.ge [sflag:s7], $0x2000  }
0xd4: {  	[sflag:s7] =	ssyncset.done $0x0  }
0xd5: {  	s18 =	simm.s32 $0x1400;
	[sflag:s7] =	ssyncadd.s32 $0xFFFFE000  }
0xd6: {  	[spmem:s2] =	stream.indirect.scatter.add.f32 [tilespmem:s28], [sflag:$0x5], $0x80, s18, s29, $0xb8;
	[tilespmem:$0x1E800] =	vst v63  }
0xd7: {  	_ =	swait.ge [sflag:s25], $0x2000  }
0xd8: {  	[sflag:s25] =	ssyncset.done $0x0  }
0xd9: {  	s17 =	simm.s32 $0x200;
	[sflag:s25] =	ssyncadd.s32 $0xFFFFE000  }
0xda: {  	[tilespmem:s28], [sflag:$0x1] =	stream.indirect.gather [hbm4b:s1+s29], $0x80, s17, s29, $0xb8;
	[tilespmem:$0x1E800] =	vst v63  }
0xdb: {  	_ =	swait.ge [sflag:s8], $0x2000  }
0xdc: {  	[sflag:s8] =	ssyncset.done $0x0  }
0xdd: {  	s18 =	simm.s32 $0x1480;
	[sflag:s8] =	ssyncadd.s32 $0xFFFFE000  }
0xde: {  	[spmem:s2] =	stream.indirect.scatter.add.f32 [tilespmem:s31], [sflag:$0x5], $0x80, s18, s29, $0xb8;
	[tilespmem:$0x1E800] =	vst v63  }
0xdf: {  	_ =	swait.ge [sflag:s25], $0x2000  }
0xe0: {  	[sflag:s25] =	ssyncset.done $0x0  }
0xe1: {  	s17 =	simm.s32 $0x280;
	[sflag:s25] =	ssyncadd.s32 $0xFFFFE000  }
0xe2: {  	[tilespmem:s31], [sflag:$0x2] =	stream.indirect.gather [hbm4b:s1+s29], $0x80, s17, s29, $0xb8;
	[tilespmem:$0x1E800] =	vst v63  }
0xe3: {  	_ =	swait.ge [sflag:s9], $0x2000  }
0xe4: {  	[sflag:s9] =	ssyncset.done $0x0  }
0xe5: {  	s18 =	simm.s32 $0x1500;
	[sflag:s9] =	ssyncadd.s32 $0xFFFFE000  }
0xe6: {  	[spmem:s2] =	stream.indirect.scatter.add.f32 [tilespmem:s3], [sflag:$0x5], $0x80, s18, s29, $0xb8;
	[tilespmem:$0x1E800] =	vst v63  }
0xe7: {  	_ =	swait.ge [sflag:s25], $0x2000  }
0xe8: {  	[sflag:s25] =	ssyncset.done $0x0  }
0xe9: {  	s17 =	simm.s32 $0x300;
	[sflag:s25] =	ssyncadd.s32 $0xFFFFE000  }
0xea: {  	[tilespmem:s3], [sflag:$0x3] =	stream.indirect.gather [hbm4b:s1+s29], $0x80, s17, s29, $0xb8;
	[tilespmem:$0x1E800] =	vst v63  }
0xeb: {  	_ =	swait.ge [sflag:s10], $0x2000  }
0xec: {  	[sflag:s10] =	ssyncset.done $0x0  }
0xed: {  	s18 =	simm.s32 $0x1580;
	[sflag:s10] =	ssyncadd.s32 $0xFFFFE000  }
0xee: {  	[spmem:s2] =	stream.indirect.scatter.add.f32 [tilespmem:s5], [sflag:$0x5], $0x80, s18, s29, $0xb8;
	[tilespmem:$0x1E800] =	vst v63  }
0xef: {  	_ =	swait.ge [sflag:s25], $0x2000  }
0xf0: {  	[sflag:s25] =	ssyncset.done $0x0  }
0xf1: {  	s16 =	simm.s32 $0x800;
	s17 =	simm.s32 $0x380;
	[sflag:s25] =	ssyncadd.s32 $0xFFFFE000  }
.LBB2_6:
0xf2: {  	[tilespmem:s5], [sflag:$0x4] =	stream.indirect.gather [hbm4b:s1+s29], $0x80, s17, s29, $0xb8;
	[tilespmem:$0x1E800] =	vst v63  }
0xf3: {  	s17 =	smov.u32 s16  }
0xf4: {  	p0 =	sne.s32 s16, $0x4000;
	s16 =	sadd.s32 $0x800, s16;
	_ =	swait.ge [sflag:s7], $0x2000  }
0xf5: {  	s17 =	sshra.s32 s17, $0x2;
	[sflag:s7] =	ssyncset.done $0x0  }
0xf6: {  	s18 =	sadd.s32 $0x1400, s17;
	[sflag:s7] =	ssyncadd.s32 $0xFFFFE000  }
0xf7: {  	[spmem:s2] =	stream.indirect.scatter.add.f32 [tilespmem:s28], [sflag:$0x5], $0x80, s18, s29, $0xb8;
	[tilespmem:$0x1E800] =	vst v63  }
0xf8: {  	_ =	swait.ge [sflag:s25], $0x2000  }
0xf9: {  	[sflag:s25] =	ssyncset.done $0x0  }
0xfa: {  	s18 =	sadd.s32 $0x200, s17;
	[sflag:s25] =	ssyncadd.s32 $0xFFFFE000  }
0xfb: {  	[tilespmem:s28], [sflag:$0x1] =	stream.indirect.gather [hbm4b:s1+s29], $0x80, s18, s29, $0xb8;
	[tilespmem:$0x1E800] =	vst v63  }
0xfc: {  	_ =	swait.ge [sflag:s8], $0x2000  }
0xfd: {  	[sflag:s8] =	ssyncset.done $0x0  }
0xfe: {  	s18 =	sadd.s32 $0x1480, s17;
	[sflag:s8] =	ssyncadd.s32 $0xFFFFE000  }
0xff: {  	[spmem:s2] =	stream.indirect.scatter.add.f32 [tilespmem:s31], [sflag:$0x5], $0x80, s18, s29, $0xb8;
	[tilespmem:$0x1E800] =	vst v63  }
0x100: {  	_ =	swait.ge [sflag:s25], $0x2000  }
0x101: {  	[sflag:s25] =	ssyncset.done $0x0  }
0x102: {  	s18 =	sadd.s32 $0x280, s17;
	[sflag:s25] =	ssyncadd.s32 $0xFFFFE000  }
0x103: {  	[tilespmem:s31], [sflag:$0x2] =	stream.indirect.gather [hbm4b:s1+s29], $0x80, s18, s29, $0xb8;
	[tilespmem:$0x1E800] =	vst v63  }
0x104: {  	_ =	swait.ge [sflag:s9], $0x2000  }
0x105: {  	[sflag:s9] =	ssyncset.done $0x0  }
0x106: {  	s18 =	sadd.s32 $0x1500, s17;
	[sflag:s9] =	ssyncadd.s32 $0xFFFFE000  }
0x107: {  	[spmem:s2] =	stream.indirect.scatter.add.f32 [tilespmem:s3], [sflag:$0x5], $0x80, s18, s29, $0xb8;
	[tilespmem:$0x1E800] =	vst v63  }
0x108: {  	_ =	swait.ge [sflag:s25], $0x2000  }
0x109: {  	[sflag:s25] =	ssyncset.done $0x0  }
0x10a: {  	s18 =	sadd.s32 $0x300, s17;
	[sflag:s25] =	ssyncadd.s32 $0xFFFFE000  }
0x10b: {  	[tilespmem:s3], [sflag:$0x3] =	stream.indirect.gather [hbm4b:s1+s29], $0x80, s18, s29, $0xb8;
	[tilespmem:$0x1E800] =	vst v63  }
0x10c: {  	_ =	swait.ge [sflag:s10], $0x2000  }
0x10d: {  	[sflag:s10] =	ssyncset.done $0x0  }
.Ltmp2:
0x10e: {  	s18 =	sadd.s32 $0x1580, s17;
	[sflag:s10] =	ssyncadd.s32 $0xFFFFE000;
	(pc) =	sbr.rel @p0 .LBB2_6-.Ltmp2, $4  }
0x10f: {  	[spmem:s2] =	stream.indirect.scatter.add.f32 [tilespmem:s5], [sflag:$0x5], $0x80, s18, s29, $0xb8;
	[tilespmem:$0x1E800] =	vst v63  }
0x110: {  	_ =	swait.ge [sflag:s25], $0x2000  }
0x111: {  	[sflag:s25] =	ssyncset.done $0x0  }
0x112: {  	s17 =	sadd.s32 $0x380, s17;
	[sflag:s25] =	ssyncadd.s32 $0xFFFFE000  }
0x113: {  	[tilespmem:s5], [sflag:$0x4] =	stream.indirect.gather [hbm4b:s1+s29], $0x80, s17, s29, $0xb8;
	[tilespmem:$0x1E800] =	vst v63  }
0x114: {  	_ =	swait.ge [sflag:s7], $0x2000  }
0x115: {  	[sflag:s7] =	ssyncset.done $0x0  }
0x116: {  	[sflag:s7] =	ssyncadd.s32 $0xFFFFE000  }
0x117: {  	[spmem:s2] =	stream.indirect.scatter.add.f32 [tilespmem:s28], [sflag:$0x5], $0x80, s11, s29, $0xb8;
	[tilespmem:$0x1E800] =	vst v63  }
0x118: {  	_ =	swait.ge [sflag:s25], $0x2000  }
0x119: {  	[sflag:s25] =	ssyncset.done $0x0  }
0x11a: {  	[sflag:s25] =	ssyncadd.s32 $0xFFFFE000  }
0x11b: {  	_ =	swait.ge [sflag:s8], $0x2000  }
0x11c: {  	[sflag:s8] =	ssyncset.done $0x0  }
0x11d: {  	[sflag:s8] =	ssyncadd.s32 $0xFFFFE000  }
0x11e: {  	[spmem:s2] =	stream.indirect.scatter.add.f32 [tilespmem:s31], [sflag:$0x5], $0x80, s12, s29, $0xb8;
	[tilespmem:$0x1E800] =	vst v63  }
0x11f: {  	_ =	swait.ge [sflag:s25], $0x2000  }
0x120: {  	[sflag:s25] =	ssyncset.done $0x0  }
0x121: {  	[sflag:s25] =	ssyncadd.s32 $0xFFFFE000  }
0x122: {  	_ =	swait.ge [sflag:s9], $0x2000  }
0x123: {  	[sflag:s9] =	ssyncset.done $0x0  }
0x124: {  	[sflag:s9] =	ssyncadd.s32 $0xFFFFE000  }
0x125: {  	[spmem:s2] =	stream.indirect.scatter.add.f32 [tilespmem:s3], [sflag:$0x5], $0x80, s13, s29, $0xb8;
	[tilespmem:$0x1E800] =	vst v63  }
0x126: {  	_ =	swait.ge [sflag:s25], $0x2000  }
0x127: {  	[sflag:s25] =	ssyncset.done $0x0  }
0x128: {  	[sflag:s25] =	ssyncadd.s32 $0xFFFFE000  }
0x129: {  	_ =	swait.ge [sflag:s10], $0x2000  }
0x12a: {  	[sflag:s10] =	ssyncset.done $0x0  }
0x12b: {  	[sflag:s10] =	ssyncadd.s32 $0xFFFFE000  }
0x12c: {  	[spmem:s2] =	stream.indirect.scatter.add.f32 [tilespmem:s5], [sflag:$0x5], $0x80, s14, s29, $0xb8;
	[tilespmem:$0x1E800] =	vst v63  }
0x12d: {  	_ =	swait.ge [sflag:s25], $0x2000  }
0x12e: {  	[sflag:s25] =	ssyncset.done $0x0  }
0x12f: {  	s16 =	simm.s32 $0x0;
	[sflag:s25] =	ssyncadd.s32 $0xFFFFE000  }
0x130: {  	[tilespmem:s16], [sflag:$0x5] =	stream.linear.gather [hbm4b:s19+s16], $0x1400, $0x38;
	[tilespmem:$0x1E800] =	vst v63  }
0x131: {  	_ =	swait.ge [sflag:s25], $0x1400  }
0x132: {  	[sflag:s25] =	ssyncset.done $0x0  }
0x133: {  	[sflag:s25] =	ssyncadd.s32 $0xFFFFEC00  }
0x134: {  	[tilespmem:s26], [sflag:$0x5] =	stream.linear.gather [hbm4b:s20+s16], $0x1400, $0x38;
	[tilespmem:$0x1E800] =	vst v63  }
0x135: {  	_ =	swait.ge [sflag:s25], $0x1400  }
0x136: {  	[sflag:s25] =	ssyncset.done $0x0  }
0x137: {  	[sflag:s25] =	ssyncadd.s32 $0xFFFFEC00  }
0x138: {  	[tilespmem:s28], [sflag:$0x1] =	stream.indirect.gather [hbm4b:s1+s29], $0x80, s16, s29, $0xb8;
	[tilespmem:$0x1E800] =	vst v63  }
0x139: {  	_ = 	snop  }
0x13a: {  	[tilespmem:s31], [sflag:$0x2] =	stream.indirect.gather [hbm4b:s1+s29], $0x80, s30, s29, $0xb8;
	[tilespmem:$0x1E800] =	vst v63  }
0x13b: {  	_ = 	snop  }
0x13c: {  	[tilespmem:s3], [sflag:$0x3] =	stream.indirect.gather [hbm4b:s1+s29], $0x80, s0, s29, $0xb8;
	[tilespmem:$0x1E800] =	vst v63  }
0x13d: {  	_ = 	snop  }
0x13e: {  	[tilespmem:s5], [sflag:$0x4] =	stream.indirect.gather [hbm4b:s1+s29], $0x80, s4, s29, $0xb8;
	[tilespmem:$0x1E800] =	vst v63  }
0x13f: {  	_ =	swait.ge [sflag:s7], $0x2000  }
0x140: {  	[sflag:s7] =	ssyncset.done $0x0  }
0x141: {  	s18 =	simm.s32 $0x1400;
	[sflag:s7] =	ssyncadd.s32 $0xFFFFE000  }
0x142: {  	[spmem:s2] =	stream.indirect.scatter.add.f32 [tilespmem:s28], [sflag:$0x5], $0x80, s18, s29, $0xb8;
	[tilespmem:$0x1E800] =	vst v63  }
0x143: {  	_ =	swait.ge [sflag:s25], $0x2000  }
0x144: {  	[sflag:s25] =	ssyncset.done $0x0  }
0x145: {  	s17 =	simm.s32 $0x200;
	[sflag:s25] =	ssyncadd.s32 $0xFFFFE000  }
0x146: {  	[tilespmem:s28], [sflag:$0x1] =	stream.indirect.gather [hbm4b:s1+s29], $0x80, s17, s29, $0xb8;
	[tilespmem:$0x1E800] =	vst v63  }
0x147: {  	_ =	swait.ge [sflag:s8], $0x2000  }
0x148: {  	[sflag:s8] =	ssyncset.done $0x0  }
0x149: {  	s18 =	simm.s32 $0x1480;
	[sflag:s8] =	ssyncadd.s32 $0xFFFFE000  }
0x14a: {  	[spmem:s2] =	stream.indirect.scatter.add.f32 [tilespmem:s31], [sflag:$0x5], $0x80, s18, s29, $0xb8;
	[tilespmem:$0x1E800] =	vst v63  }
0x14b: {  	_ =	swait.ge [sflag:s25], $0x2000  }
0x14c: {  	[sflag:s25] =	ssyncset.done $0x0  }
0x14d: {  	s17 =	simm.s32 $0x280;
	[sflag:s25] =	ssyncadd.s32 $0xFFFFE000  }
0x14e: {  	[tilespmem:s31], [sflag:$0x2] =	stream.indirect.gather [hbm4b:s1+s29], $0x80, s17, s29, $0xb8;
	[tilespmem:$0x1E800] =	vst v63  }
0x14f: {  	_ =	swait.ge [sflag:s9], $0x2000  }
0x150: {  	[sflag:s9] =	ssyncset.done $0x0  }
0x151: {  	s18 =	simm.s32 $0x1500;
	[sflag:s9] =	ssyncadd.s32 $0xFFFFE000  }
0x152: {  	[spmem:s2] =	stream.indirect.scatter.add.f32 [tilespmem:s3], [sflag:$0x5], $0x80, s18, s29, $0xb8;
	[tilespmem:$0x1E800] =	vst v63  }
0x153: {  	_ =	swait.ge [sflag:s25], $0x2000  }
0x154: {  	[sflag:s25] =	ssyncset.done $0x0  }
0x155: {  	s17 =	simm.s32 $0x300;
	[sflag:s25] =	ssyncadd.s32 $0xFFFFE000  }
0x156: {  	[tilespmem:s3], [sflag:$0x3] =	stream.indirect.gather [hbm4b:s1+s29], $0x80, s17, s29, $0xb8;
	[tilespmem:$0x1E800] =	vst v63  }
0x157: {  	_ =	swait.ge [sflag:s10], $0x2000  }
0x158: {  	[sflag:s10] =	ssyncset.done $0x0  }
0x159: {  	s18 =	simm.s32 $0x1580;
	[sflag:s10] =	ssyncadd.s32 $0xFFFFE000  }
0x15a: {  	[spmem:s2] =	stream.indirect.scatter.add.f32 [tilespmem:s5], [sflag:$0x5], $0x80, s18, s29, $0xb8;
	[tilespmem:$0x1E800] =	vst v63  }
0x15b: {  	_ =	swait.ge [sflag:s25], $0x2000  }
0x15c: {  	[sflag:s25] =	ssyncset.done $0x0  }
0x15d: {  	s16 =	simm.s32 $0x800;
	s17 =	simm.s32 $0x380;
	[sflag:s25] =	ssyncadd.s32 $0xFFFFE000  }
.LBB2_8:
0x15e: {  	[tilespmem:s5], [sflag:$0x4] =	stream.indirect.gather [hbm4b:s1+s29], $0x80, s17, s29, $0xb8;
	[tilespmem:$0x1E800] =	vst v63  }
0x15f: {  	s17 =	smov.u32 s16  }
0x160: {  	p0 =	sne.s32 s16, $0x4000;
	s16 =	sadd.s32 $0x800, s16;
	_ =	swait.ge [sflag:s7], $0x2000  }
0x161: {  	s17 =	sshra.s32 s17, $0x2;
	[sflag:s7] =	ssyncset.done $0x0  }
0x162: {  	s18 =	sadd.s32 $0x1400, s17;
	[sflag:s7] =	ssyncadd.s32 $0xFFFFE000  }
0x163: {  	[spmem:s2] =	stream.indirect.scatter.add.f32 [tilespmem:s28], [sflag:$0x5], $0x80, s18, s29, $0xb8;
	[tilespmem:$0x1E800] =	vst v63  }
0x164: {  	_ =	swait.ge [sflag:s25], $0x2000  }
0x165: {  	[sflag:s25] =	ssyncset.done $0x0  }
0x166: {  	s18 =	sadd.s32 $0x200, s17;
	[sflag:s25] =	ssyncadd.s32 $0xFFFFE000  }
0x167: {  	[tilespmem:s28], [sflag:$0x1] =	stream.indirect.gather [hbm4b:s1+s29], $0x80, s18, s29, $0xb8;
	[tilespmem:$0x1E800] =	vst v63  }
0x168: {  	_ =	swait.ge [sflag:s8], $0x2000  }
0x169: {  	[sflag:s8] =	ssyncset.done $0x0  }
0x16a: {  	s18 =	sadd.s32 $0x1480, s17;
	[sflag:s8] =	ssyncadd.s32 $0xFFFFE000  }
0x16b: {  	[spmem:s2] =	stream.indirect.scatter.add.f32 [tilespmem:s31], [sflag:$0x5], $0x80, s18, s29, $0xb8;
	[tilespmem:$0x1E800] =	vst v63  }
0x16c: {  	_ =	swait.ge [sflag:s25], $0x2000  }
0x16d: {  	[sflag:s25] =	ssyncset.done $0x0  }
0x16e: {  	s18 =	sadd.s32 $0x280, s17;
	[sflag:s25] =	ssyncadd.s32 $0xFFFFE000  }
0x16f: {  	[tilespmem:s31], [sflag:$0x2] =	stream.indirect.gather [hbm4b:s1+s29], $0x80, s18, s29, $0xb8;
	[tilespmem:$0x1E800] =	vst v63  }
0x170: {  	_ =	swait.ge [sflag:s9], $0x2000  }
0x171: {  	[sflag:s9] =	ssyncset.done $0x0  }
0x172: {  	s18 =	sadd.s32 $0x1500, s17;
	[sflag:s9] =	ssyncadd.s32 $0xFFFFE000  }
0x173: {  	[spmem:s2] =	stream.indirect.scatter.add.f32 [tilespmem:s3], [sflag:$0x5], $0x80, s18, s29, $0xb8;
	[tilespmem:$0x1E800] =	vst v63  }
0x174: {  	_ =	swait.ge [sflag:s25], $0x2000  }
0x175: {  	[sflag:s25] =	ssyncset.done $0x0  }
0x176: {  	s18 =	sadd.s32 $0x300, s17;
	[sflag:s25] =	ssyncadd.s32 $0xFFFFE000  }
0x177: {  	[tilespmem:s3], [sflag:$0x3] =	stream.indirect.gather [hbm4b:s1+s29], $0x80, s18, s29, $0xb8;
	[tilespmem:$0x1E800] =	vst v63  }
0x178: {  	_ =	swait.ge [sflag:s10], $0x2000  }
0x179: {  	[sflag:s10] =	ssyncset.done $0x0  }
.Ltmp3:
0x17a: {  	s18 =	sadd.s32 $0x1580, s17;
	[sflag:s10] =	ssyncadd.s32 $0xFFFFE000;
	(pc) =	sbr.rel @p0 .LBB2_8-.Ltmp3, $4  }
0x17b: {  	[spmem:s2] =	stream.indirect.scatter.add.f32 [tilespmem:s5], [sflag:$0x5], $0x80, s18, s29, $0xb8;
	[tilespmem:$0x1E800] =	vst v63  }
0x17c: {  	_ =	swait.ge [sflag:s25], $0x2000  }
0x17d: {  	[sflag:s25] =	ssyncset.done $0x0  }
0x17e: {  	s17 =	sadd.s32 $0x380, s17;
	[sflag:s25] =	ssyncadd.s32 $0xFFFFE000  }
0x17f: {  	[tilespmem:s5], [sflag:$0x4] =	stream.indirect.gather [hbm4b:s1+s29], $0x80, s17, s29, $0xb8;
	[tilespmem:$0x1E800] =	vst v63  }
0x180: {  	_ =	swait.ge [sflag:s7], $0x2000  }
0x181: {  	[sflag:s7] =	ssyncset.done $0x0  }
0x182: {  	[sflag:s7] =	ssyncadd.s32 $0xFFFFE000  }
0x183: {  	[spmem:s2] =	stream.indirect.scatter.add.f32 [tilespmem:s28], [sflag:$0x5], $0x80, s11, s29, $0xb8;
	[tilespmem:$0x1E800] =	vst v63  }
0x184: {  	_ =	swait.ge [sflag:s25], $0x2000  }
0x185: {  	[sflag:s25] =	ssyncset.done $0x0  }
0x186: {  	[sflag:s25] =	ssyncadd.s32 $0xFFFFE000  }
0x187: {  	_ =	swait.ge [sflag:s8], $0x2000  }
0x188: {  	[sflag:s8] =	ssyncset.done $0x0  }
0x189: {  	[sflag:s8] =	ssyncadd.s32 $0xFFFFE000  }
0x18a: {  	[spmem:s2] =	stream.indirect.scatter.add.f32 [tilespmem:s31], [sflag:$0x5], $0x80, s12, s29, $0xb8;
	[tilespmem:$0x1E800] =	vst v63  }
0x18b: {  	_ =	swait.ge [sflag:s25], $0x2000  }
0x18c: {  	[sflag:s25] =	ssyncset.done $0x0  }
0x18d: {  	[sflag:s25] =	ssyncadd.s32 $0xFFFFE000  }
0x18e: {  	_ =	swait.ge [sflag:s9], $0x2000  }
0x18f: {  	[sflag:s9] =	ssyncset.done $0x0  }
0x190: {  	[sflag:s9] =	ssyncadd.s32 $0xFFFFE000  }
0x191: {  	[spmem:s2] =	stream.indirect.scatter.add.f32 [tilespmem:s3], [sflag:$0x5], $0x80, s13, s29, $0xb8;
	[tilespmem:$0x1E800] =	vst v63  }
0x192: {  	_ =	swait.ge [sflag:s25], $0x2000  }
0x193: {  	[sflag:s25] =	ssyncset.done $0x0  }
0x194: {  	[sflag:s25] =	ssyncadd.s32 $0xFFFFE000  }
0x195: {  	_ =	swait.ge [sflag:s10], $0x2000  }
0x196: {  	[sflag:s10] =	ssyncset.done $0x0  }
0x197: {  	[sflag:s10] =	ssyncadd.s32 $0xFFFFE000  }
0x198: {  	[spmem:s2] =	stream.indirect.scatter.add.f32 [tilespmem:s5], [sflag:$0x5], $0x80, s14, s29, $0xb8;
	[tilespmem:$0x1E800] =	vst v63  }
0x199: {  	_ =	swait.ge [sflag:s25], $0x2000  }
0x19a: {  	[sflag:s25] =	ssyncset.done $0x0  }
0x19b: {  	s16 =	simm.s32 $0x0;
	[sflag:s25] =	ssyncadd.s32 $0xFFFFE000  }
0x19c: {  	[tilespmem:s16], [sflag:$0x5] =	stream.linear.gather [hbm4b:s21+s16], $0x1400, $0x38;
	[tilespmem:$0x1E800] =	vst v63  }
0x19d: {  	_ =	swait.ge [sflag:s25], $0x1400  }
0x19e: {  	[sflag:s25] =	ssyncset.done $0x0  }
0x19f: {  	[sflag:s25] =	ssyncadd.s32 $0xFFFFEC00  }
0x1a0: {  	[tilespmem:s26], [sflag:$0x5] =	stream.linear.gather [hbm4b:s22+s16], $0x1400, $0x38;
	[tilespmem:$0x1E800] =	vst v63  }
0x1a1: {  	_ =	swait.ge [sflag:s25], $0x1400  }
0x1a2: {  	[sflag:s25] =	ssyncset.done $0x0  }
0x1a3: {  	[sflag:s25] =	ssyncadd.s32 $0xFFFFEC00  }
0x1a4: {  	[tilespmem:s28], [sflag:$0x1] =	stream.indirect.gather [hbm4b:s1+s29], $0x80, s16, s29, $0xb8;
	[tilespmem:$0x1E800] =	vst v63  }
0x1a5: {  	_ = 	snop  }
0x1a6: {  	[tilespmem:s31], [sflag:$0x2] =	stream.indirect.gather [hbm4b:s1+s29], $0x80, s30, s29, $0xb8;
	[tilespmem:$0x1E800] =	vst v63  }
0x1a7: {  	_ = 	snop  }
0x1a8: {  	[tilespmem:s3], [sflag:$0x3] =	stream.indirect.gather [hbm4b:s1+s29], $0x80, s0, s29, $0xb8;
	[tilespmem:$0x1E800] =	vst v63  }
0x1a9: {  	_ = 	snop  }
0x1aa: {  	[tilespmem:s5], [sflag:$0x4] =	stream.indirect.gather [hbm4b:s1+s29], $0x80, s4, s29, $0xb8;
	[tilespmem:$0x1E800] =	vst v63  }
0x1ab: {  	_ =	swait.ge [sflag:s7], $0x2000  }
0x1ac: {  	[sflag:s7] =	ssyncset.done $0x0  }
0x1ad: {  	s18 =	simm.s32 $0x1400;
	[sflag:s7] =	ssyncadd.s32 $0xFFFFE000  }
0x1ae: {  	[spmem:s2] =	stream.indirect.scatter.add.f32 [tilespmem:s28], [sflag:$0x5], $0x80, s18, s29, $0xb8;
	[tilespmem:$0x1E800] =	vst v63  }
0x1af: {  	_ =	swait.ge [sflag:s25], $0x2000  }
0x1b0: {  	[sflag:s25] =	ssyncset.done $0x0  }
0x1b1: {  	s17 =	simm.s32 $0x200;
	[sflag:s25] =	ssyncadd.s32 $0xFFFFE000  }
0x1b2: {  	[tilespmem:s28], [sflag:$0x1] =	stream.indirect.gather [hbm4b:s1+s29], $0x80, s17, s29, $0xb8;
	[tilespmem:$0x1E800] =	vst v63  }
0x1b3: {  	_ =	swait.ge [sflag:s8], $0x2000  }
0x1b4: {  	[sflag:s8] =	ssyncset.done $0x0  }
0x1b5: {  	s18 =	simm.s32 $0x1480;
	[sflag:s8] =	ssyncadd.s32 $0xFFFFE000  }
0x1b6: {  	[spmem:s2] =	stream.indirect.scatter.add.f32 [tilespmem:s31], [sflag:$0x5], $0x80, s18, s29, $0xb8;
	[tilespmem:$0x1E800] =	vst v63  }
0x1b7: {  	_ =	swait.ge [sflag:s25], $0x2000  }
0x1b8: {  	[sflag:s25] =	ssyncset.done $0x0  }
0x1b9: {  	s17 =	simm.s32 $0x280;
	[sflag:s25] =	ssyncadd.s32 $0xFFFFE000  }
0x1ba: {  	[tilespmem:s31], [sflag:$0x2] =	stream.indirect.gather [hbm4b:s1+s29], $0x80, s17, s29, $0xb8;
	[tilespmem:$0x1E800] =	vst v63  }
0x1bb: {  	_ =	swait.ge [sflag:s9], $0x2000  }
0x1bc: {  	[sflag:s9] =	ssyncset.done $0x0  }
0x1bd: {  	s18 =	simm.s32 $0x1500;
	[sflag:s9] =	ssyncadd.s32 $0xFFFFE000  }
0x1be: {  	[spmem:s2] =	stream.indirect.scatter.add.f32 [tilespmem:s3], [sflag:$0x5], $0x80, s18, s29, $0xb8;
	[tilespmem:$0x1E800] =	vst v63  }
0x1bf: {  	_ =	swait.ge [sflag:s25], $0x2000  }
0x1c0: {  	[sflag:s25] =	ssyncset.done $0x0  }
0x1c1: {  	s17 =	simm.s32 $0x300;
	[sflag:s25] =	ssyncadd.s32 $0xFFFFE000  }
0x1c2: {  	[tilespmem:s3], [sflag:$0x3] =	stream.indirect.gather [hbm4b:s1+s29], $0x80, s17, s29, $0xb8;
	[tilespmem:$0x1E800] =	vst v63  }
0x1c3: {  	_ =	swait.ge [sflag:s10], $0x2000  }
0x1c4: {  	[sflag:s10] =	ssyncset.done $0x0  }
0x1c5: {  	s18 =	simm.s32 $0x1580;
	[sflag:s10] =	ssyncadd.s32 $0xFFFFE000  }
0x1c6: {  	[spmem:s2] =	stream.indirect.scatter.add.f32 [tilespmem:s5], [sflag:$0x5], $0x80, s18, s29, $0xb8;
	[tilespmem:$0x1E800] =	vst v63  }
0x1c7: {  	_ =	swait.ge [sflag:s25], $0x2000  }
0x1c8: {  	[sflag:s25] =	ssyncset.done $0x0  }
0x1c9: {  	s16 =	simm.s32 $0x800;
	s17 =	simm.s32 $0x380;
	[sflag:s25] =	ssyncadd.s32 $0xFFFFE000  }
.LBB2_10:
0x1ca: {  	[tilespmem:s5], [sflag:$0x4] =	stream.indirect.gather [hbm4b:s1+s29], $0x80, s17, s29, $0xb8;
	[tilespmem:$0x1E800] =	vst v63  }
0x1cb: {  	s17 =	smov.u32 s16  }
0x1cc: {  	p0 =	sne.s32 s16, $0x4000;
	s16 =	sadd.s32 $0x800, s16;
	_ =	swait.ge [sflag:s7], $0x2000  }
0x1cd: {  	s17 =	sshra.s32 s17, $0x2;
	[sflag:s7] =	ssyncset.done $0x0  }
0x1ce: {  	s18 =	sadd.s32 $0x1400, s17;
	[sflag:s7] =	ssyncadd.s32 $0xFFFFE000  }
0x1cf: {  	[spmem:s2] =	stream.indirect.scatter.add.f32 [tilespmem:s28], [sflag:$0x5], $0x80, s18, s29, $0xb8;
	[tilespmem:$0x1E800] =	vst v63  }
0x1d0: {  	_ =	swait.ge [sflag:s25], $0x2000  }
0x1d1: {  	[sflag:s25] =	ssyncset.done $0x0  }
0x1d2: {  	s18 =	sadd.s32 $0x200, s17;
	[sflag:s25] =	ssyncadd.s32 $0xFFFFE000  }
0x1d3: {  	[tilespmem:s28], [sflag:$0x1] =	stream.indirect.gather [hbm4b:s1+s29], $0x80, s18, s29, $0xb8;
	[tilespmem:$0x1E800] =	vst v63  }
0x1d4: {  	_ =	swait.ge [sflag:s8], $0x2000  }
0x1d5: {  	[sflag:s8] =	ssyncset.done $0x0  }
0x1d6: {  	s18 =	sadd.s32 $0x1480, s17;
	[sflag:s8] =	ssyncadd.s32 $0xFFFFE000  }
0x1d7: {  	[spmem:s2] =	stream.indirect.scatter.add.f32 [tilespmem:s31], [sflag:$0x5], $0x80, s18, s29, $0xb8;
	[tilespmem:$0x1E800] =	vst v63  }
0x1d8: {  	_ =	swait.ge [sflag:s25], $0x2000  }
0x1d9: {  	[sflag:s25] =	ssyncset.done $0x0  }
0x1da: {  	s18 =	sadd.s32 $0x280, s17;
	[sflag:s25] =	ssyncadd.s32 $0xFFFFE000  }
0x1db: {  	[tilespmem:s31], [sflag:$0x2] =	stream.indirect.gather [hbm4b:s1+s29], $0x80, s18, s29, $0xb8;
	[tilespmem:$0x1E800] =	vst v63  }
0x1dc: {  	_ =	swait.ge [sflag:s9], $0x2000  }
0x1dd: {  	[sflag:s9] =	ssyncset.done $0x0  }
0x1de: {  	s18 =	sadd.s32 $0x1500, s17;
	[sflag:s9] =	ssyncadd.s32 $0xFFFFE000  }
0x1df: {  	[spmem:s2] =	stream.indirect.scatter.add.f32 [tilespmem:s3], [sflag:$0x5], $0x80, s18, s29, $0xb8;
	[tilespmem:$0x1E800] =	vst v63  }
0x1e0: {  	_ =	swait.ge [sflag:s25], $0x2000  }
0x1e1: {  	[sflag:s25] =	ssyncset.done $0x0  }
0x1e2: {  	s18 =	sadd.s32 $0x300, s17;
	[sflag:s25] =	ssyncadd.s32 $0xFFFFE000  }
0x1e3: {  	[tilespmem:s3], [sflag:$0x3] =	stream.indirect.gather [hbm4b:s1+s29], $0x80, s18, s29, $0xb8;
	[tilespmem:$0x1E800] =	vst v63  }
0x1e4: {  	_ =	swait.ge [sflag:s10], $0x2000  }
0x1e5: {  	[sflag:s10] =	ssyncset.done $0x0  }
.Ltmp4:
0x1e6: {  	s18 =	sadd.s32 $0x1580, s17;
	[sflag:s10] =	ssyncadd.s32 $0xFFFFE000;
	(pc) =	sbr.rel @p0 .LBB2_10-.Ltmp4, $4  }
0x1e7: {  	[spmem:s2] =	stream.indirect.scatter.add.f32 [tilespmem:s5], [sflag:$0x5], $0x80, s18, s29, $0xb8;
	[tilespmem:$0x1E800] =	vst v63  }
0x1e8: {  	_ =	swait.ge [sflag:s25], $0x2000  }
0x1e9: {  	[sflag:s25] =	ssyncset.done $0x0  }
0x1ea: {  	s17 =	sadd.s32 $0x380, s17;
	[sflag:s25] =	ssyncadd.s32 $0xFFFFE000  }
0x1eb: {  	[tilespmem:s5], [sflag:$0x4] =	stream.indirect.gather [hbm4b:s1+s29], $0x80, s17, s29, $0xb8;
	[tilespmem:$0x1E800] =	vst v63  }
0x1ec: {  	_ =	swait.ge [sflag:s7], $0x2000  }
0x1ed: {  	[sflag:s7] =	ssyncset.done $0x0  }
0x1ee: {  	[sflag:s7] =	ssyncadd.s32 $0xFFFFE000  }
0x1ef: {  	[spmem:s2] =	stream.indirect.scatter.add.f32 [tilespmem:s28], [sflag:$0x5], $0x80, s11, s29, $0xb8;
	[tilespmem:$0x1E800] =	vst v63  }
0x1f0: {  	_ =	swait.ge [sflag:s25], $0x2000  }
0x1f1: {  	[sflag:s25] =	ssyncset.done $0x0  }
0x1f2: {  	[sflag:s25] =	ssyncadd.s32 $0xFFFFE000  }
0x1f3: {  	_ =	swait.ge [sflag:s8], $0x2000  }
0x1f4: {  	[sflag:s8] =	ssyncset.done $0x0  }
0x1f5: {  	[sflag:s8] =	ssyncadd.s32 $0xFFFFE000  }
0x1f6: {  	[spmem:s2] =	stream.indirect.scatter.add.f32 [tilespmem:s31], [sflag:$0x5], $0x80, s12, s29, $0xb8;
	[tilespmem:$0x1E800] =	vst v63  }
0x1f7: {  	_ =	swait.ge [sflag:s25], $0x2000  }
0x1f8: {  	[sflag:s25] =	ssyncset.done $0x0  }
0x1f9: {  	[sflag:s25] =	ssyncadd.s32 $0xFFFFE000  }
0x1fa: {  	_ =	swait.ge [sflag:s9], $0x2000  }
0x1fb: {  	[sflag:s9] =	ssyncset.done $0x0  }
0x1fc: {  	[sflag:s9] =	ssyncadd.s32 $0xFFFFE000  }
0x1fd: {  	[spmem:s2] =	stream.indirect.scatter.add.f32 [tilespmem:s3], [sflag:$0x5], $0x80, s13, s29, $0xb8;
	[tilespmem:$0x1E800] =	vst v63  }
0x1fe: {  	_ =	swait.ge [sflag:s25], $0x2000  }
0x1ff: {  	[sflag:s25] =	ssyncset.done $0x0  }
0x200: {  	[sflag:s25] =	ssyncadd.s32 $0xFFFFE000  }
0x201: {  	_ =	swait.ge [sflag:s10], $0x2000  }
0x202: {  	[sflag:s10] =	ssyncset.done $0x0  }
0x203: {  	[sflag:s10] =	ssyncadd.s32 $0xFFFFE000  }
0x204: {  	[spmem:s2] =	stream.indirect.scatter.add.f32 [tilespmem:s5], [sflag:$0x5], $0x80, s14, s29, $0xb8;
	[tilespmem:$0x1E800] =	vst v63  }
0x205: {  	s16 =	stileid.u32;
	_ =	swait.ge [sflag:s25], $0x2000  }
0x206: {  	s18 =	sshrl.u32 s6, $0x3;
	s15 =	sadd.s32 $0x1, s15;
	[sflag:s25] =	ssyncset.done $0x0  }
0x207: {  	s16 =	sshll.u32 s16, $0x6;
	p0 =	sne.s32 s15, s24;
	[sflag:s25] =	ssyncadd.s32 $0xFFFFE000  }
.Ltmp5:
0x208: {  	s16 =	sor.u32 $0x1C05, s16;
	[bflag:$0x0] =	sbarrier.arrive $0xFFFF;
	(pc) =	sbr.rel @p0 .LBB2_1-.Ltmp5, $4  }
0x209: {  	[hbm:s23], [sflag:s16] =	dma.local [spmem:s18], $0x2800  }
0x20a: {  	_ =	swait.ge [sflag:s25], $0x2800  }
0x20b: {  	[sflag:s25] =	ssyncset.done $0x0  }
0x20c: {  	[sflag:s25] =	ssyncadd.s32 $0xFFFFD800  }
0x20d: {  	_ =	sfence.sel $0x180000  }
0x20e: {  	[bflag:$0x0] =	sbarrier.arrive $0xFFFF  }
0x20f: {  	_ =	strace $0x90000047  }
0x210: {  	s0 =	stileid.u32;
	[bflag:$0x2] =	sbarrier.arrive $0xFFFF  }
0x211: {  	p0 =	sne.s32 s0, $0x0;
	s0 =	rddreg [dreg:$0x3]  }
0x212: {  	s0 =	sadd.s32 @!p0 $0x100000, s0  }
0x213: {  	[sflag:s0] =	ssyncadd.tile.s32 @!p0 $0x1;
	_ =	shalt  }
.Lfunc_end2:
_tile_overlayer_lowered:
.L_overlay_start_2:
0x214: {  	(tag) =	ssettag $0x2  }
0x215: {  	s0 =	rddreg [dreg:$0x0];
	s2 =	stileid.u32  }
0x216: {  	s1 =	rddreg [dreg:$0x1];
	p0 =	sne.s32 s2, $0x0  }
0x217: {  	s3 =	rddreg [dreg:$0x2];
	[bflag:$0x3] =	sbarrier.arrive $0xFFFF;
	s2 =	simm.s32 @!p0 $0x1C05  }
0x218: {  	[timem:s3], [sflag:s2] =	dma.local @!p0 [hbm:s0], s1  }
0x219: {  	s0 =	simm.s32 @!p0 $0x5  }
0x21a: {  	_ =	swait.ge @!p0 [sflag:s0], s1  }
0x21b: {  	s1 =	ssub.s32 @!p0 $0x0, s1;
	[sflag:s0] =	ssyncset.done @!p0 $0x0  }
0x21c: {  	[sflag:s0] =	ssyncadd.s32 @!p0 s1  }
0x21d: {  	[bflag:$0x3] =	sbarrier.arrive $0xFFFF  }
0x21e: {  	_ =	shalt  }

// kernel: kernel.9.cloned.1.call-start
scs
__scs_entry_jumppad:
0x0: {  	(pc) =	sbr.rel $0x88, $3  }
0x1: {  	(tag) =	ssettag $0x0;
	lr =	simm.s32 $0x1  }
0x2: {  	[smem:$0x3F91] =	sst lr;
	_ =	strace $0xD0000000  }
0x3: {  	_ = 	snop  }
0x4: {  	_ = 	snop  }
0x5: {  	_ = 	snop  }
0x6: {  	_ = 	snop  }
0x7: {  	_ = 	snop  }
__scs_overlays_trampoline_lowered:
0x8: {  	[smem:$0x3FA0] =	sst s0  }
0x9: {  	[smem:$0x3FA1] =	sst s1  }
0xa: {  	[smem:$0x3FA2] =	sst s2  }
0xb: {  	[smem:$0x3FA3] =	sst s3  }
0xc: {  	[smem:$0x3FA4] =	sst s4  }
0xd: {  	[smem:$0x3FA5] =	sst s5  }
0xe: {  	[smem:$0x3FA6] =	sst s6  }
0xf: {  	[smem:$0x3FA7] =	sst s7  }
0x10: {  	[smem:$0x3FA8] =	sst s8  }
0x11: {  	[smem:$0x3FA9] =	sst s9;
	s0 =	simm.s32 @!p0 $0x0  }
0x12: {  	s1 =	sld [smem:$0x3F8F];
	s0 =	simm.s32 @p0 $0x1  }
0x13: {  	[smem:$0x3FAA] =	sst s0;
	s0 =	simm.s32 @!p1 $0x0  }
0x14: {  	s2 =	sld [smem:$0x3F8E];
	s0 =	simm.s32 @p1 $0x1  }
0x15: {  	[smem:$0x3FAB] =	sst s0;
	s0 =	simm.s32 @!p2 $0x0  }
0x16: {  	s3 =	sld [smem:$0x3FDB];
	s0 =	simm.s32 @p2 $0x1  }
0x17: {  	s4 =	simm.s32 $0x1BF5;
	[smem:$0x3FAD] =	sst s0  }
0x18: {  	s0 =	sld [smem:$0x3F90];
	_ =	swait.ge [sflag:s4], $0x0  }
0x19: {  	s7 =	sld [smem:$0x3F91]  }
0x1a: {  	s8 =	sadd.s32 $0xFFFFE003, lr  }
0x1b: {  	s9 =	sadd.s32 $0xFFFFFEF7, lr;
	s5 =	simm.s32 $0xFFFFFFFF;
	p2 =	slt.u32 s8, $0xFFFFF086  }
0x1c: {  	p1 =	slt.u32 s9, $0xF7A;
	s5 =	simm.s32 @!p2 $0x0  }
0x1d: {  	s5 =	simm.s32 @p1 $0x1;
	p0 =	seq.s32 s7, s2  }
0x1e: {  	s7 =	smul.u32 @!p0 $0xF7A, s2;
	p2 =	seq.s32 @!p0 s5, $0x0  }
0x1f: {  	s9 =	smul.u32 $0xF7A, s1;
	s8 =	simm.s32 @!p0 $0x1BF5;
	p2 =	por !p2, p0  }
0x20: {  	[sflag:s8] =	ssyncset.s32 @!p0 $0xFFFFF086;
	s6 =	sadd.s32 @!p0 s3, s7;
	s7 =	simm.s32 @!p0 $0x108  }
0x21: {  	s3 =	sadd.s32 s3, s9;
	s6 =	sadd.s32 @!p0 $0x88, s6;
	s7 =	simm.s32 @p2 $0x1082  }
0x22: {  	[simem:s7], [sflag:s8] =	dma.local @!p0 [hbm:s6], $0xF7A  }
0x23: {  	s9 =	sor.u32 $0xD0000000, s2;
	s6 =	simm.s32 $0x108;
	_ =	swait.ge @!p0 [sflag:s8], $0x0  }
0x24: {  	s3 =	sadd.s32 $0x88, s3;
	s6 =	simm.s32 @!p1 $0x1082;
	[sflag:s4] =	ssyncset.s32 $0xFFFFF086  }
0x25: {  	[simem:s6], [sflag:s4] =	dma.local [hbm:s3], $0xF7A  }
0x26: {  	[smem:$0x3F91] =	sst s1;
	(tag) =	ssettag s2;
	_ =	strace s9  }
0x27: {  	s1 =	sld [smem:$0x3FA1]  }
0x28: {  	s2 =	sld [smem:$0x3FA2]  }
0x29: {  	s4 =	sld [smem:$0x3FA4]  }
0x2a: {  	p0 =	seq.s32 s5, $0x0;
	s5 =	sld [smem:$0x3FA5]  }
0x2b: {  	s6 =	sld [smem:$0x3FA6]  }
0x2c: {  	s7 =	sld [smem:$0x3FA7]  }
0x2d: {  	s3 =	simm.s32 $0x108;
	s8 =	sld [smem:$0x3FA8]  }
0x2e: {  	s3 =	simm.s32 @!p0 $0x1082;
	s9 =	sld [smem:$0x3FA9]  }
0x2f: {  	lr =	sadd.s32 s0, s3;
	s0 =	sld [smem:$0x3FA0]  }
0x30: {  	s3 =	sld [smem:$0x3FA3]  }
0x31: {  	[smem:$0x3FAC] =	sst s10  }
0x32: {  	s10 =	sld [smem:$0x3FAA];
	_ =	sdelay $0x3  }
0x33: {  	p0 =	seq.s32 s10, $0x1;
	s10 =	sld [smem:$0x3FAC];
	_ =	sdelay $0x3  }
0x34: {  	[smem:$0x3FAC] =	sst s10  }
0x35: {  	s10 =	sld [smem:$0x3FAB];
	_ =	sdelay $0x3  }
0x36: {  	p1 =	seq.s32 s10, $0x1;
	s10 =	sld [smem:$0x3FAC];
	_ =	sdelay $0x3  }
0x37: {  	[smem:$0x3FAC] =	sst s10  }
0x38: {  	s10 =	sld [smem:$0x3FAD]  }
0x39: {  	_ = 	snop;
	(pc) =	sbr.ind lr, $3  }
0x3a: {  	_ = 	snop  }
0x3b: {  	_ = 	snop  }
0x3c: {  	p2 =	seq.s32 s10, $0x1;
	s10 =	sld [smem:$0x3FAC]  }
0x3d: {  	_ =	shalt  }
0x3e: {  	_ =	shalt  }
0x3f: {  	_ =	shalt  }
0x40: {  	_ =	shalt  }
0x41: {  	_ =	shalt  }
0x42: {  	_ =	shalt  }
0x43: {  	_ =	shalt  }
0x44: {  	_ =	shalt  }
0x45: {  	_ =	shalt  }
0x46: {  	_ =	shalt  }
0x47: {  	_ =	shalt  }
0x48: {  	_ =	shalt  }
0x49: {  	_ =	shalt  }
0x4a: {  	_ =	shalt  }
0x4b: {  	_ =	shalt  }
0x4c: {  	_ =	shalt  }
0x4d: {  	_ =	shalt  }
0x4e: {  	_ =	shalt  }
0x4f: {  	_ =	shalt  }
0x50: {  	_ =	shalt  }
0x51: {  	_ =	shalt  }
0x52: {  	_ =	shalt  }
0x53: {  	_ =	shalt  }
0x54: {  	_ =	shalt  }
0x55: {  	_ =	shalt  }
0x56: {  	_ =	shalt  }
0x57: {  	_ =	shalt  }
0x58: {  	_ =	shalt  }
0x59: {  	_ =	shalt  }
0x5a: {  	_ =	shalt  }
0x5b: {  	_ =	shalt  }
0x5c: {  	_ =	shalt  }
0x5d: {  	_ =	shalt  }
0x5e: {  	_ =	shalt  }
0x5f: {  	_ =	shalt  }
0x60: {  	_ =	shalt  }
0x61: {  	_ =	shalt  }
0x62: {  	_ =	shalt  }
0x63: {  	_ =	shalt  }
0x64: {  	_ =	shalt  }
0x65: {  	_ =	shalt  }
0x66: {  	_ =	shalt  }
0x67: {  	_ =	shalt  }
0x68: {  	_ =	shalt  }
0x69: {  	_ =	shalt  }
0x6a: {  	_ =	shalt  }
0x6b: {  	_ =	shalt  }
0x6c: {  	_ =	shalt  }
0x6d: {  	_ =	shalt  }
0x6e: {  	_ =	shalt  }
0x6f: {  	_ =	shalt  }
0x70: {  	_ =	shalt  }
0x71: {  	_ =	shalt  }
0x72: {  	_ =	shalt  }
0x73: {  	_ =	shalt  }
0x74: {  	_ =	shalt  }
0x75: {  	_ =	shalt  }
0x76: {  	_ =	shalt  }
0x77: {  	_ =	shalt  }
0x78: {  	_ =	shalt  }
0x79: {  	_ =	shalt  }
0x7a: {  	_ =	shalt  }
0x7b: {  	_ =	shalt  }
0x7c: {  	_ =	shalt  }
0x7d: {  	_ =	shalt  }
0x7e: {  	_ =	shalt  }
0x7f: {  	_ =	shalt  }
0x80: {  	_ =	shalt  }
0x81: {  	_ =	shalt  }
0x82: {  	_ =	shalt  }
0x83: {  	_ =	shalt  }
0x84: {  	_ =	shalt  }
0x85: {  	_ =	shalt  }
0x86: {  	_ =	shalt  }
0x87: {  	_ =	shalt  }
.Lfunc_end0:
.L_simem_size_0:
called_computation.1_lowered:
.L_overlay_start_0:
0x88: {  	s2 =	sld [smem:$0x3FD9]  }
0x89: {  	s3 =	sld [smem:$0x3FFE];
	_ =	sdelay $0x1  }
0x8a: {  	s1 =	srdreg.scid  }
0x8b: {  	s0 =	sand.u32 $0x1, s1  }
0x8c: {  	s16 =	sshll.u32 s0, $0xA;
	s2 =	sadd.s32 s3, s2  }
0x8d: {  	s2 =	sadd.s32 s2, s16  }
0x8e: {  	[smem:$0x3FB8] =	sst s2  }
0x8f: {  	_ = 	snop  }
0x90: {  	(tm) =	ssettm $0x1  }
0x91: {  	s17 =	sld [smem:$0x3FFB];
	_ =	sdelay $0x3  }
0x92: {  	_ =	strace s17  }
0x93: {  	s2 =	sld [smem:$0x3FFC];
	_ =	sdelay $0x3  }
0x94: {  	_ =	strace s2  }
0x95: {  	s2 =	sld [smem:$0x3FFD];
	_ =	sdelay $0x3  }
0x96: {  	_ =	strace s2  }
0x97: {  	_ =	strace $0x8FFFFFFF  }
0x98: {  	s18 =	sld [smem:$0x3FDB];
	_ =	sdelay $0x1  }
0x99: {  	s19 =	simm.s32 $_scs_section_size  }
0x9a: {  	s4 =	simm.s32 $_size__tile_overlayer_lowered;
	s5 =	simm.s32 $_tile_overlayer_lowered  }
0x9b: {  	s22 =	simm.s32 $0x1BFF;
	s21 =	sshll.u32 s5, $0x1;
	s2 =	sadd.s32 s19, s18  }
0x9c: {  	s6 =	simm.s32 $0x0;
	s20 =	sshll.u32 s4, $0x1;
	s4 =	sadd.s32 s21, s2  }
0x9d: {  	[timem:s6], [sflag:s22] =	dma.local [hbm:s4], s20  }
0x9e: {  	_ =	swait.ge [sflag:s22], s20  }
0x9f: {  	s3 =	ssub.s32 $0x0, s20;
	[sflag:s22] =	ssyncset.done $0x0  }
0xa0: {  	[sflag:s22] =	ssyncadd.s32 s3;
	_ =	sdelay $0x1  }
0xa1: {  	s23 =	simm.s32 $0x1B8B  }
0xa2: {  	_ =	swait.ge [sflag:s23], $0x1  }
0xa3: {  	[sflag:s23] =	ssyncset.done $0x0  }
0xa4: {  	s25 =	simm.s32 $0x1B8E;
	s24 =	sld [smem:$0x3FFE];
	[sflag:s23] =	ssyncadd.s32 $0xFFFFFFFF  }
0xa5: {  	s26 =	simm.s32 $execute0_lowered;
	[smem:$0x3FD2] =	sst s25  }
0xa6: {  	s4 =	sshll.u32 s26, $0x1;
	_ =	strace $0x80000049;
	[dreg:$0x1] =	wrdreg $0xFFFFFFFF  }
0xa7: {  	s28 =	simm.s32 $_size_execute0_lowered;
	s2 =	sadd.s32 s2, s4;
	[dreg:$0x0] =	wrdreg $0x0  }
0xa8: {  	s4 =	sshll.u32 s28, $0x1;
	[dreg:$0x2] =	wrdreg s2  }
0xa9: {  	[dreg:$0x3] =	wrdreg s4  }
0xaa: {  	[dreg:$0x4] =	wrdreg $0xC0  }
0xab: {  	_ =	task [dreg:s6], $0x5FFFF  }
0xac: {  	[dreg:$0x1] =	wrdreg $0xFFFFFFFF  }
0xad: {  	[dreg:$0x0] =	wrdreg $0x60  }
0xae: {  	[dreg:$0x2] =	wrdreg s24  }
0xaf: {  	[dreg:$0x3] =	wrdreg $0xA8000  }
0xb0: {  	[dreg:$0x4] =	wrdreg $0x9  }
0xb1: {  	_ =	task.clear_ibuf [dreg:s6], $0x5FFFF;
	_ =	strace $0x90000049  }
0xb2: {  	s29 =	simm.s32 $0x9;
	_ =	strace $0x8000004B  }
0xb3: {  	_ =	swait.ge [sflag:s29], $0x1  }
0xb4: {  	[sflag:s29] =	ssyncadd.s32 $0xFFFFFFFF  }
0xb5: {  	_ =	strace $0x9000004B  }
0xb6: {  	_ =	sfence  }
0xb7: {  	s30 =	sld [smem:$0x0];
	_ =	sdelay $0x2  }
0xb8: {  	s31 =	sshll.u32 s1, $0xD;
	s1 =	sshrl.u32 s1, $0x2  }
0xb9: {  	s3 =	sand.u32 $0x4000, s31;
	s1 =	sadd.s32 s1, s30  }
0xba: {  	s0 =	sor.u32 s3, s0;
	s1 =	sshll.u32 s1, $0x11  }
0xbb: {  	s0 =	sor.u32 s1, s0  }
0xbc: {  	s0 =	sadd.s32 $0x8F2B, s0  }
0xbd: {  	[sflag:s0] =	ssyncadd.remote.s32 $0x1  }
0xbe: {  	_ =	sfence.sel $0xFFFF  }
0xbf: {  	[dreg:$0x0] =	wrdreg $0xFFFFFFFF;
	(pc) =	sbr.abs _section_cstart, $3  }
0xc0: {  	[dreg:$0x1] =	wrdreg $0xFFFFFFFF  }
0xc1: {  	_ =	task.clear_ibuf [dreg:s6], $0x2FFFF;
	_ =	strace $0x9FFFFFFF  }
0xc2: {  	(tm) =	ssettm $0x7FFFFFFF  }
0xc3: {  	_ =	shalt  }
tec
execute0_lowered:
.L_overlay_start_1:
0x0: {  	(tag) =	ssettag $0x1  }
0x1: {  	s0 =	rddreg [dreg:$0x0]  }
0x2: {  	s1 =	rddreg [dreg:$0x1];
	s3 =	simm.s32 $0x0  }
0x3: {  	s2 =	srdreg.scid;
	s9 =	stileid.u32;
	s28 =	simm.s32 $0x2800  }
0x4: {  	s29 =	simm.s32 $0x40;
	s30 =	simm.s32 $0x80;
	s31 =	simm.s32 $0x4800  }
0x5: {  	[smem:$0x7FF] =	sst s3;
	s2 =	sand.u32 $0x1, s2;
	s4 =	sadd.s32 $0x2AE00, s0  }
0x6: {  	s5 =	smul.u32 $0x14000, s9;
	s7 =	sadd.s32 $0x2E00, s0;
	s8 =	sadd.s32 $0x16E00, s0  }
0x7: {  	s25 =	smul.u32 $0x140000, s2;
	_ =	strace $0x8000004A;
	s6 =	sshll.u32 s2, $0x4  }
0x8: {  	s2 =	ssub.s32 $0x2, s2;
	s26 =	sor.u32 s9, s6;
	s9 =	smul.u32 $0x50000, s9  }
0x9: {  	s11 =	sshrl.u32 s2, $0x1;
	s3 =	sadd.s32 s5, s25;
	s10 =	smul.u32 $0xA00, s26  }
0xa: {  	s2 =	ssub.s32 s2, s11;
	s15 =	smul.u32 $0x5000, s26;
	s11 =	simm.s32 $0x2600  }
0xb: {  	s3 =	sshrl.u32 s3, $0x3;
	s6 =	sshrl.u32 s9, $0x2;
	s12 =	sadd.s32 s7, s10  }
0xc: {  	s6 =	sadd.s32 s6, s1;
	s13 =	sadd.s32 s8, s10;
	[dreg:$0x3] =	wrdreg s12  }
0xd: {  	s9 =	simm.s32 $0x3;
	[dreg:$0x4] =	wrdreg s13;
	s14 =	sadd.s32 $0x2000, s6  }
0xe: {  	s0 =	sadd.s32 s3, s0;
	s16 =	sadd.s32 $0x4000, s6;
	[dreg:$0x5] =	wrdreg s14  }
0xf: {  	s3 =	sshrl.u32 s15, $0x3;
	s17 =	sadd.s32 $0x6000, s6;
	[dreg:$0x6] =	wrdreg s16  }
0x10: {  	s10 =	simm.s32 $0x4;
	s18 =	sadd.s32 $0x8000, s6;
	[dreg:$0x7] =	wrdreg s17  }
0x11: {  	s15 =	simm.s32 $0x0;
	s19 =	sadd.s32 $0xA000, s6;
	[dreg:$0x8] =	wrdreg s18  }
0x12: {  	s20 =	sadd.s32 $0xC000, s6;
	s21 =	sadd.s32 $0xE000, s6;
	[dreg:$0x9] =	wrdreg s19  }
0x13: {  	s22 =	sadd.s32 $0x10000, s6;
	s23 =	sadd.s32 $0x280, s3;
	[dreg:$0xa] =	wrdreg s20  }
0x14: {  	s24 =	sadd.s32 $0x12000, s6;
	s26 =	sadd.s32 $0x500, s3;
	[dreg:$0xb] =	wrdreg s21  }
0x15: {  	s3 =	sadd.s32 $0x780, s3;
	s12 =	simm.s32 $0x2680;
	[dreg:$0xc] =	wrdreg s22  }
0x16: {  	s13 =	simm.s32 $0x2700;
	[dreg:$0xd] =	wrdreg s24;
	s25 =	sadd.s32 s7, s23  }
0x17: {  	s5 =	sadd.s32 s8, s23;
	s19 =	sadd.s32 s7, s26;
	s20 =	sadd.s32 s8, s26  }
0x18: {  	s21 =	sadd.s32 s7, s3;
	s22 =	sadd.s32 s8, s3;
	s23 =	sadd.s32 $0x52000, s0  }
0x19: {  	s24 =	smax.u32 s2, $0x1;
	s26 =	simm.s32 $0x1400;
	s0 =	simm.s32 $0x100  }
0x1a: {  	s2 =	simm.s32 $0x6800;
	s3 =	simm.s32 $0x180;
	s7 =	simm.s32 $0x1  }
0x1b: {  	s8 =	simm.s32 $0x2;
	s14 =	simm.s32 $0x2780;
	[dreg:$0xe] =	wrdreg s25  }
0x1c: {  	v0 =	vimm.f32 $0.0e+00;
	[dreg:$0xf] =	wrdreg s5;
	s25 =	simm.s32 $0x5;
	s5 =	simm.s32 $0x8800  }
.LBB2_1:
0x1d: {  	s16 =	simm.s32 $0x0;
	s17 =	rddreg [dreg:$0x3]  }
0x1e: {  	[tilespmem:s16], [sflag:$0x5] =	stream.linear.gather [hbm4b:s17+s16], $0x1400, $0x38;
	[tilespmem:$0x1E800] =	vst v63  }
0x1f: {  	_ =	swait.ge [sflag:s25], $0x1400  }
0x20: {  	[sflag:s25] =	ssyncset.done $0x0  }
0x21: {  	s18 =	rddreg [dreg:$0x4];
	[sflag:s25] =	ssyncadd.s32 $0xFFFFEC00  }
0x22: {  	[tilespmem:s26], [sflag:$0x5] =	stream.linear.gather [hbm4b:s18+s16], $0x1400, $0x38;
	[tilespmem:$0x1E800] =	vst v63  }
0x23: {  	_ =	swait.ge [sflag:s25], $0x1400  }
0x24: {  	[sflag:s25] =	ssyncset.done $0x0  }
0x25: {  	s17 =	simm.s32 $0x200;
	s16 =	simm.s32 $0x0;
	[sflag:s25] =	ssyncadd.s32 $0xFFFFEC00  }
.LBB2_2:
0x26: {  	p0 =	sne.s32 s17, $0x7E00;
	[tilespmem:s16+$0x2870] =	vst v0  }
0x27: {  	[tilespmem:s16+$0x2800] =	vst v0  }
0x28: {  	[tilespmem:s16+$0x2810] =	vst v0  }
.Ltmp0:
0x29: {  	[tilespmem:s16+$0x2820] =	vst v0;
	(pc) =	sbr.rel @p0 .LBB2_2-.Ltmp0, $4  }
0x2a: {  	[tilespmem:s16+$0x2830] =	vst v0  }
0x2b: {  	[tilespmem:s16+$0x2840] =	vst v0  }
0x2c: {  	[tilespmem:s16+$0x2850] =	vst v0  }
0x2d: {  	[tilespmem:s16+$0x2860] =	vst v0;
	s16 =	sshra.s32 s17, $0x2;
	s17 =	sadd.s32 $0x200, s17  }
0x2e: {  	[tilespmem:s16+$0x2870] =	vst v0  }
0x2f: {  	[tilespmem:s16+$0x2800] =	vst v0  }
0x30: {  	[tilespmem:s16+$0x2810] =	vst v0  }
0x31: {  	[tilespmem:s16+$0x2820] =	vst v0  }
0x32: {  	[tilespmem:s16+$0x2830] =	vst v0  }
0x33: {  	[tilespmem:s16+$0x2840] =	vst v0  }
0x34: {  	[tilespmem:s16+$0x2850] =	vst v0  }
0x35: {  	[tilespmem:s16+$0x2860] =	vst v0  }
0x36: {  	[spmem:s6] =	stream.linear.scatter [tilespmem:s28], [sflag:$0x5], $0x2000, $0x38;
	[tilespmem:$0x1E800] =	vst v63  }
0x37: {  	_ =	swait.ge [sflag:s25], $0x2000  }
0x38: {  	[sflag:s25] =	ssyncset.done $0x0  }
0x39: {  	s18 =	rddreg [dreg:$0x5];
	[sflag:s25] =	ssyncadd.s32 $0xFFFFE000  }
0x3a: {  	[spmem:s18] =	stream.linear.scatter [tilespmem:s28], [sflag:$0x5], $0x2000, $0x38;
	[tilespmem:$0x1E800] =	vst v63  }
0x3b: {  	_ =	swait.ge [sflag:s25], $0x2000  }
0x3c: {  	[sflag:s25] =	ssyncset.done $0x0  }
0x3d: {  	s17 =	rddreg [dreg:$0x6];
	[sflag:s25] =	ssyncadd.s32 $0xFFFFE000  }
0x3e: {  	[spmem:s17] =	stream.linear.scatter [tilespmem:s28], [sflag:$0x5], $0x2000, $0x38;
	[tilespmem:$0x1E800] =	vst v63  }
0x3f: {  	_ =	swait.ge [sflag:s25], $0x2000  }
0x40: {  	[sflag:s25] =	ssyncset.done $0x0  }
0x41: {  	s18 =	rddreg [dreg:$0x7];
	[sflag:s25] =	ssyncadd.s32 $0xFFFFE000  }
0x42: {  	[spmem:s18] =	stream.linear.scatter [tilespmem:s28], [sflag:$0x5], $0x2000, $0x38;
	[tilespmem:$0x1E800] =	vst v63  }
0x43: {  	_ =	swait.ge [sflag:s25], $0x2000  }
0x44: {  	[sflag:s25] =	ssyncset.done $0x0  }
0x45: {  	s17 =	rddreg [dreg:$0x8];
	[sflag:s25] =	ssyncadd.s32 $0xFFFFE000  }
0x46: {  	[spmem:s17] =	stream.linear.scatter [tilespmem:s28], [sflag:$0x5], $0x2000, $0x38;
	[tilespmem:$0x1E800] =	vst v63  }
0x47: {  	_ =	swait.ge [sflag:s25], $0x2000  }
0x48: {  	[sflag:s25] =	ssyncset.done $0x0  }
0x49: {  	s18 =	rddreg [dreg:$0x9];
	[sflag:s25] =	ssyncadd.s32 $0xFFFFE000  }
0x4a: {  	[spmem:s18] =	stream.linear.scatter [tilespmem:s28], [sflag:$0x5], $0x2000, $0x38;
	[tilespmem:$0x1E800] =	vst v63  }
0x4b: {  	_ =	swait.ge [sflag:s25], $0x2000  }
0x4c: {  	[sflag:s25] =	ssyncset.done $0x0  }
0x4d: {  	s17 =	rddreg [dreg:$0xa];
	[sflag:s25] =	ssyncadd.s32 $0xFFFFE000  }
0x4e: {  	[spmem:s17] =	stream.linear.scatter [tilespmem:s28], [sflag:$0x5], $0x2000, $0x38;
	[tilespmem:$0x1E800] =	vst v63  }
0x4f: {  	_ =	swait.ge [sflag:s25], $0x2000  }
0x50: {  	[sflag:s25] =	ssyncset.done $0x0  }
0x51: {  	s18 =	rddreg [dreg:$0xb];
	[sflag:s25] =	ssyncadd.s32 $0xFFFFE000  }
0x52: {  	[spmem:s18] =	stream.linear.scatter [tilespmem:s28], [sflag:$0x5], $0x2000, $0x38;
	[tilespmem:$0x1E800] =	vst v63  }
0x53: {  	_ =	swait.ge [sflag:s25], $0x2000  }
0x54: {  	[sflag:s25] =	ssyncset.done $0x0  }
0x55: {  	s17 =	rddreg [dreg:$0xc];
	[sflag:s25] =	ssyncadd.s32 $0xFFFFE000  }
0x56: {  	[spmem:s17] =	stream.linear.scatter [tilespmem:s28], [sflag:$0x5], $0x2000, $0x38;
	[tilespmem:$0x1E800] =	vst v63  }
0x57: {  	_ =	swait.ge [sflag:s25], $0x2000  }
0x58: {  	[sflag:s25] =	ssyncset.done $0x0  }
0x59: {  	s18 =	rddreg [dreg:$0xd];
	[sflag:s25] =	ssyncadd.s32 $0xFFFFE000  }
0x5a: {  	[spmem:s18] =	stream.linear.scatter [tilespmem:s28], [sflag:$0x5], $0x2000, $0x38;
	[tilespmem:$0x1E800] =	vst v63  }
0x5b: {  	_ =	swait.ge [sflag:s25], $0x2000  }
0x5c: {  	[sflag:s25] =	ssyncset.done $0x0  }
0x5d: {  	[sflag:s25] =	ssyncadd.s32 $0xFFFFE000  }
0x5e: {  	s17 =	simm.s32 $0x0;
	[bflag:$0x0] =	sbarrier.arrive $0xFFFF  }
0x5f: {  	[tilespmem:s28], [sflag:$0x1] =	stream.indirect.gather [hbm4b:s4+s29], $0x80, s17, s29, $0xb8;
	[tilespmem:$0x1E800] =	vst v63  }
0x60: {  	_ = 	snop  }
0x61: {  	[tilespmem:s31], [sflag:$0x2] =	stream.indirect.gather [hbm4b:s4+s29], $0x80, s30, s29, $0xb8;
	[tilespmem:$0x1E800] =	vst v63  }
0x62: {  	_ = 	snop  }
0x63: {  	[tilespmem:s2], [sflag:$0x3] =	stream.indirect.gather [hbm4b:s4+s29], $0x80, s0, s29, $0xb8;
	[tilespmem:$0x1E800] =	vst v63  }
0x64: {  	_ = 	snop  }
0x65: {  	[tilespmem:s5], [sflag:$0x4] =	stream.indirect.gather [hbm4b:s4+s29], $0x80, s3, s29, $0xb8;
	[tilespmem:$0x1E800] =	vst v63  }
0x66: {  	_ =	swait.ge [sflag:s7], $0x2000  }
0x67: {  	[sflag:s7] =	ssyncset.done $0x0  }
0x68: {  	s18 =	simm.s32 $0x1400;
	[sflag:s7] =	ssyncadd.s32 $0xFFFFE000  }
0x69: {  	[spmem:s1] =	stream.indirect.scatter.add.f32 [tilespmem:s28], [sflag:$0x5], $0x80, s18, s29, $0xb8;
	[tilespmem:$0x1E800] =	vst v63  }
0x6a: {  	_ =	swait.ge [sflag:s25], $0x2000  }
0x6b: {  	[sflag:s25] =	ssyncset.done $0x0  }
0x6c: {  	s17 =	simm.s32 $0x200;
	[sflag:s25] =	ssyncadd.s32 $0xFFFFE000  }
0x6d: {  	[tilespmem:s28], [sflag:$0x1] =	stream.indirect.gather [hbm4b:s4+s29], $0x80, s17, s29, $0xb8;
	[tilespmem:$0x1E800] =	vst v63  }
0x6e: {  	_ =	swait.ge [sflag:s8], $0x2000  }
0x6f: {  	[sflag:s8] =	ssyncset.done $0x0  }
0x70: {  	s18 =	simm.s32 $0x1480;
	[sflag:s8] =	ssyncadd.s32 $0xFFFFE000  }
0x71: {  	[spmem:s1] =	stream.indirect.scatter.add.f32 [tilespmem:s31], [sflag:$0x5], $0x80, s18, s29, $0xb8;
	[tilespmem:$0x1E800] =	vst v63  }
0x72: {  	_ =	swait.ge [sflag:s25], $0x2000  }
0x73: {  	[sflag:s25] =	ssyncset.done $0x0  }
0x74: {  	s17 =	simm.s32 $0x280;
	[sflag:s25] =	ssyncadd.s32 $0xFFFFE000  }
0x75: {  	[tilespmem:s31], [sflag:$0x2] =	stream.indirect.gather [hbm4b:s4+s29], $0x80, s17, s29, $0xb8;
	[tilespmem:$0x1E800] =	vst v63  }
0x76: {  	_ =	swait.ge [sflag:s9], $0x2000  }
0x77: {  	[sflag:s9] =	ssyncset.done $0x0  }
0x78: {  	s18 =	simm.s32 $0x1500;
	[sflag:s9] =	ssyncadd.s32 $0xFFFFE000  }
0x79: {  	[spmem:s1] =	stream.indirect.scatter.add.f32 [tilespmem:s2], [sflag:$0x5], $0x80, s18, s29, $0xb8;
	[tilespmem:$0x1E800] =	vst v63  }
0x7a: {  	_ =	swait.ge [sflag:s25], $0x2000  }
0x7b: {  	[sflag:s25] =	ssyncset.done $0x0  }
0x7c: {  	s17 =	simm.s32 $0x300;
	[sflag:s25] =	ssyncadd.s32 $0xFFFFE000  }
0x7d: {  	[tilespmem:s2], [sflag:$0x3] =	stream.indirect.gather [hbm4b:s4+s29], $0x80, s17, s29, $0xb8;
	[tilespmem:$0x1E800] =	vst v63  }
0x7e: {  	_ =	swait.ge [sflag:s10], $0x2000  }
0x7f: {  	[sflag:s10] =	ssyncset.done $0x0  }
0x80: {  	s18 =	simm.s32 $0x1580;
	[sflag:s10] =	ssyncadd.s32 $0xFFFFE000  }
0x81: {  	[spmem:s1] =	stream.indirect.scatter.add.f32 [tilespmem:s5], [sflag:$0x5], $0x80, s18, s29, $0xb8;
	[tilespmem:$0x1E800] =	vst v63  }
0x82: {  	_ =	swait.ge [sflag:s25], $0x2000  }
0x83: {  	[sflag:s25] =	ssyncset.done $0x0  }
0x84: {  	s16 =	simm.s32 $0x800;
	s17 =	simm.s32 $0x380;
	[sflag:s25] =	ssyncadd.s32 $0xFFFFE000  }
.LBB2_4:
0x85: {  	[tilespmem:s5], [sflag:$0x4] =	stream.indirect.gather [hbm4b:s4+s29], $0x80, s17, s29, $0xb8;
	[tilespmem:$0x1E800] =	vst v63  }
0x86: {  	s17 =	smov.u32 s16  }
0x87: {  	p0 =	sne.s32 s16, $0x4000;
	s16 =	sadd.s32 $0x800, s16;
	_ =	swait.ge [sflag:s7], $0x2000  }
0x88: {  	s17 =	sshra.s32 s17, $0x2;
	[sflag:s7] =	ssyncset.done $0x0  }
0x89: {  	s18 =	sadd.s32 $0x1400, s17;
	[sflag:s7] =	ssyncadd.s32 $0xFFFFE000  }
0x8a: {  	[spmem:s1] =	stream.indirect.scatter.add.f32 [tilespmem:s28], [sflag:$0x5], $0x80, s18, s29, $0xb8;
	[tilespmem:$0x1E800] =	vst v63  }
0x8b: {  	_ =	swait.ge [sflag:s25], $0x2000  }
0x8c: {  	[sflag:s25] =	ssyncset.done $0x0  }
0x8d: {  	s18 =	sadd.s32 $0x200, s17;
	[sflag:s25] =	ssyncadd.s32 $0xFFFFE000  }
0x8e: {  	[tilespmem:s28], [sflag:$0x1] =	stream.indirect.gather [hbm4b:s4+s29], $0x80, s18, s29, $0xb8;
	[tilespmem:$0x1E800] =	vst v63  }
0x8f: {  	_ =	swait.ge [sflag:s8], $0x2000  }
0x90: {  	[sflag:s8] =	ssyncset.done $0x0  }
0x91: {  	s18 =	sadd.s32 $0x1480, s17;
	[sflag:s8] =	ssyncadd.s32 $0xFFFFE000  }
0x92: {  	[spmem:s1] =	stream.indirect.scatter.add.f32 [tilespmem:s31], [sflag:$0x5], $0x80, s18, s29, $0xb8;
	[tilespmem:$0x1E800] =	vst v63  }
0x93: {  	_ =	swait.ge [sflag:s25], $0x2000  }
0x94: {  	[sflag:s25] =	ssyncset.done $0x0  }
0x95: {  	s18 =	sadd.s32 $0x280, s17;
	[sflag:s25] =	ssyncadd.s32 $0xFFFFE000  }
0x96: {  	[tilespmem:s31], [sflag:$0x2] =	stream.indirect.gather [hbm4b:s4+s29], $0x80, s18, s29, $0xb8;
	[tilespmem:$0x1E800] =	vst v63  }
0x97: {  	_ =	swait.ge [sflag:s9], $0x2000  }
0x98: {  	[sflag:s9] =	ssyncset.done $0x0  }
0x99: {  	s18 =	sadd.s32 $0x1500, s17;
	[sflag:s9] =	ssyncadd.s32 $0xFFFFE000  }
0x9a: {  	[spmem:s1] =	stream.indirect.scatter.add.f32 [tilespmem:s2], [sflag:$0x5], $0x80, s18, s29, $0xb8;
	[tilespmem:$0x1E800] =	vst v63  }
0x9b: {  	_ =	swait.ge [sflag:s25], $0x2000  }
0x9c: {  	[sflag:s25] =	ssyncset.done $0x0  }
0x9d: {  	s18 =	sadd.s32 $0x300, s17;
	[sflag:s25] =	ssyncadd.s32 $0xFFFFE000  }
0x9e: {  	[tilespmem:s2], [sflag:$0x3] =	stream.indirect.gather [hbm4b:s4+s29], $0x80, s18, s29, $0xb8;
	[tilespmem:$0x1E800] =	vst v63  }
0x9f: {  	_ =	swait.ge [sflag:s10], $0x2000  }
0xa0: {  	[sflag:s10] =	ssyncset.done $0x0  }
.Ltmp1:
0xa1: {  	s18 =	sadd.s32 $0x1580, s17;
	[sflag:s10] =	ssyncadd.s32 $0xFFFFE000;
	(pc) =	sbr.rel @p0 .LBB2_4-.Ltmp1, $4  }
0xa2: {  	[spmem:s1] =	stream.indirect.scatter.add.f32 [tilespmem:s5], [sflag:$0x5], $0x80, s18, s29, $0xb8;
	[tilespmem:$0x1E800] =	vst v63  }
0xa3: {  	_ =	swait.ge [sflag:s25], $0x2000  }
0xa4: {  	[sflag:s25] =	ssyncset.done $0x0  }
0xa5: {  	s17 =	sadd.s32 $0x380, s17;
	[sflag:s25] =	ssyncadd.s32 $0xFFFFE000  }
0xa6: {  	[tilespmem:s5], [sflag:$0x4] =	stream.indirect.gather [hbm4b:s4+s29], $0x80, s17, s29, $0xb8;
	[tilespmem:$0x1E800] =	vst v63  }
0xa7: {  	_ =	swait.ge [sflag:s7], $0x2000  }
0xa8: {  	[sflag:s7] =	ssyncset.done $0x0  }
0xa9: {  	[sflag:s7] =	ssyncadd.s32 $0xFFFFE000  }
0xaa: {  	[spmem:s1] =	stream.indirect.scatter.add.f32 [tilespmem:s28], [sflag:$0x5], $0x80, s11, s29, $0xb8;
	[tilespmem:$0x1E800] =	vst v63  }
0xab: {  	_ =	swait.ge [sflag:s25], $0x2000  }
0xac: {  	[sflag:s25] =	ssyncset.done $0x0  }
0xad: {  	[sflag:s25] =	ssyncadd.s32 $0xFFFFE000  }
0xae: {  	_ =	swait.ge [sflag:s8], $0x2000  }
0xaf: {  	[sflag:s8] =	ssyncset.done $0x0  }
0xb0: {  	[sflag:s8] =	ssyncadd.s32 $0xFFFFE000  }
0xb1: {  	[spmem:s1] =	stream.indirect.scatter.add.f32 [tilespmem:s31], [sflag:$0x5], $0x80, s12, s29, $0xb8;
	[tilespmem:$0x1E800] =	vst v63  }
0xb2: {  	_ =	swait.ge [sflag:s25], $0x2000  }
0xb3: {  	[sflag:s25] =	ssyncset.done $0x0  }
0xb4: {  	[sflag:s25] =	ssyncadd.s32 $0xFFFFE000  }
0xb5: {  	_ =	swait.ge [sflag:s9], $0x2000  }
0xb6: {  	[sflag:s9] =	ssyncset.done $0x0  }
0xb7: {  	[sflag:s9] =	ssyncadd.s32 $0xFFFFE000  }
0xb8: {  	[spmem:s1] =	stream.indirect.scatter.add.f32 [tilespmem:s2], [sflag:$0x5], $0x80, s13, s29, $0xb8;
	[tilespmem:$0x1E800] =	vst v63  }
0xb9: {  	_ =	swait.ge [sflag:s25], $0x2000  }
0xba: {  	[sflag:s25] =	ssyncset.done $0x0  }
0xbb: {  	[sflag:s25] =	ssyncadd.s32 $0xFFFFE000  }
0xbc: {  	_ =	swait.ge [sflag:s10], $0x2000  }
0xbd: {  	[sflag:s10] =	ssyncset.done $0x0  }
0xbe: {  	[sflag:s10] =	ssyncadd.s32 $0xFFFFE000  }
0xbf: {  	[spmem:s1] =	stream.indirect.scatter.add.f32 [tilespmem:s5], [sflag:$0x5], $0x80, s14, s29, $0xb8;
	[tilespmem:$0x1E800] =	vst v63  }
0xc0: {  	_ =	swait.ge [sflag:s25], $0x2000  }
0xc1: {  	[sflag:s25] =	ssyncset.done $0x0  }
0xc2: {  	s16 =	simm.s32 $0x0;
	s18 =	rddreg [dreg:$0xe];
	[sflag:s25] =	ssyncadd.s32 $0xFFFFE000  }
0xc3: {  	[tilespmem:s16], [sflag:$0x5] =	stream.linear.gather [hbm4b:s18+s16], $0x1400, $0x38;
	[tilespmem:$0x1E800] =	vst v63  }
0xc4: {  	_ =	swait.ge [sflag:s25], $0x1400  }
0xc5: {  	[sflag:s25] =	ssyncset.done $0x0  }
0xc6: {  	s18 =	rddreg [dreg:$0xf];
	[sflag:s25] =	ssyncadd.s32 $0xFFFFEC00  }
0xc7: {  	[tilespmem:s26], [sflag:$0x5] =	stream.linear.gather [hbm4b:s18+s16], $0x1400, $0x38;
	[tilespmem:$0x1E800] =	vst v63  }
0xc8: {  	_ =	swait.ge [sflag:s25], $0x1400  }
0xc9: {  	[sflag:s25] =	ssyncset.done $0x0  }
0xca: {  	[sflag:s25] =	ssyncadd.s32 $0xFFFFEC00  }
0xcb: {  	[tilespmem:s28], [sflag:$0x1] =	stream.indirect.gather [hbm4b:s4+s29], $0x80, s16, s29, $0xb8;
	[tilespmem:$0x1E800] =	vst v63  }
0xcc: {  	_ = 	snop  }
0xcd: {  	[tilespmem:s31], [sflag:$0x2] =	stream.indirect.gather [hbm4b:s4+s29], $0x80, s30, s29, $0xb8;
	[tilespmem:$0x1E800] =	vst v63  }
0xce: {  	_ = 	snop  }
0xcf: {  	[tilespmem:s2], [sflag:$0x3] =	stream.indirect.gather [hbm4b:s4+s29], $0x80, s0, s29, $0xb8;
	[tilespmem:$0x1E800] =	vst v63  }
0xd0: {  	_ = 	snop  }
0xd1: {  	[tilespmem:s5], [sflag:$0x4] =	stream.indirect.gather [hbm4b:s4+s29], $0x80, s3, s29, $0xb8;
	[tilespmem:$0x1E800] =	vst v63  }
0xd2: {  	_ =	swait.ge [sflag:s7], $0x2000  }
0xd3: {  	[sflag:s7] =	ssyncset.done $0x0  }
0xd4: {  	s18 =	simm.s32 $0x1400;
	[sflag:s7] =	ssyncadd.s32 $0xFFFFE000  }
0xd5: {  	[spmem:s1] =	stream.indirect.scatter.add.f32 [tilespmem:s28], [sflag:$0x5], $0x80, s18, s29, $0xb8;
	[tilespmem:$0x1E800] =	vst v63  }
0xd6: {  	_ =	swait.ge [sflag:s25], $0x2000  }
0xd7: {  	[sflag:s25] =	ssyncset.done $0x0  }
0xd8: {  	s17 =	simm.s32 $0x200;
	[sflag:s25] =	ssyncadd.s32 $0xFFFFE000  }
0xd9: {  	[tilespmem:s28], [sflag:$0x1] =	stream.indirect.gather [hbm4b:s4+s29], $0x80, s17, s29, $0xb8;
	[tilespmem:$0x1E800] =	vst v63  }
0xda: {  	_ =	swait.ge [sflag:s8], $0x2000  }
0xdb: {  	[sflag:s8] =	ssyncset.done $0x0  }
0xdc: {  	s18 =	simm.s32 $0x1480;
	[sflag:s8] =	ssyncadd.s32 $0xFFFFE000  }
0xdd: {  	[spmem:s1] =	stream.indirect.scatter.add.f32 [tilespmem:s31], [sflag:$0x5], $0x80, s18, s29, $0xb8;
	[tilespmem:$0x1E800] =	vst v63  }
0xde: {  	_ =	swait.ge [sflag:s25], $0x2000  }
0xdf: {  	[sflag:s25] =	ssyncset.done $0x0  }
0xe0: {  	s17 =	simm.s32 $0x280;
	[sflag:s25] =	ssyncadd.s32 $0xFFFFE000  }
0xe1: {  	[tilespmem:s31], [sflag:$0x2] =	stream.indirect.gather [hbm4b:s4+s29], $0x80, s17, s29, $0xb8;
	[tilespmem:$0x1E800] =	vst v63  }
0xe2: {  	_ =	swait.ge [sflag:s9], $0x2000  }
0xe3: {  	[sflag:s9] =	ssyncset.done $0x0  }
0xe4: {  	s18 =	simm.s32 $0x1500;
	[sflag:s9] =	ssyncadd.s32 $0xFFFFE000  }
0xe5: {  	[spmem:s1] =	stream.indirect.scatter.add.f32 [tilespmem:s2], [sflag:$0x5], $0x80, s18, s29, $0xb8;
	[tilespmem:$0x1E800] =	vst v63  }
0xe6: {  	_ =	swait.ge [sflag:s25], $0x2000  }
0xe7: {  	[sflag:s25] =	ssyncset.done $0x0  }
0xe8: {  	s17 =	simm.s32 $0x300;
	[sflag:s25] =	ssyncadd.s32 $0xFFFFE000  }
0xe9: {  	[tilespmem:s2], [sflag:$0x3] =	stream.indirect.gather [hbm4b:s4+s29], $0x80, s17, s29, $0xb8;
	[tilespmem:$0x1E800] =	vst v63  }
0xea: {  	_ =	swait.ge [sflag:s10], $0x2000  }
0xeb: {  	[sflag:s10] =	ssyncset.done $0x0  }
0xec: {  	s18 =	simm.s32 $0x1580;
	[sflag:s10] =	ssyncadd.s32 $0xFFFFE000  }
0xed: {  	[spmem:s1] =	stream.indirect.scatter.add.f32 [tilespmem:s5], [sflag:$0x5], $0x80, s18, s29, $0xb8;
	[tilespmem:$0x1E800] =	vst v63  }
0xee: {  	_ =	swait.ge [sflag:s25], $0x2000  }
0xef: {  	[sflag:s25] =	ssyncset.done $0x0  }
0xf0: {  	s16 =	simm.s32 $0x800;
	s17 =	simm.s32 $0x380;
	[sflag:s25] =	ssyncadd.s32 $0xFFFFE000  }
.LBB2_6:
0xf1: {  	[tilespmem:s5], [sflag:$0x4] =	stream.indirect.gather [hbm4b:s4+s29], $0x80, s17, s29, $0xb8;
	[tilespmem:$0x1E800] =	vst v63  }
0xf2: {  	s17 =	smov.u32 s16  }
0xf3: {  	p0 =	sne.s32 s16, $0x4000;
	s16 =	sadd.s32 $0x800, s16;
	_ =	swait.ge [sflag:s7], $0x2000  }
0xf4: {  	s17 =	sshra.s32 s17, $0x2;
	[sflag:s7] =	ssyncset.done $0x0  }
0xf5: {  	s18 =	sadd.s32 $0x1400, s17;
	[sflag:s7] =	ssyncadd.s32 $0xFFFFE000  }
0xf6: {  	[spmem:s1] =	stream.indirect.scatter.add.f32 [tilespmem:s28], [sflag:$0x5], $0x80, s18, s29, $0xb8;
	[tilespmem:$0x1E800] =	vst v63  }
0xf7: {  	_ =	swait.ge [sflag:s25], $0x2000  }
0xf8: {  	[sflag:s25] =	ssyncset.done $0x0  }
0xf9: {  	s18 =	sadd.s32 $0x200, s17;
	[sflag:s25] =	ssyncadd.s32 $0xFFFFE000  }
0xfa: {  	[tilespmem:s28], [sflag:$0x1] =	stream.indirect.gather [hbm4b:s4+s29], $0x80, s18, s29, $0xb8;
	[tilespmem:$0x1E800] =	vst v63  }
0xfb: {  	_ =	swait.ge [sflag:s8], $0x2000  }
0xfc: {  	[sflag:s8] =	ssyncset.done $0x0  }
0xfd: {  	s18 =	sadd.s32 $0x1480, s17;
	[sflag:s8] =	ssyncadd.s32 $0xFFFFE000  }
0xfe: {  	[spmem:s1] =	stream.indirect.scatter.add.f32 [tilespmem:s31], [sflag:$0x5], $0x80, s18, s29, $0xb8;
	[tilespmem:$0x1E800] =	vst v63  }
0xff: {  	_ =	swait.ge [sflag:s25], $0x2000  }
0x100: {  	[sflag:s25] =	ssyncset.done $0x0  }
0x101: {  	s18 =	sadd.s32 $0x280, s17;
	[sflag:s25] =	ssyncadd.s32 $0xFFFFE000  }
0x102: {  	[tilespmem:s31], [sflag:$0x2] =	stream.indirect.gather [hbm4b:s4+s29], $0x80, s18, s29, $0xb8;
	[tilespmem:$0x1E800] =	vst v63  }
0x103: {  	_ =	swait.ge [sflag:s9], $0x2000  }
0x104: {  	[sflag:s9] =	ssyncset.done $0x0  }
0x105: {  	s18 =	sadd.s32 $0x1500, s17;
	[sflag:s9] =	ssyncadd.s32 $0xFFFFE000  }
0x106: {  	[spmem:s1] =	stream.indirect.scatter.add.f32 [tilespmem:s2], [sflag:$0x5], $0x80, s18, s29, $0xb8;
	[tilespmem:$0x1E800] =	vst v63  }
0x107: {  	_ =	swait.ge [sflag:s25], $0x2000  }
0x108: {  	[sflag:s25] =	ssyncset.done $0x0  }
0x109: {  	s18 =	sadd.s32 $0x300, s17;
	[sflag:s25] =	ssyncadd.s32 $0xFFFFE000  }
0x10a: {  	[tilespmem:s2], [sflag:$0x3] =	stream.indirect.gather [hbm4b:s4+s29], $0x80, s18, s29, $0xb8;
	[tilespmem:$0x1E800] =	vst v63  }
0x10b: {  	_ =	swait.ge [sflag:s10], $0x2000  }
0x10c: {  	[sflag:s10] =	ssyncset.done $0x0  }
.Ltmp2:
0x10d: {  	s18 =	sadd.s32 $0x1580, s17;
	[sflag:s10] =	ssyncadd.s32 $0xFFFFE000;
	(pc) =	sbr.rel @p0 .LBB2_6-.Ltmp2, $4  }
0x10e: {  	[spmem:s1] =	stream.indirect.scatter.add.f32 [tilespmem:s5], [sflag:$0x5], $0x80, s18, s29, $0xb8;
	[tilespmem:$0x1E800] =	vst v63  }
0x10f: {  	_ =	swait.ge [sflag:s25], $0x2000  }
0x110: {  	[sflag:s25] =	ssyncset.done $0x0  }
0x111: {  	s17 =	sadd.s32 $0x380, s17;
	[sflag:s25] =	ssyncadd.s32 $0xFFFFE000  }
0x112: {  	[tilespmem:s5], [sflag:$0x4] =	stream.indirect.gather [hbm4b:s4+s29], $0x80, s17, s29, $0xb8;
	[tilespmem:$0x1E800] =	vst v63  }
0x113: {  	_ =	swait.ge [sflag:s7], $0x2000  }
0x114: {  	[sflag:s7] =	ssyncset.done $0x0  }
0x115: {  	[sflag:s7] =	ssyncadd.s32 $0xFFFFE000  }
0x116: {  	[spmem:s1] =	stream.indirect.scatter.add.f32 [tilespmem:s28], [sflag:$0x5], $0x80, s11, s29, $0xb8;
	[tilespmem:$0x1E800] =	vst v63  }
0x117: {  	_ =	swait.ge [sflag:s25], $0x2000  }
0x118: {  	[sflag:s25] =	ssyncset.done $0x0  }
0x119: {  	[sflag:s25] =	ssyncadd.s32 $0xFFFFE000  }
0x11a: {  	_ =	swait.ge [sflag:s8], $0x2000  }
0x11b: {  	[sflag:s8] =	ssyncset.done $0x0  }
0x11c: {  	[sflag:s8] =	ssyncadd.s32 $0xFFFFE000  }
0x11d: {  	[spmem:s1] =	stream.indirect.scatter.add.f32 [tilespmem:s31], [sflag:$0x5], $0x80, s12, s29, $0xb8;
	[tilespmem:$0x1E800] =	vst v63  }
0x11e: {  	_ =	swait.ge [sflag:s25], $0x2000  }
0x11f: {  	[sflag:s25] =	ssyncset.done $0x0  }
0x120: {  	[sflag:s25] =	ssyncadd.s32 $0xFFFFE000  }
0x121: {  	_ =	swait.ge [sflag:s9], $0x2000  }
0x122: {  	[sflag:s9] =	ssyncset.done $0x0  }
0x123: {  	[sflag:s9] =	ssyncadd.s32 $0xFFFFE000  }
0x124: {  	[spmem:s1] =	stream.indirect.scatter.add.f32 [tilespmem:s2], [sflag:$0x5], $0x80, s13, s29, $0xb8;
	[tilespmem:$0x1E800] =	vst v63  }
0x125: {  	_ =	swait.ge [sflag:s25], $0x2000  }
0x126: {  	[sflag:s25] =	ssyncset.done $0x0  }
0x127: {  	[sflag:s25] =	ssyncadd.s32 $0xFFFFE000  }
0x128: {  	_ =	swait.ge [sflag:s10], $0x2000  }
0x129: {  	[sflag:s10] =	ssyncset.done $0x0  }
0x12a: {  	[sflag:s10] =	ssyncadd.s32 $0xFFFFE000  }
0x12b: {  	[spmem:s1] =	stream.indirect.scatter.add.f32 [tilespmem:s5], [sflag:$0x5], $0x80, s14, s29, $0xb8;
	[tilespmem:$0x1E800] =	vst v63  }
0x12c: {  	_ =	swait.ge [sflag:s25], $0x2000  }
0x12d: {  	[sflag:s25] =	ssyncset.done $0x0  }
0x12e: {  	s16 =	simm.s32 $0x0;
	[sflag:s25] =	ssyncadd.s32 $0xFFFFE000  }
0x12f: {  	[tilespmem:s16], [sflag:$0x5] =	stream.linear.gather [hbm4b:s19+s16], $0x1400, $0x38;
	[tilespmem:$0x1E800] =	vst v63  }
0x130: {  	_ =	swait.ge [sflag:s25], $0x1400  }
0x131: {  	[sflag:s25] =	ssyncset.done $0x0  }
0x132: {  	[sflag:s25] =	ssyncadd.s32 $0xFFFFEC00  }
0x133: {  	[tilespmem:s26], [sflag:$0x5] =	stream.linear.gather [hbm4b:s20+s16], $0x1400, $0x38;
	[tilespmem:$0x1E800] =	vst v63  }
0x134: {  	_ =	swait.ge [sflag:s25], $0x1400  }
0x135: {  	[sflag:s25] =	ssyncset.done $0x0  }
0x136: {  	[sflag:s25] =	ssyncadd.s32 $0xFFFFEC00  }
0x137: {  	[tilespmem:s28], [sflag:$0x1] =	stream.indirect.gather [hbm4b:s4+s29], $0x80, s16, s29, $0xb8;
	[tilespmem:$0x1E800] =	vst v63  }
0x138: {  	_ = 	snop  }
0x139: {  	[tilespmem:s31], [sflag:$0x2] =	stream.indirect.gather [hbm4b:s4+s29], $0x80, s30, s29, $0xb8;
	[tilespmem:$0x1E800] =	vst v63  }
0x13a: {  	_ = 	snop  }
0x13b: {  	[tilespmem:s2], [sflag:$0x3] =	stream.indirect.gather [hbm4b:s4+s29], $0x80, s0, s29, $0xb8;
	[tilespmem:$0x1E800] =	vst v63  }
0x13c: {  	_ = 	snop  }
0x13d: {  	[tilespmem:s5], [sflag:$0x4] =	stream.indirect.gather [hbm4b:s4+s29], $0x80, s3, s29, $0xb8;
	[tilespmem:$0x1E800] =	vst v63  }
0x13e: {  	_ =	swait.ge [sflag:s7], $0x2000  }
0x13f: {  	[sflag:s7] =	ssyncset.done $0x0  }
0x140: {  	s18 =	simm.s32 $0x1400;
	[sflag:s7] =	ssyncadd.s32 $0xFFFFE000  }
0x141: {  	[spmem:s1] =	stream.indirect.scatter.add.f32 [tilespmem:s28], [sflag:$0x5], $0x80, s18, s29, $0xb8;
	[tilespmem:$0x1E800] =	vst v63  }
0x142: {  	_ =	swait.ge [sflag:s25], $0x2000  }
0x143: {  	[sflag:s25] =	ssyncset.done $0x0  }
0x144: {  	s17 =	simm.s32 $0x200;
	[sflag:s25] =	ssyncadd.s32 $0xFFFFE000  }
0x145: {  	[tilespmem:s28], [sflag:$0x1] =	stream.indirect.gather [hbm4b:s4+s29], $0x80, s17, s29, $0xb8;
	[tilespmem:$0x1E800] =	vst v63  }
0x146: {  	_ =	swait.ge [sflag:s8], $0x2000  }
0x147: {  	[sflag:s8] =	ssyncset.done $0x0  }
0x148: {  	s18 =	simm.s32 $0x1480;
	[sflag:s8] =	ssyncadd.s32 $0xFFFFE000  }
0x149: {  	[spmem:s1] =	stream.indirect.scatter.add.f32 [tilespmem:s31], [sflag:$0x5], $0x80, s18, s29, $0xb8;
	[tilespmem:$0x1E800] =	vst v63  }
0x14a: {  	_ =	swait.ge [sflag:s25], $0x2000  }
0x14b: {  	[sflag:s25] =	ssyncset.done $0x0  }
0x14c: {  	s17 =	simm.s32 $0x280;
	[sflag:s25] =	ssyncadd.s32 $0xFFFFE000  }
0x14d: {  	[tilespmem:s31], [sflag:$0x2] =	stream.indirect.gather [hbm4b:s4+s29], $0x80, s17, s29, $0xb8;
	[tilespmem:$0x1E800] =	vst v63  }
0x14e: {  	_ =	swait.ge [sflag:s9], $0x2000  }
0x14f: {  	[sflag:s9] =	ssyncset.done $0x0  }
0x150: {  	s18 =	simm.s32 $0x1500;
	[sflag:s9] =	ssyncadd.s32 $0xFFFFE000  }
0x151: {  	[spmem:s1] =	stream.indirect.scatter.add.f32 [tilespmem:s2], [sflag:$0x5], $0x80, s18, s29, $0xb8;
	[tilespmem:$0x1E800] =	vst v63  }
0x152: {  	_ =	swait.ge [sflag:s25], $0x2000  }
0x153: {  	[sflag:s25] =	ssyncset.done $0x0  }
0x154: {  	s17 =	simm.s32 $0x300;
	[sflag:s25] =	ssyncadd.s32 $0xFFFFE000  }
0x155: {  	[tilespmem:s2], [sflag:$0x3] =	stream.indirect.gather [hbm4b:s4+s29], $0x80, s17, s29, $0xb8;
	[tilespmem:$0x1E800] =	vst v63  }
0x156: {  	_ =	swait.ge [sflag:s10], $0x2000  }
0x157: {  	[sflag:s10] =	ssyncset.done $0x0  }
0x158: {  	s18 =	simm.s32 $0x1580;
	[sflag:s10] =	ssyncadd.s32 $0xFFFFE000  }
0x159: {  	[spmem:s1] =	stream.indirect.scatter.add.f32 [tilespmem:s5], [sflag:$0x5], $0x80, s18, s29, $0xb8;
	[tilespmem:$0x1E800] =	vst v63  }
0x15a: {  	_ =	swait.ge [sflag:s25], $0x2000  }
0x15b: {  	[sflag:s25] =	ssyncset.done $0x0  }
0x15c: {  	s16 =	simm.s32 $0x800;
	s17 =	simm.s32 $0x380;
	[sflag:s25] =	ssyncadd.s32 $0xFFFFE000  }
.LBB2_8:
0x15d: {  	[tilespmem:s5], [sflag:$0x4] =	stream.indirect.gather [hbm4b:s4+s29], $0x80, s17, s29, $0xb8;
	[tilespmem:$0x1E800] =	vst v63  }
0x15e: {  	s17 =	smov.u32 s16  }
0x15f: {  	p0 =	sne.s32 s16, $0x4000;
	s16 =	sadd.s32 $0x800, s16;
	_ =	swait.ge [sflag:s7], $0x2000  }
0x160: {  	s17 =	sshra.s32 s17, $0x2;
	[sflag:s7] =	ssyncset.done $0x0  }
0x161: {  	s18 =	sadd.s32 $0x1400, s17;
	[sflag:s7] =	ssyncadd.s32 $0xFFFFE000  }
0x162: {  	[spmem:s1] =	stream.indirect.scatter.add.f32 [tilespmem:s28], [sflag:$0x5], $0x80, s18, s29, $0xb8;
	[tilespmem:$0x1E800] =	vst v63  }
0x163: {  	_ =	swait.ge [sflag:s25], $0x2000  }
0x164: {  	[sflag:s25] =	ssyncset.done $0x0  }
0x165: {  	s18 =	sadd.s32 $0x200, s17;
	[sflag:s25] =	ssyncadd.s32 $0xFFFFE000  }
0x166: {  	[tilespmem:s28], [sflag:$0x1] =	stream.indirect.gather [hbm4b:s4+s29], $0x80, s18, s29, $0xb8;
	[tilespmem:$0x1E800] =	vst v63  }
0x167: {  	_ =	swait.ge [sflag:s8], $0x2000  }
0x168: {  	[sflag:s8] =	ssyncset.done $0x0  }
0x169: {  	s18 =	sadd.s32 $0x1480, s17;
	[sflag:s8] =	ssyncadd.s32 $0xFFFFE000  }
0x16a: {  	[spmem:s1] =	stream.indirect.scatter.add.f32 [tilespmem:s31], [sflag:$0x5], $0x80, s18, s29, $0xb8;
	[tilespmem:$0x1E800] =	vst v63  }
0x16b: {  	_ =	swait.ge [sflag:s25], $0x2000  }
0x16c: {  	[sflag:s25] =	ssyncset.done $0x0  }
0x16d: {  	s18 =	sadd.s32 $0x280, s17;
	[sflag:s25] =	ssyncadd.s32 $0xFFFFE000  }
0x16e: {  	[tilespmem:s31], [sflag:$0x2] =	stream.indirect.gather [hbm4b:s4+s29], $0x80, s18, s29, $0xb8;
	[tilespmem:$0x1E800] =	vst v63  }
0x16f: {  	_ =	swait.ge [sflag:s9], $0x2000  }
0x170: {  	[sflag:s9] =	ssyncset.done $0x0  }
0x171: {  	s18 =	sadd.s32 $0x1500, s17;
	[sflag:s9] =	ssyncadd.s32 $0xFFFFE000  }
0x172: {  	[spmem:s1] =	stream.indirect.scatter.add.f32 [tilespmem:s2], [sflag:$0x5], $0x80, s18, s29, $0xb8;
	[tilespmem:$0x1E800] =	vst v63  }
0x173: {  	_ =	swait.ge [sflag:s25], $0x2000  }
0x174: {  	[sflag:s25] =	ssyncset.done $0x0  }
0x175: {  	s18 =	sadd.s32 $0x300, s17;
	[sflag:s25] =	ssyncadd.s32 $0xFFFFE000  }
0x176: {  	[tilespmem:s2], [sflag:$0x3] =	stream.indirect.gather [hbm4b:s4+s29], $0x80, s18, s29, $0xb8;
	[tilespmem:$0x1E800] =	vst v63  }
0x177: {  	_ =	swait.ge [sflag:s10], $0x2000  }
0x178: {  	[sflag:s10] =	ssyncset.done $0x0  }
.Ltmp3:
0x179: {  	s18 =	sadd.s32 $0x1580, s17;
	[sflag:s10] =	ssyncadd.s32 $0xFFFFE000;
	(pc) =	sbr.rel @p0 .LBB2_8-.Ltmp3, $4  }
0x17a: {  	[spmem:s1] =	stream.indirect.scatter.add.f32 [tilespmem:s5], [sflag:$0x5], $0x80, s18, s29, $0xb8;
	[tilespmem:$0x1E800] =	vst v63  }
0x17b: {  	_ =	swait.ge [sflag:s25], $0x2000  }
0x17c: {  	[sflag:s25] =	ssyncset.done $0x0  }
0x17d: {  	s17 =	sadd.s32 $0x380, s17;
	[sflag:s25] =	ssyncadd.s32 $0xFFFFE000  }
0x17e: {  	[tilespmem:s5], [sflag:$0x4] =	stream.indirect.gather [hbm4b:s4+s29], $0x80, s17, s29, $0xb8;
	[tilespmem:$0x1E800] =	vst v63  }
0x17f: {  	_ =	swait.ge [sflag:s7], $0x2000  }
0x180: {  	[sflag:s7] =	ssyncset.done $0x0  }
0x181: {  	[sflag:s7] =	ssyncadd.s32 $0xFFFFE000  }
0x182: {  	[spmem:s1] =	stream.indirect.scatter.add.f32 [tilespmem:s28], [sflag:$0x5], $0x80, s11, s29, $0xb8;
	[tilespmem:$0x1E800] =	vst v63  }
0x183: {  	_ =	swait.ge [sflag:s25], $0x2000  }
0x184: {  	[sflag:s25] =	ssyncset.done $0x0  }
0x185: {  	[sflag:s25] =	ssyncadd.s32 $0xFFFFE000  }
0x186: {  	_ =	swait.ge [sflag:s8], $0x2000  }
0x187: {  	[sflag:s8] =	ssyncset.done $0x0  }
0x188: {  	[sflag:s8] =	ssyncadd.s32 $0xFFFFE000  }
0x189: {  	[spmem:s1] =	stream.indirect.scatter.add.f32 [tilespmem:s31], [sflag:$0x5], $0x80, s12, s29, $0xb8;
	[tilespmem:$0x1E800] =	vst v63  }
0x18a: {  	_ =	swait.ge [sflag:s25], $0x2000  }
0x18b: {  	[sflag:s25] =	ssyncset.done $0x0  }
0x18c: {  	[sflag:s25] =	ssyncadd.s32 $0xFFFFE000  }
0x18d: {  	_ =	swait.ge [sflag:s9], $0x2000  }
0x18e: {  	[sflag:s9] =	ssyncset.done $0x0  }
0x18f: {  	[sflag:s9] =	ssyncadd.s32 $0xFFFFE000  }
0x190: {  	[spmem:s1] =	stream.indirect.scatter.add.f32 [tilespmem:s2], [sflag:$0x5], $0x80, s13, s29, $0xb8;
	[tilespmem:$0x1E800] =	vst v63  }
0x191: {  	_ =	swait.ge [sflag:s25], $0x2000  }
0x192: {  	[sflag:s25] =	ssyncset.done $0x0  }
0x193: {  	[sflag:s25] =	ssyncadd.s32 $0xFFFFE000  }
0x194: {  	_ =	swait.ge [sflag:s10], $0x2000  }
0x195: {  	[sflag:s10] =	ssyncset.done $0x0  }
0x196: {  	[sflag:s10] =	ssyncadd.s32 $0xFFFFE000  }
0x197: {  	[spmem:s1] =	stream.indirect.scatter.add.f32 [tilespmem:s5], [sflag:$0x5], $0x80, s14, s29, $0xb8;
	[tilespmem:$0x1E800] =	vst v63  }
0x198: {  	_ =	swait.ge [sflag:s25], $0x2000  }
0x199: {  	[sflag:s25] =	ssyncset.done $0x0  }
0x19a: {  	s16 =	simm.s32 $0x0;
	[sflag:s25] =	ssyncadd.s32 $0xFFFFE000  }
0x19b: {  	[tilespmem:s16], [sflag:$0x5] =	stream.linear.gather [hbm4b:s21+s16], $0x1400, $0x38;
	[tilespmem:$0x1E800] =	vst v63  }
0x19c: {  	_ =	swait.ge [sflag:s25], $0x1400  }
0x19d: {  	[sflag:s25] =	ssyncset.done $0x0  }
0x19e: {  	[sflag:s25] =	ssyncadd.s32 $0xFFFFEC00  }
0x19f: {  	[tilespmem:s26], [sflag:$0x5] =	stream.linear.gather [hbm4b:s22+s16], $0x1400, $0x38;
	[tilespmem:$0x1E800] =	vst v63  }
0x1a0: {  	_ =	swait.ge [sflag:s25], $0x1400  }
0x1a1: {  	[sflag:s25] =	ssyncset.done $0x0  }
0x1a2: {  	[sflag:s25] =	ssyncadd.s32 $0xFFFFEC00  }
0x1a3: {  	[tilespmem:s28], [sflag:$0x1] =	stream.indirect.gather [hbm4b:s4+s29], $0x80, s16, s29, $0xb8;
	[tilespmem:$0x1E800] =	vst v63  }
0x1a4: {  	_ = 	snop  }
0x1a5: {  	[tilespmem:s31], [sflag:$0x2] =	stream.indirect.gather [hbm4b:s4+s29], $0x80, s30, s29, $0xb8;
	[tilespmem:$0x1E800] =	vst v63  }
0x1a6: {  	_ = 	snop  }
0x1a7: {  	[tilespmem:s2], [sflag:$0x3] =	stream.indirect.gather [hbm4b:s4+s29], $0x80, s0, s29, $0xb8;
	[tilespmem:$0x1E800] =	vst v63  }
0x1a8: {  	_ = 	snop  }
0x1a9: {  	[tilespmem:s5], [sflag:$0x4] =	stream.indirect.gather [hbm4b:s4+s29], $0x80, s3, s29, $0xb8;
	[tilespmem:$0x1E800] =	vst v63  }
0x1aa: {  	_ =	swait.ge [sflag:s7], $0x2000  }
0x1ab: {  	[sflag:s7] =	ssyncset.done $0x0  }
0x1ac: {  	s18 =	simm.s32 $0x1400;
	[sflag:s7] =	ssyncadd.s32 $0xFFFFE000  }
0x1ad: {  	[spmem:s1] =	stream.indirect.scatter.add.f32 [tilespmem:s28], [sflag:$0x5], $0x80, s18, s29, $0xb8;
	[tilespmem:$0x1E800] =	vst v63  }
0x1ae: {  	_ =	swait.ge [sflag:s25], $0x2000  }
0x1af: {  	[sflag:s25] =	ssyncset.done $0x0  }
0x1b0: {  	s17 =	simm.s32 $0x200;
	[sflag:s25] =	ssyncadd.s32 $0xFFFFE000  }
0x1b1: {  	[tilespmem:s28], [sflag:$0x1] =	stream.indirect.gather [hbm4b:s4+s29], $0x80, s17, s29, $0xb8;
	[tilespmem:$0x1E800] =	vst v63  }
0x1b2: {  	_ =	swait.ge [sflag:s8], $0x2000  }
0x1b3: {  	[sflag:s8] =	ssyncset.done $0x0  }
0x1b4: {  	s18 =	simm.s32 $0x1480;
	[sflag:s8] =	ssyncadd.s32 $0xFFFFE000  }
0x1b5: {  	[spmem:s1] =	stream.indirect.scatter.add.f32 [tilespmem:s31], [sflag:$0x5], $0x80, s18, s29, $0xb8;
	[tilespmem:$0x1E800] =	vst v63  }
0x1b6: {  	_ =	swait.ge [sflag:s25], $0x2000  }
0x1b7: {  	[sflag:s25] =	ssyncset.done $0x0  }
0x1b8: {  	s17 =	simm.s32 $0x280;
	[sflag:s25] =	ssyncadd.s32 $0xFFFFE000  }
0x1b9: {  	[tilespmem:s31], [sflag:$0x2] =	stream.indirect.gather [hbm4b:s4+s29], $0x80, s17, s29, $0xb8;
	[tilespmem:$0x1E800] =	vst v63  }
0x1ba: {  	_ =	swait.ge [sflag:s9], $0x2000  }
0x1bb: {  	[sflag:s9] =	ssyncset.done $0x0  }
0x1bc: {  	s18 =	simm.s32 $0x1500;
	[sflag:s9] =	ssyncadd.s32 $0xFFFFE000  }
0x1bd: {  	[spmem:s1] =	stream.indirect.scatter.add.f32 [tilespmem:s2], [sflag:$0x5], $0x80, s18, s29, $0xb8;
	[tilespmem:$0x1E800] =	vst v63  }
0x1be: {  	_ =	swait.ge [sflag:s25], $0x2000  }
0x1bf: {  	[sflag:s25] =	ssyncset.done $0x0  }
0x1c0: {  	s17 =	simm.s32 $0x300;
	[sflag:s25] =	ssyncadd.s32 $0xFFFFE000  }
0x1c1: {  	[tilespmem:s2], [sflag:$0x3] =	stream.indirect.gather [hbm4b:s4+s29], $0x80, s17, s29, $0xb8;
	[tilespmem:$0x1E800] =	vst v63  }
0x1c2: {  	_ =	swait.ge [sflag:s10], $0x2000  }
0x1c3: {  	[sflag:s10] =	ssyncset.done $0x0  }
0x1c4: {  	s18 =	simm.s32 $0x1580;
	[sflag:s10] =	ssyncadd.s32 $0xFFFFE000  }
0x1c5: {  	[spmem:s1] =	stream.indirect.scatter.add.f32 [tilespmem:s5], [sflag:$0x5], $0x80, s18, s29, $0xb8;
	[tilespmem:$0x1E800] =	vst v63  }
0x1c6: {  	_ =	swait.ge [sflag:s25], $0x2000  }
0x1c7: {  	[sflag:s25] =	ssyncset.done $0x0  }
0x1c8: {  	s16 =	simm.s32 $0x800;
	s17 =	simm.s32 $0x380;
	[sflag:s25] =	ssyncadd.s32 $0xFFFFE000  }
.LBB2_10:
0x1c9: {  	[tilespmem:s5], [sflag:$0x4] =	stream.indirect.gather [hbm4b:s4+s29], $0x80, s17, s29, $0xb8;
	[tilespmem:$0x1E800] =	vst v63  }
0x1ca: {  	s17 =	smov.u32 s16  }
0x1cb: {  	p0 =	sne.s32 s16, $0x4000;
	s16 =	sadd.s32 $0x800, s16;
	_ =	swait.ge [sflag:s7], $0x2000  }
0x1cc: {  	s17 =	sshra.s32 s17, $0x2;
	[sflag:s7] =	ssyncset.done $0x0  }
0x1cd: {  	s18 =	sadd.s32 $0x1400, s17;
	[sflag:s7] =	ssyncadd.s32 $0xFFFFE000  }
0x1ce: {  	[spmem:s1] =	stream.indirect.scatter.add.f32 [tilespmem:s28], [sflag:$0x5], $0x80, s18, s29, $0xb8;
	[tilespmem:$0x1E800] =	vst v63  }
0x1cf: {  	_ =	swait.ge [sflag:s25], $0x2000  }
0x1d0: {  	[sflag:s25] =	ssyncset.done $0x0  }
0x1d1: {  	s18 =	sadd.s32 $0x200, s17;
	[sflag:s25] =	ssyncadd.s32 $0xFFFFE000  }
0x1d2: {  	[tilespmem:s28], [sflag:$0x1] =	stream.indirect.gather [hbm4b:s4+s29], $0x80, s18, s29, $0xb8;
	[tilespmem:$0x1E800] =	vst v63  }
0x1d3: {  	_ =	swait.ge [sflag:s8], $0x2000  }
0x1d4: {  	[sflag:s8] =	ssyncset.done $0x0  }
0x1d5: {  	s18 =	sadd.s32 $0x1480, s17;
	[sflag:s8] =	ssyncadd.s32 $0xFFFFE000  }
0x1d6: {  	[spmem:s1] =	stream.indirect.scatter.add.f32 [tilespmem:s31], [sflag:$0x5], $0x80, s18, s29, $0xb8;
	[tilespmem:$0x1E800] =	vst v63  }
0x1d7: {  	_ =	swait.ge [sflag:s25], $0x2000  }
0x1d8: {  	[sflag:s25] =	ssyncset.done $0x0  }
0x1d9: {  	s18 =	sadd.s32 $0x280, s17;
	[sflag:s25] =	ssyncadd.s32 $0xFFFFE000  }
0x1da: {  	[tilespmem:s31], [sflag:$0x2] =	stream.indirect.gather [hbm4b:s4+s29], $0x80, s18, s29, $0xb8;
	[tilespmem:$0x1E800] =	vst v63  }
0x1db: {  	_ =	swait.ge [sflag:s9], $0x2000  }
0x1dc: {  	[sflag:s9] =	ssyncset.done $0x0  }
0x1dd: {  	s18 =	sadd.s32 $0x1500, s17;
	[sflag:s9] =	ssyncadd.s32 $0xFFFFE000  }
0x1de: {  	[spmem:s1] =	stream.indirect.scatter.add.f32 [tilespmem:s2], [sflag:$0x5], $0x80, s18, s29, $0xb8;
	[tilespmem:$0x1E800] =	vst v63  }
0x1df: {  	_ =	swait.ge [sflag:s25], $0x2000  }
0x1e0: {  	[sflag:s25] =	ssyncset.done $0x0  }
0x1e1: {  	s18 =	sadd.s32 $0x300, s17;
	[sflag:s25] =	ssyncadd.s32 $0xFFFFE000  }
0x1e2: {  	[tilespmem:s2], [sflag:$0x3] =	stream.indirect.gather [hbm4b:s4+s29], $0x80, s18, s29, $0xb8;
	[tilespmem:$0x1E800] =	vst v63  }
0x1e3: {  	_ =	swait.ge [sflag:s10], $0x2000  }
0x1e4: {  	[sflag:s10] =	ssyncset.done $0x0  }
.Ltmp4:
0x1e5: {  	s18 =	sadd.s32 $0x1580, s17;
	[sflag:s10] =	ssyncadd.s32 $0xFFFFE000;
	(pc) =	sbr.rel @p0 .LBB2_10-.Ltmp4, $4  }
0x1e6: {  	[spmem:s1] =	stream.indirect.scatter.add.f32 [tilespmem:s5], [sflag:$0x5], $0x80, s18, s29, $0xb8;
	[tilespmem:$0x1E800] =	vst v63  }
0x1e7: {  	_ =	swait.ge [sflag:s25], $0x2000  }
0x1e8: {  	[sflag:s25] =	ssyncset.done $0x0  }
0x1e9: {  	s17 =	sadd.s32 $0x380, s17;
	[sflag:s25] =	ssyncadd.s32 $0xFFFFE000  }
0x1ea: {  	[tilespmem:s5], [sflag:$0x4] =	stream.indirect.gather [hbm4b:s4+s29], $0x80, s17, s29, $0xb8;
	[tilespmem:$0x1E800] =	vst v63  }
0x1eb: {  	_ =	swait.ge [sflag:s7], $0x2000  }
0x1ec: {  	[sflag:s7] =	ssyncset.done $0x0  }
0x1ed: {  	[sflag:s7] =	ssyncadd.s32 $0xFFFFE000  }
0x1ee: {  	[spmem:s1] =	stream.indirect.scatter.add.f32 [tilespmem:s28], [sflag:$0x5], $0x80, s11, s29, $0xb8;
	[tilespmem:$0x1E800] =	vst v63  }
0x1ef: {  	_ =	swait.ge [sflag:s25], $0x2000  }
0x1f0: {  	[sflag:s25] =	ssyncset.done $0x0  }
0x1f1: {  	[sflag:s25] =	ssyncadd.s32 $0xFFFFE000  }
0x1f2: {  	_ =	swait.ge [sflag:s8], $0x2000  }
0x1f3: {  	[sflag:s8] =	ssyncset.done $0x0  }
0x1f4: {  	[sflag:s8] =	ssyncadd.s32 $0xFFFFE000  }
0x1f5: {  	[spmem:s1] =	stream.indirect.scatter.add.f32 [tilespmem:s31], [sflag:$0x5], $0x80, s12, s29, $0xb8;
	[tilespmem:$0x1E800] =	vst v63  }
0x1f6: {  	_ =	swait.ge [sflag:s25], $0x2000  }
0x1f7: {  	[sflag:s25] =	ssyncset.done $0x0  }
0x1f8: {  	[sflag:s25] =	ssyncadd.s32 $0xFFFFE000  }
0x1f9: {  	_ =	swait.ge [sflag:s9], $0x2000  }
0x1fa: {  	[sflag:s9] =	ssyncset.done $0x0  }
0x1fb: {  	[sflag:s9] =	ssyncadd.s32 $0xFFFFE000  }
0x1fc: {  	[spmem:s1] =	stream.indirect.scatter.add.f32 [tilespmem:s2], [sflag:$0x5], $0x80, s13, s29, $0xb8;
	[tilespmem:$0x1E800] =	vst v63  }
0x1fd: {  	_ =	swait.ge [sflag:s25], $0x2000  }
0x1fe: {  	[sflag:s25] =	ssyncset.done $0x0  }
0x1ff: {  	[sflag:s25] =	ssyncadd.s32 $0xFFFFE000  }
0x200: {  	_ =	swait.ge [sflag:s10], $0x2000  }
0x201: {  	[sflag:s10] =	ssyncset.done $0x0  }
0x202: {  	[sflag:s10] =	ssyncadd.s32 $0xFFFFE000  }
0x203: {  	[spmem:s1] =	stream.indirect.scatter.add.f32 [tilespmem:s5], [sflag:$0x5], $0x80, s14, s29, $0xb8;
	[tilespmem:$0x1E800] =	vst v63  }
0x204: {  	s16 =	stileid.u32;
	_ =	swait.ge [sflag:s25], $0x2000  }
0x205: {  	s18 =	sshrl.u32 s6, $0x3;
	s15 =	sadd.s32 $0x1, s15;
	[sflag:s25] =	ssyncset.done $0x0  }
0x206: {  	s16 =	sshll.u32 s16, $0x6;
	p0 =	sne.s32 s15, s24;
	[sflag:s25] =	ssyncadd.s32 $0xFFFFE000  }
.Ltmp5:
0x207: {  	s16 =	sor.u32 $0x1C05, s16;
	[bflag:$0x0] =	sbarrier.arrive $0xFFFF;
	(pc) =	sbr.rel @p0 .LBB2_1-.Ltmp5, $4  }
0x208: {  	[hbm:s23], [sflag:s16] =	dma.local [spmem:s18], $0x2800  }
0x209: {  	_ =	swait.ge [sflag:s25], $0x2800  }
0x20a: {  	[sflag:s25] =	ssyncset.done $0x0  }
0x20b: {  	[sflag:s25] =	ssyncadd.s32 $0xFFFFD800  }
0x20c: {  	_ =	sfence.sel $0x180000  }
0x20d: {  	[bflag:$0x0] =	sbarrier.arrive $0xFFFF  }
0x20e: {  	_ =	strace $0x9000004A  }
0x20f: {  	s0 =	stileid.u32;
	[bflag:$0x2] =	sbarrier.arrive $0xFFFF  }
0x210: {  	p0 =	sne.s32 s0, $0x0;
	s0 =	rddreg [dreg:$0x2]  }
0x211: {  	s0 =	sadd.s32 @!p0 $0x100000, s0  }
0x212: {  	[sflag:s0] =	ssyncadd.tile.s32 @!p0 $0x1;
	_ =	shalt  }
.Lfunc_end2:
_tile_overlayer_lowered:
.L_overlay_start_2:
0x213: {  	(tag) =	ssettag $0x2  }
0x214: {  	s0 =	rddreg [dreg:$0x0];
	s2 =	stileid.u32  }
0x215: {  	s1 =	rddreg [dreg:$0x1];
	p0 =	sne.s32 s2, $0x0  }
0x216: {  	s3 =	rddreg [dreg:$0x2];
	[bflag:$0x3] =	sbarrier.arrive $0xFFFF;
	s2 =	simm.s32 @!p0 $0x1C05  }
0x217: {  	[timem:s3], [sflag:s2] =	dma.local @!p0 [hbm:s0], s1  }
0x218: {  	s0 =	simm.s32 @!p0 $0x5  }
0x219: {  	_ =	swait.ge @!p0 [sflag:s0], s1  }
0x21a: {  	s1 =	ssub.s32 @!p0 $0x0, s1;
	[sflag:s0] =	ssyncset.done @!p0 $0x0  }
0x21b: {  	[sflag:s0] =	ssyncadd.s32 @!p0 s1  }
0x21c: {  	[bflag:$0x3] =	sbarrier.arrive $0xFFFF  }
0x21d: {  	_ =	shalt  }

</sc_bundles>
